<compile_context>
chip_gen: v7x
topology: tpu7x:2x2x1
jax: 0.10.2.dev20260603
libtpu: 0.0.44.dev20260713+nightly
codegen_flags: <defaults>
</compile_context>

<pallas_src>
import functools

import jax
import jax.numpy as jnp
from jax import lax
from jax.experimental import pallas as pl
from jax.experimental.pallas import tpu as pltpu
from jax.experimental.pallas import tpu_sc as plsc

KK = 16
NB = 256
NROWS = 1_000_000
BATCH = 4096
NW = 32
ROWS_MAIN = 31_248
ROWS_TAIL = NROWS - NW * ROWS_MAIN
ITERS_MAIN = ROWS_MAIN // 16
ITERS_TAIL = ROWS_TAIL // 16
CHUNK_W = ROWS_MAIN + ROWS_TAIL
B_PER_W = BATCH // NW


def _sc_histogram_kernel():
    mesh = plsc.VectorSubcoreMesh(core_axis_name="c", subcore_axis_name="s",
                                  num_cores=2, num_subcores=16)

    @functools.partial(
        pl.kernel,
        out_type=[
            jax.ShapeDtypeStruct((NW, NB), jnp.int32),
            jax.ShapeDtypeStruct((BATCH,), jnp.int32),
        ],
        mesh=mesh,
        compiler_params=pltpu.CompilerParams(needs_layout_passes=False),
        scratch_types=[
            pltpu.VMEM((CHUNK_W,), jnp.int32),
            pltpu.VMEM((16, NB), jnp.int32),
            pltpu.VMEM((NB,), jnp.int32),
            pltpu.VMEM((B_PER_W,), jnp.int32),
            pltpu.VMEM((B_PER_W,), jnp.int32),
            pltpu.VMEM((B_PER_W,), jnp.int32),
            pltpu.SemaphoreType.DMA,
            pltpu.SemaphoreType.DMA,
        ],
    )
    def sc_k(flat_hbm, bidx_hbm, hist_hbm, t_hbm,
             chunk, hist, histrow, bidx_v, g_v, t_v, sem_c, sem_g):
        wid = lax.axis_index("c") * 16 + lax.axis_index("s")
        lane = lax.iota(jnp.int32, 16)
        ones = jnp.full((16,), 1, jnp.int32)
        zeros = jnp.zeros((16,), jnp.int32)

        base = wid * ROWS_MAIN
        cp = pltpu.async_copy(flat_hbm.at[pl.ds(base, ROWS_MAIN)],
                              chunk.at[pl.ds(0, ROWS_MAIN)], sem_c)

        pltpu.sync_copy(bidx_hbm.at[pl.ds(wid * B_PER_W, B_PER_W)], bidx_v)
        ga = pltpu.async_copy(flat_hbm.at[bidx_v], g_v, sem_g)

        for l in range(16):
            for j in range(NB // 16):
                hist[l, pl.ds(j * 16, 16)] = zeros

        ga.wait()
        for j in range(B_PER_W // 16):
            sl = pl.ds(j * 16, 16)
            f = g_v[sl]
            t_v[sl] = (f & 15) * 16 + (f >> 4)
        pltpu.sync_copy(t_v, t_hbm.at[pl.ds(wid * B_PER_W, B_PER_W)])

        @pl.when(wid == NW - 1)
        def _():
            pltpu.sync_copy(flat_hbm.at[pl.ds(NW * ROWS_MAIN, ROWS_TAIL)],
                            chunk.at[pl.ds(ROWS_MAIN, ROWS_TAIL)])

        cp.wait()

        def hist_body(i, carry):
            flat = chunk[pl.ds(i * 16, 16)]
            plsc.addupdate_scatter(hist, [lane, flat], ones)
            return carry

        lax.fori_loop(0, ITERS_MAIN, hist_body, 0, unroll=8)

        @pl.when(wid == NW - 1)
        def _():
            for i in range(ITERS_MAIN, ITERS_MAIN + ITERS_TAIL):
                flat = chunk[pl.ds(i * 16, 16)]
                plsc.addupdate_scatter(hist, [lane, flat], ones)

        for j in range(NB // 16):
            acc = hist[0, pl.ds(j * 16, 16)]
            for l in range(1, 16):
                acc = acc + hist[l, pl.ds(j * 16, 16)]
            histrow[pl.ds(j * 16, 16)] = acc
        pltpu.sync_copy(histrow, hist_hbm.at[wid])

    return sc_k


_SC_KERNEL_CACHE = []


def _sc_kernel():
    if not _SC_KERNEL_CACHE:
        _SC_KERNEL_CACHE.append(_sc_histogram_kernel())
    return _SC_KERNEL_CACHE[0]


C_BLK = 512
GRID = BATCH // C_BLK


def _tc1_body(x_ref, marg_ref, logz_ref):
    x = x_ref[...]
    m = jnp.max(x, axis=0, keepdims=True)
    e = jnp.exp(x - m)
    s = jnp.sum(e, axis=0, keepdims=True)
    en = e / s

    ri = lax.broadcasted_iota(jnp.int32, (KK, NB), 0)
    ci = lax.broadcasted_iota(jnp.int32, (KK, NB), 1)
    m0 = ((ci // KK) == ri).astype(jnp.float32)
    m1 = ((ci % KK) == ri).astype(jnp.float32)
    marg_ref[0:KK, :] = jnp.dot(m0, en, preferred_element_type=jnp.float32)
    marg_ref[KK:2 * KK, :] = jnp.dot(m1, en, preferred_element_type=jnp.float32)
    logz_ref[...] = m + jnp.log(s)


def _tc1_call(xt):
    return pl.pallas_call(
        _tc1_body,
        grid=(GRID,),
        in_specs=[pl.BlockSpec((NB, C_BLK), lambda g: (0, g))],
        out_specs=[
            pl.BlockSpec((2 * KK, C_BLK), lambda g: (0, g)),
            pl.BlockSpec((1, C_BLK), lambda g: (0, g)),
        ],
        out_shape=[
            jax.ShapeDtypeStruct((2 * KK, BATCH), jnp.float32),
            jax.ShapeDtypeStruct((1, BATCH), jnp.float32),
        ],
    )(xt)


def _tc2_body(x_ref, h_ref, t_ref, logz_ref, thr_ref, lc_ref, loss_ref):
    g = pl.program_id(0)
    jf = jnp.sum(h_ref[...], axis=0, keepdims=True)
    thrf = lax.rsqrt(jnp.sqrt(jf.astype(jnp.float32) + 1.0))

    @pl.when(g == 0)
    def _():
        thr_ref[...] = thrf
        ri = lax.broadcasted_iota(jnp.int32, (KK, NB), 0)
        ci = lax.broadcasted_iota(jnp.int32, (KK, NB), 1)
        jfb = jnp.broadcast_to(jf, (KK, NB))
        lc_ref[0, :] = jnp.sum(jnp.where((ci % KK) == ri, jfb, 0), axis=1)
        lc_ref[1, :] = jnp.sum(jnp.where((ci // KK) == ri, jfb, 0), axis=1)
        loss_ref[...] = jnp.zeros((1, 1), jnp.float32)

    x = x_ref[...]
    t = t_ref[0, 0, :].reshape(1, C_BLK)
    rows = lax.broadcasted_iota(jnp.int32, (NB, C_BLK), 0)
    mask = rows == t
    p = jnp.sum(jnp.where(mask, x, 0.0), axis=0, keepdims=True)
    w = jnp.dot(thrf, mask.astype(jnp.float32),
                preferred_element_type=jnp.float32)
    nll = logz_ref[...] - p
    part = jnp.sum(nll * w) * (1.0 / BATCH)
    loss_ref[...] += jnp.full((1, 1), 1.0, jnp.float32) * part


def _tc2_call(xt, hist_parts, t3, logz):
    return pl.pallas_call(
        _tc2_body,
        grid=(GRID,),
        in_specs=[
            pl.BlockSpec((NB, C_BLK), lambda g: (0, g)),
            pl.BlockSpec((NW, NB), lambda g: (0, 0)),
            pl.BlockSpec((1, 1, C_BLK), lambda g: (g, 0, 0)),
            pl.BlockSpec((1, C_BLK), lambda g: (0, g)),
        ],
        out_specs=[
            pl.BlockSpec((1, NB), lambda g: (0, 0)),
            pl.BlockSpec((2, KK), lambda g: (0, 0)),
            pl.BlockSpec((1, 1), lambda g: (0, 0)),
        ],
        out_shape=[
            jax.ShapeDtypeStruct((1, NB), jnp.float32),
            jax.ShapeDtypeStruct((2, KK), jnp.int32),
            jax.ShapeDtypeStruct((1, 1), jnp.float32),
        ],
    )(xt, hist_parts, t3, logz)


def kernel(Y, pred_log_prob, batch_idx):
    flat = Y[:, 0] + Y[:, 1] * 16
    hist_parts, t = _sc_kernel()(flat, batch_idx)
    xt = pred_log_prob.transpose(1, 2, 0).reshape(NB, BATCH)
    marg_t, logz = _tc1_call(xt)
    t3 = t.reshape(GRID, 1, C_BLK)
    thrf, lc, loss = _tc2_call(xt, hist_parts, t3, logz)
    marginals = marg_t.reshape(2, KK, BATCH).transpose(2, 0, 1)
    return (loss[0, 0], marginals, thrf.reshape(KK, KK), lc)

# --- scband reference (transcript-rebuilt; emitter-appended) ---
"""Pipeline reference for scband-jage-rloss-57320633532433 (READ-ONLY COPY).

The authoritative reference and input builder live on the scoring server;
editing this copy changes nothing except your own understanding.
"""

import jax, jax.numpy as jnp
import numpy as np

K = 16
H = 2
C = 1.0
N = 1000000
B = 4096


def setup_inputs(seed: int = 0) -> dict:
    key = jax.random.key(seed)
    k1, k2, k3 = jax.random.split(key, 3)
    Y = jax.random.randint(k1, (N, H), 0, K, dtype=jnp.int32)
    pred_log_prob = jax.random.normal(k2, (B, K, K), dtype=jnp.float32)
    batch_idx = jax.random.randint(k3, (B,), 0, N, dtype=jnp.int32)
    return {"Y": Y, "pred_log_prob": pred_log_prob, "batch_idx": batch_idx}


def reference(Y, pred_log_prob, batch_idx):
    # _level_comb_counts: histogram of joint level combinations (bincount over K**H bins)
    factors = (K ** jnp.arange(H, dtype=jnp.int32)).astype(Y.dtype)
    flat_idx = (Y * factors[None, :]).sum(axis=1)
    joint_counts = jnp.bincount(flat_idx, length=K ** H).reshape(K, K)
    # per-level marginal histograms (_level_counts)
    level_counts = jnp.stack([jnp.bincount(Y[:, h], length=K) for h in range(H)], axis=0)
    # thresholds base: C * (counts + 1) ** -1/4  (rsqrt then sqrt)
    thresholds_base = C * jnp.power(joint_counts.astype(jnp.float32) + 1.0, -0.25)
    # normalize predicted log joint over the K**H grid
    logZ = jax.scipy.special.logsumexp(pred_log_prob, axis=(1, 2), keepdims=True)
    log_joint = pred_log_prob - logZ
    # _marginals_from_log_joint
    marg0 = jax.scipy.special.logsumexp(log_joint, axis=2)
    marg1 = jax.scipy.special.logsumexp(log_joint, axis=1)
    marginals = jnp.exp(jnp.stack([marg0, marg1], axis=1))
    # gather batch labels and per-sample thresholds (histogram lookup)
    Yb = Y[batch_idx]
    nll = -log_joint[jnp.arange(B), Yb[:, 0], Yb[:, 1]]
    w = thresholds_base[Yb[:, 0], Yb[:, 1]]
    loss = jnp.mean(nll * w)
    return loss, marginals, thresholds_base, level_counts

if __name__ == "__main__":
    import jax
    _d = setup_inputs()
    print(jax.jit(kernel)(*tuple(_d.values())))

</pallas_src>

<mosaic_0001>
#map = affine_map<(d0, d1) -> (0)>
#map1 = affine_map<(d0, d1) -> (0, 0)>
module attributes {stable_mosaic.version = 14 : i64} {
  func.func @sc_k(%arg0: i32, %arg1: i32, %arg2: memref<1000000xi32, #tpu.memory_space<hbm>>, %arg3: memref<4096xi32, #tpu.memory_space<hbm>>, %arg4: memref<32x256xi32, #tpu.memory_space<hbm>>, %arg5: memref<4096xi32, #tpu.memory_space<hbm>>, %arg6: memref<31312xi32, #tpu.memory_space<vmem>>, %arg7: memref<16x256xi32, #tpu.memory_space<vmem>>, %arg8: memref<256xi32, #tpu.memory_space<vmem>>, %arg9: memref<128xi32, #tpu.memory_space<vmem>>, %arg10: memref<128xi32, #tpu.memory_space<vmem>>, %arg11: memref<128xi32, #tpu.memory_space<vmem>>, %arg12: memref<!tpu.dma_semaphore, #tpu.memory_space<semaphore_mem>>, %arg13: memref<!tpu.dma_semaphore, #tpu.memory_space<semaphore_mem>>) attributes {dimension_semantics = [#tpu.dimension_semantics<core_parallel>, #tpu.dimension_semantics<subcore_parallel>], iteration_bounds = array<i64: 2, 16>, scalar_prefetch = 0 : i64, scratch_operands = 8 : i64, tpu.core_type = #tpu.core_type<sc_vector_subcore>, window_params = [{transform_indices = #map}, {transform_indices = #map}, {transform_indices = #map1}, {transform_indices = #map}]} {
    %mul3A = arith.constant 16 : i32
    %mul3A_0 = arith.muli %arg0, %mul3A : i32
    %add3A = arith.addi %mul3A_0, %arg1 : i32
    %iota3A = tpu.iota {dimensions = array<i32: 0>} : vector<16xi32>
    %broadcast_in_dim3A = arith.constant 1 : i32
    %broadcast_in_dim3A_1 = vector.broadcast %broadcast_in_dim3A : i32 to vector<16xi32>
    %broadcast_in_dim3A_2 = arith.constant 0 : i32
    %broadcast_in_dim3A_3 = vector.broadcast %broadcast_in_dim3A_2 : i32 to vector<16xi32>
    %mul3A_4 = arith.constant 31248 : i32
    %mul3A_5 = arith.muli %add3A, %mul3A_4 : i32
    %dma_start3A = arith.constant 0 : i32
    %dma_start3A_6 = tpu.memref_slice %arg6[%dma_start3A] : memref<31312xi32, #tpu.memory_space<vmem>> -> memref<31248xi32, #tpu.memory_space<vmem>>
    %dma_start3A_7 = tpu.memref_slice %arg2[%mul3A_5] : memref<1000000xi32, #tpu.memory_space<hbm>> -> memref<31248xi32, #tpu.memory_space<hbm>>
    %dma_start3A_8 = arith.constant 0 : i32
    %dma_start3A_9 = tpu.memref_slice %arg6[%dma_start3A_8] : memref<31312xi32, #tpu.memory_space<vmem>> -> memref<31248xi32, #tpu.memory_space<vmem>>
    %dma_start3A_10 = tpu.memref_slice %arg2[%mul3A_5] : memref<1000000xi32, #tpu.memory_space<hbm>> -> memref<31248xi32, #tpu.memory_space<hbm>>
    tpu.enqueue_dma source(%dma_start3A_10 : memref<31248xi32, #tpu.memory_space<hbm>>) target(%dma_start3A_9 : memref<31248xi32, #tpu.memory_space<vmem>>) target_semaphore(%arg12 : memref<!tpu.dma_semaphore, #tpu.memory_space<semaphore_mem>>)
    %mul3A_11 = arith.constant 128 : i32
    %mul3A_12 = arith.muli %add3A, %mul3A_11 : i32
    "tpu.region"() ({
      %run_scoped3A = tpu.sem_alloc : memref<!tpu.dma_semaphore, #tpu.memory_space<semaphore_mem>>
      %dma_start3A_2470 = tpu.memref_slice %arg3[%mul3A_12] : memref<4096xi32, #tpu.memory_space<hbm>> -> memref<128xi32, #tpu.memory_space<hbm>>
      %dma_start3A_2471 = tpu.memref_slice %arg3[%mul3A_12] : memref<4096xi32, #tpu.memory_space<hbm>> -> memref<128xi32, #tpu.memory_space<hbm>>
      tpu.enqueue_dma source(%dma_start3A_2471 : memref<128xi32, #tpu.memory_space<hbm>>) target(%arg9 : memref<128xi32, #tpu.memory_space<vmem>>) target_semaphore(%run_scoped3A : memref<!tpu.dma_semaphore, #tpu.memory_space<semaphore_mem>>)
      %dma_wait3A_2472 = tpu.memref_slice %arg3[%mul3A_12] : memref<4096xi32, #tpu.memory_space<hbm>> -> memref<128xi32, #tpu.memory_space<hbm>>
      %dma_wait3A_2473 = tpu.memref_slice %arg3[%mul3A_12] : memref<4096xi32, #tpu.memory_space<hbm>> -> memref<128xi32, #tpu.memory_space<hbm>>
      tpu.wait_dma2 semaphore(%run_scoped3A : memref<!tpu.dma_semaphore, #tpu.memory_space<semaphore_mem>>) src(%dma_wait3A_2473 : memref<128xi32, #tpu.memory_space<hbm>>) dst(%arg9 : memref<128xi32, #tpu.memory_space<vmem>>)
      tpu.yield
    }) : () -> ()
    %dma_start3A_13 = arith.constant 0 : i32
    %dma_start3A_14 = tpu.memref_slice %arg2[%dma_start3A_13] : memref<1000000xi32, #tpu.memory_space<hbm>> -> memref<1000000xi32, #tpu.memory_space<hbm>>
    tpu.enqueue_indirect_dma source(%dma_start3A_14 : memref<1000000xi32, #tpu.memory_space<hbm>>) target(%arg10 : memref<128xi32, #tpu.memory_space<vmem>>) offsets(%arg9 : memref<128xi32, #tpu.memory_space<vmem>>) semaphore(%arg13 : memref<!tpu.dma_semaphore, #tpu.memory_space<semaphore_mem>>)
    %swap3A = arith.constant 0 : i32
    %swap3A_15 = arith.index_cast %swap3A : i32 to index
    %swap3A_16 = arith.constant 0 : index
    %swap3A_17 = tpu.vector_load %arg7[%swap3A_15, %swap3A_16] {strides = array<i32>} : memref<16x256xi32, #tpu.memory_space<vmem>>, vector<16xi32>,
    tpu.vector_store %arg7[%swap3A_15, %swap3A_16], %broadcast_in_dim3A_3 {strides = array<i32>} : memref<16x256xi32, #tpu.memory_space<vmem>>, vector<16xi32>,
    %swap3A_18 = arith.constant 0 : i32
    %swap3A_19 = arith.index_cast %swap3A_18 : i32 to index
    %swap3A_20 = arith.constant 16 : index
    %swap3A_21 = tpu.vector_load %arg7[%swap3A_19, %swap3A_20] {strides = array<i32>} : memref<16x256xi32, #tpu.memory_space<vmem>>, vector<16xi32>,
    tpu.vector_store %arg7[%swap3A_19, %swap3A_20], %broadcast_in_dim3A_3 {strides = array<i32>} : memref<16x256xi32, #tpu.memory_space<vmem>>, vector<16xi32>,
    %swap3A_22 = arith.constant 0 : i32
    %swap3A_23 = arith.index_cast %swap3A_22 : i32 to index
    %swap3A_24 = arith.constant 32 : index
    %swap3A_25 = tpu.vector_load %arg7[%swap3A_23, %swap3A_24] {strides = array<i32>} : memref<16x256xi32, #tpu.memory_space<vmem>>, vector<16xi32>,
    tpu.vector_store %arg7[%swap3A_23, %swap3A_24], %broadcast_in_dim3A_3 {strides = array<i32>} : memref<16x256xi32, #tpu.memory_space<vmem>>, vector<16xi32>,
    %swap3A_26 = arith.constant 0 : i32
    %swap3A_27 = arith.index_cast %swap3A_26 : i32 to index
    %swap3A_28 = arith.constant 48 : index
    %swap3A_29 = tpu.vector_load %arg7[%swap3A_27, %swap3A_28] {strides = array<i32>} : memref<16x256xi32, #tpu.memory_space<vmem>>, vector<16xi32>,
    tpu.vector_store %arg7[%swap3A_27, %swap3A_28], %broadcast_in_dim3A_3 {strides = array<i32>} : memref<16x256xi32, #tpu.memory_space<vmem>>, vector<16xi32>,
    %swap3A_30 = arith.constant 0 : i32
    %swap3A_31 = arith.index_cast %swap3A_30 : i32 to index
    %swap3A_32 = arith.constant 64 : index
    %swap3A_33 = tpu.vector_load %arg7[%swap3A_31, %swap3A_32] {strides = array<i32>} : memref<16x256xi32, #tpu.memory_space<vmem>>, vector<16xi32>,
    tpu.vector_store %arg7[%swap3A_31, %swap3A_32], %broadcast_in_dim3A_3 {strides = array<i32>} : memref<16x256xi32, #tpu.memory_space<vmem>>, vector<16xi32>,
    %swap3A_34 = arith.constant 0 : i32
    %swap3A_35 = arith.index_cast %swap3A_34 : i32 to index
    %swap3A_36 = arith.constant 80 : index
    %swap3A_37 = tpu.vector_load %arg7[%swap3A_35, %swap3A_36] {strides = array<i32>} : memref<16x256xi32, #tpu.memory_space<vmem>>, vector<16xi32>,
    tpu.vector_store %arg7[%swap3A_35, %swap3A_36], %broadcast_in_dim3A_3 {strides = array<i32>} : memref<16x256xi32, #tpu.memory_space<vmem>>, vector<16xi32>,
    %swap3A_38 = arith.constant 0 : i32
    %swap3A_39 = arith.index_cast %swap3A_38 : i32 to index
    %swap3A_40 = arith.constant 96 : index
    %swap3A_41 = tpu.vector_load %arg7[%swap3A_39, %swap3A_40] {strides = array<i32>} : memref<16x256xi32, #tpu.memory_space<vmem>>, vector<16xi32>,
    tpu.vector_store %arg7[%swap3A_39, %swap3A_40], %broadcast_in_dim3A_3 {strides = array<i32>} : memref<16x256xi32, #tpu.memory_space<vmem>>, vector<16xi32>,
    %swap3A_42 = arith.constant 0 : i32
    %swap3A_43 = arith.index_cast %swap3A_42 : i32 to index
    %swap3A_44 = arith.constant 112 : index
    %swap3A_45 = tpu.vector_load %arg7[%swap3A_43, %swap3A_44] {strides = array<i32>} : memref<16x256xi32, #tpu.memory_space<vmem>>, vector<16xi32>,
    tpu.vector_store %arg7[%swap3A_43, %swap3A_44], %broadcast_in_dim3A_3 {strides = array<i32>} : memref<16x256xi32, #tpu.memory_space<vmem>>, vector<16xi32>,
    %swap3A_46 = arith.constant 0 : i32
    %swap3A_47 = arith.index_cast %swap3A_46 : i32 to index
    %swap3A_48 = arith.constant 128 : index
    %swap3A_49 = tpu.vector_load %arg7[%swap3A_47, %swap3A_48] {strides = array<i32>} : memref<16x256xi32, #tpu.memory_space<vmem>>, vector<16xi32>,
    tpu.vector_store %arg7[%swap3A_47, %swap3A_48], %broadcast_in_dim3A_3 {strides = array<i32>} : memref<16x256xi32, #tpu.memory_space<vmem>>, vector<16xi32>,
    %swap3A_50 = arith.constant 0 : i32
    %swap3A_51 = arith.index_cast %swap3A_50 : i32 to index
    %swap3A_52 = arith.constant 144 : index
    %swap3A_53 = tpu.vector_load %arg7[%swap3A_51, %swap3A_52] {strides = array<i32>} : memref<16x256xi32, #tpu.memory_space<vmem>>, vector<16xi32>,
    tpu.vector_store %arg7[%swap3A_51, %swap3A_52], %broadcast_in_dim3A_3 {strides = array<i32>} : memref<16x256xi32, #tpu.memory_space<vmem>>, vector<16xi32>,
    %swap3A_54 = arith.constant 0 : i32
    %swap3A_55 = arith.index_cast %swap3A_54 : i32 to index
    %swap3A_56 = arith.constant 160 : index
    %swap3A_57 = tpu.vector_load %arg7[%swap3A_55, %swap3A_56] {strides = array<i32>} : memref<16x256xi32, #tpu.memory_space<vmem>>, vector<16xi32>,
    tpu.vector_store %arg7[%swap3A_55, %swap3A_56], %broadcast_in_dim3A_3 {strides = array<i32>} : memref<16x256xi32, #tpu.memory_space<vmem>>, vector<16xi32>,
    %swap3A_58 = arith.constant 0 : i32
    %swap3A_59 = arith.index_cast %swap3A_58 : i32 to index
    %swap3A_60 = arith.constant 176 : index
    %swap3A_61 = tpu.vector_load %arg7[%swap3A_59, %swap3A_60] {strides = array<i32>} : memref<16x256xi32, #tpu.memory_space<vmem>>, vector<16xi32>,
    tpu.vector_store %arg7[%swap3A_59, %swap3A_60], %broadcast_in_dim3A_3 {strides = array<i32>} : memref<16x256xi32, #tpu.memory_space<vmem>>, vector<16xi32>,
    %swap3A_62 = arith.constant 0 : i32
    %swap3A_63 = arith.index_cast %swap3A_62 : i32 to index
    %swap3A_64 = arith.constant 192 : index
    %swap3A_65 = tpu.vector_load %arg7[%swap3A_63, %swap3A_64] {strides = array<i32>} : memref<16x256xi32, #tpu.memory_space<vmem>>, vector<16xi32>,
    tpu.vector_store %arg7[%swap3A_63, %swap3A_64], %broadcast_in_dim3A_3 {strides = array<i32>} : memref<16x256xi32, #tpu.memory_space<vmem>>, vector<16xi32>,
    %swap3A_66 = arith.constant 0 : i32
    %swap3A_67 = arith.index_cast %swap3A_66 : i32 to index
    %swap3A_68 = arith.constant 208 : index
    %swap3A_69 = tpu.vector_load %arg7[%swap3A_67, %swap3A_68] {strides = array<i32>} : memref<16x256xi32, #tpu.memory_space<vmem>>, vector<16xi32>,
    tpu.vector_store %arg7[%swap3A_67, %swap3A_68], %broadcast_in_dim3A_3 {strides = array<i32>} : memref<16x256xi32, #tpu.memory_space<vmem>>, vector<16xi32>,
    %swap3A_70 = arith.constant 0 : i32
    %swap3A_71 = arith.index_cast %swap3A_70 : i32 to index
    %swap3A_72 = arith.constant 224 : index
    %swap3A_73 = tpu.vector_load %arg7[%swap3A_71, %swap3A_72] {strides = array<i32>} : memref<16x256xi32, #tpu.memory_space<vmem>>, vector<16xi32>,
    tpu.vector_store %arg7[%swap3A_71, %swap3A_72], %broadcast_in_dim3A_3 {strides = array<i32>} : memref<16x256xi32, #tpu.memory_space<vmem>>, vector<16xi32>,
    %swap3A_74 = arith.constant 0 : i32
    %swap3A_75 = arith.index_cast %swap3A_74 : i32 to index
    %swap3A_76 = arith.constant 240 : index
    %swap3A_77 = tpu.vector_load %arg7[%swap3A_75, %swap3A_76] {strides = array<i32>} : memref<16x256xi32, #tpu.memory_space<vmem>>, vector<16xi32>,
    tpu.vector_store %arg7[%swap3A_75, %swap3A_76], %broadcast_in_dim3A_3 {strides = array<i32>} : memref<16x256xi32, #tpu.memory_space<vmem>>, vector<16xi32>,
    %swap3A_78 = arith.constant 1 : i32
    %swap3A_79 = arith.index_cast %swap3A_78 : i32 to index
    %swap3A_80 = arith.constant 0 : index
    %swap3A_81 = tpu.vector_load %arg7[%swap3A_79, %swap3A_80] {strides = array<i32>} : memref<16x256xi32, #tpu.memory_space<vmem>>, vector<16xi32>,
    tpu.vector_store %arg7[%swap3A_79, %swap3A_80], %broadcast_in_dim3A_3 {strides = array<i32>} : memref<16x256xi32, #tpu.memory_space<vmem>>, vector<16xi32>,
    %swap3A_82 = arith.constant 1 : i32
    %swap3A_83 = arith.index_cast %swap3A_82 : i32 to index
    %swap3A_84 = arith.constant 16 : index
    %swap3A_85 = tpu.vector_load %arg7[%swap3A_83, %swap3A_84] {strides = array<i32>} : memref<16x256xi32, #tpu.memory_space<vmem>>, vector<16xi32>,
    tpu.vector_store %arg7[%swap3A_83, %swap3A_84], %broadcast_in_dim3A_3 {strides = array<i32>} : memref<16x256xi32, #tpu.memory_space<vmem>>, vector<16xi32>,
    %swap3A_86 = arith.constant 1 : i32
    %swap3A_87 = arith.index_cast %swap3A_86 : i32 to index
    %swap3A_88 = arith.constant 32 : index
    %swap3A_89 = tpu.vector_load %arg7[%swap3A_87, %swap3A_88] {strides = array<i32>} : memref<16x256xi32, #tpu.memory_space<vmem>>, vector<16xi32>,
    tpu.vector_store %arg7[%swap3A_87, %swap3A_88], %broadcast_in_dim3A_3 {strides = array<i32>} : memref<16x256xi32, #tpu.memory_space<vmem>>, vector<16xi32>,
    %swap3A_90 = arith.constant 1 : i32
    %swap3A_91 = arith.index_cast %swap3A_90 : i32 to index
    %swap3A_92 = arith.constant 48 : index
    %swap3A_93 = tpu.vector_load %arg7[%swap3A_91, %swap3A_92] {strides = array<i32>} : memref<16x256xi32, #tpu.memory_space<vmem>>, vector<16xi32>,
    tpu.vector_store %arg7[%swap3A_91, %swap3A_92], %broadcast_in_dim3A_3 {strides = array<i32>} : memref<16x256xi32, #tpu.memory_space<vmem>>, vector<16xi32>,
    %swap3A_94 = arith.constant 1 : i32
    %swap3A_95 = arith.index_cast %swap3A_94 : i32 to index
    %swap3A_96 = arith.constant 64 : index
    %swap3A_97 = tpu.vector_load %arg7[%swap3A_95, %swap3A_96] {strides = array<i32>} : memref<16x256xi32, #tpu.memory_space<vmem>>, vector<16xi32>,
    tpu.vector_store %arg7[%swap3A_95, %swap3A_96], %broadcast_in_dim3A_3 {strides = array<i32>} : memref<16x256xi32, #tpu.memory_space<vmem>>, vector<16xi32>,
    %swap3A_98 = arith.constant 1 : i32
    %swap3A_99 = arith.index_cast %swap3A_98 : i32 to index
    %swap3A_100 = arith.constant 80 : index
    %swap3A_101 = tpu.vector_load %arg7[%swap3A_99, %swap3A_100] {strides = array<i32>} : memref<16x256xi32, #tpu.memory_space<vmem>>, vector<16xi32>,
    tpu.vector_store %arg7[%swap3A_99, %swap3A_100], %broadcast_in_dim3A_3 {strides = array<i32>} : memref<16x256xi32, #tpu.memory_space<vmem>>, vector<16xi32>,
    %swap3A_102 = arith.constant 1 : i32
    %swap3A_103 = arith.index_cast %swap3A_102 : i32 to index
    %swap3A_104 = arith.constant 96 : index
    %swap3A_105 = tpu.vector_load %arg7[%swap3A_103, %swap3A_104] {strides = array<i32>} : memref<16x256xi32, #tpu.memory_space<vmem>>, vector<16xi32>,
    tpu.vector_store %arg7[%swap3A_103, %swap3A_104], %broadcast_in_dim3A_3 {strides = array<i32>} : memref<16x256xi32, #tpu.memory_space<vmem>>, vector<16xi32>,
    %swap3A_106 = arith.constant 1 : i32
    %swap3A_107 = arith.index_cast %swap3A_106 : i32 to index
    %swap3A_108 = arith.constant 112 : index
    %swap3A_109 = tpu.vector_load %arg7[%swap3A_107, %swap3A_108] {strides = array<i32>} : memref<16x256xi32, #tpu.memory_space<vmem>>, vector<16xi32>,
    tpu.vector_store %arg7[%swap3A_107, %swap3A_108], %broadcast_in_dim3A_3 {strides = array<i32>} : memref<16x256xi32, #tpu.memory_space<vmem>>, vector<16xi32>,
    %swap3A_110 = arith.constant 1 : i32
    %swap3A_111 = arith.index_cast %swap3A_110 : i32 to index
    %swap3A_112 = arith.constant 128 : index
    %swap3A_113 = tpu.vector_load %arg7[%swap3A_111, %swap3A_112] {strides = array<i32>} : memref<16x256xi32, #tpu.memory_space<vmem>>, vector<16xi32>,
    tpu.vector_store %arg7[%swap3A_111, %swap3A_112], %broadcast_in_dim3A_3 {strides = array<i32>} : memref<16x256xi32, #tpu.memory_space<vmem>>, vector<16xi32>,
    %swap3A_114 = arith.constant 1 : i32
    %swap3A_115 = arith.index_cast %swap3A_114 : i32 to index
    %swap3A_116 = arith.constant 144 : index
    %swap3A_117 = tpu.vector_load %arg7[%swap3A_115, %swap3A_116] {strides = array<i32>} : memref<16x256xi32, #tpu.memory_space<vmem>>, vector<16xi32>,
    tpu.vector_store %arg7[%swap3A_115, %swap3A_116], %broadcast_in_dim3A_3 {strides = array<i32>} : memref<16x256xi32, #tpu.memory_space<vmem>>, vector<16xi32>,
    %swap3A_118 = arith.constant 1 : i32
    %swap3A_119 = arith.index_cast %swap3A_118 : i32 to index
    %swap3A_120 = arith.constant 160 : index
    %swap3A_121 = tpu.vector_load %arg7[%swap3A_119, %swap3A_120] {strides = array<i32>} : memref<16x256xi32, #tpu.memory_space<vmem>>, vector<16xi32>,
    tpu.vector_store %arg7[%swap3A_119, %swap3A_120], %broadcast_in_dim3A_3 {strides = array<i32>} : memref<16x256xi32, #tpu.memory_space<vmem>>, vector<16xi32>,
    %swap3A_122 = arith.constant 1 : i32
    %swap3A_123 = arith.index_cast %swap3A_122 : i32 to index
    %swap3A_124 = arith.constant 176 : index
    %swap3A_125 = tpu.vector_load %arg7[%swap3A_123, %swap3A_124] {strides = array<i32>} : memref<16x256xi32, #tpu.memory_space<vmem>>, vector<16xi32>,
    tpu.vector_store %arg7[%swap3A_123, %swap3A_124], %broadcast_in_dim3A_3 {strides = array<i32>} : memref<16x256xi32, #tpu.memory_space<vmem>>, vector<16xi32>,
    %swap3A_126 = arith.constant 1 : i32
    %swap3A_127 = arith.index_cast %swap3A_126 : i32 to index
    %swap3A_128 = arith.constant 192 : index
    %swap3A_129 = tpu.vector_load %arg7[%swap3A_127, %swap3A_128] {strides = array<i32>} : memref<16x256xi32, #tpu.memory_space<vmem>>, vector<16xi32>,
    tpu.vector_store %arg7[%swap3A_127, %swap3A_128], %broadcast_in_dim3A_3 {strides = array<i32>} : memref<16x256xi32, #tpu.memory_space<vmem>>, vector<16xi32>,
    %swap3A_130 = arith.constant 1 : i32
    %swap3A_131 = arith.index_cast %swap3A_130 : i32 to index
    %swap3A_132 = arith.constant 208 : index
    %swap3A_133 = tpu.vector_load %arg7[%swap3A_131, %swap3A_132] {strides = array<i32>} : memref<16x256xi32, #tpu.memory_space<vmem>>, vector<16xi32>,
    tpu.vector_store %arg7[%swap3A_131, %swap3A_132], %broadcast_in_dim3A_3 {strides = array<i32>} : memref<16x256xi32, #tpu.memory_space<vmem>>, vector<16xi32>,
    %swap3A_134 = arith.constant 1 : i32
    %swap3A_135 = arith.index_cast %swap3A_134 : i32 to index
    %swap3A_136 = arith.constant 224 : index
    %swap3A_137 = tpu.vector_load %arg7[%swap3A_135, %swap3A_136] {strides = array<i32>} : memref<16x256xi32, #tpu.memory_space<vmem>>, vector<16xi32>,
    tpu.vector_store %arg7[%swap3A_135, %swap3A_136], %broadcast_in_dim3A_3 {strides = array<i32>} : memref<16x256xi32, #tpu.memory_space<vmem>>, vector<16xi32>,
    %swap3A_138 = arith.constant 1 : i32
    %swap3A_139 = arith.index_cast %swap3A_138 : i32 to index
    %swap3A_140 = arith.constant 240 : index
    %swap3A_141 = tpu.vector_load %arg7[%swap3A_139, %swap3A_140] {strides = array<i32>} : memref<16x256xi32, #tpu.memory_space<vmem>>, vector<16xi32>,
    tpu.vector_store %arg7[%swap3A_139, %swap3A_140], %broadcast_in_dim3A_3 {strides = array<i32>} : memref<16x256xi32, #tpu.memory_space<vmem>>, vector<16xi32>,
    %swap3A_142 = arith.constant 2 : i32
    %swap3A_143 = arith.index_cast %swap3A_142 : i32 to index
    %swap3A_144 = arith.constant 0 : index
    %swap3A_145 = tpu.vector_load %arg7[%swap3A_143, %swap3A_144] {strides = array<i32>} : memref<16x256xi32, #tpu.memory_space<vmem>>, vector<16xi32>,
    tpu.vector_store %arg7[%swap3A_143, %swap3A_144], %broadcast_in_dim3A_3 {strides = array<i32>} : memref<16x256xi32, #tpu.memory_space<vmem>>, vector<16xi32>,
    %swap3A_146 = arith.constant 2 : i32
    %swap3A_147 = arith.index_cast %swap3A_146 : i32 to index
    %swap3A_148 = arith.constant 16 : index
    %swap3A_149 = tpu.vector_load %arg7[%swap3A_147, %swap3A_148] {strides = array<i32>} : memref<16x256xi32, #tpu.memory_space<vmem>>, vector<16xi32>,
    tpu.vector_store %arg7[%swap3A_147, %swap3A_148], %broadcast_in_dim3A_3 {strides = array<i32>} : memref<16x256xi32, #tpu.memory_space<vmem>>, vector<16xi32>,
    %swap3A_150 = arith.constant 2 : i32
    %swap3A_151 = arith.index_cast %swap3A_150 : i32 to index
    %swap3A_152 = arith.constant 32 : index
    %swap3A_153 = tpu.vector_load %arg7[%swap3A_151, %swap3A_152] {strides = array<i32>} : memref<16x256xi32, #tpu.memory_space<vmem>>, vector<16xi32>,
    tpu.vector_store %arg7[%swap3A_151, %swap3A_152], %broadcast_in_dim3A_3 {strides = array<i32>} : memref<16x256xi32, #tpu.memory_space<vmem>>, vector<16xi32>,
    %swap3A_154 = arith.constant 2 : i32
    %swap3A_155 = arith.index_cast %swap3A_154 : i32 to index
    %swap3A_156 = arith.constant 48 : index
    %swap3A_157 = tpu.vector_load %arg7[%swap3A_155, %swap3A_156] {strides = array<i32>} : memref<16x256xi32, #tpu.memory_space<vmem>>, vector<16xi32>,
    tpu.vector_store %arg7[%swap3A_155, %swap3A_156], %broadcast_in_dim3A_3 {strides = array<i32>} : memref<16x256xi32, #tpu.memory_space<vmem>>, vector<16xi32>,
    %swap3A_158 = arith.constant 2 : i32
    %swap3A_159 = arith.index_cast %swap3A_158 : i32 to index
    %swap3A_160 = arith.constant 64 : index
    %swap3A_161 = tpu.vector_load %arg7[%swap3A_159, %swap3A_160] {strides = array<i32>} : memref<16x256xi32, #tpu.memory_space<vmem>>, vector<16xi32>,
    tpu.vector_store %arg7[%swap3A_159, %swap3A_160], %broadcast_in_dim3A_3 {strides = array<i32>} : memref<16x256xi32, #tpu.memory_space<vmem>>, vector<16xi32>,
    %swap3A_162 = arith.constant 2 : i32
    %swap3A_163 = arith.index_cast %swap3A_162 : i32 to index
    %swap3A_164 = arith.constant 80 : index
    %swap3A_165 = tpu.vector_load %arg7[%swap3A_163, %swap3A_164] {strides = array<i32>} : memref<16x256xi32, #tpu.memory_space<vmem>>, vector<16xi32>,
    tpu.vector_store %arg7[%swap3A_163, %swap3A_164], %broadcast_in_dim3A_3 {strides = array<i32>} : memref<16x256xi32, #tpu.memory_space<vmem>>, vector<16xi32>,
    %swap3A_166 = arith.constant 2 : i32
    %swap3A_167 = arith.index_cast %swap3A_166 : i32 to index
    %swap3A_168 = arith.constant 96 : index
    %swap3A_169 = tpu.vector_load %arg7[%swap3A_167, %swap3A_168] {strides = array<i32>} : memref<16x256xi32, #tpu.memory_space<vmem>>, vector<16xi32>,
    tpu.vector_store %arg7[%swap3A_167, %swap3A_168], %broadcast_in_dim3A_3 {strides = array<i32>} : memref<16x256xi32, #tpu.memory_space<vmem>>, vector<16xi32>,
    %swap3A_170 = arith.constant 2 : i32
    %swap3A_171 = arith.index_cast %swap3A_170 : i32 to index
    %swap3A_172 = arith.constant 112 : index
    %swap3A_173 = tpu.vector_load %arg7[%swap3A_171, %swap3A_172] {strides = array<i32>} : memref<16x256xi32, #tpu.memory_space<vmem>>, vector<16xi32>,
    tpu.vector_store %arg7[%swap3A_171, %swap3A_172], %broadcast_in_dim3A_3 {strides = array<i32>} : memref<16x256xi32, #tpu.memory_space<vmem>>, vector<16xi32>,
    %swap3A_174 = arith.constant 2 : i32
    %swap3A_175 = arith.index_cast %swap3A_174 : i32 to index
    %swap3A_176 = arith.constant 128 : index
    %swap3A_177 = tpu.vector_load %arg7[%swap3A_175, %swap3A_176] {strides = array<i32>} : memref<16x256xi32, #tpu.memory_space<vmem>>, vector<16xi32>,
    tpu.vector_store %arg7[%swap3A_175, %swap3A_176], %broadcast_in_dim3A_3 {strides = array<i32>} : memref<16x256xi32, #tpu.memory_space<vmem>>, vector<16xi32>,
    %swap3A_178 = arith.constant 2 : i32
    %swap3A_179 = arith.index_cast %swap3A_178 : i32 to index
    %swap3A_180 = arith.constant 144 : index
    %swap3A_181 = tpu.vector_load %arg7[%swap3A_179, %swap3A_180] {strides = array<i32>} : memref<16x256xi32, #tpu.memory_space<vmem>>, vector<16xi32>,
    tpu.vector_store %arg7[%swap3A_179, %swap3A_180], %broadcast_in_dim3A_3 {strides = array<i32>} : memref<16x256xi32, #tpu.memory_space<vmem>>, vector<16xi32>,
    %swap3A_182 = arith.constant 2 : i32
    %swap3A_183 = arith.index_cast %swap3A_182 : i32 to index
    %swap3A_184 = arith.constant 160 : index
    %swap3A_185 = tpu.vector_load %arg7[%swap3A_183, %swap3A_184] {strides = array<i32>} : memref<16x256xi32, #tpu.memory_space<vmem>>, vector<16xi32>,
    tpu.vector_store %arg7[%swap3A_183, %swap3A_184], %broadcast_in_dim3A_3 {strides = array<i32>} : memref<16x256xi32, #tpu.memory_space<vmem>>, vector<16xi32>,
    %swap3A_186 = arith.constant 2 : i32
    %swap3A_187 = arith.index_cast %swap3A_186 : i32 to index
    %swap3A_188 = arith.constant 176 : index
    %swap3A_189 = tpu.vector_load %arg7[%swap3A_187, %swap3A_188] {strides = array<i32>} : memref<16x256xi32, #tpu.memory_space<vmem>>, vector<16xi32>,
    tpu.vector_store %arg7[%swap3A_187, %swap3A_188], %broadcast_in_dim3A_3 {strides = array<i32>} : memref<16x256xi32, #tpu.memory_space<vmem>>, vector<16xi32>,
    %swap3A_190 = arith.constant 2 : i32
    %swap3A_191 = arith.index_cast %swap3A_190 : i32 to index
    %swap3A_192 = arith.constant 192 : index
    %swap3A_193 = tpu.vector_load %arg7[%swap3A_191, %swap3A_192] {strides = array<i32>} : memref<16x256xi32, #tpu.memory_space<vmem>>, vector<16xi32>,
    tpu.vector_store %arg7[%swap3A_191, %swap3A_192], %broadcast_in_dim3A_3 {strides = array<i32>} : memref<16x256xi32, #tpu.memory_space<vmem>>, vector<16xi32>,
    %swap3A_194 = arith.constant 2 : i32
    %swap3A_195 = arith.index_cast %swap3A_194 : i32 to index
    %swap3A_196 = arith.constant 208 : index
    %swap3A_197 = tpu.vector_load %arg7[%swap3A_195, %swap3A_196] {strides = array<i32>} : memref<16x256xi32, #tpu.memory_space<vmem>>, vector<16xi32>,
    tpu.vector_store %arg7[%swap3A_195, %swap3A_196], %broadcast_in_dim3A_3 {strides = array<i32>} : memref<16x256xi32, #tpu.memory_space<vmem>>, vector<16xi32>,
    %swap3A_198 = arith.constant 2 : i32
    %swap3A_199 = arith.index_cast %swap3A_198 : i32 to index
    %swap3A_200 = arith.constant 224 : index
    %swap3A_201 = tpu.vector_load %arg7[%swap3A_199, %swap3A_200] {strides = array<i32>} : memref<16x256xi32, #tpu.memory_space<vmem>>, vector<16xi32>,
    tpu.vector_store %arg7[%swap3A_199, %swap3A_200], %broadcast_in_dim3A_3 {strides = array<i32>} : memref<16x256xi32, #tpu.memory_space<vmem>>, vector<16xi32>,
    %swap3A_202 = arith.constant 2 : i32
    %swap3A_203 = arith.index_cast %swap3A_202 : i32 to index
    %swap3A_204 = arith.constant 240 : index
    %swap3A_205 = tpu.vector_load %arg7[%swap3A_203, %swap3A_204] {strides = array<i32>} : memref<16x256xi32, #tpu.memory_space<vmem>>, vector<16xi32>,
    tpu.vector_store %arg7[%swap3A_203, %swap3A_204], %broadcast_in_dim3A_3 {strides = array<i32>} : memref<16x256xi32, #tpu.memory_space<vmem>>, vector<16xi32>,
    %swap3A_206 = arith.constant 3 : i32
    %swap3A_207 = arith.index_cast %swap3A_206 : i32 to index
    %swap3A_208 = arith.constant 0 : index
    %swap3A_209 = tpu.vector_load %arg7[%swap3A_207, %swap3A_208] {strides = array<i32>} : memref<16x256xi32, #tpu.memory_space<vmem>>, vector<16xi32>,
    tpu.vector_store %arg7[%swap3A_207, %swap3A_208], %broadcast_in_dim3A_3 {strides = array<i32>} : memref<16x256xi32, #tpu.memory_space<vmem>>, vector<16xi32>,
    %swap3A_210 = arith.constant 3 : i32
    %swap3A_211 = arith.index_cast %swap3A_210 : i32 to index
    %swap3A_212 = arith.constant 16 : index
    %swap3A_213 = tpu.vector_load %arg7[%swap3A_211, %swap3A_212] {strides = array<i32>} : memref<16x256xi32, #tpu.memory_space<vmem>>, vector<16xi32>,
    tpu.vector_store %arg7[%swap3A_211, %swap3A_212], %broadcast_in_dim3A_3 {strides = array<i32>} : memref<16x256xi32, #tpu.memory_space<vmem>>, vector<16xi32>,
    %swap3A_214 = arith.constant 3 : i32
    %swap3A_215 = arith.index_cast %swap3A_214 : i32 to index
    %swap3A_216 = arith.constant 32 : index
    %swap3A_217 = tpu.vector_load %arg7[%swap3A_215, %swap3A_216] {strides = array<i32>} : memref<16x256xi32, #tpu.memory_space<vmem>>, vector<16xi32>,
    tpu.vector_store %arg7[%swap3A_215, %swap3A_216], %broadcast_in_dim3A_3 {strides = array<i32>} : memref<16x256xi32, #tpu.memory_space<vmem>>, vector<16xi32>,
    %swap3A_218 = arith.constant 3 : i32
    %swap3A_219 = arith.index_cast %swap3A_218 : i32 to index
    %swap3A_220 = arith.constant 48 : index
    %swap3A_221 = tpu.vector_load %arg7[%swap3A_219, %swap3A_220] {strides = array<i32>} : memref<16x256xi32, #tpu.memory_space<vmem>>, vector<16xi32>,
    tpu.vector_store %arg7[%swap3A_219, %swap3A_220], %broadcast_in_dim3A_3 {strides = array<i32>} : memref<16x256xi32, #tpu.memory_space<vmem>>, vector<16xi32>,
    %swap3A_222 = arith.constant 3 : i32
    %swap3A_223 = arith.index_cast %swap3A_222 : i32 to index
    %swap3A_224 = arith.constant 64 : index
    %swap3A_225 = tpu.vector_load %arg7[%swap3A_223, %swap3A_224] {strides = array<i32>} : memref<16x256xi32, #tpu.memory_space<vmem>>, vector<16xi32>,
    tpu.vector_store %arg7[%swap3A_223, %swap3A_224], %broadcast_in_dim3A_3 {strides = array<i32>} : memref<16x256xi32, #tpu.memory_space<vmem>>, vector<16xi32>,
    %swap3A_226 = arith.constant 3 : i32
    %swap3A_227 = arith.index_cast %swap3A_226 : i32 to index
    %swap3A_228 = arith.constant 80 : index
    %swap3A_229 = tpu.vector_load %arg7[%swap3A_227, %swap3A_228] {strides = array<i32>} : memref<16x256xi32, #tpu.memory_space<vmem>>, vector<16xi32>,
    tpu.vector_store %arg7[%swap3A_227, %swap3A_228], %broadcast_in_dim3A_3 {strides = array<i32>} : memref<16x256xi32, #tpu.memory_space<vmem>>, vector<16xi32>,
    %swap3A_230 = arith.constant 3 : i32
    %swap3A_231 = arith.index_cast %swap3A_230 : i32 to index
    %swap3A_232 = arith.constant 96 : index
    %swap3A_233 = tpu.vector_load %arg7[%swap3A_231, %swap3A_232] {strides = array<i32>} : memref<16x256xi32, #tpu.memory_space<vmem>>, vector<16xi32>,
    tpu.vector_store %arg7[%swap3A_231, %swap3A_232], %broadcast_in_dim3A_3 {strides = array<i32>} : memref<16x256xi32, #tpu.memory_space<vmem>>, vector<16xi32>,
    %swap3A_234 = arith.constant 3 : i32
    %swap3A_235 = arith.index_cast %swap3A_234 : i32 to index
    %swap3A_236 = arith.constant 112 : index
    %swap3A_237 = tpu.vector_load %arg7[%swap3A_235, %swap3A_236] {strides = array<i32>} : memref<16x256xi32, #tpu.memory_space<vmem>>, vector<16xi32>,
    tpu.vector_store %arg7[%swap3A_235, %swap3A_236], %broadcast_in_dim3A_3 {strides = array<i32>} : memref<16x256xi32, #tpu.memory_space<vmem>>, vector<16xi32>,
    %swap3A_238 = arith.constant 3 : i32
    %swap3A_239 = arith.index_cast %swap3A_238 : i32 to index
    %swap3A_240 = arith.constant 128 : index
    %swap3A_241 = tpu.vector_load %arg7[%swap3A_239, %swap3A_240] {strides = array<i32>} : memref<16x256xi32, #tpu.memory_space<vmem>>, vector<16xi32>,
    tpu.vector_store %arg7[%swap3A_239, %swap3A_240], %broadcast_in_dim3A_3 {strides = array<i32>} : memref<16x256xi32, #tpu.memory_space<vmem>>, vector<16xi32>,
    %swap3A_242 = arith.constant 3 : i32
    %swap3A_243 = arith.index_cast %swap3A_242 : i32 to index
    %swap3A_244 = arith.constant 144 : index
    %swap3A_245 = tpu.vector_load %arg7[%swap3A_243, %swap3A_244] {strides = array<i32>} : memref<16x256xi32, #tpu.memory_space<vmem>>, vector<16xi32>,
    tpu.vector_store %arg7[%swap3A_243, %swap3A_244], %broadcast_in_dim3A_3 {strides = array<i32>} : memref<16x256xi32, #tpu.memory_space<vmem>>, vector<16xi32>,
    %swap3A_246 = arith.constant 3 : i32
    %swap3A_247 = arith.index_cast %swap3A_246 : i32 to index
    %swap3A_248 = arith.constant 160 : index
    %swap3A_249 = tpu.vector_load %arg7[%swap3A_247, %swap3A_248] {strides = array<i32>} : memref<16x256xi32, #tpu.memory_space<vmem>>, vector<16xi32>,
    tpu.vector_store %arg7[%swap3A_247, %swap3A_248], %broadcast_in_dim3A_3 {strides = array<i32>} : memref<16x256xi32, #tpu.memory_space<vmem>>, vector<16xi32>,
    %swap3A_250 = arith.constant 3 : i32
    %swap3A_251 = arith.index_cast %swap3A_250 : i32 to index
    %swap3A_252 = arith.constant 176 : index
    %swap3A_253 = tpu.vector_load %arg7[%swap3A_251, %swap3A_252] {strides = array<i32>} : memref<16x256xi32, #tpu.memory_space<vmem>>, vector<16xi32>,
    tpu.vector_store %arg7[%swap3A_251, %swap3A_252], %broadcast_in_dim3A_3 {strides = array<i32>} : memref<16x256xi32, #tpu.memory_space<vmem>>, vector<16xi32>,
    %swap3A_254 = arith.constant 3 : i32
    %swap3A_255 = arith.index_cast %swap3A_254 : i32 to index
    %swap3A_256 = arith.constant 192 : index
    %swap3A_257 = tpu.vector_load %arg7[%swap3A_255, %swap3A_256] {strides = array<i32>} : memref<16x256xi32, #tpu.memory_space<vmem>>, vector<16xi32>,
    tpu.vector_store %arg7[%swap3A_255, %swap3A_256], %broadcast_in_dim3A_3 {strides = array<i32>} : memref<16x256xi32, #tpu.memory_space<vmem>>, vector<16xi32>,
    %swap3A_258 = arith.constant 3 : i32
    %swap3A_259 = arith.index_cast %swap3A_258 : i32 to index
    %swap3A_260 = arith.constant 208 : index
    %swap3A_261 = tpu.vector_load %arg7[%swap3A_259, %swap3A_260] {strides = array<i32>} : memref<16x256xi32, #tpu.memory_space<vmem>>, vector<16xi32>,
    tpu.vector_store %arg7[%swap3A_259, %swap3A_260], %broadcast_in_dim3A_3 {strides = array<i32>} : memref<16x256xi32, #tpu.memory_space<vmem>>, vector<16xi32>,
    %swap3A_262 = arith.constant 3 : i32
    %swap3A_263 = arith.index_cast %swap3A_262 : i32 to index
    %swap3A_264 = arith.constant 224 : index
    %swap3A_265 = tpu.vector_load %arg7[%swap3A_263, %swap3A_264] {strides = array<i32>} : memref<16x256xi32, #tpu.memory_space<vmem>>, vector<16xi32>,
    tpu.vector_store %arg7[%swap3A_263, %swap3A_264], %broadcast_in_dim3A_3 {strides = array<i32>} : memref<16x256xi32, #tpu.memory_space<vmem>>, vector<16xi32>,
    %swap3A_266 = arith.constant 3 : i32
    %swap3A_267 = arith.index_cast %swap3A_266 : i32 to index
    %swap3A_268 = arith.constant 240 : index
    %swap3A_269 = tpu.vector_load %arg7[%swap3A_267, %swap3A_268] {strides = array<i32>} : memref<16x256xi32, #tpu.memory_space<vmem>>, vector<16xi32>,
    tpu.vector_store %arg7[%swap3A_267, %swap3A_268], %broadcast_in_dim3A_3 {strides = array<i32>} : memref<16x256xi32, #tpu.memory_space<vmem>>, vector<16xi32>,
    %swap3A_270 = arith.constant 4 : i32
    %swap3A_271 = arith.index_cast %swap3A_270 : i32 to index
    %swap3A_272 = arith.constant 0 : index
    %swap3A_273 = tpu.vector_load %arg7[%swap3A_271, %swap3A_272] {strides = array<i32>} : memref<16x256xi32, #tpu.memory_space<vmem>>, vector<16xi32>,
    tpu.vector_store %arg7[%swap3A_271, %swap3A_272], %broadcast_in_dim3A_3 {strides = array<i32>} : memref<16x256xi32, #tpu.memory_space<vmem>>, vector<16xi32>,
    %swap3A_274 = arith.constant 4 : i32
    %swap3A_275 = arith.index_cast %swap3A_274 : i32 to index
    %swap3A_276 = arith.constant 16 : index
    %swap3A_277 = tpu.vector_load %arg7[%swap3A_275, %swap3A_276] {strides = array<i32>} : memref<16x256xi32, #tpu.memory_space<vmem>>, vector<16xi32>,
    tpu.vector_store %arg7[%swap3A_275, %swap3A_276], %broadcast_in_dim3A_3 {strides = array<i32>} : memref<16x256xi32, #tpu.memory_space<vmem>>, vector<16xi32>,
    %swap3A_278 = arith.constant 4 : i32
    %swap3A_279 = arith.index_cast %swap3A_278 : i32 to index
    %swap3A_280 = arith.constant 32 : index
    %swap3A_281 = tpu.vector_load %arg7[%swap3A_279, %swap3A_280] {strides = array<i32>} : memref<16x256xi32, #tpu.memory_space<vmem>>, vector<16xi32>,
    tpu.vector_store %arg7[%swap3A_279, %swap3A_280], %broadcast_in_dim3A_3 {strides = array<i32>} : memref<16x256xi32, #tpu.memory_space<vmem>>, vector<16xi32>,
    %swap3A_282 = arith.constant 4 : i32
    %swap3A_283 = arith.index_cast %swap3A_282 : i32 to index
    %swap3A_284 = arith.constant 48 : index
    %swap3A_285 = tpu.vector_load %arg7[%swap3A_283, %swap3A_284] {strides = array<i32>} : memref<16x256xi32, #tpu.memory_space<vmem>>, vector<16xi32>,
    tpu.vector_store %arg7[%swap3A_283, %swap3A_284], %broadcast_in_dim3A_3 {strides = array<i32>} : memref<16x256xi32, #tpu.memory_space<vmem>>, vector<16xi32>,
    %swap3A_286 = arith.constant 4 : i32
    %swap3A_287 = arith.index_cast %swap3A_286 : i32 to index
    %swap3A_288 = arith.constant 64 : index
    %swap3A_289 = tpu.vector_load %arg7[%swap3A_287, %swap3A_288] {strides = array<i32>} : memref<16x256xi32, #tpu.memory_space<vmem>>, vector<16xi32>,
    tpu.vector_store %arg7[%swap3A_287, %swap3A_288], %broadcast_in_dim3A_3 {strides = array<i32>} : memref<16x256xi32, #tpu.memory_space<vmem>>, vector<16xi32>,
    %swap3A_290 = arith.constant 4 : i32
    %swap3A_291 = arith.index_cast %swap3A_290 : i32 to index
    %swap3A_292 = arith.constant 80 : index
    %swap3A_293 = tpu.vector_load %arg7[%swap3A_291, %swap3A_292] {strides = array<i32>} : memref<16x256xi32, #tpu.memory_space<vmem>>, vector<16xi32>,
    tpu.vector_store %arg7[%swap3A_291, %swap3A_292], %broadcast_in_dim3A_3 {strides = array<i32>} : memref<16x256xi32, #tpu.memory_space<vmem>>, vector<16xi32>,
    %swap3A_294 = arith.constant 4 : i32
    %swap3A_295 = arith.index_cast %swap3A_294 : i32 to index
    %swap3A_296 = arith.constant 96 : index
    %swap3A_297 = tpu.vector_load %arg7[%swap3A_295, %swap3A_296] {strides = array<i32>} : memref<16x256xi32, #tpu.memory_space<vmem>>, vector<16xi32>,
    tpu.vector_store %arg7[%swap3A_295, %swap3A_296], %broadcast_in_dim3A_3 {strides = array<i32>} : memref<16x256xi32, #tpu.memory_space<vmem>>, vector<16xi32>,
    %swap3A_298 = arith.constant 4 : i32
    %swap3A_299 = arith.index_cast %swap3A_298 : i32 to index
    %swap3A_300 = arith.constant 112 : index
    %swap3A_301 = tpu.vector_load %arg7[%swap3A_299, %swap3A_300] {strides = array<i32>} : memref<16x256xi32, #tpu.memory_space<vmem>>, vector<16xi32>,
    tpu.vector_store %arg7[%swap3A_299, %swap3A_300], %broadcast_in_dim3A_3 {strides = array<i32>} : memref<16x256xi32, #tpu.memory_space<vmem>>, vector<16xi32>,
    %swap3A_302 = arith.constant 4 : i32
    %swap3A_303 = arith.index_cast %swap3A_302 : i32 to index
    %swap3A_304 = arith.constant 128 : index
    %swap3A_305 = tpu.vector_load %arg7[%swap3A_303, %swap3A_304] {strides = array<i32>} : memref<16x256xi32, #tpu.memory_space<vmem>>, vector<16xi32>,
    tpu.vector_store %arg7[%swap3A_303, %swap3A_304], %broadcast_in_dim3A_3 {strides = array<i32>} : memref<16x256xi32, #tpu.memory_space<vmem>>, vector<16xi32>,
    %swap3A_306 = arith.constant 4 : i32
    %swap3A_307 = arith.index_cast %swap3A_306 : i32 to index
    %swap3A_308 = arith.constant 144 : index
    %swap3A_309 = tpu.vector_load %arg7[%swap3A_307, %swap3A_308] {strides = array<i32>} : memref<16x256xi32, #tpu.memory_space<vmem>>, vector<16xi32>,
    tpu.vector_store %arg7[%swap3A_307, %swap3A_308], %broadcast_in_dim3A_3 {strides = array<i32>} : memref<16x256xi32, #tpu.memory_space<vmem>>, vector<16xi32>,
    %swap3A_310 = arith.constant 4 : i32
    %swap3A_311 = arith.index_cast %swap3A_310 : i32 to index
    %swap3A_312 = arith.constant 160 : index
    %swap3A_313 = tpu.vector_load %arg7[%swap3A_311, %swap3A_312] {strides = array<i32>} : memref<16x256xi32, #tpu.memory_space<vmem>>, vector<16xi32>,
    tpu.vector_store %arg7[%swap3A_311, %swap3A_312], %broadcast_in_dim3A_3 {strides = array<i32>} : memref<16x256xi32, #tpu.memory_space<vmem>>, vector<16xi32>,
    %swap3A_314 = arith.constant 4 : i32
    %swap3A_315 = arith.index_cast %swap3A_314 : i32 to index
    %swap3A_316 = arith.constant 176 : index
    %swap3A_317 = tpu.vector_load %arg7[%swap3A_315, %swap3A_316] {strides = array<i32>} : memref<16x256xi32, #tpu.memory_space<vmem>>, vector<16xi32>,
    tpu.vector_store %arg7[%swap3A_315, %swap3A_316], %broadcast_in_dim3A_3 {strides = array<i32>} : memref<16x256xi32, #tpu.memory_space<vmem>>, vector<16xi32>,
    %swap3A_318 = arith.constant 4 : i32
    %swap3A_319 = arith.index_cast %swap3A_318 : i32 to index
    %swap3A_320 = arith.constant 192 : index
    %swap3A_321 = tpu.vector_load %arg7[%swap3A_319, %swap3A_320] {strides = array<i32>} : memref<16x256xi32, #tpu.memory_space<vmem>>, vector<16xi32>,
    tpu.vector_store %arg7[%swap3A_319, %swap3A_320], %broadcast_in_dim3A_3 {strides = array<i32>} : memref<16x256xi32, #tpu.memory_space<vmem>>, vector<16xi32>,
    %swap3A_322 = arith.constant 4 : i32
    %swap3A_323 = arith.index_cast %swap3A_322 : i32 to index
    %swap3A_324 = arith.constant 208 : index
    %swap3A_325 = tpu.vector_load %arg7[%swap3A_323, %swap3A_324] {strides = array<i32>} : memref<16x256xi32, #tpu.memory_space<vmem>>, vector<16xi32>,
    tpu.vector_store %arg7[%swap3A_323, %swap3A_324], %broadcast_in_dim3A_3 {strides = array<i32>} : memref<16x256xi32, #tpu.memory_space<vmem>>, vector<16xi32>,
    %swap3A_326 = arith.constant 4 : i32
    %swap3A_327 = arith.index_cast %swap3A_326 : i32 to index
    %swap3A_328 = arith.constant 224 : index
    %swap3A_329 = tpu.vector_load %arg7[%swap3A_327, %swap3A_328] {strides = array<i32>} : memref<16x256xi32, #tpu.memory_space<vmem>>, vector<16xi32>,
    tpu.vector_store %arg7[%swap3A_327, %swap3A_328], %broadcast_in_dim3A_3 {strides = array<i32>} : memref<16x256xi32, #tpu.memory_space<vmem>>, vector<16xi32>,
    %swap3A_330 = arith.constant 4 : i32
    %swap3A_331 = arith.index_cast %swap3A_330 : i32 to index
    %swap3A_332 = arith.constant 240 : index
    %swap3A_333 = tpu.vector_load %arg7[%swap3A_331, %swap3A_332] {strides = array<i32>} : memref<16x256xi32, #tpu.memory_space<vmem>>, vector<16xi32>,
    tpu.vector_store %arg7[%swap3A_331, %swap3A_332], %broadcast_in_dim3A_3 {strides = array<i32>} : memref<16x256xi32, #tpu.memory_space<vmem>>, vector<16xi32>,
    %swap3A_334 = arith.constant 5 : i32
    %swap3A_335 = arith.index_cast %swap3A_334 : i32 to index
    %swap3A_336 = arith.constant 0 : index
    %swap3A_337 = tpu.vector_load %arg7[%swap3A_335, %swap3A_336] {strides = array<i32>} : memref<16x256xi32, #tpu.memory_space<vmem>>, vector<16xi32>,
    tpu.vector_store %arg7[%swap3A_335, %swap3A_336], %broadcast_in_dim3A_3 {strides = array<i32>} : memref<16x256xi32, #tpu.memory_space<vmem>>, vector<16xi32>,
    %swap3A_338 = arith.constant 5 : i32
    %swap3A_339 = arith.index_cast %swap3A_338 : i32 to index
    %swap3A_340 = arith.constant 16 : index
    %swap3A_341 = tpu.vector_load %arg7[%swap3A_339, %swap3A_340] {strides = array<i32>} : memref<16x256xi32, #tpu.memory_space<vmem>>, vector<16xi32>,
    tpu.vector_store %arg7[%swap3A_339, %swap3A_340], %broadcast_in_dim3A_3 {strides = array<i32>} : memref<16x256xi32, #tpu.memory_space<vmem>>, vector<16xi32>,
    %swap3A_342 = arith.constant 5 : i32
    %swap3A_343 = arith.index_cast %swap3A_342 : i32 to index
    %swap3A_344 = arith.constant 32 : index
    %swap3A_345 = tpu.vector_load %arg7[%swap3A_343, %swap3A_344] {strides = array<i32>} : memref<16x256xi32, #tpu.memory_space<vmem>>, vector<16xi32>,
    tpu.vector_store %arg7[%swap3A_343, %swap3A_344], %broadcast_in_dim3A_3 {strides = array<i32>} : memref<16x256xi32, #tpu.memory_space<vmem>>, vector<16xi32>,
    %swap3A_346 = arith.constant 5 : i32
    %swap3A_347 = arith.index_cast %swap3A_346 : i32 to index
    %swap3A_348 = arith.constant 48 : index
    %swap3A_349 = tpu.vector_load %arg7[%swap3A_347, %swap3A_348] {strides = array<i32>} : memref<16x256xi32, #tpu.memory_space<vmem>>, vector<16xi32>,
    tpu.vector_store %arg7[%swap3A_347, %swap3A_348], %broadcast_in_dim3A_3 {strides = array<i32>} : memref<16x256xi32, #tpu.memory_space<vmem>>, vector<16xi32>,
    %swap3A_350 = arith.constant 5 : i32
    %swap3A_351 = arith.index_cast %swap3A_350 : i32 to index
    %swap3A_352 = arith.constant 64 : index
    %swap3A_353 = tpu.vector_load %arg7[%swap3A_351, %swap3A_352] {strides = array<i32>} : memref<16x256xi32, #tpu.memory_space<vmem>>, vector<16xi32>,
    tpu.vector_store %arg7[%swap3A_351, %swap3A_352], %broadcast_in_dim3A_3 {strides = array<i32>} : memref<16x256xi32, #tpu.memory_space<vmem>>, vector<16xi32>,
    %swap3A_354 = arith.constant 5 : i32
    %swap3A_355 = arith.index_cast %swap3A_354 : i32 to index
    %swap3A_356 = arith.constant 80 : index
    %swap3A_357 = tpu.vector_load %arg7[%swap3A_355, %swap3A_356] {strides = array<i32>} : memref<16x256xi32, #tpu.memory_space<vmem>>, vector<16xi32>,
    tpu.vector_store %arg7[%swap3A_355, %swap3A_356], %broadcast_in_dim3A_3 {strides = array<i32>} : memref<16x256xi32, #tpu.memory_space<vmem>>, vector<16xi32>,
    %swap3A_358 = arith.constant 5 : i32
    %swap3A_359 = arith.index_cast %swap3A_358 : i32 to index
    %swap3A_360 = arith.constant 96 : index
    %swap3A_361 = tpu.vector_load %arg7[%swap3A_359, %swap3A_360] {strides = array<i32>} : memref<16x256xi32, #tpu.memory_space<vmem>>, vector<16xi32>,
    tpu.vector_store %arg7[%swap3A_359, %swap3A_360], %broadcast_in_dim3A_3 {strides = array<i32>} : memref<16x256xi32, #tpu.memory_space<vmem>>, vector<16xi32>,
    %swap3A_362 = arith.constant 5 : i32
    %swap3A_363 = arith.index_cast %swap3A_362 : i32 to index
    %swap3A_364 = arith.constant 112 : index
    %swap3A_365 = tpu.vector_load %arg7[%swap3A_363, %swap3A_364] {strides = array<i32>} : memref<16x256xi32, #tpu.memory_space<vmem>>, vector<16xi32>,
    tpu.vector_store %arg7[%swap3A_363, %swap3A_364], %broadcast_in_dim3A_3 {strides = array<i32>} : memref<16x256xi32, #tpu.memory_space<vmem>>, vector<16xi32>,
    %swap3A_366 = arith.constant 5 : i32
    %swap3A_367 = arith.index_cast %swap3A_366 : i32 to index
    %swap3A_368 = arith.constant 128 : index
    %swap3A_369 = tpu.vector_load %arg7[%swap3A_367, %swap3A_368] {strides = array<i32>} : memref<16x256xi32, #tpu.memory_space<vmem>>, vector<16xi32>,
    tpu.vector_store %arg7[%swap3A_367, %swap3A_368], %broadcast_in_dim3A_3 {strides = array<i32>} : memref<16x256xi32, #tpu.memory_space<vmem>>, vector<16xi32>,
    %swap3A_370 = arith.constant 5 : i32
    %swap3A_371 = arith.index_cast %swap3A_370 : i32 to index
    %swap3A_372 = arith.constant 144 : index
    %swap3A_373 = tpu.vector_load %arg7[%swap3A_371, %swap3A_372] {strides = array<i32>} : memref<16x256xi32, #tpu.memory_space<vmem>>, vector<16xi32>,
    tpu.vector_store %arg7[%swap3A_371, %swap3A_372], %broadcast_in_dim3A_3 {strides = array<i32>} : memref<16x256xi32, #tpu.memory_space<vmem>>, vector<16xi32>,
    %swap3A_374 = arith.constant 5 : i32
    %swap3A_375 = arith.index_cast %swap3A_374 : i32 to index
    %swap3A_376 = arith.constant 160 : index
    %swap3A_377 = tpu.vector_load %arg7[%swap3A_375, %swap3A_376] {strides = array<i32>} : memref<16x256xi32, #tpu.memory_space<vmem>>, vector<16xi32>,
    tpu.vector_store %arg7[%swap3A_375, %swap3A_376], %broadcast_in_dim3A_3 {strides = array<i32>} : memref<16x256xi32, #tpu.memory_space<vmem>>, vector<16xi32>,
    %swap3A_378 = arith.constant 5 : i32
    %swap3A_379 = arith.index_cast %swap3A_378 : i32 to index
    %swap3A_380 = arith.constant 176 : index
    %swap3A_381 = tpu.vector_load %arg7[%swap3A_379, %swap3A_380] {strides = array<i32>} : memref<16x256xi32, #tpu.memory_space<vmem>>, vector<16xi32>,
    tpu.vector_store %arg7[%swap3A_379, %swap3A_380], %broadcast_in_dim3A_3 {strides = array<i32>} : memref<16x256xi32, #tpu.memory_space<vmem>>, vector<16xi32>,
    %swap3A_382 = arith.constant 5 : i32
    %swap3A_383 = arith.index_cast %swap3A_382 : i32 to index
    %swap3A_384 = arith.constant 192 : index
    %swap3A_385 = tpu.vector_load %arg7[%swap3A_383, %swap3A_384] {strides = array<i32>} : memref<16x256xi32, #tpu.memory_space<vmem>>, vector<16xi32>,
    tpu.vector_store %arg7[%swap3A_383, %swap3A_384], %broadcast_in_dim3A_3 {strides = array<i32>} : memref<16x256xi32, #tpu.memory_space<vmem>>, vector<16xi32>,
    %swap3A_386 = arith.constant 5 : i32
    %swap3A_387 = arith.index_cast %swap3A_386 : i32 to index
    %swap3A_388 = arith.constant 208 : index
    %swap3A_389 = tpu.vector_load %arg7[%swap3A_387, %swap3A_388] {strides = array<i32>} : memref<16x256xi32, #tpu.memory_space<vmem>>, vector<16xi32>,
    tpu.vector_store %arg7[%swap3A_387, %swap3A_388], %broadcast_in_dim3A_3 {strides = array<i32>} : memref<16x256xi32, #tpu.memory_space<vmem>>, vector<16xi32>,
    %swap3A_390 = arith.constant 5 : i32
    %swap3A_391 = arith.index_cast %swap3A_390 : i32 to index
    %swap3A_392 = arith.constant 224 : index
    %swap3A_393 = tpu.vector_load %arg7[%swap3A_391, %swap3A_392] {strides = array<i32>} : memref<16x256xi32, #tpu.memory_space<vmem>>, vector<16xi32>,
    tpu.vector_store %arg7[%swap3A_391, %swap3A_392], %broadcast_in_dim3A_3 {strides = array<i32>} : memref<16x256xi32, #tpu.memory_space<vmem>>, vector<16xi32>,
    %swap3A_394 = arith.constant 5 : i32
    %swap3A_395 = arith.index_cast %swap3A_394 : i32 to index
    %swap3A_396 = arith.constant 240 : index
    %swap3A_397 = tpu.vector_load %arg7[%swap3A_395, %swap3A_396] {strides = array<i32>} : memref<16x256xi32, #tpu.memory_space<vmem>>, vector<16xi32>,
    tpu.vector_store %arg7[%swap3A_395, %swap3A_396], %broadcast_in_dim3A_3 {strides = array<i32>} : memref<16x256xi32, #tpu.memory_space<vmem>>, vector<16xi32>,
    %swap3A_398 = arith.constant 6 : i32
    %swap3A_399 = arith.index_cast %swap3A_398 : i32 to index
    %swap3A_400 = arith.constant 0 : index
    %swap3A_401 = tpu.vector_load %arg7[%swap3A_399, %swap3A_400] {strides = array<i32>} : memref<16x256xi32, #tpu.memory_space<vmem>>, vector<16xi32>,
    tpu.vector_store %arg7[%swap3A_399, %swap3A_400], %broadcast_in_dim3A_3 {strides = array<i32>} : memref<16x256xi32, #tpu.memory_space<vmem>>, vector<16xi32>,
    %swap3A_402 = arith.constant 6 : i32
    %swap3A_403 = arith.index_cast %swap3A_402 : i32 to index
    %swap3A_404 = arith.constant 16 : index
    %swap3A_405 = tpu.vector_load %arg7[%swap3A_403, %swap3A_404] {strides = array<i32>} : memref<16x256xi32, #tpu.memory_space<vmem>>, vector<16xi32>,
    tpu.vector_store %arg7[%swap3A_403, %swap3A_404], %broadcast_in_dim3A_3 {strides = array<i32>} : memref<16x256xi32, #tpu.memory_space<vmem>>, vector<16xi32>,
    %swap3A_406 = arith.constant 6 : i32
    %swap3A_407 = arith.index_cast %swap3A_406 : i32 to index
    %swap3A_408 = arith.constant 32 : index
    %swap3A_409 = tpu.vector_load %arg7[%swap3A_407, %swap3A_408] {strides = array<i32>} : memref<16x256xi32, #tpu.memory_space<vmem>>, vector<16xi32>,
    tpu.vector_store %arg7[%swap3A_407, %swap3A_408], %broadcast_in_dim3A_3 {strides = array<i32>} : memref<16x256xi32, #tpu.memory_space<vmem>>, vector<16xi32>,
    %swap3A_410 = arith.constant 6 : i32
    %swap3A_411 = arith.index_cast %swap3A_410 : i32 to index
    %swap3A_412 = arith.constant 48 : index
    %swap3A_413 = tpu.vector_load %arg7[%swap3A_411, %swap3A_412] {strides = array<i32>} : memref<16x256xi32, #tpu.memory_space<vmem>>, vector<16xi32>,
    tpu.vector_store %arg7[%swap3A_411, %swap3A_412], %broadcast_in_dim3A_3 {strides = array<i32>} : memref<16x256xi32, #tpu.memory_space<vmem>>, vector<16xi32>,
    %swap3A_414 = arith.constant 6 : i32
    %swap3A_415 = arith.index_cast %swap3A_414 : i32 to index
    %swap3A_416 = arith.constant 64 : index
    %swap3A_417 = tpu.vector_load %arg7[%swap3A_415, %swap3A_416] {strides = array<i32>} : memref<16x256xi32, #tpu.memory_space<vmem>>, vector<16xi32>,
    tpu.vector_store %arg7[%swap3A_415, %swap3A_416], %broadcast_in_dim3A_3 {strides = array<i32>} : memref<16x256xi32, #tpu.memory_space<vmem>>, vector<16xi32>,
    %swap3A_418 = arith.constant 6 : i32
    %swap3A_419 = arith.index_cast %swap3A_418 : i32 to index
    %swap3A_420 = arith.constant 80 : index
    %swap3A_421 = tpu.vector_load %arg7[%swap3A_419, %swap3A_420] {strides = array<i32>} : memref<16x256xi32, #tpu.memory_space<vmem>>, vector<16xi32>,
    tpu.vector_store %arg7[%swap3A_419, %swap3A_420], %broadcast_in_dim3A_3 {strides = array<i32>} : memref<16x256xi32, #tpu.memory_space<vmem>>, vector<16xi32>,
    %swap3A_422 = arith.constant 6 : i32
    %swap3A_423 = arith.index_cast %swap3A_422 : i32 to index
    %swap3A_424 = arith.constant 96 : index
    %swap3A_425 = tpu.vector_load %arg7[%swap3A_423, %swap3A_424] {strides = array<i32>} : memref<16x256xi32, #tpu.memory_space<vmem>>, vector<16xi32>,
    tpu.vector_store %arg7[%swap3A_423, %swap3A_424], %broadcast_in_dim3A_3 {strides = array<i32>} : memref<16x256xi32, #tpu.memory_space<vmem>>, vector<16xi32>,
    %swap3A_426 = arith.constant 6 : i32
    %swap3A_427 = arith.index_cast %swap3A_426 : i32 to index
    %swap3A_428 = arith.constant 112 : index
    %swap3A_429 = tpu.vector_load %arg7[%swap3A_427, %swap3A_428] {strides = array<i32>} : memref<16x256xi32, #tpu.memory_space<vmem>>, vector<16xi32>,
    tpu.vector_store %arg7[%swap3A_427, %swap3A_428], %broadcast_in_dim3A_3 {strides = array<i32>} : memref<16x256xi32, #tpu.memory_space<vmem>>, vector<16xi32>,
    %swap3A_430 = arith.constant 6 : i32
    %swap3A_431 = arith.index_cast %swap3A_430 : i32 to index
    %swap3A_432 = arith.constant 128 : index
    %swap3A_433 = tpu.vector_load %arg7[%swap3A_431, %swap3A_432] {strides = array<i32>} : memref<16x256xi32, #tpu.memory_space<vmem>>, vector<16xi32>,
    tpu.vector_store %arg7[%swap3A_431, %swap3A_432], %broadcast_in_dim3A_3 {strides = array<i32>} : memref<16x256xi32, #tpu.memory_space<vmem>>, vector<16xi32>,
    %swap3A_434 = arith.constant 6 : i32
    %swap3A_435 = arith.index_cast %swap3A_434 : i32 to index
    %swap3A_436 = arith.constant 144 : index
    %swap3A_437 = tpu.vector_load %arg7[%swap3A_435, %swap3A_436] {strides = array<i32>} : memref<16x256xi32, #tpu.memory_space<vmem>>, vector<16xi32>,
    tpu.vector_store %arg7[%swap3A_435, %swap3A_436], %broadcast_in_dim3A_3 {strides = array<i32>} : memref<16x256xi32, #tpu.memory_space<vmem>>, vector<16xi32>,
    %swap3A_438 = arith.constant 6 : i32
    %swap3A_439 = arith.index_cast %swap3A_438 : i32 to index
    %swap3A_440 = arith.constant 160 : index
    %swap3A_441 = tpu.vector_load %arg7[%swap3A_439, %swap3A_440] {strides = array<i32>} : memref<16x256xi32, #tpu.memory_space<vmem>>, vector<16xi32>,
    tpu.vector_store %arg7[%swap3A_439, %swap3A_440], %broadcast_in_dim3A_3 {strides = array<i32>} : memref<16x256xi32, #tpu.memory_space<vmem>>, vector<16xi32>,
    %swap3A_442 = arith.constant 6 : i32
    %swap3A_443 = arith.index_cast %swap3A_442 : i32 to index
    %swap3A_444 = arith.constant 176 : index
    %swap3A_445 = tpu.vector_load %arg7[%swap3A_443, %swap3A_444] {strides = array<i32>} : memref<16x256xi32, #tpu.memory_space<vmem>>, vector<16xi32>,
    tpu.vector_store %arg7[%swap3A_443, %swap3A_444], %broadcast_in_dim3A_3 {strides = array<i32>} : memref<16x256xi32, #tpu.memory_space<vmem>>, vector<16xi32>,
    %swap3A_446 = arith.constant 6 : i32
    %swap3A_447 = arith.index_cast %swap3A_446 : i32 to index
    %swap3A_448 = arith.constant 192 : index
    %swap3A_449 = tpu.vector_load %arg7[%swap3A_447, %swap3A_448] {strides = array<i32>} : memref<16x256xi32, #tpu.memory_space<vmem>>, vector<16xi32>,
    tpu.vector_store %arg7[%swap3A_447, %swap3A_448], %broadcast_in_dim3A_3 {strides = array<i32>} : memref<16x256xi32, #tpu.memory_space<vmem>>, vector<16xi32>,
    %swap3A_450 = arith.constant 6 : i32
    %swap3A_451 = arith.index_cast %swap3A_450 : i32 to index
    %swap3A_452 = arith.constant 208 : index
    %swap3A_453 = tpu.vector_load %arg7[%swap3A_451, %swap3A_452] {strides = array<i32>} : memref<16x256xi32, #tpu.memory_space<vmem>>, vector<16xi32>,
    tpu.vector_store %arg7[%swap3A_451, %swap3A_452], %broadcast_in_dim3A_3 {strides = array<i32>} : memref<16x256xi32, #tpu.memory_space<vmem>>, vector<16xi32>,
    %swap3A_454 = arith.constant 6 : i32
    %swap3A_455 = arith.index_cast %swap3A_454 : i32 to index
    %swap3A_456 = arith.constant 224 : index
    %swap3A_457 = tpu.vector_load %arg7[%swap3A_455, %swap3A_456] {strides = array<i32>} : memref<16x256xi32, #tpu.memory_space<vmem>>, vector<16xi32>,
    tpu.vector_store %arg7[%swap3A_455, %swap3A_456], %broadcast_in_dim3A_3 {strides = array<i32>} : memref<16x256xi32, #tpu.memory_space<vmem>>, vector<16xi32>,
    %swap3A_458 = arith.constant 6 : i32
    %swap3A_459 = arith.index_cast %swap3A_458 : i32 to index
    %swap3A_460 = arith.constant 240 : index
    %swap3A_461 = tpu.vector_load %arg7[%swap3A_459, %swap3A_460] {strides = array<i32>} : memref<16x256xi32, #tpu.memory_space<vmem>>, vector<16xi32>,
    tpu.vector_store %arg7[%swap3A_459, %swap3A_460], %broadcast_in_dim3A_3 {strides = array<i32>} : memref<16x256xi32, #tpu.memory_space<vmem>>, vector<16xi32>,
    %swap3A_462 = arith.constant 7 : i32
    %swap3A_463 = arith.index_cast %swap3A_462 : i32 to index
    %swap3A_464 = arith.constant 0 : index
    %swap3A_465 = tpu.vector_load %arg7[%swap3A_463, %swap3A_464] {strides = array<i32>} : memref<16x256xi32, #tpu.memory_space<vmem>>, vector<16xi32>,
    tpu.vector_store %arg7[%swap3A_463, %swap3A_464], %broadcast_in_dim3A_3 {strides = array<i32>} : memref<16x256xi32, #tpu.memory_space<vmem>>, vector<16xi32>,
    %swap3A_466 = arith.constant 7 : i32
    %swap3A_467 = arith.index_cast %swap3A_466 : i32 to index
    %swap3A_468 = arith.constant 16 : index
    %swap3A_469 = tpu.vector_load %arg7[%swap3A_467, %swap3A_468] {strides = array<i32>} : memref<16x256xi32, #tpu.memory_space<vmem>>, vector<16xi32>,
    tpu.vector_store %arg7[%swap3A_467, %swap3A_468], %broadcast_in_dim3A_3 {strides = array<i32>} : memref<16x256xi32, #tpu.memory_space<vmem>>, vector<16xi32>,
    %swap3A_470 = arith.constant 7 : i32
    %swap3A_471 = arith.index_cast %swap3A_470 : i32 to index
    %swap3A_472 = arith.constant 32 : index
    %swap3A_473 = tpu.vector_load %arg7[%swap3A_471, %swap3A_472] {strides = array<i32>} : memref<16x256xi32, #tpu.memory_space<vmem>>, vector<16xi32>,
    tpu.vector_store %arg7[%swap3A_471, %swap3A_472], %broadcast_in_dim3A_3 {strides = array<i32>} : memref<16x256xi32, #tpu.memory_space<vmem>>, vector<16xi32>,
    %swap3A_474 = arith.constant 7 : i32
    %swap3A_475 = arith.index_cast %swap3A_474 : i32 to index
    %swap3A_476 = arith.constant 48 : index
    %swap3A_477 = tpu.vector_load %arg7[%swap3A_475, %swap3A_476] {strides = array<i32>} : memref<16x256xi32, #tpu.memory_space<vmem>>, vector<16xi32>,
    tpu.vector_store %arg7[%swap3A_475, %swap3A_476], %broadcast_in_dim3A_3 {strides = array<i32>} : memref<16x256xi32, #tpu.memory_space<vmem>>, vector<16xi32>,
    %swap3A_478 = arith.constant 7 : i32
    %swap3A_479 = arith.index_cast %swap3A_478 : i32 to index
    %swap3A_480 = arith.constant 64 : index
    %swap3A_481 = tpu.vector_load %arg7[%swap3A_479, %swap3A_480] {strides = array<i32>} : memref<16x256xi32, #tpu.memory_space<vmem>>, vector<16xi32>,
    tpu.vector_store %arg7[%swap3A_479, %swap3A_480], %broadcast_in_dim3A_3 {strides = array<i32>} : memref<16x256xi32, #tpu.memory_space<vmem>>, vector<16xi32>,
    %swap3A_482 = arith.constant 7 : i32
    %swap3A_483 = arith.index_cast %swap3A_482 : i32 to index
    %swap3A_484 = arith.constant 80 : index
    %swap3A_485 = tpu.vector_load %arg7[%swap3A_483, %swap3A_484] {strides = array<i32>} : memref<16x256xi32, #tpu.memory_space<vmem>>, vector<16xi32>,
    tpu.vector_store %arg7[%swap3A_483, %swap3A_484], %broadcast_in_dim3A_3 {strides = array<i32>} : memref<16x256xi32, #tpu.memory_space<vmem>>, vector<16xi32>,
    %swap3A_486 = arith.constant 7 : i32
    %swap3A_487 = arith.index_cast %swap3A_486 : i32 to index
    %swap3A_488 = arith.constant 96 : index
    %swap3A_489 = tpu.vector_load %arg7[%swap3A_487, %swap3A_488] {strides = array<i32>} : memref<16x256xi32, #tpu.memory_space<vmem>>, vector<16xi32>,
    tpu.vector_store %arg7[%swap3A_487, %swap3A_488], %broadcast_in_dim3A_3 {strides = array<i32>} : memref<16x256xi32, #tpu.memory_space<vmem>>, vector<16xi32>,
    %swap3A_490 = arith.constant 7 : i32
    %swap3A_491 = arith.index_cast %swap3A_490 : i32 to index
    %swap3A_492 = arith.constant 112 : index
    %swap3A_493 = tpu.vector_load %arg7[%swap3A_491, %swap3A_492] {strides = array<i32>} : memref<16x256xi32, #tpu.memory_space<vmem>>, vector<16xi32>,
    tpu.vector_store %arg7[%swap3A_491, %swap3A_492], %broadcast_in_dim3A_3 {strides = array<i32>} : memref<16x256xi32, #tpu.memory_space<vmem>>, vector<16xi32>,
    %swap3A_494 = arith.constant 7 : i32
    %swap3A_495 = arith.index_cast %swap3A_494 : i32 to index
    %swap3A_496 = arith.constant 128 : index
    %swap3A_497 = tpu.vector_load %arg7[%swap3A_495, %swap3A_496] {strides = array<i32>} : memref<16x256xi32, #tpu.memory_space<vmem>>, vector<16xi32>,
    tpu.vector_store %arg7[%swap3A_495, %swap3A_496], %broadcast_in_dim3A_3 {strides = array<i32>} : memref<16x256xi32, #tpu.memory_space<vmem>>, vector<16xi32>,
    %swap3A_498 = arith.constant 7 : i32
    %swap3A_499 = arith.index_cast %swap3A_498 : i32 to index
    %swap3A_500 = arith.constant 144 : index
    %swap3A_501 = tpu.vector_load %arg7[%swap3A_499, %swap3A_500] {strides = array<i32>} : memref<16x256xi32, #tpu.memory_space<vmem>>, vector<16xi32>,
    tpu.vector_store %arg7[%swap3A_499, %swap3A_500], %broadcast_in_dim3A_3 {strides = array<i32>} : memref<16x256xi32, #tpu.memory_space<vmem>>, vector<16xi32>,
    %swap3A_502 = arith.constant 7 : i32
    %swap3A_503 = arith.index_cast %swap3A_502 : i32 to index
    %swap3A_504 = arith.constant 160 : index
    %swap3A_505 = tpu.vector_load %arg7[%swap3A_503, %swap3A_504] {strides = array<i32>} : memref<16x256xi32, #tpu.memory_space<vmem>>, vector<16xi32>,
    tpu.vector_store %arg7[%swap3A_503, %swap3A_504], %broadcast_in_dim3A_3 {strides = array<i32>} : memref<16x256xi32, #tpu.memory_space<vmem>>, vector<16xi32>,
    %swap3A_506 = arith.constant 7 : i32
    %swap3A_507 = arith.index_cast %swap3A_506 : i32 to index
    %swap3A_508 = arith.constant 176 : index
    %swap3A_509 = tpu.vector_load %arg7[%swap3A_507, %swap3A_508] {strides = array<i32>} : memref<16x256xi32, #tpu.memory_space<vmem>>, vector<16xi32>,
    tpu.vector_store %arg7[%swap3A_507, %swap3A_508], %broadcast_in_dim3A_3 {strides = array<i32>} : memref<16x256xi32, #tpu.memory_space<vmem>>, vector<16xi32>,
    %swap3A_510 = arith.constant 7 : i32
    %swap3A_511 = arith.index_cast %swap3A_510 : i32 to index
    %swap3A_512 = arith.constant 192 : index
    %swap3A_513 = tpu.vector_load %arg7[%swap3A_511, %swap3A_512] {strides = array<i32>} : memref<16x256xi32, #tpu.memory_space<vmem>>, vector<16xi32>,
    tpu.vector_store %arg7[%swap3A_511, %swap3A_512], %broadcast_in_dim3A_3 {strides = array<i32>} : memref<16x256xi32, #tpu.memory_space<vmem>>, vector<16xi32>,
    %swap3A_514 = arith.constant 7 : i32
    %swap3A_515 = arith.index_cast %swap3A_514 : i32 to index
    %swap3A_516 = arith.constant 208 : index
    %swap3A_517 = tpu.vector_load %arg7[%swap3A_515, %swap3A_516] {strides = array<i32>} : memref<16x256xi32, #tpu.memory_space<vmem>>, vector<16xi32>,
    tpu.vector_store %arg7[%swap3A_515, %swap3A_516], %broadcast_in_dim3A_3 {strides = array<i32>} : memref<16x256xi32, #tpu.memory_space<vmem>>, vector<16xi32>,
    %swap3A_518 = arith.constant 7 : i32
    %swap3A_519 = arith.index_cast %swap3A_518 : i32 to index
    %swap3A_520 = arith.constant 224 : index
    %swap3A_521 = tpu.vector_load %arg7[%swap3A_519, %swap3A_520] {strides = array<i32>} : memref<16x256xi32, #tpu.memory_space<vmem>>, vector<16xi32>,
    tpu.vector_store %arg7[%swap3A_519, %swap3A_520], %broadcast_in_dim3A_3 {strides = array<i32>} : memref<16x256xi32, #tpu.memory_space<vmem>>, vector<16xi32>,
    %swap3A_522 = arith.constant 7 : i32
    %swap3A_523 = arith.index_cast %swap3A_522 : i32 to index
    %swap3A_524 = arith.constant 240 : index
    %swap3A_525 = tpu.vector_load %arg7[%swap3A_523, %swap3A_524] {strides = array<i32>} : memref<16x256xi32, #tpu.memory_space<vmem>>, vector<16xi32>,
    tpu.vector_store %arg7[%swap3A_523, %swap3A_524], %broadcast_in_dim3A_3 {strides = array<i32>} : memref<16x256xi32, #tpu.memory_space<vmem>>, vector<16xi32>,
    %swap3A_526 = arith.constant 8 : i32
    %swap3A_527 = arith.index_cast %swap3A_526 : i32 to index
    %swap3A_528 = arith.constant 0 : index
    %swap3A_529 = tpu.vector_load %arg7[%swap3A_527, %swap3A_528] {strides = array<i32>} : memref<16x256xi32, #tpu.memory_space<vmem>>, vector<16xi32>,
    tpu.vector_store %arg7[%swap3A_527, %swap3A_528], %broadcast_in_dim3A_3 {strides = array<i32>} : memref<16x256xi32, #tpu.memory_space<vmem>>, vector<16xi32>,
    %swap3A_530 = arith.constant 8 : i32
    %swap3A_531 = arith.index_cast %swap3A_530 : i32 to index
    %swap3A_532 = arith.constant 16 : index
    %swap3A_533 = tpu.vector_load %arg7[%swap3A_531, %swap3A_532] {strides = array<i32>} : memref<16x256xi32, #tpu.memory_space<vmem>>, vector<16xi32>,
    tpu.vector_store %arg7[%swap3A_531, %swap3A_532], %broadcast_in_dim3A_3 {strides = array<i32>} : memref<16x256xi32, #tpu.memory_space<vmem>>, vector<16xi32>,
    %swap3A_534 = arith.constant 8 : i32
    %swap3A_535 = arith.index_cast %swap3A_534 : i32 to index
    %swap3A_536 = arith.constant 32 : index
    %swap3A_537 = tpu.vector_load %arg7[%swap3A_535, %swap3A_536] {strides = array<i32>} : memref<16x256xi32, #tpu.memory_space<vmem>>, vector<16xi32>,
    tpu.vector_store %arg7[%swap3A_535, %swap3A_536], %broadcast_in_dim3A_3 {strides = array<i32>} : memref<16x256xi32, #tpu.memory_space<vmem>>, vector<16xi32>,
    %swap3A_538 = arith.constant 8 : i32
    %swap3A_539 = arith.index_cast %swap3A_538 : i32 to index
    %swap3A_540 = arith.constant 48 : index
    %swap3A_541 = tpu.vector_load %arg7[%swap3A_539, %swap3A_540] {strides = array<i32>} : memref<16x256xi32, #tpu.memory_space<vmem>>, vector<16xi32>,
    tpu.vector_store %arg7[%swap3A_539, %swap3A_540], %broadcast_in_dim3A_3 {strides = array<i32>} : memref<16x256xi32, #tpu.memory_space<vmem>>, vector<16xi32>,
    %swap3A_542 = arith.constant 8 : i32
    %swap3A_543 = arith.index_cast %swap3A_542 : i32 to index
    %swap3A_544 = arith.constant 64 : index
    %swap3A_545 = tpu.vector_load %arg7[%swap3A_543, %swap3A_544] {strides = array<i32>} : memref<16x256xi32, #tpu.memory_space<vmem>>, vector<16xi32>,
    tpu.vector_store %arg7[%swap3A_543, %swap3A_544], %broadcast_in_dim3A_3 {strides = array<i32>} : memref<16x256xi32, #tpu.memory_space<vmem>>, vector<16xi32>,
    %swap3A_546 = arith.constant 8 : i32
    %swap3A_547 = arith.index_cast %swap3A_546 : i32 to index
    %swap3A_548 = arith.constant 80 : index
    %swap3A_549 = tpu.vector_load %arg7[%swap3A_547, %swap3A_548] {strides = array<i32>} : memref<16x256xi32, #tpu.memory_space<vmem>>, vector<16xi32>,
    tpu.vector_store %arg7[%swap3A_547, %swap3A_548], %broadcast_in_dim3A_3 {strides = array<i32>} : memref<16x256xi32, #tpu.memory_space<vmem>>, vector<16xi32>,
    %swap3A_550 = arith.constant 8 : i32
    %swap3A_551 = arith.index_cast %swap3A_550 : i32 to index
    %swap3A_552 = arith.constant 96 : index
    %swap3A_553 = tpu.vector_load %arg7[%swap3A_551, %swap3A_552] {strides = array<i32>} : memref<16x256xi32, #tpu.memory_space<vmem>>, vector<16xi32>,
    tpu.vector_store %arg7[%swap3A_551, %swap3A_552], %broadcast_in_dim3A_3 {strides = array<i32>} : memref<16x256xi32, #tpu.memory_space<vmem>>, vector<16xi32>,
    %swap3A_554 = arith.constant 8 : i32
    %swap3A_555 = arith.index_cast %swap3A_554 : i32 to index
    %swap3A_556 = arith.constant 112 : index
    %swap3A_557 = tpu.vector_load %arg7[%swap3A_555, %swap3A_556] {strides = array<i32>} : memref<16x256xi32, #tpu.memory_space<vmem>>, vector<16xi32>,
    tpu.vector_store %arg7[%swap3A_555, %swap3A_556], %broadcast_in_dim3A_3 {strides = array<i32>} : memref<16x256xi32, #tpu.memory_space<vmem>>, vector<16xi32>,
    %swap3A_558 = arith.constant 8 : i32
    %swap3A_559 = arith.index_cast %swap3A_558 : i32 to index
    %swap3A_560 = arith.constant 128 : index
    %swap3A_561 = tpu.vector_load %arg7[%swap3A_559, %swap3A_560] {strides = array<i32>} : memref<16x256xi32, #tpu.memory_space<vmem>>, vector<16xi32>,
    tpu.vector_store %arg7[%swap3A_559, %swap3A_560], %broadcast_in_dim3A_3 {strides = array<i32>} : memref<16x256xi32, #tpu.memory_space<vmem>>, vector<16xi32>,
    %swap3A_562 = arith.constant 8 : i32
    %swap3A_563 = arith.index_cast %swap3A_562 : i32 to index
    %swap3A_564 = arith.constant 144 : index
    %swap3A_565 = tpu.vector_load %arg7[%swap3A_563, %swap3A_564] {strides = array<i32>} : memref<16x256xi32, #tpu.memory_space<vmem>>, vector<16xi32>,
    tpu.vector_store %arg7[%swap3A_563, %swap3A_564], %broadcast_in_dim3A_3 {strides = array<i32>} : memref<16x256xi32, #tpu.memory_space<vmem>>, vector<16xi32>,
    %swap3A_566 = arith.constant 8 : i32
    %swap3A_567 = arith.index_cast %swap3A_566 : i32 to index
    %swap3A_568 = arith.constant 160 : index
    %swap3A_569 = tpu.vector_load %arg7[%swap3A_567, %swap3A_568] {strides = array<i32>} : memref<16x256xi32, #tpu.memory_space<vmem>>, vector<16xi32>,
    tpu.vector_store %arg7[%swap3A_567, %swap3A_568], %broadcast_in_dim3A_3 {strides = array<i32>} : memref<16x256xi32, #tpu.memory_space<vmem>>, vector<16xi32>,
    %swap3A_570 = arith.constant 8 : i32
    %swap3A_571 = arith.index_cast %swap3A_570 : i32 to index
    %swap3A_572 = arith.constant 176 : index
    %swap3A_573 = tpu.vector_load %arg7[%swap3A_571, %swap3A_572] {strides = array<i32>} : memref<16x256xi32, #tpu.memory_space<vmem>>, vector<16xi32>,
    tpu.vector_store %arg7[%swap3A_571, %swap3A_572], %broadcast_in_dim3A_3 {strides = array<i32>} : memref<16x256xi32, #tpu.memory_space<vmem>>, vector<16xi32>,
    %swap3A_574 = arith.constant 8 : i32
    %swap3A_575 = arith.index_cast %swap3A_574 : i32 to index
    %swap3A_576 = arith.constant 192 : index
    %swap3A_577 = tpu.vector_load %arg7[%swap3A_575, %swap3A_576] {strides = array<i32>} : memref<16x256xi32, #tpu.memory_space<vmem>>, vector<16xi32>,
    tpu.vector_store %arg7[%swap3A_575, %swap3A_576], %broadcast_in_dim3A_3 {strides = array<i32>} : memref<16x256xi32, #tpu.memory_space<vmem>>, vector<16xi32>,
    %swap3A_578 = arith.constant 8 : i32
    %swap3A_579 = arith.index_cast %swap3A_578 : i32 to index
    %swap3A_580 = arith.constant 208 : index
    %swap3A_581 = tpu.vector_load %arg7[%swap3A_579, %swap3A_580] {strides = array<i32>} : memref<16x256xi32, #tpu.memory_space<vmem>>, vector<16xi32>,
    tpu.vector_store %arg7[%swap3A_579, %swap3A_580], %broadcast_in_dim3A_3 {strides = array<i32>} : memref<16x256xi32, #tpu.memory_space<vmem>>, vector<16xi32>,
    %swap3A_582 = arith.constant 8 : i32
    %swap3A_583 = arith.index_cast %swap3A_582 : i32 to index
    %swap3A_584 = arith.constant 224 : index
    %swap3A_585 = tpu.vector_load %arg7[%swap3A_583, %swap3A_584] {strides = array<i32>} : memref<16x256xi32, #tpu.memory_space<vmem>>, vector<16xi32>,
    tpu.vector_store %arg7[%swap3A_583, %swap3A_584], %broadcast_in_dim3A_3 {strides = array<i32>} : memref<16x256xi32, #tpu.memory_space<vmem>>, vector<16xi32>,
    %swap3A_586 = arith.constant 8 : i32
    %swap3A_587 = arith.index_cast %swap3A_586 : i32 to index
    %swap3A_588 = arith.constant 240 : index
    %swap3A_589 = tpu.vector_load %arg7[%swap3A_587, %swap3A_588] {strides = array<i32>} : memref<16x256xi32, #tpu.memory_space<vmem>>, vector<16xi32>,
    tpu.vector_store %arg7[%swap3A_587, %swap3A_588], %broadcast_in_dim3A_3 {strides = array<i32>} : memref<16x256xi32, #tpu.memory_space<vmem>>, vector<16xi32>,
    %swap3A_590 = arith.constant 9 : i32
    %swap3A_591 = arith.index_cast %swap3A_590 : i32 to index
    %swap3A_592 = arith.constant 0 : index
    %swap3A_593 = tpu.vector_load %arg7[%swap3A_591, %swap3A_592] {strides = array<i32>} : memref<16x256xi32, #tpu.memory_space<vmem>>, vector<16xi32>,
    tpu.vector_store %arg7[%swap3A_591, %swap3A_592], %broadcast_in_dim3A_3 {strides = array<i32>} : memref<16x256xi32, #tpu.memory_space<vmem>>, vector<16xi32>,
    %swap3A_594 = arith.constant 9 : i32
    %swap3A_595 = arith.index_cast %swap3A_594 : i32 to index
    %swap3A_596 = arith.constant 16 : index
    %swap3A_597 = tpu.vector_load %arg7[%swap3A_595, %swap3A_596] {strides = array<i32>} : memref<16x256xi32, #tpu.memory_space<vmem>>, vector<16xi32>,
    tpu.vector_store %arg7[%swap3A_595, %swap3A_596], %broadcast_in_dim3A_3 {strides = array<i32>} : memref<16x256xi32, #tpu.memory_space<vmem>>, vector<16xi32>,
    %swap3A_598 = arith.constant 9 : i32
    %swap3A_599 = arith.index_cast %swap3A_598 : i32 to index
    %swap3A_600 = arith.constant 32 : index
    %swap3A_601 = tpu.vector_load %arg7[%swap3A_599, %swap3A_600] {strides = array<i32>} : memref<16x256xi32, #tpu.memory_space<vmem>>, vector<16xi32>,
    tpu.vector_store %arg7[%swap3A_599, %swap3A_600], %broadcast_in_dim3A_3 {strides = array<i32>} : memref<16x256xi32, #tpu.memory_space<vmem>>, vector<16xi32>,
    %swap3A_602 = arith.constant 9 : i32
    %swap3A_603 = arith.index_cast %swap3A_602 : i32 to index
    %swap3A_604 = arith.constant 48 : index
    %swap3A_605 = tpu.vector_load %arg7[%swap3A_603, %swap3A_604] {strides = array<i32>} : memref<16x256xi32, #tpu.memory_space<vmem>>, vector<16xi32>,
    tpu.vector_store %arg7[%swap3A_603, %swap3A_604], %broadcast_in_dim3A_3 {strides = array<i32>} : memref<16x256xi32, #tpu.memory_space<vmem>>, vector<16xi32>,
    %swap3A_606 = arith.constant 9 : i32
    %swap3A_607 = arith.index_cast %swap3A_606 : i32 to index
    %swap3A_608 = arith.constant 64 : index
    %swap3A_609 = tpu.vector_load %arg7[%swap3A_607, %swap3A_608] {strides = array<i32>} : memref<16x256xi32, #tpu.memory_space<vmem>>, vector<16xi32>,
    tpu.vector_store %arg7[%swap3A_607, %swap3A_608], %broadcast_in_dim3A_3 {strides = array<i32>} : memref<16x256xi32, #tpu.memory_space<vmem>>, vector<16xi32>,
    %swap3A_610 = arith.constant 9 : i32
    %swap3A_611 = arith.index_cast %swap3A_610 : i32 to index
    %swap3A_612 = arith.constant 80 : index
    %swap3A_613 = tpu.vector_load %arg7[%swap3A_611, %swap3A_612] {strides = array<i32>} : memref<16x256xi32, #tpu.memory_space<vmem>>, vector<16xi32>,
    tpu.vector_store %arg7[%swap3A_611, %swap3A_612], %broadcast_in_dim3A_3 {strides = array<i32>} : memref<16x256xi32, #tpu.memory_space<vmem>>, vector<16xi32>,
    %swap3A_614 = arith.constant 9 : i32
    %swap3A_615 = arith.index_cast %swap3A_614 : i32 to index
    %swap3A_616 = arith.constant 96 : index
    %swap3A_617 = tpu.vector_load %arg7[%swap3A_615, %swap3A_616] {strides = array<i32>} : memref<16x256xi32, #tpu.memory_space<vmem>>, vector<16xi32>,
    tpu.vector_store %arg7[%swap3A_615, %swap3A_616], %broadcast_in_dim3A_3 {strides = array<i32>} : memref<16x256xi32, #tpu.memory_space<vmem>>, vector<16xi32>,
    %swap3A_618 = arith.constant 9 : i32
    %swap3A_619 = arith.index_cast %swap3A_618 : i32 to index
    %swap3A_620 = arith.constant 112 : index
    %swap3A_621 = tpu.vector_load %arg7[%swap3A_619, %swap3A_620] {strides = array<i32>} : memref<16x256xi32, #tpu.memory_space<vmem>>, vector<16xi32>,
    tpu.vector_store %arg7[%swap3A_619, %swap3A_620], %broadcast_in_dim3A_3 {strides = array<i32>} : memref<16x256xi32, #tpu.memory_space<vmem>>, vector<16xi32>,
    %swap3A_622 = arith.constant 9 : i32
    %swap3A_623 = arith.index_cast %swap3A_622 : i32 to index
    %swap3A_624 = arith.constant 128 : index
    %swap3A_625 = tpu.vector_load %arg7[%swap3A_623, %swap3A_624] {strides = array<i32>} : memref<16x256xi32, #tpu.memory_space<vmem>>, vector<16xi32>,
    tpu.vector_store %arg7[%swap3A_623, %swap3A_624], %broadcast_in_dim3A_3 {strides = array<i32>} : memref<16x256xi32, #tpu.memory_space<vmem>>, vector<16xi32>,
    %swap3A_626 = arith.constant 9 : i32
    %swap3A_627 = arith.index_cast %swap3A_626 : i32 to index
    %swap3A_628 = arith.constant 144 : index
    %swap3A_629 = tpu.vector_load %arg7[%swap3A_627, %swap3A_628] {strides = array<i32>} : memref<16x256xi32, #tpu.memory_space<vmem>>, vector<16xi32>,
    tpu.vector_store %arg7[%swap3A_627, %swap3A_628], %broadcast_in_dim3A_3 {strides = array<i32>} : memref<16x256xi32, #tpu.memory_space<vmem>>, vector<16xi32>,
    %swap3A_630 = arith.constant 9 : i32
    %swap3A_631 = arith.index_cast %swap3A_630 : i32 to index
    %swap3A_632 = arith.constant 160 : index
    %swap3A_633 = tpu.vector_load %arg7[%swap3A_631, %swap3A_632] {strides = array<i32>} : memref<16x256xi32, #tpu.memory_space<vmem>>, vector<16xi32>,
    tpu.vector_store %arg7[%swap3A_631, %swap3A_632], %broadcast_in_dim3A_3 {strides = array<i32>} : memref<16x256xi32, #tpu.memory_space<vmem>>, vector<16xi32>,
    %swap3A_634 = arith.constant 9 : i32
    %swap3A_635 = arith.index_cast %swap3A_634 : i32 to index
    %swap3A_636 = arith.constant 176 : index
    %swap3A_637 = tpu.vector_load %arg7[%swap3A_635, %swap3A_636] {strides = array<i32>} : memref<16x256xi32, #tpu.memory_space<vmem>>, vector<16xi32>,
    tpu.vector_store %arg7[%swap3A_635, %swap3A_636], %broadcast_in_dim3A_3 {strides = array<i32>} : memref<16x256xi32, #tpu.memory_space<vmem>>, vector<16xi32>,
    %swap3A_638 = arith.constant 9 : i32
    %swap3A_639 = arith.index_cast %swap3A_638 : i32 to index
    %swap3A_640 = arith.constant 192 : index
    %swap3A_641 = tpu.vector_load %arg7[%swap3A_639, %swap3A_640] {strides = array<i32>} : memref<16x256xi32, #tpu.memory_space<vmem>>, vector<16xi32>,
    tpu.vector_store %arg7[%swap3A_639, %swap3A_640], %broadcast_in_dim3A_3 {strides = array<i32>} : memref<16x256xi32, #tpu.memory_space<vmem>>, vector<16xi32>,
    %swap3A_642 = arith.constant 9 : i32
    %swap3A_643 = arith.index_cast %swap3A_642 : i32 to index
    %swap3A_644 = arith.constant 208 : index
    %swap3A_645 = tpu.vector_load %arg7[%swap3A_643, %swap3A_644] {strides = array<i32>} : memref<16x256xi32, #tpu.memory_space<vmem>>, vector<16xi32>,
    tpu.vector_store %arg7[%swap3A_643, %swap3A_644], %broadcast_in_dim3A_3 {strides = array<i32>} : memref<16x256xi32, #tpu.memory_space<vmem>>, vector<16xi32>,
    %swap3A_646 = arith.constant 9 : i32
    %swap3A_647 = arith.index_cast %swap3A_646 : i32 to index
    %swap3A_648 = arith.constant 224 : index
    %swap3A_649 = tpu.vector_load %arg7[%swap3A_647, %swap3A_648] {strides = array<i32>} : memref<16x256xi32, #tpu.memory_space<vmem>>, vector<16xi32>,
    tpu.vector_store %arg7[%swap3A_647, %swap3A_648], %broadcast_in_dim3A_3 {strides = array<i32>} : memref<16x256xi32, #tpu.memory_space<vmem>>, vector<16xi32>,
    %swap3A_650 = arith.constant 9 : i32
    %swap3A_651 = arith.index_cast %swap3A_650 : i32 to index
    %swap3A_652 = arith.constant 240 : index
    %swap3A_653 = tpu.vector_load %arg7[%swap3A_651, %swap3A_652] {strides = array<i32>} : memref<16x256xi32, #tpu.memory_space<vmem>>, vector<16xi32>,
    tpu.vector_store %arg7[%swap3A_651, %swap3A_652], %broadcast_in_dim3A_3 {strides = array<i32>} : memref<16x256xi32, #tpu.memory_space<vmem>>, vector<16xi32>,
    %swap3A_654 = arith.constant 10 : i32
    %swap3A_655 = arith.index_cast %swap3A_654 : i32 to index
    %swap3A_656 = arith.constant 0 : index
    %swap3A_657 = tpu.vector_load %arg7[%swap3A_655, %swap3A_656] {strides = array<i32>} : memref<16x256xi32, #tpu.memory_space<vmem>>, vector<16xi32>,
    tpu.vector_store %arg7[%swap3A_655, %swap3A_656], %broadcast_in_dim3A_3 {strides = array<i32>} : memref<16x256xi32, #tpu.memory_space<vmem>>, vector<16xi32>,
    %swap3A_658 = arith.constant 10 : i32
    %swap3A_659 = arith.index_cast %swap3A_658 : i32 to index
    %swap3A_660 = arith.constant 16 : index
    %swap3A_661 = tpu.vector_load %arg7[%swap3A_659, %swap3A_660] {strides = array<i32>} : memref<16x256xi32, #tpu.memory_space<vmem>>, vector<16xi32>,
    tpu.vector_store %arg7[%swap3A_659, %swap3A_660], %broadcast_in_dim3A_3 {strides = array<i32>} : memref<16x256xi32, #tpu.memory_space<vmem>>, vector<16xi32>,
    %swap3A_662 = arith.constant 10 : i32
    %swap3A_663 = arith.index_cast %swap3A_662 : i32 to index
    %swap3A_664 = arith.constant 32 : index
    %swap3A_665 = tpu.vector_load %arg7[%swap3A_663, %swap3A_664] {strides = array<i32>} : memref<16x256xi32, #tpu.memory_space<vmem>>, vector<16xi32>,
    tpu.vector_store %arg7[%swap3A_663, %swap3A_664], %broadcast_in_dim3A_3 {strides = array<i32>} : memref<16x256xi32, #tpu.memory_space<vmem>>, vector<16xi32>,
    %swap3A_666 = arith.constant 10 : i32
    %swap3A_667 = arith.index_cast %swap3A_666 : i32 to index
    %swap3A_668 = arith.constant 48 : index
    %swap3A_669 = tpu.vector_load %arg7[%swap3A_667, %swap3A_668] {strides = array<i32>} : memref<16x256xi32, #tpu.memory_space<vmem>>, vector<16xi32>,
    tpu.vector_store %arg7[%swap3A_667, %swap3A_668], %broadcast_in_dim3A_3 {strides = array<i32>} : memref<16x256xi32, #tpu.memory_space<vmem>>, vector<16xi32>,
    %swap3A_670 = arith.constant 10 : i32
    %swap3A_671 = arith.index_cast %swap3A_670 : i32 to index
    %swap3A_672 = arith.constant 64 : index
    %swap3A_673 = tpu.vector_load %arg7[%swap3A_671, %swap3A_672] {strides = array<i32>} : memref<16x256xi32, #tpu.memory_space<vmem>>, vector<16xi32>,
    tpu.vector_store %arg7[%swap3A_671, %swap3A_672], %broadcast_in_dim3A_3 {strides = array<i32>} : memref<16x256xi32, #tpu.memory_space<vmem>>, vector<16xi32>,
    %swap3A_674 = arith.constant 10 : i32
    %swap3A_675 = arith.index_cast %swap3A_674 : i32 to index
    %swap3A_676 = arith.constant 80 : index
    %swap3A_677 = tpu.vector_load %arg7[%swap3A_675, %swap3A_676] {strides = array<i32>} : memref<16x256xi32, #tpu.memory_space<vmem>>, vector<16xi32>,
    tpu.vector_store %arg7[%swap3A_675, %swap3A_676], %broadcast_in_dim3A_3 {strides = array<i32>} : memref<16x256xi32, #tpu.memory_space<vmem>>, vector<16xi32>,
    %swap3A_678 = arith.constant 10 : i32
    %swap3A_679 = arith.index_cast %swap3A_678 : i32 to index
    %swap3A_680 = arith.constant 96 : index
    %swap3A_681 = tpu.vector_load %arg7[%swap3A_679, %swap3A_680] {strides = array<i32>} : memref<16x256xi32, #tpu.memory_space<vmem>>, vector<16xi32>,
    tpu.vector_store %arg7[%swap3A_679, %swap3A_680], %broadcast_in_dim3A_3 {strides = array<i32>} : memref<16x256xi32, #tpu.memory_space<vmem>>, vector<16xi32>,
    %swap3A_682 = arith.constant 10 : i32
    %swap3A_683 = arith.index_cast %swap3A_682 : i32 to index
    %swap3A_684 = arith.constant 112 : index
    %swap3A_685 = tpu.vector_load %arg7[%swap3A_683, %swap3A_684] {strides = array<i32>} : memref<16x256xi32, #tpu.memory_space<vmem>>, vector<16xi32>,
    tpu.vector_store %arg7[%swap3A_683, %swap3A_684], %broadcast_in_dim3A_3 {strides = array<i32>} : memref<16x256xi32, #tpu.memory_space<vmem>>, vector<16xi32>,
    %swap3A_686 = arith.constant 10 : i32
    %swap3A_687 = arith.index_cast %swap3A_686 : i32 to index
    %swap3A_688 = arith.constant 128 : index
    %swap3A_689 = tpu.vector_load %arg7[%swap3A_687, %swap3A_688] {strides = array<i32>} : memref<16x256xi32, #tpu.memory_space<vmem>>, vector<16xi32>,
    tpu.vector_store %arg7[%swap3A_687, %swap3A_688], %broadcast_in_dim3A_3 {strides = array<i32>} : memref<16x256xi32, #tpu.memory_space<vmem>>, vector<16xi32>,
    %swap3A_690 = arith.constant 10 : i32
    %swap3A_691 = arith.index_cast %swap3A_690 : i32 to index
    %swap3A_692 = arith.constant 144 : index
    %swap3A_693 = tpu.vector_load %arg7[%swap3A_691, %swap3A_692] {strides = array<i32>} : memref<16x256xi32, #tpu.memory_space<vmem>>, vector<16xi32>,
    tpu.vector_store %arg7[%swap3A_691, %swap3A_692], %broadcast_in_dim3A_3 {strides = array<i32>} : memref<16x256xi32, #tpu.memory_space<vmem>>, vector<16xi32>,
    %swap3A_694 = arith.constant 10 : i32
    %swap3A_695 = arith.index_cast %swap3A_694 : i32 to index
    %swap3A_696 = arith.constant 160 : index
    %swap3A_697 = tpu.vector_load %arg7[%swap3A_695, %swap3A_696] {strides = array<i32>} : memref<16x256xi32, #tpu.memory_space<vmem>>, vector<16xi32>,
    tpu.vector_store %arg7[%swap3A_695, %swap3A_696], %broadcast_in_dim3A_3 {strides = array<i32>} : memref<16x256xi32, #tpu.memory_space<vmem>>, vector<16xi32>,
    %swap3A_698 = arith.constant 10 : i32
    %swap3A_699 = arith.index_cast %swap3A_698 : i32 to index
    %swap3A_700 = arith.constant 176 : index
    %swap3A_701 = tpu.vector_load %arg7[%swap3A_699, %swap3A_700] {strides = array<i32>} : memref<16x256xi32, #tpu.memory_space<vmem>>, vector<16xi32>,
    tpu.vector_store %arg7[%swap3A_699, %swap3A_700], %broadcast_in_dim3A_3 {strides = array<i32>} : memref<16x256xi32, #tpu.memory_space<vmem>>, vector<16xi32>,
    %swap3A_702 = arith.constant 10 : i32
    %swap3A_703 = arith.index_cast %swap3A_702 : i32 to index
    %swap3A_704 = arith.constant 192 : index
    %swap3A_705 = tpu.vector_load %arg7[%swap3A_703, %swap3A_704] {strides = array<i32>} : memref<16x256xi32, #tpu.memory_space<vmem>>, vector<16xi32>,
    tpu.vector_store %arg7[%swap3A_703, %swap3A_704], %broadcast_in_dim3A_3 {strides = array<i32>} : memref<16x256xi32, #tpu.memory_space<vmem>>, vector<16xi32>,
    %swap3A_706 = arith.constant 10 : i32
    %swap3A_707 = arith.index_cast %swap3A_706 : i32 to index
    %swap3A_708 = arith.constant 208 : index
    %swap3A_709 = tpu.vector_load %arg7[%swap3A_707, %swap3A_708] {strides = array<i32>} : memref<16x256xi32, #tpu.memory_space<vmem>>, vector<16xi32>,
    tpu.vector_store %arg7[%swap3A_707, %swap3A_708], %broadcast_in_dim3A_3 {strides = array<i32>} : memref<16x256xi32, #tpu.memory_space<vmem>>, vector<16xi32>,
    %swap3A_710 = arith.constant 10 : i32
    %swap3A_711 = arith.index_cast %swap3A_710 : i32 to index
    %swap3A_712 = arith.constant 224 : index
    %swap3A_713 = tpu.vector_load %arg7[%swap3A_711, %swap3A_712] {strides = array<i32>} : memref<16x256xi32, #tpu.memory_space<vmem>>, vector<16xi32>,
    tpu.vector_store %arg7[%swap3A_711, %swap3A_712], %broadcast_in_dim3A_3 {strides = array<i32>} : memref<16x256xi32, #tpu.memory_space<vmem>>, vector<16xi32>,
    %swap3A_714 = arith.constant 10 : i32
    %swap3A_715 = arith.index_cast %swap3A_714 : i32 to index
    %swap3A_716 = arith.constant 240 : index
    %swap3A_717 = tpu.vector_load %arg7[%swap3A_715, %swap3A_716] {strides = array<i32>} : memref<16x256xi32, #tpu.memory_space<vmem>>, vector<16xi32>,
    tpu.vector_store %arg7[%swap3A_715, %swap3A_716], %broadcast_in_dim3A_3 {strides = array<i32>} : memref<16x256xi32, #tpu.memory_space<vmem>>, vector<16xi32>,
    %swap3A_718 = arith.constant 11 : i32
    %swap3A_719 = arith.index_cast %swap3A_718 : i32 to index
    %swap3A_720 = arith.constant 0 : index
    %swap3A_721 = tpu.vector_load %arg7[%swap3A_719, %swap3A_720] {strides = array<i32>} : memref<16x256xi32, #tpu.memory_space<vmem>>, vector<16xi32>,
    tpu.vector_store %arg7[%swap3A_719, %swap3A_720], %broadcast_in_dim3A_3 {strides = array<i32>} : memref<16x256xi32, #tpu.memory_space<vmem>>, vector<16xi32>,
    %swap3A_722 = arith.constant 11 : i32
    %swap3A_723 = arith.index_cast %swap3A_722 : i32 to index
    %swap3A_724 = arith.constant 16 : index
    %swap3A_725 = tpu.vector_load %arg7[%swap3A_723, %swap3A_724] {strides = array<i32>} : memref<16x256xi32, #tpu.memory_space<vmem>>, vector<16xi32>,
    tpu.vector_store %arg7[%swap3A_723, %swap3A_724], %broadcast_in_dim3A_3 {strides = array<i32>} : memref<16x256xi32, #tpu.memory_space<vmem>>, vector<16xi32>,
    %swap3A_726 = arith.constant 11 : i32
    %swap3A_727 = arith.index_cast %swap3A_726 : i32 to index
    %swap3A_728 = arith.constant 32 : index
    %swap3A_729 = tpu.vector_load %arg7[%swap3A_727, %swap3A_728] {strides = array<i32>} : memref<16x256xi32, #tpu.memory_space<vmem>>, vector<16xi32>,
    tpu.vector_store %arg7[%swap3A_727, %swap3A_728], %broadcast_in_dim3A_3 {strides = array<i32>} : memref<16x256xi32, #tpu.memory_space<vmem>>, vector<16xi32>,
    %swap3A_730 = arith.constant 11 : i32
    %swap3A_731 = arith.index_cast %swap3A_730 : i32 to index
    %swap3A_732 = arith.constant 48 : index
    %swap3A_733 = tpu.vector_load %arg7[%swap3A_731, %swap3A_732] {strides = array<i32>} : memref<16x256xi32, #tpu.memory_space<vmem>>, vector<16xi32>,
    tpu.vector_store %arg7[%swap3A_731, %swap3A_732], %broadcast_in_dim3A_3 {strides = array<i32>} : memref<16x256xi32, #tpu.memory_space<vmem>>, vector<16xi32>,
    %swap3A_734 = arith.constant 11 : i32
    %swap3A_735 = arith.index_cast %swap3A_734 : i32 to index
    %swap3A_736 = arith.constant 64 : index
    %swap3A_737 = tpu.vector_load %arg7[%swap3A_735, %swap3A_736] {strides = array<i32>} : memref<16x256xi32, #tpu.memory_space<vmem>>, vector<16xi32>,
    tpu.vector_store %arg7[%swap3A_735, %swap3A_736], %broadcast_in_dim3A_3 {strides = array<i32>} : memref<16x256xi32, #tpu.memory_space<vmem>>, vector<16xi32>,
    %swap3A_738 = arith.constant 11 : i32
    %swap3A_739 = arith.index_cast %swap3A_738 : i32 to index
    %swap3A_740 = arith.constant 80 : index
    %swap3A_741 = tpu.vector_load %arg7[%swap3A_739, %swap3A_740] {strides = array<i32>} : memref<16x256xi32, #tpu.memory_space<vmem>>, vector<16xi32>,
    tpu.vector_store %arg7[%swap3A_739, %swap3A_740], %broadcast_in_dim3A_3 {strides = array<i32>} : memref<16x256xi32, #tpu.memory_space<vmem>>, vector<16xi32>,
    %swap3A_742 = arith.constant 11 : i32
    %swap3A_743 = arith.index_cast %swap3A_742 : i32 to index
    %swap3A_744 = arith.constant 96 : index
    %swap3A_745 = tpu.vector_load %arg7[%swap3A_743, %swap3A_744] {strides = array<i32>} : memref<16x256xi32, #tpu.memory_space<vmem>>, vector<16xi32>,
    tpu.vector_store %arg7[%swap3A_743, %swap3A_744], %broadcast_in_dim3A_3 {strides = array<i32>} : memref<16x256xi32, #tpu.memory_space<vmem>>, vector<16xi32>,
    %swap3A_746 = arith.constant 11 : i32
    %swap3A_747 = arith.index_cast %swap3A_746 : i32 to index
    %swap3A_748 = arith.constant 112 : index
    %swap3A_749 = tpu.vector_load %arg7[%swap3A_747, %swap3A_748] {strides = array<i32>} : memref<16x256xi32, #tpu.memory_space<vmem>>, vector<16xi32>,
    tpu.vector_store %arg7[%swap3A_747, %swap3A_748], %broadcast_in_dim3A_3 {strides = array<i32>} : memref<16x256xi32, #tpu.memory_space<vmem>>, vector<16xi32>,
    %swap3A_750 = arith.constant 11 : i32
    %swap3A_751 = arith.index_cast %swap3A_750 : i32 to index
    %swap3A_752 = arith.constant 128 : index
    %swap3A_753 = tpu.vector_load %arg7[%swap3A_751, %swap3A_752] {strides = array<i32>} : memref<16x256xi32, #tpu.memory_space<vmem>>, vector<16xi32>,
    tpu.vector_store %arg7[%swap3A_751, %swap3A_752], %broadcast_in_dim3A_3 {strides = array<i32>} : memref<16x256xi32, #tpu.memory_space<vmem>>, vector<16xi32>,
    %swap3A_754 = arith.constant 11 : i32
    %swap3A_755 = arith.index_cast %swap3A_754 : i32 to index
    %swap3A_756 = arith.constant 144 : index
    %swap3A_757 = tpu.vector_load %arg7[%swap3A_755, %swap3A_756] {strides = array<i32>} : memref<16x256xi32, #tpu.memory_space<vmem>>, vector<16xi32>,
    tpu.vector_store %arg7[%swap3A_755, %swap3A_756], %broadcast_in_dim3A_3 {strides = array<i32>} : memref<16x256xi32, #tpu.memory_space<vmem>>, vector<16xi32>,
    %swap3A_758 = arith.constant 11 : i32
    %swap3A_759 = arith.index_cast %swap3A_758 : i32 to index
    %swap3A_760 = arith.constant 160 : index
    %swap3A_761 = tpu.vector_load %arg7[%swap3A_759, %swap3A_760] {strides = array<i32>} : memref<16x256xi32, #tpu.memory_space<vmem>>, vector<16xi32>,
    tpu.vector_store %arg7[%swap3A_759, %swap3A_760], %broadcast_in_dim3A_3 {strides = array<i32>} : memref<16x256xi32, #tpu.memory_space<vmem>>, vector<16xi32>,
    %swap3A_762 = arith.constant 11 : i32
    %swap3A_763 = arith.index_cast %swap3A_762 : i32 to index
    %swap3A_764 = arith.constant 176 : index
    %swap3A_765 = tpu.vector_load %arg7[%swap3A_763, %swap3A_764] {strides = array<i32>} : memref<16x256xi32, #tpu.memory_space<vmem>>, vector<16xi32>,
    tpu.vector_store %arg7[%swap3A_763, %swap3A_764], %broadcast_in_dim3A_3 {strides = array<i32>} : memref<16x256xi32, #tpu.memory_space<vmem>>, vector<16xi32>,
    %swap3A_766 = arith.constant 11 : i32
    %swap3A_767 = arith.index_cast %swap3A_766 : i32 to index
    %swap3A_768 = arith.constant 192 : index
    %swap3A_769 = tpu.vector_load %arg7[%swap3A_767, %swap3A_768] {strides = array<i32>} : memref<16x256xi32, #tpu.memory_space<vmem>>, vector<16xi32>,
    tpu.vector_store %arg7[%swap3A_767, %swap3A_768], %broadcast_in_dim3A_3 {strides = array<i32>} : memref<16x256xi32, #tpu.memory_space<vmem>>, vector<16xi32>,
    %swap3A_770 = arith.constant 11 : i32
    %swap3A_771 = arith.index_cast %swap3A_770 : i32 to index
    %swap3A_772 = arith.constant 208 : index
    %swap3A_773 = tpu.vector_load %arg7[%swap3A_771, %swap3A_772] {strides = array<i32>} : memref<16x256xi32, #tpu.memory_space<vmem>>, vector<16xi32>,
    tpu.vector_store %arg7[%swap3A_771, %swap3A_772], %broadcast_in_dim3A_3 {strides = array<i32>} : memref<16x256xi32, #tpu.memory_space<vmem>>, vector<16xi32>,
    %swap3A_774 = arith.constant 11 : i32
    %swap3A_775 = arith.index_cast %swap3A_774 : i32 to index
    %swap3A_776 = arith.constant 224 : index
    %swap3A_777 = tpu.vector_load %arg7[%swap3A_775, %swap3A_776] {strides = array<i32>} : memref<16x256xi32, #tpu.memory_space<vmem>>, vector<16xi32>,
    tpu.vector_store %arg7[%swap3A_775, %swap3A_776], %broadcast_in_dim3A_3 {strides = array<i32>} : memref<16x256xi32, #tpu.memory_space<vmem>>, vector<16xi32>,
    %swap3A_778 = arith.constant 11 : i32
    %swap3A_779 = arith.index_cast %swap3A_778 : i32 to index
    %swap3A_780 = arith.constant 240 : index
    %swap3A_781 = tpu.vector_load %arg7[%swap3A_779, %swap3A_780] {strides = array<i32>} : memref<16x256xi32, #tpu.memory_space<vmem>>, vector<16xi32>,
    tpu.vector_store %arg7[%swap3A_779, %swap3A_780], %broadcast_in_dim3A_3 {strides = array<i32>} : memref<16x256xi32, #tpu.memory_space<vmem>>, vector<16xi32>,
    %swap3A_782 = arith.constant 12 : i32
    %swap3A_783 = arith.index_cast %swap3A_782 : i32 to index
    %swap3A_784 = arith.constant 0 : index
    %swap3A_785 = tpu.vector_load %arg7[%swap3A_783, %swap3A_784] {strides = array<i32>} : memref<16x256xi32, #tpu.memory_space<vmem>>, vector<16xi32>,
    tpu.vector_store %arg7[%swap3A_783, %swap3A_784], %broadcast_in_dim3A_3 {strides = array<i32>} : memref<16x256xi32, #tpu.memory_space<vmem>>, vector<16xi32>,
    %swap3A_786 = arith.constant 12 : i32
    %swap3A_787 = arith.index_cast %swap3A_786 : i32 to index
    %swap3A_788 = arith.constant 16 : index
    %swap3A_789 = tpu.vector_load %arg7[%swap3A_787, %swap3A_788] {strides = array<i32>} : memref<16x256xi32, #tpu.memory_space<vmem>>, vector<16xi32>,
    tpu.vector_store %arg7[%swap3A_787, %swap3A_788], %broadcast_in_dim3A_3 {strides = array<i32>} : memref<16x256xi32, #tpu.memory_space<vmem>>, vector<16xi32>,
    %swap3A_790 = arith.constant 12 : i32
    %swap3A_791 = arith.index_cast %swap3A_790 : i32 to index
    %swap3A_792 = arith.constant 32 : index
    %swap3A_793 = tpu.vector_load %arg7[%swap3A_791, %swap3A_792] {strides = array<i32>} : memref<16x256xi32, #tpu.memory_space<vmem>>, vector<16xi32>,
    tpu.vector_store %arg7[%swap3A_791, %swap3A_792], %broadcast_in_dim3A_3 {strides = array<i32>} : memref<16x256xi32, #tpu.memory_space<vmem>>, vector<16xi32>,
    %swap3A_794 = arith.constant 12 : i32
    %swap3A_795 = arith.index_cast %swap3A_794 : i32 to index
    %swap3A_796 = arith.constant 48 : index
    %swap3A_797 = tpu.vector_load %arg7[%swap3A_795, %swap3A_796] {strides = array<i32>} : memref<16x256xi32, #tpu.memory_space<vmem>>, vector<16xi32>,
    tpu.vector_store %arg7[%swap3A_795, %swap3A_796], %broadcast_in_dim3A_3 {strides = array<i32>} : memref<16x256xi32, #tpu.memory_space<vmem>>, vector<16xi32>,
    %swap3A_798 = arith.constant 12 : i32
    %swap3A_799 = arith.index_cast %swap3A_798 : i32 to index
    %swap3A_800 = arith.constant 64 : index
    %swap3A_801 = tpu.vector_load %arg7[%swap3A_799, %swap3A_800] {strides = array<i32>} : memref<16x256xi32, #tpu.memory_space<vmem>>, vector<16xi32>,
    tpu.vector_store %arg7[%swap3A_799, %swap3A_800], %broadcast_in_dim3A_3 {strides = array<i32>} : memref<16x256xi32, #tpu.memory_space<vmem>>, vector<16xi32>,
    %swap3A_802 = arith.constant 12 : i32
    %swap3A_803 = arith.index_cast %swap3A_802 : i32 to index
    %swap3A_804 = arith.constant 80 : index
    %swap3A_805 = tpu.vector_load %arg7[%swap3A_803, %swap3A_804] {strides = array<i32>} : memref<16x256xi32, #tpu.memory_space<vmem>>, vector<16xi32>,
    tpu.vector_store %arg7[%swap3A_803, %swap3A_804], %broadcast_in_dim3A_3 {strides = array<i32>} : memref<16x256xi32, #tpu.memory_space<vmem>>, vector<16xi32>,
    %swap3A_806 = arith.constant 12 : i32
    %swap3A_807 = arith.index_cast %swap3A_806 : i32 to index
    %swap3A_808 = arith.constant 96 : index
    %swap3A_809 = tpu.vector_load %arg7[%swap3A_807, %swap3A_808] {strides = array<i32>} : memref<16x256xi32, #tpu.memory_space<vmem>>, vector<16xi32>,
    tpu.vector_store %arg7[%swap3A_807, %swap3A_808], %broadcast_in_dim3A_3 {strides = array<i32>} : memref<16x256xi32, #tpu.memory_space<vmem>>, vector<16xi32>,
    %swap3A_810 = arith.constant 12 : i32
    %swap3A_811 = arith.index_cast %swap3A_810 : i32 to index
    %swap3A_812 = arith.constant 112 : index
    %swap3A_813 = tpu.vector_load %arg7[%swap3A_811, %swap3A_812] {strides = array<i32>} : memref<16x256xi32, #tpu.memory_space<vmem>>, vector<16xi32>,
    tpu.vector_store %arg7[%swap3A_811, %swap3A_812], %broadcast_in_dim3A_3 {strides = array<i32>} : memref<16x256xi32, #tpu.memory_space<vmem>>, vector<16xi32>,
    %swap3A_814 = arith.constant 12 : i32
    %swap3A_815 = arith.index_cast %swap3A_814 : i32 to index
    %swap3A_816 = arith.constant 128 : index
    %swap3A_817 = tpu.vector_load %arg7[%swap3A_815, %swap3A_816] {strides = array<i32>} : memref<16x256xi32, #tpu.memory_space<vmem>>, vector<16xi32>,
    tpu.vector_store %arg7[%swap3A_815, %swap3A_816], %broadcast_in_dim3A_3 {strides = array<i32>} : memref<16x256xi32, #tpu.memory_space<vmem>>, vector<16xi32>,
    %swap3A_818 = arith.constant 12 : i32
    %swap3A_819 = arith.index_cast %swap3A_818 : i32 to index
    %swap3A_820 = arith.constant 144 : index
    %swap3A_821 = tpu.vector_load %arg7[%swap3A_819, %swap3A_820] {strides = array<i32>} : memref<16x256xi32, #tpu.memory_space<vmem>>, vector<16xi32>,
    tpu.vector_store %arg7[%swap3A_819, %swap3A_820], %broadcast_in_dim3A_3 {strides = array<i32>} : memref<16x256xi32, #tpu.memory_space<vmem>>, vector<16xi32>,
    %swap3A_822 = arith.constant 12 : i32
    %swap3A_823 = arith.index_cast %swap3A_822 : i32 to index
    %swap3A_824 = arith.constant 160 : index
    %swap3A_825 = tpu.vector_load %arg7[%swap3A_823, %swap3A_824] {strides = array<i32>} : memref<16x256xi32, #tpu.memory_space<vmem>>, vector<16xi32>,
    tpu.vector_store %arg7[%swap3A_823, %swap3A_824], %broadcast_in_dim3A_3 {strides = array<i32>} : memref<16x256xi32, #tpu.memory_space<vmem>>, vector<16xi32>,
    %swap3A_826 = arith.constant 12 : i32
    %swap3A_827 = arith.index_cast %swap3A_826 : i32 to index
    %swap3A_828 = arith.constant 176 : index
    %swap3A_829 = tpu.vector_load %arg7[%swap3A_827, %swap3A_828] {strides = array<i32>} : memref<16x256xi32, #tpu.memory_space<vmem>>, vector<16xi32>,
    tpu.vector_store %arg7[%swap3A_827, %swap3A_828], %broadcast_in_dim3A_3 {strides = array<i32>} : memref<16x256xi32, #tpu.memory_space<vmem>>, vector<16xi32>,
    %swap3A_830 = arith.constant 12 : i32
    %swap3A_831 = arith.index_cast %swap3A_830 : i32 to index
    %swap3A_832 = arith.constant 192 : index
    %swap3A_833 = tpu.vector_load %arg7[%swap3A_831, %swap3A_832] {strides = array<i32>} : memref<16x256xi32, #tpu.memory_space<vmem>>, vector<16xi32>,
    tpu.vector_store %arg7[%swap3A_831, %swap3A_832], %broadcast_in_dim3A_3 {strides = array<i32>} : memref<16x256xi32, #tpu.memory_space<vmem>>, vector<16xi32>,
    %swap3A_834 = arith.constant 12 : i32
    %swap3A_835 = arith.index_cast %swap3A_834 : i32 to index
    %swap3A_836 = arith.constant 208 : index
    %swap3A_837 = tpu.vector_load %arg7[%swap3A_835, %swap3A_836] {strides = array<i32>} : memref<16x256xi32, #tpu.memory_space<vmem>>, vector<16xi32>,
    tpu.vector_store %arg7[%swap3A_835, %swap3A_836], %broadcast_in_dim3A_3 {strides = array<i32>} : memref<16x256xi32, #tpu.memory_space<vmem>>, vector<16xi32>,
    %swap3A_838 = arith.constant 12 : i32
    %swap3A_839 = arith.index_cast %swap3A_838 : i32 to index
    %swap3A_840 = arith.constant 224 : index
    %swap3A_841 = tpu.vector_load %arg7[%swap3A_839, %swap3A_840] {strides = array<i32>} : memref<16x256xi32, #tpu.memory_space<vmem>>, vector<16xi32>,
    tpu.vector_store %arg7[%swap3A_839, %swap3A_840], %broadcast_in_dim3A_3 {strides = array<i32>} : memref<16x256xi32, #tpu.memory_space<vmem>>, vector<16xi32>,
    %swap3A_842 = arith.constant 12 : i32
    %swap3A_843 = arith.index_cast %swap3A_842 : i32 to index
    %swap3A_844 = arith.constant 240 : index
    %swap3A_845 = tpu.vector_load %arg7[%swap3A_843, %swap3A_844] {strides = array<i32>} : memref<16x256xi32, #tpu.memory_space<vmem>>, vector<16xi32>,
    tpu.vector_store %arg7[%swap3A_843, %swap3A_844], %broadcast_in_dim3A_3 {strides = array<i32>} : memref<16x256xi32, #tpu.memory_space<vmem>>, vector<16xi32>,
    %swap3A_846 = arith.constant 13 : i32
    %swap3A_847 = arith.index_cast %swap3A_846 : i32 to index
    %swap3A_848 = arith.constant 0 : index
    %swap3A_849 = tpu.vector_load %arg7[%swap3A_847, %swap3A_848] {strides = array<i32>} : memref<16x256xi32, #tpu.memory_space<vmem>>, vector<16xi32>,
    tpu.vector_store %arg7[%swap3A_847, %swap3A_848], %broadcast_in_dim3A_3 {strides = array<i32>} : memref<16x256xi32, #tpu.memory_space<vmem>>, vector<16xi32>,
    %swap3A_850 = arith.constant 13 : i32
    %swap3A_851 = arith.index_cast %swap3A_850 : i32 to index
    %swap3A_852 = arith.constant 16 : index
    %swap3A_853 = tpu.vector_load %arg7[%swap3A_851, %swap3A_852] {strides = array<i32>} : memref<16x256xi32, #tpu.memory_space<vmem>>, vector<16xi32>,
    tpu.vector_store %arg7[%swap3A_851, %swap3A_852], %broadcast_in_dim3A_3 {strides = array<i32>} : memref<16x256xi32, #tpu.memory_space<vmem>>, vector<16xi32>,
    %swap3A_854 = arith.constant 13 : i32
    %swap3A_855 = arith.index_cast %swap3A_854 : i32 to index
    %swap3A_856 = arith.constant 32 : index
    %swap3A_857 = tpu.vector_load %arg7[%swap3A_855, %swap3A_856] {strides = array<i32>} : memref<16x256xi32, #tpu.memory_space<vmem>>, vector<16xi32>,
    tpu.vector_store %arg7[%swap3A_855, %swap3A_856], %broadcast_in_dim3A_3 {strides = array<i32>} : memref<16x256xi32, #tpu.memory_space<vmem>>, vector<16xi32>,
    %swap3A_858 = arith.constant 13 : i32
    %swap3A_859 = arith.index_cast %swap3A_858 : i32 to index
    %swap3A_860 = arith.constant 48 : index
    %swap3A_861 = tpu.vector_load %arg7[%swap3A_859, %swap3A_860] {strides = array<i32>} : memref<16x256xi32, #tpu.memory_space<vmem>>, vector<16xi32>,
    tpu.vector_store %arg7[%swap3A_859, %swap3A_860], %broadcast_in_dim3A_3 {strides = array<i32>} : memref<16x256xi32, #tpu.memory_space<vmem>>, vector<16xi32>,
    %swap3A_862 = arith.constant 13 : i32
    %swap3A_863 = arith.index_cast %swap3A_862 : i32 to index
    %swap3A_864 = arith.constant 64 : index
    %swap3A_865 = tpu.vector_load %arg7[%swap3A_863, %swap3A_864] {strides = array<i32>} : memref<16x256xi32, #tpu.memory_space<vmem>>, vector<16xi32>,
    tpu.vector_store %arg7[%swap3A_863, %swap3A_864], %broadcast_in_dim3A_3 {strides = array<i32>} : memref<16x256xi32, #tpu.memory_space<vmem>>, vector<16xi32>,
    %swap3A_866 = arith.constant 13 : i32
    %swap3A_867 = arith.index_cast %swap3A_866 : i32 to index
    %swap3A_868 = arith.constant 80 : index
    %swap3A_869 = tpu.vector_load %arg7[%swap3A_867, %swap3A_868] {strides = array<i32>} : memref<16x256xi32, #tpu.memory_space<vmem>>, vector<16xi32>,
    tpu.vector_store %arg7[%swap3A_867, %swap3A_868], %broadcast_in_dim3A_3 {strides = array<i32>} : memref<16x256xi32, #tpu.memory_space<vmem>>, vector<16xi32>,
    %swap3A_870 = arith.constant 13 : i32
    %swap3A_871 = arith.index_cast %swap3A_870 : i32 to index
    %swap3A_872 = arith.constant 96 : index
    %swap3A_873 = tpu.vector_load %arg7[%swap3A_871, %swap3A_872] {strides = array<i32>} : memref<16x256xi32, #tpu.memory_space<vmem>>, vector<16xi32>,
    tpu.vector_store %arg7[%swap3A_871, %swap3A_872], %broadcast_in_dim3A_3 {strides = array<i32>} : memref<16x256xi32, #tpu.memory_space<vmem>>, vector<16xi32>,
    %swap3A_874 = arith.constant 13 : i32
    %swap3A_875 = arith.index_cast %swap3A_874 : i32 to index
    %swap3A_876 = arith.constant 112 : index
    %swap3A_877 = tpu.vector_load %arg7[%swap3A_875, %swap3A_876] {strides = array<i32>} : memref<16x256xi32, #tpu.memory_space<vmem>>, vector<16xi32>,
    tpu.vector_store %arg7[%swap3A_875, %swap3A_876], %broadcast_in_dim3A_3 {strides = array<i32>} : memref<16x256xi32, #tpu.memory_space<vmem>>, vector<16xi32>,
    %swap3A_878 = arith.constant 13 : i32
    %swap3A_879 = arith.index_cast %swap3A_878 : i32 to index
    %swap3A_880 = arith.constant 128 : index
    %swap3A_881 = tpu.vector_load %arg7[%swap3A_879, %swap3A_880] {strides = array<i32>} : memref<16x256xi32, #tpu.memory_space<vmem>>, vector<16xi32>,
    tpu.vector_store %arg7[%swap3A_879, %swap3A_880], %broadcast_in_dim3A_3 {strides = array<i32>} : memref<16x256xi32, #tpu.memory_space<vmem>>, vector<16xi32>,
    %swap3A_882 = arith.constant 13 : i32
    %swap3A_883 = arith.index_cast %swap3A_882 : i32 to index
    %swap3A_884 = arith.constant 144 : index
    %swap3A_885 = tpu.vector_load %arg7[%swap3A_883, %swap3A_884] {strides = array<i32>} : memref<16x256xi32, #tpu.memory_space<vmem>>, vector<16xi32>,
    tpu.vector_store %arg7[%swap3A_883, %swap3A_884], %broadcast_in_dim3A_3 {strides = array<i32>} : memref<16x256xi32, #tpu.memory_space<vmem>>, vector<16xi32>,
    %swap3A_886 = arith.constant 13 : i32
    %swap3A_887 = arith.index_cast %swap3A_886 : i32 to index
    %swap3A_888 = arith.constant 160 : index
    %swap3A_889 = tpu.vector_load %arg7[%swap3A_887, %swap3A_888] {strides = array<i32>} : memref<16x256xi32, #tpu.memory_space<vmem>>, vector<16xi32>,
    tpu.vector_store %arg7[%swap3A_887, %swap3A_888], %broadcast_in_dim3A_3 {strides = array<i32>} : memref<16x256xi32, #tpu.memory_space<vmem>>, vector<16xi32>,
    %swap3A_890 = arith.constant 13 : i32
    %swap3A_891 = arith.index_cast %swap3A_890 : i32 to index
    %swap3A_892 = arith.constant 176 : index
    %swap3A_893 = tpu.vector_load %arg7[%swap3A_891, %swap3A_892] {strides = array<i32>} : memref<16x256xi32, #tpu.memory_space<vmem>>, vector<16xi32>,
    tpu.vector_store %arg7[%swap3A_891, %swap3A_892], %broadcast_in_dim3A_3 {strides = array<i32>} : memref<16x256xi32, #tpu.memory_space<vmem>>, vector<16xi32>,
    %swap3A_894 = arith.constant 13 : i32
    %swap3A_895 = arith.index_cast %swap3A_894 : i32 to index
    %swap3A_896 = arith.constant 192 : index
    %swap3A_897 = tpu.vector_load %arg7[%swap3A_895, %swap3A_896] {strides = array<i32>} : memref<16x256xi32, #tpu.memory_space<vmem>>, vector<16xi32>,
    tpu.vector_store %arg7[%swap3A_895, %swap3A_896], %broadcast_in_dim3A_3 {strides = array<i32>} : memref<16x256xi32, #tpu.memory_space<vmem>>, vector<16xi32>,
    %swap3A_898 = arith.constant 13 : i32
    %swap3A_899 = arith.index_cast %swap3A_898 : i32 to index
    %swap3A_900 = arith.constant 208 : index
    %swap3A_901 = tpu.vector_load %arg7[%swap3A_899, %swap3A_900] {strides = array<i32>} : memref<16x256xi32, #tpu.memory_space<vmem>>, vector<16xi32>,
    tpu.vector_store %arg7[%swap3A_899, %swap3A_900], %broadcast_in_dim3A_3 {strides = array<i32>} : memref<16x256xi32, #tpu.memory_space<vmem>>, vector<16xi32>,
    %swap3A_902 = arith.constant 13 : i32
    %swap3A_903 = arith.index_cast %swap3A_902 : i32 to index
    %swap3A_904 = arith.constant 224 : index
    %swap3A_905 = tpu.vector_load %arg7[%swap3A_903, %swap3A_904] {strides = array<i32>} : memref<16x256xi32, #tpu.memory_space<vmem>>, vector<16xi32>,
    tpu.vector_store %arg7[%swap3A_903, %swap3A_904], %broadcast_in_dim3A_3 {strides = array<i32>} : memref<16x256xi32, #tpu.memory_space<vmem>>, vector<16xi32>,
    %swap3A_906 = arith.constant 13 : i32
    %swap3A_907 = arith.index_cast %swap3A_906 : i32 to index
    %swap3A_908 = arith.constant 240 : index
    %swap3A_909 = tpu.vector_load %arg7[%swap3A_907, %swap3A_908] {strides = array<i32>} : memref<16x256xi32, #tpu.memory_space<vmem>>, vector<16xi32>,
    tpu.vector_store %arg7[%swap3A_907, %swap3A_908], %broadcast_in_dim3A_3 {strides = array<i32>} : memref<16x256xi32, #tpu.memory_space<vmem>>, vector<16xi32>,
    %swap3A_910 = arith.constant 14 : i32
    %swap3A_911 = arith.index_cast %swap3A_910 : i32 to index
    %swap3A_912 = arith.constant 0 : index
    %swap3A_913 = tpu.vector_load %arg7[%swap3A_911, %swap3A_912] {strides = array<i32>} : memref<16x256xi32, #tpu.memory_space<vmem>>, vector<16xi32>,
    tpu.vector_store %arg7[%swap3A_911, %swap3A_912], %broadcast_in_dim3A_3 {strides = array<i32>} : memref<16x256xi32, #tpu.memory_space<vmem>>, vector<16xi32>,
    %swap3A_914 = arith.constant 14 : i32
    %swap3A_915 = arith.index_cast %swap3A_914 : i32 to index
    %swap3A_916 = arith.constant 16 : index
    %swap3A_917 = tpu.vector_load %arg7[%swap3A_915, %swap3A_916] {strides = array<i32>} : memref<16x256xi32, #tpu.memory_space<vmem>>, vector<16xi32>,
    tpu.vector_store %arg7[%swap3A_915, %swap3A_916], %broadcast_in_dim3A_3 {strides = array<i32>} : memref<16x256xi32, #tpu.memory_space<vmem>>, vector<16xi32>,
    %swap3A_918 = arith.constant 14 : i32
    %swap3A_919 = arith.index_cast %swap3A_918 : i32 to index
    %swap3A_920 = arith.constant 32 : index
    %swap3A_921 = tpu.vector_load %arg7[%swap3A_919, %swap3A_920] {strides = array<i32>} : memref<16x256xi32, #tpu.memory_space<vmem>>, vector<16xi32>,
    tpu.vector_store %arg7[%swap3A_919, %swap3A_920], %broadcast_in_dim3A_3 {strides = array<i32>} : memref<16x256xi32, #tpu.memory_space<vmem>>, vector<16xi32>,
    %swap3A_922 = arith.constant 14 : i32
    %swap3A_923 = arith.index_cast %swap3A_922 : i32 to index
    %swap3A_924 = arith.constant 48 : index
    %swap3A_925 = tpu.vector_load %arg7[%swap3A_923, %swap3A_924] {strides = array<i32>} : memref<16x256xi32, #tpu.memory_space<vmem>>, vector<16xi32>,
    tpu.vector_store %arg7[%swap3A_923, %swap3A_924], %broadcast_in_dim3A_3 {strides = array<i32>} : memref<16x256xi32, #tpu.memory_space<vmem>>, vector<16xi32>,
    %swap3A_926 = arith.constant 14 : i32
    %swap3A_927 = arith.index_cast %swap3A_926 : i32 to index
    %swap3A_928 = arith.constant 64 : index
    %swap3A_929 = tpu.vector_load %arg7[%swap3A_927, %swap3A_928] {strides = array<i32>} : memref<16x256xi32, #tpu.memory_space<vmem>>, vector<16xi32>,
    tpu.vector_store %arg7[%swap3A_927, %swap3A_928], %broadcast_in_dim3A_3 {strides = array<i32>} : memref<16x256xi32, #tpu.memory_space<vmem>>, vector<16xi32>,
    %swap3A_930 = arith.constant 14 : i32
    %swap3A_931 = arith.index_cast %swap3A_930 : i32 to index
    %swap3A_932 = arith.constant 80 : index
    %swap3A_933 = tpu.vector_load %arg7[%swap3A_931, %swap3A_932] {strides = array<i32>} : memref<16x256xi32, #tpu.memory_space<vmem>>, vector<16xi32>,
    tpu.vector_store %arg7[%swap3A_931, %swap3A_932], %broadcast_in_dim3A_3 {strides = array<i32>} : memref<16x256xi32, #tpu.memory_space<vmem>>, vector<16xi32>,
    %swap3A_934 = arith.constant 14 : i32
    %swap3A_935 = arith.index_cast %swap3A_934 : i32 to index
    %swap3A_936 = arith.constant 96 : index
    %swap3A_937 = tpu.vector_load %arg7[%swap3A_935, %swap3A_936] {strides = array<i32>} : memref<16x256xi32, #tpu.memory_space<vmem>>, vector<16xi32>,
    tpu.vector_store %arg7[%swap3A_935, %swap3A_936], %broadcast_in_dim3A_3 {strides = array<i32>} : memref<16x256xi32, #tpu.memory_space<vmem>>, vector<16xi32>,
    %swap3A_938 = arith.constant 14 : i32
    %swap3A_939 = arith.index_cast %swap3A_938 : i32 to index
    %swap3A_940 = arith.constant 112 : index
    %swap3A_941 = tpu.vector_load %arg7[%swap3A_939, %swap3A_940] {strides = array<i32>} : memref<16x256xi32, #tpu.memory_space<vmem>>, vector<16xi32>,
    tpu.vector_store %arg7[%swap3A_939, %swap3A_940], %broadcast_in_dim3A_3 {strides = array<i32>} : memref<16x256xi32, #tpu.memory_space<vmem>>, vector<16xi32>,
    %swap3A_942 = arith.constant 14 : i32
    %swap3A_943 = arith.index_cast %swap3A_942 : i32 to index
    %swap3A_944 = arith.constant 128 : index
    %swap3A_945 = tpu.vector_load %arg7[%swap3A_943, %swap3A_944] {strides = array<i32>} : memref<16x256xi32, #tpu.memory_space<vmem>>, vector<16xi32>,
    tpu.vector_store %arg7[%swap3A_943, %swap3A_944], %broadcast_in_dim3A_3 {strides = array<i32>} : memref<16x256xi32, #tpu.memory_space<vmem>>, vector<16xi32>,
    %swap3A_946 = arith.constant 14 : i32
    %swap3A_947 = arith.index_cast %swap3A_946 : i32 to index
    %swap3A_948 = arith.constant 144 : index
    %swap3A_949 = tpu.vector_load %arg7[%swap3A_947, %swap3A_948] {strides = array<i32>} : memref<16x256xi32, #tpu.memory_space<vmem>>, vector<16xi32>,
    tpu.vector_store %arg7[%swap3A_947, %swap3A_948], %broadcast_in_dim3A_3 {strides = array<i32>} : memref<16x256xi32, #tpu.memory_space<vmem>>, vector<16xi32>,
    %swap3A_950 = arith.constant 14 : i32
    %swap3A_951 = arith.index_cast %swap3A_950 : i32 to index
    %swap3A_952 = arith.constant 160 : index
    %swap3A_953 = tpu.vector_load %arg7[%swap3A_951, %swap3A_952] {strides = array<i32>} : memref<16x256xi32, #tpu.memory_space<vmem>>, vector<16xi32>,
    tpu.vector_store %arg7[%swap3A_951, %swap3A_952], %broadcast_in_dim3A_3 {strides = array<i32>} : memref<16x256xi32, #tpu.memory_space<vmem>>, vector<16xi32>,
    %swap3A_954 = arith.constant 14 : i32
    %swap3A_955 = arith.index_cast %swap3A_954 : i32 to index
    %swap3A_956 = arith.constant 176 : index
    %swap3A_957 = tpu.vector_load %arg7[%swap3A_955, %swap3A_956] {strides = array<i32>} : memref<16x256xi32, #tpu.memory_space<vmem>>, vector<16xi32>,
    tpu.vector_store %arg7[%swap3A_955, %swap3A_956], %broadcast_in_dim3A_3 {strides = array<i32>} : memref<16x256xi32, #tpu.memory_space<vmem>>, vector<16xi32>,
    %swap3A_958 = arith.constant 14 : i32
    %swap3A_959 = arith.index_cast %swap3A_958 : i32 to index
    %swap3A_960 = arith.constant 192 : index
    %swap3A_961 = tpu.vector_load %arg7[%swap3A_959, %swap3A_960] {strides = array<i32>} : memref<16x256xi32, #tpu.memory_space<vmem>>, vector<16xi32>,
    tpu.vector_store %arg7[%swap3A_959, %swap3A_960], %broadcast_in_dim3A_3 {strides = array<i32>} : memref<16x256xi32, #tpu.memory_space<vmem>>, vector<16xi32>,
    %swap3A_962 = arith.constant 14 : i32
    %swap3A_963 = arith.index_cast %swap3A_962 : i32 to index
    %swap3A_964 = arith.constant 208 : index
    %swap3A_965 = tpu.vector_load %arg7[%swap3A_963, %swap3A_964] {strides = array<i32>} : memref<16x256xi32, #tpu.memory_space<vmem>>, vector<16xi32>,
    tpu.vector_store %arg7[%swap3A_963, %swap3A_964], %broadcast_in_dim3A_3 {strides = array<i32>} : memref<16x256xi32, #tpu.memory_space<vmem>>, vector<16xi32>,
    %swap3A_966 = arith.constant 14 : i32
    %swap3A_967 = arith.index_cast %swap3A_966 : i32 to index
    %swap3A_968 = arith.constant 224 : index
    %swap3A_969 = tpu.vector_load %arg7[%swap3A_967, %swap3A_968] {strides = array<i32>} : memref<16x256xi32, #tpu.memory_space<vmem>>, vector<16xi32>,
    tpu.vector_store %arg7[%swap3A_967, %swap3A_968], %broadcast_in_dim3A_3 {strides = array<i32>} : memref<16x256xi32, #tpu.memory_space<vmem>>, vector<16xi32>,
    %swap3A_970 = arith.constant 14 : i32
    %swap3A_971 = arith.index_cast %swap3A_970 : i32 to index
    %swap3A_972 = arith.constant 240 : index
    %swap3A_973 = tpu.vector_load %arg7[%swap3A_971, %swap3A_972] {strides = array<i32>} : memref<16x256xi32, #tpu.memory_space<vmem>>, vector<16xi32>,
    tpu.vector_store %arg7[%swap3A_971, %swap3A_972], %broadcast_in_dim3A_3 {strides = array<i32>} : memref<16x256xi32, #tpu.memory_space<vmem>>, vector<16xi32>,
    %swap3A_974 = arith.constant 15 : i32
    %swap3A_975 = arith.index_cast %swap3A_974 : i32 to index
    %swap3A_976 = arith.constant 0 : index
    %swap3A_977 = tpu.vector_load %arg7[%swap3A_975, %swap3A_976] {strides = array<i32>} : memref<16x256xi32, #tpu.memory_space<vmem>>, vector<16xi32>,
    tpu.vector_store %arg7[%swap3A_975, %swap3A_976], %broadcast_in_dim3A_3 {strides = array<i32>} : memref<16x256xi32, #tpu.memory_space<vmem>>, vector<16xi32>,
    %swap3A_978 = arith.constant 15 : i32
    %swap3A_979 = arith.index_cast %swap3A_978 : i32 to index
    %swap3A_980 = arith.constant 16 : index
    %swap3A_981 = tpu.vector_load %arg7[%swap3A_979, %swap3A_980] {strides = array<i32>} : memref<16x256xi32, #tpu.memory_space<vmem>>, vector<16xi32>,
    tpu.vector_store %arg7[%swap3A_979, %swap3A_980], %broadcast_in_dim3A_3 {strides = array<i32>} : memref<16x256xi32, #tpu.memory_space<vmem>>, vector<16xi32>,
    %swap3A_982 = arith.constant 15 : i32
    %swap3A_983 = arith.index_cast %swap3A_982 : i32 to index
    %swap3A_984 = arith.constant 32 : index
    %swap3A_985 = tpu.vector_load %arg7[%swap3A_983, %swap3A_984] {strides = array<i32>} : memref<16x256xi32, #tpu.memory_space<vmem>>, vector<16xi32>,
    tpu.vector_store %arg7[%swap3A_983, %swap3A_984], %broadcast_in_dim3A_3 {strides = array<i32>} : memref<16x256xi32, #tpu.memory_space<vmem>>, vector<16xi32>,
    %swap3A_986 = arith.constant 15 : i32
    %swap3A_987 = arith.index_cast %swap3A_986 : i32 to index
    %swap3A_988 = arith.constant 48 : index
    %swap3A_989 = tpu.vector_load %arg7[%swap3A_987, %swap3A_988] {strides = array<i32>} : memref<16x256xi32, #tpu.memory_space<vmem>>, vector<16xi32>,
    tpu.vector_store %arg7[%swap3A_987, %swap3A_988], %broadcast_in_dim3A_3 {strides = array<i32>} : memref<16x256xi32, #tpu.memory_space<vmem>>, vector<16xi32>,
    %swap3A_990 = arith.constant 15 : i32
    %swap3A_991 = arith.index_cast %swap3A_990 : i32 to index
    %swap3A_992 = arith.constant 64 : index
    %swap3A_993 = tpu.vector_load %arg7[%swap3A_991, %swap3A_992] {strides = array<i32>} : memref<16x256xi32, #tpu.memory_space<vmem>>, vector<16xi32>,
    tpu.vector_store %arg7[%swap3A_991, %swap3A_992], %broadcast_in_dim3A_3 {strides = array<i32>} : memref<16x256xi32, #tpu.memory_space<vmem>>, vector<16xi32>,
    %swap3A_994 = arith.constant 15 : i32
    %swap3A_995 = arith.index_cast %swap3A_994 : i32 to index
    %swap3A_996 = arith.constant 80 : index
    %swap3A_997 = tpu.vector_load %arg7[%swap3A_995, %swap3A_996] {strides = array<i32>} : memref<16x256xi32, #tpu.memory_space<vmem>>, vector<16xi32>,
    tpu.vector_store %arg7[%swap3A_995, %swap3A_996], %broadcast_in_dim3A_3 {strides = array<i32>} : memref<16x256xi32, #tpu.memory_space<vmem>>, vector<16xi32>,
    %swap3A_998 = arith.constant 15 : i32
    %swap3A_999 = arith.index_cast %swap3A_998 : i32 to index
    %swap3A_1000 = arith.constant 96 : index
    %swap3A_1001 = tpu.vector_load %arg7[%swap3A_999, %swap3A_1000] {strides = array<i32>} : memref<16x256xi32, #tpu.memory_space<vmem>>, vector<16xi32>,
    tpu.vector_store %arg7[%swap3A_999, %swap3A_1000], %broadcast_in_dim3A_3 {strides = array<i32>} : memref<16x256xi32, #tpu.memory_space<vmem>>, vector<16xi32>,
    %swap3A_1002 = arith.constant 15 : i32
    %swap3A_1003 = arith.index_cast %swap3A_1002 : i32 to index
    %swap3A_1004 = arith.constant 112 : index
    %swap3A_1005 = tpu.vector_load %arg7[%swap3A_1003, %swap3A_1004] {strides = array<i32>} : memref<16x256xi32, #tpu.memory_space<vmem>>, vector<16xi32>,
    tpu.vector_store %arg7[%swap3A_1003, %swap3A_1004], %broadcast_in_dim3A_3 {strides = array<i32>} : memref<16x256xi32, #tpu.memory_space<vmem>>, vector<16xi32>,
    %swap3A_1006 = arith.constant 15 : i32
    %swap3A_1007 = arith.index_cast %swap3A_1006 : i32 to index
    %swap3A_1008 = arith.constant 128 : index
    %swap3A_1009 = tpu.vector_load %arg7[%swap3A_1007, %swap3A_1008] {strides = array<i32>} : memref<16x256xi32, #tpu.memory_space<vmem>>, vector<16xi32>,
    tpu.vector_store %arg7[%swap3A_1007, %swap3A_1008], %broadcast_in_dim3A_3 {strides = array<i32>} : memref<16x256xi32, #tpu.memory_space<vmem>>, vector<16xi32>,
    %swap3A_1010 = arith.constant 15 : i32
    %swap3A_1011 = arith.index_cast %swap3A_1010 : i32 to index
    %swap3A_1012 = arith.constant 144 : index
    %swap3A_1013 = tpu.vector_load %arg7[%swap3A_1011, %swap3A_1012] {strides = array<i32>} : memref<16x256xi32, #tpu.memory_space<vmem>>, vector<16xi32>,
    tpu.vector_store %arg7[%swap3A_1011, %swap3A_1012], %broadcast_in_dim3A_3 {strides = array<i32>} : memref<16x256xi32, #tpu.memory_space<vmem>>, vector<16xi32>,
    %swap3A_1014 = arith.constant 15 : i32
    %swap3A_1015 = arith.index_cast %swap3A_1014 : i32 to index
    %swap3A_1016 = arith.constant 160 : index
    %swap3A_1017 = tpu.vector_load %arg7[%swap3A_1015, %swap3A_1016] {strides = array<i32>} : memref<16x256xi32, #tpu.memory_space<vmem>>, vector<16xi32>,
    tpu.vector_store %arg7[%swap3A_1015, %swap3A_1016], %broadcast_in_dim3A_3 {strides = array<i32>} : memref<16x256xi32, #tpu.memory_space<vmem>>, vector<16xi32>,
    %swap3A_1018 = arith.constant 15 : i32
    %swap3A_1019 = arith.index_cast %swap3A_1018 : i32 to index
    %swap3A_1020 = arith.constant 176 : index
    %swap3A_1021 = tpu.vector_load %arg7[%swap3A_1019, %swap3A_1020] {strides = array<i32>} : memref<16x256xi32, #tpu.memory_space<vmem>>, vector<16xi32>,
    tpu.vector_store %arg7[%swap3A_1019, %swap3A_1020], %broadcast_in_dim3A_3 {strides = array<i32>} : memref<16x256xi32, #tpu.memory_space<vmem>>, vector<16xi32>,
    %swap3A_1022 = arith.constant 15 : i32
    %swap3A_1023 = arith.index_cast %swap3A_1022 : i32 to index
    %swap3A_1024 = arith.constant 192 : index
    %swap3A_1025 = tpu.vector_load %arg7[%swap3A_1023, %swap3A_1024] {strides = array<i32>} : memref<16x256xi32, #tpu.memory_space<vmem>>, vector<16xi32>,
    tpu.vector_store %arg7[%swap3A_1023, %swap3A_1024], %broadcast_in_dim3A_3 {strides = array<i32>} : memref<16x256xi32, #tpu.memory_space<vmem>>, vector<16xi32>,
    %swap3A_1026 = arith.constant 15 : i32
    %swap3A_1027 = arith.index_cast %swap3A_1026 : i32 to index
    %swap3A_1028 = arith.constant 208 : index
    %swap3A_1029 = tpu.vector_load %arg7[%swap3A_1027, %swap3A_1028] {strides = array<i32>} : memref<16x256xi32, #tpu.memory_space<vmem>>, vector<16xi32>,
    tpu.vector_store %arg7[%swap3A_1027, %swap3A_1028], %broadcast_in_dim3A_3 {strides = array<i32>} : memref<16x256xi32, #tpu.memory_space<vmem>>, vector<16xi32>,
    %swap3A_1030 = arith.constant 15 : i32
    %swap3A_1031 = arith.index_cast %swap3A_1030 : i32 to index
    %swap3A_1032 = arith.constant 224 : index
    %swap3A_1033 = tpu.vector_load %arg7[%swap3A_1031, %swap3A_1032] {strides = array<i32>} : memref<16x256xi32, #tpu.memory_space<vmem>>, vector<16xi32>,
    tpu.vector_store %arg7[%swap3A_1031, %swap3A_1032], %broadcast_in_dim3A_3 {strides = array<i32>} : memref<16x256xi32, #tpu.memory_space<vmem>>, vector<16xi32>,
    %swap3A_1034 = arith.constant 15 : i32
    %swap3A_1035 = arith.index_cast %swap3A_1034 : i32 to index
    %swap3A_1036 = arith.constant 240 : index
    %swap3A_1037 = tpu.vector_load %arg7[%swap3A_1035, %swap3A_1036] {strides = array<i32>} : memref<16x256xi32, #tpu.memory_space<vmem>>, vector<16xi32>,
    tpu.vector_store %arg7[%swap3A_1035, %swap3A_1036], %broadcast_in_dim3A_3 {strides = array<i32>} : memref<16x256xi32, #tpu.memory_space<vmem>>, vector<16xi32>,
    %dma_wait3A = arith.constant 0 : i32
    %dma_wait3A_1038 = tpu.memref_slice %arg2[%dma_wait3A] : memref<1000000xi32, #tpu.memory_space<hbm>> -> memref<1000000xi32, #tpu.memory_space<hbm>>
    tpu.wait_indirect_dma semaphore(%arg13 : memref<!tpu.dma_semaphore, #tpu.memory_space<semaphore_mem>>) src(%dma_wait3A_1038 : memref<1000000xi32, #tpu.memory_space<hbm>>) dst(%arg10 : memref<128xi32, #tpu.memory_space<vmem>>)
    %get3A = arith.constant 0 : index
    %get3A_1039 = tpu.vector_load %arg10[%get3A] {strides = array<i32>} : memref<128xi32, #tpu.memory_space<vmem>>, vector<16xi32>,
    %and3A = arith.constant 15 : i32
    %and3A_1040 = vector.broadcast %and3A : i32 to vector<16xi32>
    %and3A_1041 = arith.andi %get3A_1039, %and3A_1040 : vector<16xi32>
    %mul3A_1042 = arith.constant 16 : i32
    %mul3A_1043 = vector.broadcast %mul3A_1042 : i32 to vector<16xi32>
    %mul3A_1044 = arith.muli %and3A_1041, %mul3A_1043 : vector<16xi32>
    %shift_right_arithmetic3A = arith.constant 4 : i32
    %shift_right_arithmetic3A_1045 = vector.broadcast %shift_right_arithmetic3A : i32 to vector<16xi32>
    %shift_right_arithmetic3A_1046 = arith.shrsi %get3A_1039, %shift_right_arithmetic3A_1045 : vector<16xi32>
    %add3A_1047 = arith.addi %mul3A_1044, %shift_right_arithmetic3A_1046 : vector<16xi32>
    %swap3A_1048 = arith.constant 0 : index
    %swap3A_1049 = tpu.vector_load %arg11[%swap3A_1048] {strides = array<i32>} : memref<128xi32, #tpu.memory_space<vmem>>, vector<16xi32>,
    tpu.vector_store %arg11[%swap3A_1048], %add3A_1047 {strides = array<i32>} : memref<128xi32, #tpu.memory_space<vmem>>, vector<16xi32>,
    %get3A_1050 = arith.constant 16 : index
    %get3A_1051 = tpu.vector_load %arg10[%get3A_1050] {strides = array<i32>} : memref<128xi32, #tpu.memory_space<vmem>>, vector<16xi32>,
    %and3A_1052 = arith.constant 15 : i32
    %and3A_1053 = vector.broadcast %and3A_1052 : i32 to vector<16xi32>
    %and3A_1054 = arith.andi %get3A_1051, %and3A_1053 : vector<16xi32>
    %mul3A_1055 = arith.constant 16 : i32
    %mul3A_1056 = vector.broadcast %mul3A_1055 : i32 to vector<16xi32>
    %mul3A_1057 = arith.muli %and3A_1054, %mul3A_1056 : vector<16xi32>
    %shift_right_arithmetic3A_1058 = arith.constant 4 : i32
    %shift_right_arithmetic3A_1059 = vector.broadcast %shift_right_arithmetic3A_1058 : i32 to vector<16xi32>
    %shift_right_arithmetic3A_1060 = arith.shrsi %get3A_1051, %shift_right_arithmetic3A_1059 : vector<16xi32>
    %add3A_1061 = arith.addi %mul3A_1057, %shift_right_arithmetic3A_1060 : vector<16xi32>
    %swap3A_1062 = arith.constant 16 : index
    %swap3A_1063 = tpu.vector_load %arg11[%swap3A_1062] {strides = array<i32>} : memref<128xi32, #tpu.memory_space<vmem>>, vector<16xi32>,
    tpu.vector_store %arg11[%swap3A_1062], %add3A_1061 {strides = array<i32>} : memref<128xi32, #tpu.memory_space<vmem>>, vector<16xi32>,
    %get3A_1064 = arith.constant 32 : index
    %get3A_1065 = tpu.vector_load %arg10[%get3A_1064] {strides = array<i32>} : memref<128xi32, #tpu.memory_space<vmem>>, vector<16xi32>,
    %and3A_1066 = arith.constant 15 : i32
    %and3A_1067 = vector.broadcast %and3A_1066 : i32 to vector<16xi32>
    %and3A_1068 = arith.andi %get3A_1065, %and3A_1067 : vector<16xi32>
    %mul3A_1069 = arith.constant 16 : i32
    %mul3A_1070 = vector.broadcast %mul3A_1069 : i32 to vector<16xi32>
    %mul3A_1071 = arith.muli %and3A_1068, %mul3A_1070 : vector<16xi32>
    %shift_right_arithmetic3A_1072 = arith.constant 4 : i32
    %shift_right_arithmetic3A_1073 = vector.broadcast %shift_right_arithmetic3A_1072 : i32 to vector<16xi32>
    %shift_right_arithmetic3A_1074 = arith.shrsi %get3A_1065, %shift_right_arithmetic3A_1073 : vector<16xi32>
    %add3A_1075 = arith.addi %mul3A_1071, %shift_right_arithmetic3A_1074 : vector<16xi32>
    %swap3A_1076 = arith.constant 32 : index
    %swap3A_1077 = tpu.vector_load %arg11[%swap3A_1076] {strides = array<i32>} : memref<128xi32, #tpu.memory_space<vmem>>, vector<16xi32>,
    tpu.vector_store %arg11[%swap3A_1076], %add3A_1075 {strides = array<i32>} : memref<128xi32, #tpu.memory_space<vmem>>, vector<16xi32>,
    %get3A_1078 = arith.constant 48 : index
    %get3A_1079 = tpu.vector_load %arg10[%get3A_1078] {strides = array<i32>} : memref<128xi32, #tpu.memory_space<vmem>>, vector<16xi32>,
    %and3A_1080 = arith.constant 15 : i32
    %and3A_1081 = vector.broadcast %and3A_1080 : i32 to vector<16xi32>
    %and3A_1082 = arith.andi %get3A_1079, %and3A_1081 : vector<16xi32>
    %mul3A_1083 = arith.constant 16 : i32
    %mul3A_1084 = vector.broadcast %mul3A_1083 : i32 to vector<16xi32>
    %mul3A_1085 = arith.muli %and3A_1082, %mul3A_1084 : vector<16xi32>
    %shift_right_arithmetic3A_1086 = arith.constant 4 : i32
    %shift_right_arithmetic3A_1087 = vector.broadcast %shift_right_arithmetic3A_1086 : i32 to vector<16xi32>
    %shift_right_arithmetic3A_1088 = arith.shrsi %get3A_1079, %shift_right_arithmetic3A_1087 : vector<16xi32>
    %add3A_1089 = arith.addi %mul3A_1085, %shift_right_arithmetic3A_1088 : vector<16xi32>
    %swap3A_1090 = arith.constant 48 : index
    %swap3A_1091 = tpu.vector_load %arg11[%swap3A_1090] {strides = array<i32>} : memref<128xi32, #tpu.memory_space<vmem>>, vector<16xi32>,
    tpu.vector_store %arg11[%swap3A_1090], %add3A_1089 {strides = array<i32>} : memref<128xi32, #tpu.memory_space<vmem>>, vector<16xi32>,
    %get3A_1092 = arith.constant 64 : index
    %get3A_1093 = tpu.vector_load %arg10[%get3A_1092] {strides = array<i32>} : memref<128xi32, #tpu.memory_space<vmem>>, vector<16xi32>,
    %and3A_1094 = arith.constant 15 : i32
    %and3A_1095 = vector.broadcast %and3A_1094 : i32 to vector<16xi32>
    %and3A_1096 = arith.andi %get3A_1093, %and3A_1095 : vector<16xi32>
    %mul3A_1097 = arith.constant 16 : i32
    %mul3A_1098 = vector.broadcast %mul3A_1097 : i32 to vector<16xi32>
    %mul3A_1099 = arith.muli %and3A_1096, %mul3A_1098 : vector<16xi32>
    %shift_right_arithmetic3A_1100 = arith.constant 4 : i32
    %shift_right_arithmetic3A_1101 = vector.broadcast %shift_right_arithmetic3A_1100 : i32 to vector<16xi32>
    %shift_right_arithmetic3A_1102 = arith.shrsi %get3A_1093, %shift_right_arithmetic3A_1101 : vector<16xi32>
    %add3A_1103 = arith.addi %mul3A_1099, %shift_right_arithmetic3A_1102 : vector<16xi32>
    %swap3A_1104 = arith.constant 64 : index
    %swap3A_1105 = tpu.vector_load %arg11[%swap3A_1104] {strides = array<i32>} : memref<128xi32, #tpu.memory_space<vmem>>, vector<16xi32>,
    tpu.vector_store %arg11[%swap3A_1104], %add3A_1103 {strides = array<i32>} : memref<128xi32, #tpu.memory_space<vmem>>, vector<16xi32>,
    %get3A_1106 = arith.constant 80 : index
    %get3A_1107 = tpu.vector_load %arg10[%get3A_1106] {strides = array<i32>} : memref<128xi32, #tpu.memory_space<vmem>>, vector<16xi32>,
    %and3A_1108 = arith.constant 15 : i32
    %and3A_1109 = vector.broadcast %and3A_1108 : i32 to vector<16xi32>
    %and3A_1110 = arith.andi %get3A_1107, %and3A_1109 : vector<16xi32>
    %mul3A_1111 = arith.constant 16 : i32
    %mul3A_1112 = vector.broadcast %mul3A_1111 : i32 to vector<16xi32>
    %mul3A_1113 = arith.muli %and3A_1110, %mul3A_1112 : vector<16xi32>
    %shift_right_arithmetic3A_1114 = arith.constant 4 : i32
    %shift_right_arithmetic3A_1115 = vector.broadcast %shift_right_arithmetic3A_1114 : i32 to vector<16xi32>
    %shift_right_arithmetic3A_1116 = arith.shrsi %get3A_1107, %shift_right_arithmetic3A_1115 : vector<16xi32>
    %add3A_1117 = arith.addi %mul3A_1113, %shift_right_arithmetic3A_1116 : vector<16xi32>
    %swap3A_1118 = arith.constant 80 : index
    %swap3A_1119 = tpu.vector_load %arg11[%swap3A_1118] {strides = array<i32>} : memref<128xi32, #tpu.memory_space<vmem>>, vector<16xi32>,
    tpu.vector_store %arg11[%swap3A_1118], %add3A_1117 {strides = array<i32>} : memref<128xi32, #tpu.memory_space<vmem>>, vector<16xi32>,
    %get3A_1120 = arith.constant 96 : index
    %get3A_1121 = tpu.vector_load %arg10[%get3A_1120] {strides = array<i32>} : memref<128xi32, #tpu.memory_space<vmem>>, vector<16xi32>,
    %and3A_1122 = arith.constant 15 : i32
    %and3A_1123 = vector.broadcast %and3A_1122 : i32 to vector<16xi32>
    %and3A_1124 = arith.andi %get3A_1121, %and3A_1123 : vector<16xi32>
    %mul3A_1125 = arith.constant 16 : i32
    %mul3A_1126 = vector.broadcast %mul3A_1125 : i32 to vector<16xi32>
    %mul3A_1127 = arith.muli %and3A_1124, %mul3A_1126 : vector<16xi32>
    %shift_right_arithmetic3A_1128 = arith.constant 4 : i32
    %shift_right_arithmetic3A_1129 = vector.broadcast %shift_right_arithmetic3A_1128 : i32 to vector<16xi32>
    %shift_right_arithmetic3A_1130 = arith.shrsi %get3A_1121, %shift_right_arithmetic3A_1129 : vector<16xi32>
    %add3A_1131 = arith.addi %mul3A_1127, %shift_right_arithmetic3A_1130 : vector<16xi32>
    %swap3A_1132 = arith.constant 96 : index
    %swap3A_1133 = tpu.vector_load %arg11[%swap3A_1132] {strides = array<i32>} : memref<128xi32, #tpu.memory_space<vmem>>, vector<16xi32>,
    tpu.vector_store %arg11[%swap3A_1132], %add3A_1131 {strides = array<i32>} : memref<128xi32, #tpu.memory_space<vmem>>, vector<16xi32>,
    %get3A_1134 = arith.constant 112 : index
    %get3A_1135 = tpu.vector_load %arg10[%get3A_1134] {strides = array<i32>} : memref<128xi32, #tpu.memory_space<vmem>>, vector<16xi32>,
    %and3A_1136 = arith.constant 15 : i32
    %and3A_1137 = vector.broadcast %and3A_1136 : i32 to vector<16xi32>
    %and3A_1138 = arith.andi %get3A_1135, %and3A_1137 : vector<16xi32>
    %mul3A_1139 = arith.constant 16 : i32
    %mul3A_1140 = vector.broadcast %mul3A_1139 : i32 to vector<16xi32>
    %mul3A_1141 = arith.muli %and3A_1138, %mul3A_1140 : vector<16xi32>
    %shift_right_arithmetic3A_1142 = arith.constant 4 : i32
    %shift_right_arithmetic3A_1143 = vector.broadcast %shift_right_arithmetic3A_1142 : i32 to vector<16xi32>
    %shift_right_arithmetic3A_1144 = arith.shrsi %get3A_1135, %shift_right_arithmetic3A_1143 : vector<16xi32>
    %add3A_1145 = arith.addi %mul3A_1141, %shift_right_arithmetic3A_1144 : vector<16xi32>
    %swap3A_1146 = arith.constant 112 : index
    %swap3A_1147 = tpu.vector_load %arg11[%swap3A_1146] {strides = array<i32>} : memref<128xi32, #tpu.memory_space<vmem>>, vector<16xi32>,
    tpu.vector_store %arg11[%swap3A_1146], %add3A_1145 {strides = array<i32>} : memref<128xi32, #tpu.memory_space<vmem>>, vector<16xi32>,
    %mul3A_1148 = arith.constant 128 : i32
    %mul3A_1149 = arith.muli %add3A, %mul3A_1148 : i32
    "tpu.region"() ({
      %run_scoped3A = tpu.sem_alloc : memref<!tpu.dma_semaphore, #tpu.memory_space<semaphore_mem>>
      %dma_start3A_2470 = tpu.memref_slice %arg5[%mul3A_1149] : memref<4096xi32, #tpu.memory_space<hbm>> -> memref<128xi32, #tpu.memory_space<hbm>>
      %dma_start3A_2471 = tpu.memref_slice %arg5[%mul3A_1149] : memref<4096xi32, #tpu.memory_space<hbm>> -> memref<128xi32, #tpu.memory_space<hbm>>
      tpu.enqueue_dma source(%arg11 : memref<128xi32, #tpu.memory_space<vmem>>) target(%dma_start3A_2471 : memref<128xi32, #tpu.memory_space<hbm>>) target_semaphore(%run_scoped3A : memref<!tpu.dma_semaphore, #tpu.memory_space<semaphore_mem>>)
      %dma_wait3A_2472 = tpu.memref_slice %arg5[%mul3A_1149] : memref<4096xi32, #tpu.memory_space<hbm>> -> memref<128xi32, #tpu.memory_space<hbm>>
      %dma_wait3A_2473 = tpu.memref_slice %arg5[%mul3A_1149] : memref<4096xi32, #tpu.memory_space<hbm>> -> memref<128xi32, #tpu.memory_space<hbm>>
      tpu.wait_dma2 semaphore(%run_scoped3A : memref<!tpu.dma_semaphore, #tpu.memory_space<semaphore_mem>>) src(%arg11 : memref<128xi32, #tpu.memory_space<vmem>>) dst(%dma_wait3A_2473 : memref<128xi32, #tpu.memory_space<hbm>>)
      tpu.yield
    }) : () -> ()
    %eq3A = arith.constant 31 : i32
    %eq3A_1150 = arith.cmpi eq, %add3A, %eq3A : i32
    %convert_element_type3A = arith.extui %eq3A_1150 : i1 to i32
    %cond3A = arith.constant 0 : i32
    %cond3A_1151 = arith.cmpi ne, %convert_element_type3A, %cond3A : i32
    scf.if %cond3A_1151 {
      "tpu.region"() ({
        %run_scoped3A = tpu.sem_alloc : memref<!tpu.dma_semaphore, #tpu.memory_space<semaphore_mem>>
        %dma_start3A_2470 = arith.constant 31248 : i32
        %dma_start3A_2471 = tpu.memref_slice %arg6[%dma_start3A_2470] : memref<31312xi32, #tpu.memory_space<vmem>> -> memref<64xi32, #tpu.memory_space<vmem>>
        %dma_start3A_2472 = arith.constant 999936 : i32
        %dma_start3A_2473 = tpu.memref_slice %arg2[%dma_start3A_2472] : memref<1000000xi32, #tpu.memory_space<hbm>> -> memref<64xi32, #tpu.memory_space<hbm>>
        %dma_start3A_2474 = arith.constant 31248 : i32
        %dma_start3A_2475 = tpu.memref_slice %arg6[%dma_start3A_2474] : memref<31312xi32, #tpu.memory_space<vmem>> -> memref<64xi32, #tpu.memory_space<vmem>>
        %dma_start3A_2476 = arith.constant 999936 : i32
        %dma_start3A_2477 = tpu.memref_slice %arg2[%dma_start3A_2476] : memref<1000000xi32, #tpu.memory_space<hbm>> -> memref<64xi32, #tpu.memory_space<hbm>>
        tpu.enqueue_dma source(%dma_start3A_2477 : memref<64xi32, #tpu.memory_space<hbm>>) target(%dma_start3A_2475 : memref<64xi32, #tpu.memory_space<vmem>>) target_semaphore(%run_scoped3A : memref<!tpu.dma_semaphore, #tpu.memory_space<semaphore_mem>>)
        %dma_wait3A_2478 = arith.constant 31248 : i32
        %dma_wait3A_2479 = tpu.memref_slice %arg6[%dma_wait3A_2478] : memref<31312xi32, #tpu.memory_space<vmem>> -> memref<64xi32, #tpu.memory_space<vmem>>
        %dma_wait3A_2480 = arith.constant 999936 : i32
        %dma_wait3A_2481 = tpu.memref_slice %arg2[%dma_wait3A_2480] : memref<1000000xi32, #tpu.memory_space<hbm>> -> memref<64xi32, #tpu.memory_space<hbm>>
        %dma_wait3A_2482 = arith.constant 31248 : i32
        %dma_wait3A_2483 = tpu.memref_slice %arg6[%dma_wait3A_2482] : memref<31312xi32, #tpu.memory_space<vmem>> -> memref<64xi32, #tpu.memory_space<vmem>>
        %dma_wait3A_2484 = arith.constant 999936 : i32
        %dma_wait3A_2485 = tpu.memref_slice %arg2[%dma_wait3A_2484] : memref<1000000xi32, #tpu.memory_space<hbm>> -> memref<64xi32, #tpu.memory_space<hbm>>
        tpu.wait_dma2 semaphore(%run_scoped3A : memref<!tpu.dma_semaphore, #tpu.memory_space<semaphore_mem>>) src(%dma_wait3A_2485 : memref<64xi32, #tpu.memory_space<hbm>>) dst(%dma_wait3A_2483 : memref<64xi32, #tpu.memory_space<vmem>>)
        tpu.yield
      }) : () -> ()
    } else {
    }
    %dma_wait3A_1152 = arith.constant 0 : i32
    %dma_wait3A_1153 = tpu.memref_slice %arg6[%dma_wait3A_1152] : memref<31312xi32, #tpu.memory_space<vmem>> -> memref<31248xi32, #tpu.memory_space<vmem>>
    %dma_wait3A_1154 = tpu.memref_slice %arg2[%mul3A_5] : memref<1000000xi32, #tpu.memory_space<hbm>> -> memref<31248xi32, #tpu.memory_space<hbm>>
    %dma_wait3A_1155 = arith.constant 0 : i32
    %dma_wait3A_1156 = tpu.memref_slice %arg6[%dma_wait3A_1155] : memref<31312xi32, #tpu.memory_space<vmem>> -> memref<31248xi32, #tpu.memory_space<vmem>>
    %dma_wait3A_1157 = tpu.memref_slice %arg2[%mul3A_5] : memref<1000000xi32, #tpu.memory_space<hbm>> -> memref<31248xi32, #tpu.memory_space<hbm>>
    tpu.wait_dma2 semaphore(%arg12 : memref<!tpu.dma_semaphore, #tpu.memory_space<semaphore_mem>>) src(%dma_wait3A_1157 : memref<31248xi32, #tpu.memory_space<hbm>>) dst(%dma_wait3A_1156 : memref<31248xi32, #tpu.memory_space<vmem>>)
    %scan3A = arith.constant 0 : i32
    %scan3A_1158 = arith.constant 0 : i32
    %scan3A_1159 = arith.constant 1952 : i32
    %scan3A_1160 = arith.addi %scan3A_1158, %scan3A_1159 : i32
    %scan3A_1161 = arith.constant 8 : i32
    scf.for %scan3A_2470 = %scan3A_1158 to %scan3A_1160 step %scan3A_1161  : i32 {
      %mul3A_2471 = arith.constant 16 : i32
      %mul3A_2472 = arith.muli %scan3A_2470, %mul3A_2471 : i32
      %get3A_2473 = arith.index_cast %mul3A_2472 : i32 to index
      %get3A_2474 = tpu.vector_load %arg6[%get3A_2473] {strides = array<i32>} : memref<31312xi32, #tpu.memory_space<vmem>>, vector<16xi32>,
      tpu.vector_store_idx %arg7[%iota3A, %get3A_2474], %broadcast_in_dim3A_1 {add = true} : memref<16x256xi32, #tpu.memory_space<vmem>>[vector<16xi32>, vector<16xi32>], vector<16xi32>,
      %scan3A_2475 = arith.constant 1 : i32
      %scan3A_2476 = arith.addi %scan3A_2470, %scan3A_2475 : i32
      %mul3A_2477 = arith.constant 16 : i32
      %mul3A_2478 = arith.muli %scan3A_2476, %mul3A_2477 : i32
      %get3A_2479 = arith.index_cast %mul3A_2478 : i32 to index
      %get3A_2480 = tpu.vector_load %arg6[%get3A_2479] {strides = array<i32>} : memref<31312xi32, #tpu.memory_space<vmem>>, vector<16xi32>,
      tpu.vector_store_idx %arg7[%iota3A, %get3A_2480], %broadcast_in_dim3A_1 {add = true} : memref<16x256xi32, #tpu.memory_space<vmem>>[vector<16xi32>, vector<16xi32>], vector<16xi32>,
      %scan3A_2481 = arith.constant 2 : i32
      %scan3A_2482 = arith.addi %scan3A_2470, %scan3A_2481 : i32
      %mul3A_2483 = arith.constant 16 : i32
      %mul3A_2484 = arith.muli %scan3A_2482, %mul3A_2483 : i32
      %get3A_2485 = arith.index_cast %mul3A_2484 : i32 to index
      %get3A_2486 = tpu.vector_load %arg6[%get3A_2485] {strides = array<i32>} : memref<31312xi32, #tpu.memory_space<vmem>>, vector<16xi32>,
      tpu.vector_store_idx %arg7[%iota3A, %get3A_2486], %broadcast_in_dim3A_1 {add = true} : memref<16x256xi32, #tpu.memory_space<vmem>>[vector<16xi32>, vector<16xi32>], vector<16xi32>,
      %scan3A_2487 = arith.constant 3 : i32
      %scan3A_2488 = arith.addi %scan3A_2470, %scan3A_2487 : i32
      %mul3A_2489 = arith.constant 16 : i32
      %mul3A_2490 = arith.muli %scan3A_2488, %mul3A_2489 : i32
      %get3A_2491 = arith.index_cast %mul3A_2490 : i32 to index
      %get3A_2492 = tpu.vector_load %arg6[%get3A_2491] {strides = array<i32>} : memref<31312xi32, #tpu.memory_space<vmem>>, vector<16xi32>,
      tpu.vector_store_idx %arg7[%iota3A, %get3A_2492], %broadcast_in_dim3A_1 {add = true} : memref<16x256xi32, #tpu.memory_space<vmem>>[vector<16xi32>, vector<16xi32>], vector<16xi32>,
      %scan3A_2493 = arith.constant 4 : i32
      %scan3A_2494 = arith.addi %scan3A_2470, %scan3A_2493 : i32
      %mul3A_2495 = arith.constant 16 : i32
      %mul3A_2496 = arith.muli %scan3A_2494, %mul3A_2495 : i32
      %get3A_2497 = arith.index_cast %mul3A_2496 : i32 to index
      %get3A_2498 = tpu.vector_load %arg6[%get3A_2497] {strides = array<i32>} : memref<31312xi32, #tpu.memory_space<vmem>>, vector<16xi32>,
      tpu.vector_store_idx %arg7[%iota3A, %get3A_2498], %broadcast_in_dim3A_1 {add = true} : memref<16x256xi32, #tpu.memory_space<vmem>>[vector<16xi32>, vector<16xi32>], vector<16xi32>,
      %scan3A_2499 = arith.constant 5 : i32
      %scan3A_2500 = arith.addi %scan3A_2470, %scan3A_2499 : i32
      %mul3A_2501 = arith.constant 16 : i32
      %mul3A_2502 = arith.muli %scan3A_2500, %mul3A_2501 : i32
      %get3A_2503 = arith.index_cast %mul3A_2502 : i32 to index
      %get3A_2504 = tpu.vector_load %arg6[%get3A_2503] {strides = array<i32>} : memref<31312xi32, #tpu.memory_space<vmem>>, vector<16xi32>,
      tpu.vector_store_idx %arg7[%iota3A, %get3A_2504], %broadcast_in_dim3A_1 {add = true} : memref<16x256xi32, #tpu.memory_space<vmem>>[vector<16xi32>, vector<16xi32>], vector<16xi32>,
      %scan3A_2505 = arith.constant 6 : i32
      %scan3A_2506 = arith.addi %scan3A_2470, %scan3A_2505 : i32
      %mul3A_2507 = arith.constant 16 : i32
      %mul3A_2508 = arith.muli %scan3A_2506, %mul3A_2507 : i32
      %get3A_2509 = arith.index_cast %mul3A_2508 : i32 to index
      %get3A_2510 = tpu.vector_load %arg6[%get3A_2509] {strides = array<i32>} : memref<31312xi32, #tpu.memory_space<vmem>>, vector<16xi32>,
      tpu.vector_store_idx %arg7[%iota3A, %get3A_2510], %broadcast_in_dim3A_1 {add = true} : memref<16x256xi32, #tpu.memory_space<vmem>>[vector<16xi32>, vector<16xi32>], vector<16xi32>,
      %scan3A_2511 = arith.constant 7 : i32
      %scan3A_2512 = arith.addi %scan3A_2470, %scan3A_2511 : i32
      %mul3A_2513 = arith.constant 16 : i32
      %mul3A_2514 = arith.muli %scan3A_2512, %mul3A_2513 : i32
      %get3A_2515 = arith.index_cast %mul3A_2514 : i32 to index
      %get3A_2516 = tpu.vector_load %arg6[%get3A_2515] {strides = array<i32>} : memref<31312xi32, #tpu.memory_space<vmem>>, vector<16xi32>,
      tpu.vector_store_idx %arg7[%iota3A, %get3A_2516], %broadcast_in_dim3A_1 {add = true} : memref<16x256xi32, #tpu.memory_space<vmem>>[vector<16xi32>, vector<16xi32>], vector<16xi32>,
    }
    %scan3A_1162 = arith.constant 1952 : i32
    %scan3A_1163 = arith.addi %scan3A_1158, %scan3A_1162 : i32
    %mul3A_1164 = arith.constant 16 : i32
    %mul3A_1165 = arith.muli %scan3A_1163, %mul3A_1164 : i32
    %get3A_1166 = arith.index_cast %mul3A_1165 : i32 to index
    %get3A_1167 = tpu.vector_load %arg6[%get3A_1166] {strides = array<i32>} : memref<31312xi32, #tpu.memory_space<vmem>>, vector<16xi32>,
    tpu.vector_store_idx %arg7[%iota3A, %get3A_1167], %broadcast_in_dim3A_1 {add = true} : memref<16x256xi32, #tpu.memory_space<vmem>>[vector<16xi32>, vector<16xi32>], vector<16xi32>,
    %scan3A_1168 = arith.constant 1953 : i32
    %eq3A_1169 = arith.constant 31 : i32
    %eq3A_1170 = arith.cmpi eq, %add3A, %eq3A_1169 : i32
    %convert_element_type3A_1171 = arith.extui %eq3A_1170 : i1 to i32
    %cond3A_1172 = arith.constant 0 : i32
    %cond3A_1173 = arith.cmpi ne, %convert_element_type3A_1171, %cond3A_1172 : i32
    scf.if %cond3A_1173 {
      %get3A_2470 = arith.constant 31248 : index
      %get3A_2471 = tpu.vector_load %arg6[%get3A_2470] {strides = array<i32>} : memref<31312xi32, #tpu.memory_space<vmem>>, vector<16xi32>,
      tpu.vector_store_idx %arg7[%iota3A, %get3A_2471], %broadcast_in_dim3A_1 {add = true} : memref<16x256xi32, #tpu.memory_space<vmem>>[vector<16xi32>, vector<16xi32>], vector<16xi32>,
      %get3A_2472 = arith.constant 31264 : index
      %get3A_2473 = tpu.vector_load %arg6[%get3A_2472] {strides = array<i32>} : memref<31312xi32, #tpu.memory_space<vmem>>, vector<16xi32>,
      tpu.vector_store_idx %arg7[%iota3A, %get3A_2473], %broadcast_in_dim3A_1 {add = true} : memref<16x256xi32, #tpu.memory_space<vmem>>[vector<16xi32>, vector<16xi32>], vector<16xi32>,
      %get3A_2474 = arith.constant 31280 : index
      %get3A_2475 = tpu.vector_load %arg6[%get3A_2474] {strides = array<i32>} : memref<31312xi32, #tpu.memory_space<vmem>>, vector<16xi32>,
      tpu.vector_store_idx %arg7[%iota3A, %get3A_2475], %broadcast_in_dim3A_1 {add = true} : memref<16x256xi32, #tpu.memory_space<vmem>>[vector<16xi32>, vector<16xi32>], vector<16xi32>,
      %get3A_2476 = arith.constant 31296 : index
      %get3A_2477 = tpu.vector_load %arg6[%get3A_2476] {strides = array<i32>} : memref<31312xi32, #tpu.memory_space<vmem>>, vector<16xi32>,
      tpu.vector_store_idx %arg7[%iota3A, %get3A_2477], %broadcast_in_dim3A_1 {add = true} : memref<16x256xi32, #tpu.memory_space<vmem>>[vector<16xi32>, vector<16xi32>], vector<16xi32>,
    } else {
    }
    %get3A_1174 = arith.constant 0 : i32
    %get3A_1175 = arith.index_cast %get3A_1174 : i32 to index
    %get3A_1176 = arith.constant 0 : index
    %get3A_1177 = tpu.vector_load %arg7[%get3A_1175, %get3A_1176] {strides = array<i32>} : memref<16x256xi32, #tpu.memory_space<vmem>>, vector<16xi32>,
    %get3A_1178 = arith.constant 1 : i32
    %get3A_1179 = arith.index_cast %get3A_1178 : i32 to index
    %get3A_1180 = arith.constant 0 : index
    %get3A_1181 = tpu.vector_load %arg7[%get3A_1179, %get3A_1180] {strides = array<i32>} : memref<16x256xi32, #tpu.memory_space<vmem>>, vector<16xi32>,
    %add3A_1182 = arith.addi %get3A_1177, %get3A_1181 : vector<16xi32>
    %get3A_1183 = arith.constant 2 : i32
    %get3A_1184 = arith.index_cast %get3A_1183 : i32 to index
    %get3A_1185 = arith.constant 0 : index
    %get3A_1186 = tpu.vector_load %arg7[%get3A_1184, %get3A_1185] {strides = array<i32>} : memref<16x256xi32, #tpu.memory_space<vmem>>, vector<16xi32>,
    %add3A_1187 = arith.addi %add3A_1182, %get3A_1186 : vector<16xi32>
    %get3A_1188 = arith.constant 3 : i32
    %get3A_1189 = arith.index_cast %get3A_1188 : i32 to index
    %get3A_1190 = arith.constant 0 : index
    %get3A_1191 = tpu.vector_load %arg7[%get3A_1189, %get3A_1190] {strides = array<i32>} : memref<16x256xi32, #tpu.memory_space<vmem>>, vector<16xi32>,
    %add3A_1192 = arith.addi %add3A_1187, %get3A_1191 : vector<16xi32>
    %get3A_1193 = arith.constant 4 : i32
    %get3A_1194 = arith.index_cast %get3A_1193 : i32 to index
    %get3A_1195 = arith.constant 0 : index
    %get3A_1196 = tpu.vector_load %arg7[%get3A_1194, %get3A_1195] {strides = array<i32>} : memref<16x256xi32, #tpu.memory_space<vmem>>, vector<16xi32>,
    %add3A_1197 = arith.addi %add3A_1192, %get3A_1196 : vector<16xi32>
    %get3A_1198 = arith.constant 5 : i32
    %get3A_1199 = arith.index_cast %get3A_1198 : i32 to index
    %get3A_1200 = arith.constant 0 : index
    %get3A_1201 = tpu.vector_load %arg7[%get3A_1199, %get3A_1200] {strides = array<i32>} : memref<16x256xi32, #tpu.memory_space<vmem>>, vector<16xi32>,
    %add3A_1202 = arith.addi %add3A_1197, %get3A_1201 : vector<16xi32>
    %get3A_1203 = arith.constant 6 : i32
    %get3A_1204 = arith.index_cast %get3A_1203 : i32 to index
    %get3A_1205 = arith.constant 0 : index
    %get3A_1206 = tpu.vector_load %arg7[%get3A_1204, %get3A_1205] {strides = array<i32>} : memref<16x256xi32, #tpu.memory_space<vmem>>, vector<16xi32>,
    %add3A_1207 = arith.addi %add3A_1202, %get3A_1206 : vector<16xi32>
    %get3A_1208 = arith.constant 7 : i32
    %get3A_1209 = arith.index_cast %get3A_1208 : i32 to index
    %get3A_1210 = arith.constant 0 : index
    %get3A_1211 = tpu.vector_load %arg7[%get3A_1209, %get3A_1210] {strides = array<i32>} : memref<16x256xi32, #tpu.memory_space<vmem>>, vector<16xi32>,
    %add3A_1212 = arith.addi %add3A_1207, %get3A_1211 : vector<16xi32>
    %get3A_1213 = arith.constant 8 : i32
    %get3A_1214 = arith.index_cast %get3A_1213 : i32 to index
    %get3A_1215 = arith.constant 0 : index
    %get3A_1216 = tpu.vector_load %arg7[%get3A_1214, %get3A_1215] {strides = array<i32>} : memref<16x256xi32, #tpu.memory_space<vmem>>, vector<16xi32>,
    %add3A_1217 = arith.addi %add3A_1212, %get3A_1216 : vector<16xi32>
    %get3A_1218 = arith.constant 9 : i32
    %get3A_1219 = arith.index_cast %get3A_1218 : i32 to index
    %get3A_1220 = arith.constant 0 : index
    %get3A_1221 = tpu.vector_load %arg7[%get3A_1219, %get3A_1220] {strides = array<i32>} : memref<16x256xi32, #tpu.memory_space<vmem>>, vector<16xi32>,
    %add3A_1222 = arith.addi %add3A_1217, %get3A_1221 : vector<16xi32>
    %get3A_1223 = arith.constant 10 : i32
    %get3A_1224 = arith.index_cast %get3A_1223 : i32 to index
    %get3A_1225 = arith.constant 0 : index
    %get3A_1226 = tpu.vector_load %arg7[%get3A_1224, %get3A_1225] {strides = array<i32>} : memref<16x256xi32, #tpu.memory_space<vmem>>, vector<16xi32>,
    %add3A_1227 = arith.addi %add3A_1222, %get3A_1226 : vector<16xi32>
    %get3A_1228 = arith.constant 11 : i32
    %get3A_1229 = arith.index_cast %get3A_1228 : i32 to index
    %get3A_1230 = arith.constant 0 : index
    %get3A_1231 = tpu.vector_load %arg7[%get3A_1229, %get3A_1230] {strides = array<i32>} : memref<16x256xi32, #tpu.memory_space<vmem>>, vector<16xi32>,
    %add3A_1232 = arith.addi %add3A_1227, %get3A_1231 : vector<16xi32>
    %get3A_1233 = arith.constant 12 : i32
    %get3A_1234 = arith.index_cast %get3A_1233 : i32 to index
    %get3A_1235 = arith.constant 0 : index
    %get3A_1236 = tpu.vector_load %arg7[%get3A_1234, %get3A_1235] {strides = array<i32>} : memref<16x256xi32, #tpu.memory_space<vmem>>, vector<16xi32>,
    %add3A_1237 = arith.addi %add3A_1232, %get3A_1236 : vector<16xi32>
    %get3A_1238 = arith.constant 13 : i32
    %get3A_1239 = arith.index_cast %get3A_1238 : i32 to index
    %get3A_1240 = arith.constant 0 : index
    %get3A_1241 = tpu.vector_load %arg7[%get3A_1239, %get3A_1240] {strides = array<i32>} : memref<16x256xi32, #tpu.memory_space<vmem>>, vector<16xi32>,
    %add3A_1242 = arith.addi %add3A_1237, %get3A_1241 : vector<16xi32>
    %get3A_1243 = arith.constant 14 : i32
    %get3A_1244 = arith.index_cast %get3A_1243 : i32 to index
    %get3A_1245 = arith.constant 0 : index
    %get3A_1246 = tpu.vector_load %arg7[%get3A_1244, %get3A_1245] {strides = array<i32>} : memref<16x256xi32, #tpu.memory_space<vmem>>, vector<16xi32>,
    %add3A_1247 = arith.addi %add3A_1242, %get3A_1246 : vector<16xi32>
    %get3A_1248 = arith.constant 15 : i32
    %get3A_1249 = arith.index_cast %get3A_1248 : i32 to index
    %get3A_1250 = arith.constant 0 : index
    %get3A_1251 = tpu.vector_load %arg7[%get3A_1249, %get3A_1250] {strides = array<i32>} : memref<16x256xi32, #tpu.memory_space<vmem>>, vector<16xi32>,
    %add3A_1252 = arith.addi %add3A_1247, %get3A_1251 : vector<16xi32>
    %swap3A_1253 = arith.constant 0 : index
    %swap3A_1254 = tpu.vector_load %arg8[%swap3A_1253] {strides = array<i32>} : memref<256xi32, #tpu.memory_space<vmem>>, vector<16xi32>,
    tpu.vector_store %arg8[%swap3A_1253], %add3A_1252 {strides = array<i32>} : memref<256xi32, #tpu.memory_space<vmem>>, vector<16xi32>,
    %get3A_1255 = arith.constant 0 : i32
    %get3A_1256 = arith.index_cast %get3A_1255 : i32 to index
    %get3A_1257 = arith.constant 16 : index
    %get3A_1258 = tpu.vector_load %arg7[%get3A_1256, %get3A_1257] {strides = array<i32>} : memref<16x256xi32, #tpu.memory_space<vmem>>, vector<16xi32>,
    %get3A_1259 = arith.constant 1 : i32
    %get3A_1260 = arith.index_cast %get3A_1259 : i32 to index
    %get3A_1261 = arith.constant 16 : index
    %get3A_1262 = tpu.vector_load %arg7[%get3A_1260, %get3A_1261] {strides = array<i32>} : memref<16x256xi32, #tpu.memory_space<vmem>>, vector<16xi32>,
    %add3A_1263 = arith.addi %get3A_1258, %get3A_1262 : vector<16xi32>
    %get3A_1264 = arith.constant 2 : i32
    %get3A_1265 = arith.index_cast %get3A_1264 : i32 to index
    %get3A_1266 = arith.constant 16 : index
    %get3A_1267 = tpu.vector_load %arg7[%get3A_1265, %get3A_1266] {strides = array<i32>} : memref<16x256xi32, #tpu.memory_space<vmem>>, vector<16xi32>,
    %add3A_1268 = arith.addi %add3A_1263, %get3A_1267 : vector<16xi32>
    %get3A_1269 = arith.constant 3 : i32
    %get3A_1270 = arith.index_cast %get3A_1269 : i32 to index
    %get3A_1271 = arith.constant 16 : index
    %get3A_1272 = tpu.vector_load %arg7[%get3A_1270, %get3A_1271] {strides = array<i32>} : memref<16x256xi32, #tpu.memory_space<vmem>>, vector<16xi32>,
    %add3A_1273 = arith.addi %add3A_1268, %get3A_1272 : vector<16xi32>
    %get3A_1274 = arith.constant 4 : i32
    %get3A_1275 = arith.index_cast %get3A_1274 : i32 to index
    %get3A_1276 = arith.constant 16 : index
    %get3A_1277 = tpu.vector_load %arg7[%get3A_1275, %get3A_1276] {strides = array<i32>} : memref<16x256xi32, #tpu.memory_space<vmem>>, vector<16xi32>,
    %add3A_1278 = arith.addi %add3A_1273, %get3A_1277 : vector<16xi32>
    %get3A_1279 = arith.constant 5 : i32
    %get3A_1280 = arith.index_cast %get3A_1279 : i32 to index
    %get3A_1281 = arith.constant 16 : index
    %get3A_1282 = tpu.vector_load %arg7[%get3A_1280, %get3A_1281] {strides = array<i32>} : memref<16x256xi32, #tpu.memory_space<vmem>>, vector<16xi32>,
    %add3A_1283 = arith.addi %add3A_1278, %get3A_1282 : vector<16xi32>
    %get3A_1284 = arith.constant 6 : i32
    %get3A_1285 = arith.index_cast %get3A_1284 : i32 to index
    %get3A_1286 = arith.constant 16 : index
    %get3A_1287 = tpu.vector_load %arg7[%get3A_1285, %get3A_1286] {strides = array<i32>} : memref<16x256xi32, #tpu.memory_space<vmem>>, vector<16xi32>,
    %add3A_1288 = arith.addi %add3A_1283, %get3A_1287 : vector<16xi32>
    %get3A_1289 = arith.constant 7 : i32
    %get3A_1290 = arith.index_cast %get3A_1289 : i32 to index
    %get3A_1291 = arith.constant 16 : index
    %get3A_1292 = tpu.vector_load %arg7[%get3A_1290, %get3A_1291] {strides = array<i32>} : memref<16x256xi32, #tpu.memory_space<vmem>>, vector<16xi32>,
    %add3A_1293 = arith.addi %add3A_1288, %get3A_1292 : vector<16xi32>
    %get3A_1294 = arith.constant 8 : i32
    %get3A_1295 = arith.index_cast %get3A_1294 : i32 to index
    %get3A_1296 = arith.constant 16 : index
    %get3A_1297 = tpu.vector_load %arg7[%get3A_1295, %get3A_1296] {strides = array<i32>} : memref<16x256xi32, #tpu.memory_space<vmem>>, vector<16xi32>,
    %add3A_1298 = arith.addi %add3A_1293, %get3A_1297 : vector<16xi32>
    %get3A_1299 = arith.constant 9 : i32
    %get3A_1300 = arith.index_cast %get3A_1299 : i32 to index
    %get3A_1301 = arith.constant 16 : index
    %get3A_1302 = tpu.vector_load %arg7[%get3A_1300, %get3A_1301] {strides = array<i32>} : memref<16x256xi32, #tpu.memory_space<vmem>>, vector<16xi32>,
    %add3A_1303 = arith.addi %add3A_1298, %get3A_1302 : vector<16xi32>
    %get3A_1304 = arith.constant 10 : i32
    %get3A_1305 = arith.index_cast %get3A_1304 : i32 to index
    %get3A_1306 = arith.constant 16 : index
    %get3A_1307 = tpu.vector_load %arg7[%get3A_1305, %get3A_1306] {strides = array<i32>} : memref<16x256xi32, #tpu.memory_space<vmem>>, vector<16xi32>,
    %add3A_1308 = arith.addi %add3A_1303, %get3A_1307 : vector<16xi32>
    %get3A_1309 = arith.constant 11 : i32
    %get3A_1310 = arith.index_cast %get3A_1309 : i32 to index
    %get3A_1311 = arith.constant 16 : index
    %get3A_1312 = tpu.vector_load %arg7[%get3A_1310, %get3A_1311] {strides = array<i32>} : memref<16x256xi32, #tpu.memory_space<vmem>>, vector<16xi32>,
    %add3A_1313 = arith.addi %add3A_1308, %get3A_1312 : vector<16xi32>
    %get3A_1314 = arith.constant 12 : i32
    %get3A_1315 = arith.index_cast %get3A_1314 : i32 to index
    %get3A_1316 = arith.constant 16 : index
    %get3A_1317 = tpu.vector_load %arg7[%get3A_1315, %get3A_1316] {strides = array<i32>} : memref<16x256xi32, #tpu.memory_space<vmem>>, vector<16xi32>,
    %add3A_1318 = arith.addi %add3A_1313, %get3A_1317 : vector<16xi32>
    %get3A_1319 = arith.constant 13 : i32
    %get3A_1320 = arith.index_cast %get3A_1319 : i32 to index
    %get3A_1321 = arith.constant 16 : index
    %get3A_1322 = tpu.vector_load %arg7[%get3A_1320, %get3A_1321] {strides = array<i32>} : memref<16x256xi32, #tpu.memory_space<vmem>>, vector<16xi32>,
    %add3A_1323 = arith.addi %add3A_1318, %get3A_1322 : vector<16xi32>
    %get3A_1324 = arith.constant 14 : i32
    %get3A_1325 = arith.index_cast %get3A_1324 : i32 to index
    %get3A_1326 = arith.constant 16 : index
    %get3A_1327 = tpu.vector_load %arg7[%get3A_1325, %get3A_1326] {strides = array<i32>} : memref<16x256xi32, #tpu.memory_space<vmem>>, vector<16xi32>,
    %add3A_1328 = arith.addi %add3A_1323, %get3A_1327 : vector<16xi32>
    %get3A_1329 = arith.constant 15 : i32
    %get3A_1330 = arith.index_cast %get3A_1329 : i32 to index
    %get3A_1331 = arith.constant 16 : index
    %get3A_1332 = tpu.vector_load %arg7[%get3A_1330, %get3A_1331] {strides = array<i32>} : memref<16x256xi32, #tpu.memory_space<vmem>>, vector<16xi32>,
    %add3A_1333 = arith.addi %add3A_1328, %get3A_1332 : vector<16xi32>
    %swap3A_1334 = arith.constant 16 : index
    %swap3A_1335 = tpu.vector_load %arg8[%swap3A_1334] {strides = array<i32>} : memref<256xi32, #tpu.memory_space<vmem>>, vector<16xi32>,
    tpu.vector_store %arg8[%swap3A_1334], %add3A_1333 {strides = array<i32>} : memref<256xi32, #tpu.memory_space<vmem>>, vector<16xi32>,
    %get3A_1336 = arith.constant 0 : i32
    %get3A_1337 = arith.index_cast %get3A_1336 : i32 to index
    %get3A_1338 = arith.constant 32 : index
    %get3A_1339 = tpu.vector_load %arg7[%get3A_1337, %get3A_1338] {strides = array<i32>} : memref<16x256xi32, #tpu.memory_space<vmem>>, vector<16xi32>,
    %get3A_1340 = arith.constant 1 : i32
    %get3A_1341 = arith.index_cast %get3A_1340 : i32 to index
    %get3A_1342 = arith.constant 32 : index
    %get3A_1343 = tpu.vector_load %arg7[%get3A_1341, %get3A_1342] {strides = array<i32>} : memref<16x256xi32, #tpu.memory_space<vmem>>, vector<16xi32>,
    %add3A_1344 = arith.addi %get3A_1339, %get3A_1343 : vector<16xi32>
    %get3A_1345 = arith.constant 2 : i32
    %get3A_1346 = arith.index_cast %get3A_1345 : i32 to index
    %get3A_1347 = arith.constant 32 : index
    %get3A_1348 = tpu.vector_load %arg7[%get3A_1346, %get3A_1347] {strides = array<i32>} : memref<16x256xi32, #tpu.memory_space<vmem>>, vector<16xi32>,
    %add3A_1349 = arith.addi %add3A_1344, %get3A_1348 : vector<16xi32>
    %get3A_1350 = arith.constant 3 : i32
    %get3A_1351 = arith.index_cast %get3A_1350 : i32 to index
    %get3A_1352 = arith.constant 32 : index
    %get3A_1353 = tpu.vector_load %arg7[%get3A_1351, %get3A_1352] {strides = array<i32>} : memref<16x256xi32, #tpu.memory_space<vmem>>, vector<16xi32>,
    %add3A_1354 = arith.addi %add3A_1349, %get3A_1353 : vector<16xi32>
    %get3A_1355 = arith.constant 4 : i32
    %get3A_1356 = arith.index_cast %get3A_1355 : i32 to index
    %get3A_1357 = arith.constant 32 : index
    %get3A_1358 = tpu.vector_load %arg7[%get3A_1356, %get3A_1357] {strides = array<i32>} : memref<16x256xi32, #tpu.memory_space<vmem>>, vector<16xi32>,
    %add3A_1359 = arith.addi %add3A_1354, %get3A_1358 : vector<16xi32>
    %get3A_1360 = arith.constant 5 : i32
    %get3A_1361 = arith.index_cast %get3A_1360 : i32 to index
    %get3A_1362 = arith.constant 32 : index
    %get3A_1363 = tpu.vector_load %arg7[%get3A_1361, %get3A_1362] {strides = array<i32>} : memref<16x256xi32, #tpu.memory_space<vmem>>, vector<16xi32>,
    %add3A_1364 = arith.addi %add3A_1359, %get3A_1363 : vector<16xi32>
    %get3A_1365 = arith.constant 6 : i32
    %get3A_1366 = arith.index_cast %get3A_1365 : i32 to index
    %get3A_1367 = arith.constant 32 : index
    %get3A_1368 = tpu.vector_load %arg7[%get3A_1366, %get3A_1367] {strides = array<i32>} : memref<16x256xi32, #tpu.memory_space<vmem>>, vector<16xi32>,
    %add3A_1369 = arith.addi %add3A_1364, %get3A_1368 : vector<16xi32>
    %get3A_1370 = arith.constant 7 : i32
    %get3A_1371 = arith.index_cast %get3A_1370 : i32 to index
    %get3A_1372 = arith.constant 32 : index
    %get3A_1373 = tpu.vector_load %arg7[%get3A_1371, %get3A_1372] {strides = array<i32>} : memref<16x256xi32, #tpu.memory_space<vmem>>, vector<16xi32>,
    %add3A_1374 = arith.addi %add3A_1369, %get3A_1373 : vector<16xi32>
    %get3A_1375 = arith.constant 8 : i32
    %get3A_1376 = arith.index_cast %get3A_1375 : i32 to index
    %get3A_1377 = arith.constant 32 : index
    %get3A_1378 = tpu.vector_load %arg7[%get3A_1376, %get3A_1377] {strides = array<i32>} : memref<16x256xi32, #tpu.memory_space<vmem>>, vector<16xi32>,
    %add3A_1379 = arith.addi %add3A_1374, %get3A_1378 : vector<16xi32>
    %get3A_1380 = arith.constant 9 : i32
    %get3A_1381 = arith.index_cast %get3A_1380 : i32 to index
    %get3A_1382 = arith.constant 32 : index
    %get3A_1383 = tpu.vector_load %arg7[%get3A_1381, %get3A_1382] {strides = array<i32>} : memref<16x256xi32, #tpu.memory_space<vmem>>, vector<16xi32>,
    %add3A_1384 = arith.addi %add3A_1379, %get3A_1383 : vector<16xi32>
    %get3A_1385 = arith.constant 10 : i32
    %get3A_1386 = arith.index_cast %get3A_1385 : i32 to index
    %get3A_1387 = arith.constant 32 : index
    %get3A_1388 = tpu.vector_load %arg7[%get3A_1386, %get3A_1387] {strides = array<i32>} : memref<16x256xi32, #tpu.memory_space<vmem>>, vector<16xi32>,
    %add3A_1389 = arith.addi %add3A_1384, %get3A_1388 : vector<16xi32>
    %get3A_1390 = arith.constant 11 : i32
    %get3A_1391 = arith.index_cast %get3A_1390 : i32 to index
    %get3A_1392 = arith.constant 32 : index
    %get3A_1393 = tpu.vector_load %arg7[%get3A_1391, %get3A_1392] {strides = array<i32>} : memref<16x256xi32, #tpu.memory_space<vmem>>, vector<16xi32>,
    %add3A_1394 = arith.addi %add3A_1389, %get3A_1393 : vector<16xi32>
    %get3A_1395 = arith.constant 12 : i32
    %get3A_1396 = arith.index_cast %get3A_1395 : i32 to index
    %get3A_1397 = arith.constant 32 : index
    %get3A_1398 = tpu.vector_load %arg7[%get3A_1396, %get3A_1397] {strides = array<i32>} : memref<16x256xi32, #tpu.memory_space<vmem>>, vector<16xi32>,
    %add3A_1399 = arith.addi %add3A_1394, %get3A_1398 : vector<16xi32>
    %get3A_1400 = arith.constant 13 : i32
    %get3A_1401 = arith.index_cast %get3A_1400 : i32 to index
    %get3A_1402 = arith.constant 32 : index
    %get3A_1403 = tpu.vector_load %arg7[%get3A_1401, %get3A_1402] {strides = array<i32>} : memref<16x256xi32, #tpu.memory_space<vmem>>, vector<16xi32>,
    %add3A_1404 = arith.addi %add3A_1399, %get3A_1403 : vector<16xi32>
    %get3A_1405 = arith.constant 14 : i32
    %get3A_1406 = arith.index_cast %get3A_1405 : i32 to index
    %get3A_1407 = arith.constant 32 : index
    %get3A_1408 = tpu.vector_load %arg7[%get3A_1406, %get3A_1407] {strides = array<i32>} : memref<16x256xi32, #tpu.memory_space<vmem>>, vector<16xi32>,
    %add3A_1409 = arith.addi %add3A_1404, %get3A_1408 : vector<16xi32>
    %get3A_1410 = arith.constant 15 : i32
    %get3A_1411 = arith.index_cast %get3A_1410 : i32 to index
    %get3A_1412 = arith.constant 32 : index
    %get3A_1413 = tpu.vector_load %arg7[%get3A_1411, %get3A_1412] {strides = array<i32>} : memref<16x256xi32, #tpu.memory_space<vmem>>, vector<16xi32>,
    %add3A_1414 = arith.addi %add3A_1409, %get3A_1413 : vector<16xi32>
    %swap3A_1415 = arith.constant 32 : index
    %swap3A_1416 = tpu.vector_load %arg8[%swap3A_1415] {strides = array<i32>} : memref<256xi32, #tpu.memory_space<vmem>>, vector<16xi32>,
    tpu.vector_store %arg8[%swap3A_1415], %add3A_1414 {strides = array<i32>} : memref<256xi32, #tpu.memory_space<vmem>>, vector<16xi32>,
    %get3A_1417 = arith.constant 0 : i32
    %get3A_1418 = arith.index_cast %get3A_1417 : i32 to index
    %get3A_1419 = arith.constant 48 : index
    %get3A_1420 = tpu.vector_load %arg7[%get3A_1418, %get3A_1419] {strides = array<i32>} : memref<16x256xi32, #tpu.memory_space<vmem>>, vector<16xi32>,
    %get3A_1421 = arith.constant 1 : i32
    %get3A_1422 = arith.index_cast %get3A_1421 : i32 to index
    %get3A_1423 = arith.constant 48 : index
    %get3A_1424 = tpu.vector_load %arg7[%get3A_1422, %get3A_1423] {strides = array<i32>} : memref<16x256xi32, #tpu.memory_space<vmem>>, vector<16xi32>,
    %add3A_1425 = arith.addi %get3A_1420, %get3A_1424 : vector<16xi32>
    %get3A_1426 = arith.constant 2 : i32
    %get3A_1427 = arith.index_cast %get3A_1426 : i32 to index
    %get3A_1428 = arith.constant 48 : index
    %get3A_1429 = tpu.vector_load %arg7[%get3A_1427, %get3A_1428] {strides = array<i32>} : memref<16x256xi32, #tpu.memory_space<vmem>>, vector<16xi32>,
    %add3A_1430 = arith.addi %add3A_1425, %get3A_1429 : vector<16xi32>
    %get3A_1431 = arith.constant 3 : i32
    %get3A_1432 = arith.index_cast %get3A_1431 : i32 to index
    %get3A_1433 = arith.constant 48 : index
    %get3A_1434 = tpu.vector_load %arg7[%get3A_1432, %get3A_1433] {strides = array<i32>} : memref<16x256xi32, #tpu.memory_space<vmem>>, vector<16xi32>,
    %add3A_1435 = arith.addi %add3A_1430, %get3A_1434 : vector<16xi32>
    %get3A_1436 = arith.constant 4 : i32
    %get3A_1437 = arith.index_cast %get3A_1436 : i32 to index
    %get3A_1438 = arith.constant 48 : index
    %get3A_1439 = tpu.vector_load %arg7[%get3A_1437, %get3A_1438] {strides = array<i32>} : memref<16x256xi32, #tpu.memory_space<vmem>>, vector<16xi32>,
    %add3A_1440 = arith.addi %add3A_1435, %get3A_1439 : vector<16xi32>
    %get3A_1441 = arith.constant 5 : i32
    %get3A_1442 = arith.index_cast %get3A_1441 : i32 to index
    %get3A_1443 = arith.constant 48 : index
    %get3A_1444 = tpu.vector_load %arg7[%get3A_1442, %get3A_1443] {strides = array<i32>} : memref<16x256xi32, #tpu.memory_space<vmem>>, vector<16xi32>,
    %add3A_1445 = arith.addi %add3A_1440, %get3A_1444 : vector<16xi32>
    %get3A_1446 = arith.constant 6 : i32
    %get3A_1447 = arith.index_cast %get3A_1446 : i32 to index
    %get3A_1448 = arith.constant 48 : index
    %get3A_1449 = tpu.vector_load %arg7[%get3A_1447, %get3A_1448] {strides = array<i32>} : memref<16x256xi32, #tpu.memory_space<vmem>>, vector<16xi32>,
    %add3A_1450 = arith.addi %add3A_1445, %get3A_1449 : vector<16xi32>
    %get3A_1451 = arith.constant 7 : i32
    %get3A_1452 = arith.index_cast %get3A_1451 : i32 to index
    %get3A_1453 = arith.constant 48 : index
    %get3A_1454 = tpu.vector_load %arg7[%get3A_1452, %get3A_1453] {strides = array<i32>} : memref<16x256xi32, #tpu.memory_space<vmem>>, vector<16xi32>,
    %add3A_1455 = arith.addi %add3A_1450, %get3A_1454 : vector<16xi32>
    %get3A_1456 = arith.constant 8 : i32
    %get3A_1457 = arith.index_cast %get3A_1456 : i32 to index
    %get3A_1458 = arith.constant 48 : index
    %get3A_1459 = tpu.vector_load %arg7[%get3A_1457, %get3A_1458] {strides = array<i32>} : memref<16x256xi32, #tpu.memory_space<vmem>>, vector<16xi32>,
    %add3A_1460 = arith.addi %add3A_1455, %get3A_1459 : vector<16xi32>
    %get3A_1461 = arith.constant 9 : i32
    %get3A_1462 = arith.index_cast %get3A_1461 : i32 to index
    %get3A_1463 = arith.constant 48 : index
    %get3A_1464 = tpu.vector_load %arg7[%get3A_1462, %get3A_1463] {strides = array<i32>} : memref<16x256xi32, #tpu.memory_space<vmem>>, vector<16xi32>,
    %add3A_1465 = arith.addi %add3A_1460, %get3A_1464 : vector<16xi32>
    %get3A_1466 = arith.constant 10 : i32
    %get3A_1467 = arith.index_cast %get3A_1466 : i32 to index
    %get3A_1468 = arith.constant 48 : index
    %get3A_1469 = tpu.vector_load %arg7[%get3A_1467, %get3A_1468] {strides = array<i32>} : memref<16x256xi32, #tpu.memory_space<vmem>>, vector<16xi32>,
    %add3A_1470 = arith.addi %add3A_1465, %get3A_1469 : vector<16xi32>
    %get3A_1471 = arith.constant 11 : i32
    %get3A_1472 = arith.index_cast %get3A_1471 : i32 to index
    %get3A_1473 = arith.constant 48 : index
    %get3A_1474 = tpu.vector_load %arg7[%get3A_1472, %get3A_1473] {strides = array<i32>} : memref<16x256xi32, #tpu.memory_space<vmem>>, vector<16xi32>,
    %add3A_1475 = arith.addi %add3A_1470, %get3A_1474 : vector<16xi32>
    %get3A_1476 = arith.constant 12 : i32
    %get3A_1477 = arith.index_cast %get3A_1476 : i32 to index
    %get3A_1478 = arith.constant 48 : index
    %get3A_1479 = tpu.vector_load %arg7[%get3A_1477, %get3A_1478] {strides = array<i32>} : memref<16x256xi32, #tpu.memory_space<vmem>>, vector<16xi32>,
    %add3A_1480 = arith.addi %add3A_1475, %get3A_1479 : vector<16xi32>
    %get3A_1481 = arith.constant 13 : i32
    %get3A_1482 = arith.index_cast %get3A_1481 : i32 to index
    %get3A_1483 = arith.constant 48 : index
    %get3A_1484 = tpu.vector_load %arg7[%get3A_1482, %get3A_1483] {strides = array<i32>} : memref<16x256xi32, #tpu.memory_space<vmem>>, vector<16xi32>,
    %add3A_1485 = arith.addi %add3A_1480, %get3A_1484 : vector<16xi32>
    %get3A_1486 = arith.constant 14 : i32
    %get3A_1487 = arith.index_cast %get3A_1486 : i32 to index
    %get3A_1488 = arith.constant 48 : index
    %get3A_1489 = tpu.vector_load %arg7[%get3A_1487, %get3A_1488] {strides = array<i32>} : memref<16x256xi32, #tpu.memory_space<vmem>>, vector<16xi32>,
    %add3A_1490 = arith.addi %add3A_1485, %get3A_1489 : vector<16xi32>
    %get3A_1491 = arith.constant 15 : i32
    %get3A_1492 = arith.index_cast %get3A_1491 : i32 to index
    %get3A_1493 = arith.constant 48 : index
    %get3A_1494 = tpu.vector_load %arg7[%get3A_1492, %get3A_1493] {strides = array<i32>} : memref<16x256xi32, #tpu.memory_space<vmem>>, vector<16xi32>,
    %add3A_1495 = arith.addi %add3A_1490, %get3A_1494 : vector<16xi32>
    %swap3A_1496 = arith.constant 48 : index
    %swap3A_1497 = tpu.vector_load %arg8[%swap3A_1496] {strides = array<i32>} : memref<256xi32, #tpu.memory_space<vmem>>, vector<16xi32>,
    tpu.vector_store %arg8[%swap3A_1496], %add3A_1495 {strides = array<i32>} : memref<256xi32, #tpu.memory_space<vmem>>, vector<16xi32>,
    %get3A_1498 = arith.constant 0 : i32
    %get3A_1499 = arith.index_cast %get3A_1498 : i32 to index
    %get3A_1500 = arith.constant 64 : index
    %get3A_1501 = tpu.vector_load %arg7[%get3A_1499, %get3A_1500] {strides = array<i32>} : memref<16x256xi32, #tpu.memory_space<vmem>>, vector<16xi32>,
    %get3A_1502 = arith.constant 1 : i32
    %get3A_1503 = arith.index_cast %get3A_1502 : i32 to index
    %get3A_1504 = arith.constant 64 : index
    %get3A_1505 = tpu.vector_load %arg7[%get3A_1503, %get3A_1504] {strides = array<i32>} : memref<16x256xi32, #tpu.memory_space<vmem>>, vector<16xi32>,
    %add3A_1506 = arith.addi %get3A_1501, %get3A_1505 : vector<16xi32>
    %get3A_1507 = arith.constant 2 : i32
    %get3A_1508 = arith.index_cast %get3A_1507 : i32 to index
    %get3A_1509 = arith.constant 64 : index
    %get3A_1510 = tpu.vector_load %arg7[%get3A_1508, %get3A_1509] {strides = array<i32>} : memref<16x256xi32, #tpu.memory_space<vmem>>, vector<16xi32>,
    %add3A_1511 = arith.addi %add3A_1506, %get3A_1510 : vector<16xi32>
    %get3A_1512 = arith.constant 3 : i32
    %get3A_1513 = arith.index_cast %get3A_1512 : i32 to index
    %get3A_1514 = arith.constant 64 : index
    %get3A_1515 = tpu.vector_load %arg7[%get3A_1513, %get3A_1514] {strides = array<i32>} : memref<16x256xi32, #tpu.memory_space<vmem>>, vector<16xi32>,
    %add3A_1516 = arith.addi %add3A_1511, %get3A_1515 : vector<16xi32>
    %get3A_1517 = arith.constant 4 : i32
    %get3A_1518 = arith.index_cast %get3A_1517 : i32 to index
    %get3A_1519 = arith.constant 64 : index
    %get3A_1520 = tpu.vector_load %arg7[%get3A_1518, %get3A_1519] {strides = array<i32>} : memref<16x256xi32, #tpu.memory_space<vmem>>, vector<16xi32>,
    %add3A_1521 = arith.addi %add3A_1516, %get3A_1520 : vector<16xi32>
    %get3A_1522 = arith.constant 5 : i32
    %get3A_1523 = arith.index_cast %get3A_1522 : i32 to index
    %get3A_1524 = arith.constant 64 : index
    %get3A_1525 = tpu.vector_load %arg7[%get3A_1523, %get3A_1524] {strides = array<i32>} : memref<16x256xi32, #tpu.memory_space<vmem>>, vector<16xi32>,
    %add3A_1526 = arith.addi %add3A_1521, %get3A_1525 : vector<16xi32>
    %get3A_1527 = arith.constant 6 : i32
    %get3A_1528 = arith.index_cast %get3A_1527 : i32 to index
    %get3A_1529 = arith.constant 64 : index
    %get3A_1530 = tpu.vector_load %arg7[%get3A_1528, %get3A_1529] {strides = array<i32>} : memref<16x256xi32, #tpu.memory_space<vmem>>, vector<16xi32>,
    %add3A_1531 = arith.addi %add3A_1526, %get3A_1530 : vector<16xi32>
    %get3A_1532 = arith.constant 7 : i32
    %get3A_1533 = arith.index_cast %get3A_1532 : i32 to index
    %get3A_1534 = arith.constant 64 : index
    %get3A_1535 = tpu.vector_load %arg7[%get3A_1533, %get3A_1534] {strides = array<i32>} : memref<16x256xi32, #tpu.memory_space<vmem>>, vector<16xi32>,
    %add3A_1536 = arith.addi %add3A_1531, %get3A_1535 : vector<16xi32>
    %get3A_1537 = arith.constant 8 : i32
    %get3A_1538 = arith.index_cast %get3A_1537 : i32 to index
    %get3A_1539 = arith.constant 64 : index
    %get3A_1540 = tpu.vector_load %arg7[%get3A_1538, %get3A_1539] {strides = array<i32>} : memref<16x256xi32, #tpu.memory_space<vmem>>, vector<16xi32>,
    %add3A_1541 = arith.addi %add3A_1536, %get3A_1540 : vector<16xi32>
    %get3A_1542 = arith.constant 9 : i32
    %get3A_1543 = arith.index_cast %get3A_1542 : i32 to index
    %get3A_1544 = arith.constant 64 : index
    %get3A_1545 = tpu.vector_load %arg7[%get3A_1543, %get3A_1544] {strides = array<i32>} : memref<16x256xi32, #tpu.memory_space<vmem>>, vector<16xi32>,
    %add3A_1546 = arith.addi %add3A_1541, %get3A_1545 : vector<16xi32>
    %get3A_1547 = arith.constant 10 : i32
    %get3A_1548 = arith.index_cast %get3A_1547 : i32 to index
    %get3A_1549 = arith.constant 64 : index
    %get3A_1550 = tpu.vector_load %arg7[%get3A_1548, %get3A_1549] {strides = array<i32>} : memref<16x256xi32, #tpu.memory_space<vmem>>, vector<16xi32>,
    %add3A_1551 = arith.addi %add3A_1546, %get3A_1550 : vector<16xi32>
    %get3A_1552 = arith.constant 11 : i32
    %get3A_1553 = arith.index_cast %get3A_1552 : i32 to index
    %get3A_1554 = arith.constant 64 : index
    %get3A_1555 = tpu.vector_load %arg7[%get3A_1553, %get3A_1554] {strides = array<i32>} : memref<16x256xi32, #tpu.memory_space<vmem>>, vector<16xi32>,
    %add3A_1556 = arith.addi %add3A_1551, %get3A_1555 : vector<16xi32>
    %get3A_1557 = arith.constant 12 : i32
    %get3A_1558 = arith.index_cast %get3A_1557 : i32 to index
    %get3A_1559 = arith.constant 64 : index
    %get3A_1560 = tpu.vector_load %arg7[%get3A_1558, %get3A_1559] {strides = array<i32>} : memref<16x256xi32, #tpu.memory_space<vmem>>, vector<16xi32>,
    %add3A_1561 = arith.addi %add3A_1556, %get3A_1560 : vector<16xi32>
    %get3A_1562 = arith.constant 13 : i32
    %get3A_1563 = arith.index_cast %get3A_1562 : i32 to index
    %get3A_1564 = arith.constant 64 : index
    %get3A_1565 = tpu.vector_load %arg7[%get3A_1563, %get3A_1564] {strides = array<i32>} : memref<16x256xi32, #tpu.memory_space<vmem>>, vector<16xi32>,
    %add3A_1566 = arith.addi %add3A_1561, %get3A_1565 : vector<16xi32>
    %get3A_1567 = arith.constant 14 : i32
    %get3A_1568 = arith.index_cast %get3A_1567 : i32 to index
    %get3A_1569 = arith.constant 64 : index
    %get3A_1570 = tpu.vector_load %arg7[%get3A_1568, %get3A_1569] {strides = array<i32>} : memref<16x256xi32, #tpu.memory_space<vmem>>, vector<16xi32>,
    %add3A_1571 = arith.addi %add3A_1566, %get3A_1570 : vector<16xi32>
    %get3A_1572 = arith.constant 15 : i32
    %get3A_1573 = arith.index_cast %get3A_1572 : i32 to index
    %get3A_1574 = arith.constant 64 : index
    %get3A_1575 = tpu.vector_load %arg7[%get3A_1573, %get3A_1574] {strides = array<i32>} : memref<16x256xi32, #tpu.memory_space<vmem>>, vector<16xi32>,
    %add3A_1576 = arith.addi %add3A_1571, %get3A_1575 : vector<16xi32>
    %swap3A_1577 = arith.constant 64 : index
    %swap3A_1578 = tpu.vector_load %arg8[%swap3A_1577] {strides = array<i32>} : memref<256xi32, #tpu.memory_space<vmem>>, vector<16xi32>,
    tpu.vector_store %arg8[%swap3A_1577], %add3A_1576 {strides = array<i32>} : memref<256xi32, #tpu.memory_space<vmem>>, vector<16xi32>,
    %get3A_1579 = arith.constant 0 : i32
    %get3A_1580 = arith.index_cast %get3A_1579 : i32 to index
    %get3A_1581 = arith.constant 80 : index
    %get3A_1582 = tpu.vector_load %arg7[%get3A_1580, %get3A_1581] {strides = array<i32>} : memref<16x256xi32, #tpu.memory_space<vmem>>, vector<16xi32>,
    %get3A_1583 = arith.constant 1 : i32
    %get3A_1584 = arith.index_cast %get3A_1583 : i32 to index
    %get3A_1585 = arith.constant 80 : index
    %get3A_1586 = tpu.vector_load %arg7[%get3A_1584, %get3A_1585] {strides = array<i32>} : memref<16x256xi32, #tpu.memory_space<vmem>>, vector<16xi32>,
    %add3A_1587 = arith.addi %get3A_1582, %get3A_1586 : vector<16xi32>
    %get3A_1588 = arith.constant 2 : i32
    %get3A_1589 = arith.index_cast %get3A_1588 : i32 to index
    %get3A_1590 = arith.constant 80 : index
    %get3A_1591 = tpu.vector_load %arg7[%get3A_1589, %get3A_1590] {strides = array<i32>} : memref<16x256xi32, #tpu.memory_space<vmem>>, vector<16xi32>,
    %add3A_1592 = arith.addi %add3A_1587, %get3A_1591 : vector<16xi32>
    %get3A_1593 = arith.constant 3 : i32
    %get3A_1594 = arith.index_cast %get3A_1593 : i32 to index
    %get3A_1595 = arith.constant 80 : index
    %get3A_1596 = tpu.vector_load %arg7[%get3A_1594, %get3A_1595] {strides = array<i32>} : memref<16x256xi32, #tpu.memory_space<vmem>>, vector<16xi32>,
    %add3A_1597 = arith.addi %add3A_1592, %get3A_1596 : vector<16xi32>
    %get3A_1598 = arith.constant 4 : i32
    %get3A_1599 = arith.index_cast %get3A_1598 : i32 to index
    %get3A_1600 = arith.constant 80 : index
    %get3A_1601 = tpu.vector_load %arg7[%get3A_1599, %get3A_1600] {strides = array<i32>} : memref<16x256xi32, #tpu.memory_space<vmem>>, vector<16xi32>,
    %add3A_1602 = arith.addi %add3A_1597, %get3A_1601 : vector<16xi32>
    %get3A_1603 = arith.constant 5 : i32
    %get3A_1604 = arith.index_cast %get3A_1603 : i32 to index
    %get3A_1605 = arith.constant 80 : index
    %get3A_1606 = tpu.vector_load %arg7[%get3A_1604, %get3A_1605] {strides = array<i32>} : memref<16x256xi32, #tpu.memory_space<vmem>>, vector<16xi32>,
    %add3A_1607 = arith.addi %add3A_1602, %get3A_1606 : vector<16xi32>
    %get3A_1608 = arith.constant 6 : i32
    %get3A_1609 = arith.index_cast %get3A_1608 : i32 to index
    %get3A_1610 = arith.constant 80 : index
    %get3A_1611 = tpu.vector_load %arg7[%get3A_1609, %get3A_1610] {strides = array<i32>} : memref<16x256xi32, #tpu.memory_space<vmem>>, vector<16xi32>,
    %add3A_1612 = arith.addi %add3A_1607, %get3A_1611 : vector<16xi32>
    %get3A_1613 = arith.constant 7 : i32
    %get3A_1614 = arith.index_cast %get3A_1613 : i32 to index
    %get3A_1615 = arith.constant 80 : index
    %get3A_1616 = tpu.vector_load %arg7[%get3A_1614, %get3A_1615] {strides = array<i32>} : memref<16x256xi32, #tpu.memory_space<vmem>>, vector<16xi32>,
    %add3A_1617 = arith.addi %add3A_1612, %get3A_1616 : vector<16xi32>
    %get3A_1618 = arith.constant 8 : i32
    %get3A_1619 = arith.index_cast %get3A_1618 : i32 to index
    %get3A_1620 = arith.constant 80 : index
    %get3A_1621 = tpu.vector_load %arg7[%get3A_1619, %get3A_1620] {strides = array<i32>} : memref<16x256xi32, #tpu.memory_space<vmem>>, vector<16xi32>,
    %add3A_1622 = arith.addi %add3A_1617, %get3A_1621 : vector<16xi32>
    %get3A_1623 = arith.constant 9 : i32
    %get3A_1624 = arith.index_cast %get3A_1623 : i32 to index
    %get3A_1625 = arith.constant 80 : index
    %get3A_1626 = tpu.vector_load %arg7[%get3A_1624, %get3A_1625] {strides = array<i32>} : memref<16x256xi32, #tpu.memory_space<vmem>>, vector<16xi32>,
    %add3A_1627 = arith.addi %add3A_1622, %get3A_1626 : vector<16xi32>
    %get3A_1628 = arith.constant 10 : i32
    %get3A_1629 = arith.index_cast %get3A_1628 : i32 to index
    %get3A_1630 = arith.constant 80 : index
    %get3A_1631 = tpu.vector_load %arg7[%get3A_1629, %get3A_1630] {strides = array<i32>} : memref<16x256xi32, #tpu.memory_space<vmem>>, vector<16xi32>,
    %add3A_1632 = arith.addi %add3A_1627, %get3A_1631 : vector<16xi32>
    %get3A_1633 = arith.constant 11 : i32
    %get3A_1634 = arith.index_cast %get3A_1633 : i32 to index
    %get3A_1635 = arith.constant 80 : index
    %get3A_1636 = tpu.vector_load %arg7[%get3A_1634, %get3A_1635] {strides = array<i32>} : memref<16x256xi32, #tpu.memory_space<vmem>>, vector<16xi32>,
    %add3A_1637 = arith.addi %add3A_1632, %get3A_1636 : vector<16xi32>
    %get3A_1638 = arith.constant 12 : i32
    %get3A_1639 = arith.index_cast %get3A_1638 : i32 to index
    %get3A_1640 = arith.constant 80 : index
    %get3A_1641 = tpu.vector_load %arg7[%get3A_1639, %get3A_1640] {strides = array<i32>} : memref<16x256xi32, #tpu.memory_space<vmem>>, vector<16xi32>,
    %add3A_1642 = arith.addi %add3A_1637, %get3A_1641 : vector<16xi32>
    %get3A_1643 = arith.constant 13 : i32
    %get3A_1644 = arith.index_cast %get3A_1643 : i32 to index
    %get3A_1645 = arith.constant 80 : index
    %get3A_1646 = tpu.vector_load %arg7[%get3A_1644, %get3A_1645] {strides = array<i32>} : memref<16x256xi32, #tpu.memory_space<vmem>>, vector<16xi32>,
    %add3A_1647 = arith.addi %add3A_1642, %get3A_1646 : vector<16xi32>
    %get3A_1648 = arith.constant 14 : i32
    %get3A_1649 = arith.index_cast %get3A_1648 : i32 to index
    %get3A_1650 = arith.constant 80 : index
    %get3A_1651 = tpu.vector_load %arg7[%get3A_1649, %get3A_1650] {strides = array<i32>} : memref<16x256xi32, #tpu.memory_space<vmem>>, vector<16xi32>,
    %add3A_1652 = arith.addi %add3A_1647, %get3A_1651 : vector<16xi32>
    %get3A_1653 = arith.constant 15 : i32
    %get3A_1654 = arith.index_cast %get3A_1653 : i32 to index
    %get3A_1655 = arith.constant 80 : index
    %get3A_1656 = tpu.vector_load %arg7[%get3A_1654, %get3A_1655] {strides = array<i32>} : memref<16x256xi32, #tpu.memory_space<vmem>>, vector<16xi32>,
    %add3A_1657 = arith.addi %add3A_1652, %get3A_1656 : vector<16xi32>
    %swap3A_1658 = arith.constant 80 : index
    %swap3A_1659 = tpu.vector_load %arg8[%swap3A_1658] {strides = array<i32>} : memref<256xi32, #tpu.memory_space<vmem>>, vector<16xi32>,
    tpu.vector_store %arg8[%swap3A_1658], %add3A_1657 {strides = array<i32>} : memref<256xi32, #tpu.memory_space<vmem>>, vector<16xi32>,
    %get3A_1660 = arith.constant 0 : i32
    %get3A_1661 = arith.index_cast %get3A_1660 : i32 to index
    %get3A_1662 = arith.constant 96 : index
    %get3A_1663 = tpu.vector_load %arg7[%get3A_1661, %get3A_1662] {strides = array<i32>} : memref<16x256xi32, #tpu.memory_space<vmem>>, vector<16xi32>,
    %get3A_1664 = arith.constant 1 : i32
    %get3A_1665 = arith.index_cast %get3A_1664 : i32 to index
    %get3A_1666 = arith.constant 96 : index
    %get3A_1667 = tpu.vector_load %arg7[%get3A_1665, %get3A_1666] {strides = array<i32>} : memref<16x256xi32, #tpu.memory_space<vmem>>, vector<16xi32>,
    %add3A_1668 = arith.addi %get3A_1663, %get3A_1667 : vector<16xi32>
    %get3A_1669 = arith.constant 2 : i32
    %get3A_1670 = arith.index_cast %get3A_1669 : i32 to index
    %get3A_1671 = arith.constant 96 : index
    %get3A_1672 = tpu.vector_load %arg7[%get3A_1670, %get3A_1671] {strides = array<i32>} : memref<16x256xi32, #tpu.memory_space<vmem>>, vector<16xi32>,
    %add3A_1673 = arith.addi %add3A_1668, %get3A_1672 : vector<16xi32>
    %get3A_1674 = arith.constant 3 : i32
    %get3A_1675 = arith.index_cast %get3A_1674 : i32 to index
    %get3A_1676 = arith.constant 96 : index
    %get3A_1677 = tpu.vector_load %arg7[%get3A_1675, %get3A_1676] {strides = array<i32>} : memref<16x256xi32, #tpu.memory_space<vmem>>, vector<16xi32>,
    %add3A_1678 = arith.addi %add3A_1673, %get3A_1677 : vector<16xi32>
    %get3A_1679 = arith.constant 4 : i32
    %get3A_1680 = arith.index_cast %get3A_1679 : i32 to index
    %get3A_1681 = arith.constant 96 : index
    %get3A_1682 = tpu.vector_load %arg7[%get3A_1680, %get3A_1681] {strides = array<i32>} : memref<16x256xi32, #tpu.memory_space<vmem>>, vector<16xi32>,
    %add3A_1683 = arith.addi %add3A_1678, %get3A_1682 : vector<16xi32>
    %get3A_1684 = arith.constant 5 : i32
    %get3A_1685 = arith.index_cast %get3A_1684 : i32 to index
    %get3A_1686 = arith.constant 96 : index
    %get3A_1687 = tpu.vector_load %arg7[%get3A_1685, %get3A_1686] {strides = array<i32>} : memref<16x256xi32, #tpu.memory_space<vmem>>, vector<16xi32>,
    %add3A_1688 = arith.addi %add3A_1683, %get3A_1687 : vector<16xi32>
    %get3A_1689 = arith.constant 6 : i32
    %get3A_1690 = arith.index_cast %get3A_1689 : i32 to index
    %get3A_1691 = arith.constant 96 : index
    %get3A_1692 = tpu.vector_load %arg7[%get3A_1690, %get3A_1691] {strides = array<i32>} : memref<16x256xi32, #tpu.memory_space<vmem>>, vector<16xi32>,
    %add3A_1693 = arith.addi %add3A_1688, %get3A_1692 : vector<16xi32>
    %get3A_1694 = arith.constant 7 : i32
    %get3A_1695 = arith.index_cast %get3A_1694 : i32 to index
    %get3A_1696 = arith.constant 96 : index
    %get3A_1697 = tpu.vector_load %arg7[%get3A_1695, %get3A_1696] {strides = array<i32>} : memref<16x256xi32, #tpu.memory_space<vmem>>, vector<16xi32>,
    %add3A_1698 = arith.addi %add3A_1693, %get3A_1697 : vector<16xi32>
    %get3A_1699 = arith.constant 8 : i32
    %get3A_1700 = arith.index_cast %get3A_1699 : i32 to index
    %get3A_1701 = arith.constant 96 : index
    %get3A_1702 = tpu.vector_load %arg7[%get3A_1700, %get3A_1701] {strides = array<i32>} : memref<16x256xi32, #tpu.memory_space<vmem>>, vector<16xi32>,
    %add3A_1703 = arith.addi %add3A_1698, %get3A_1702 : vector<16xi32>
    %get3A_1704 = arith.constant 9 : i32
    %get3A_1705 = arith.index_cast %get3A_1704 : i32 to index
    %get3A_1706 = arith.constant 96 : index
    %get3A_1707 = tpu.vector_load %arg7[%get3A_1705, %get3A_1706] {strides = array<i32>} : memref<16x256xi32, #tpu.memory_space<vmem>>, vector<16xi32>,
    %add3A_1708 = arith.addi %add3A_1703, %get3A_1707 : vector<16xi32>
    %get3A_1709 = arith.constant 10 : i32
    %get3A_1710 = arith.index_cast %get3A_1709 : i32 to index
    %get3A_1711 = arith.constant 96 : index
    %get3A_1712 = tpu.vector_load %arg7[%get3A_1710, %get3A_1711] {strides = array<i32>} : memref<16x256xi32, #tpu.memory_space<vmem>>, vector<16xi32>,
    %add3A_1713 = arith.addi %add3A_1708, %get3A_1712 : vector<16xi32>
    %get3A_1714 = arith.constant 11 : i32
    %get3A_1715 = arith.index_cast %get3A_1714 : i32 to index
    %get3A_1716 = arith.constant 96 : index
    %get3A_1717 = tpu.vector_load %arg7[%get3A_1715, %get3A_1716] {strides = array<i32>} : memref<16x256xi32, #tpu.memory_space<vmem>>, vector<16xi32>,
    %add3A_1718 = arith.addi %add3A_1713, %get3A_1717 : vector<16xi32>
    %get3A_1719 = arith.constant 12 : i32
    %get3A_1720 = arith.index_cast %get3A_1719 : i32 to index
    %get3A_1721 = arith.constant 96 : index
    %get3A_1722 = tpu.vector_load %arg7[%get3A_1720, %get3A_1721] {strides = array<i32>} : memref<16x256xi32, #tpu.memory_space<vmem>>, vector<16xi32>,
    %add3A_1723 = arith.addi %add3A_1718, %get3A_1722 : vector<16xi32>
    %get3A_1724 = arith.constant 13 : i32
    %get3A_1725 = arith.index_cast %get3A_1724 : i32 to index
    %get3A_1726 = arith.constant 96 : index
    %get3A_1727 = tpu.vector_load %arg7[%get3A_1725, %get3A_1726] {strides = array<i32>} : memref<16x256xi32, #tpu.memory_space<vmem>>, vector<16xi32>,
    %add3A_1728 = arith.addi %add3A_1723, %get3A_1727 : vector<16xi32>
    %get3A_1729 = arith.constant 14 : i32
    %get3A_1730 = arith.index_cast %get3A_1729 : i32 to index
    %get3A_1731 = arith.constant 96 : index
    %get3A_1732 = tpu.vector_load %arg7[%get3A_1730, %get3A_1731] {strides = array<i32>} : memref<16x256xi32, #tpu.memory_space<vmem>>, vector<16xi32>,
    %add3A_1733 = arith.addi %add3A_1728, %get3A_1732 : vector<16xi32>
    %get3A_1734 = arith.constant 15 : i32
    %get3A_1735 = arith.index_cast %get3A_1734 : i32 to index
    %get3A_1736 = arith.constant 96 : index
    %get3A_1737 = tpu.vector_load %arg7[%get3A_1735, %get3A_1736] {strides = array<i32>} : memref<16x256xi32, #tpu.memory_space<vmem>>, vector<16xi32>,
    %add3A_1738 = arith.addi %add3A_1733, %get3A_1737 : vector<16xi32>
    %swap3A_1739 = arith.constant 96 : index
    %swap3A_1740 = tpu.vector_load %arg8[%swap3A_1739] {strides = array<i32>} : memref<256xi32, #tpu.memory_space<vmem>>, vector<16xi32>,
    tpu.vector_store %arg8[%swap3A_1739], %add3A_1738 {strides = array<i32>} : memref<256xi32, #tpu.memory_space<vmem>>, vector<16xi32>,
    %get3A_1741 = arith.constant 0 : i32
    %get3A_1742 = arith.index_cast %get3A_1741 : i32 to index
    %get3A_1743 = arith.constant 112 : index
    %get3A_1744 = tpu.vector_load %arg7[%get3A_1742, %get3A_1743] {strides = array<i32>} : memref<16x256xi32, #tpu.memory_space<vmem>>, vector<16xi32>,
    %get3A_1745 = arith.constant 1 : i32
    %get3A_1746 = arith.index_cast %get3A_1745 : i32 to index
    %get3A_1747 = arith.constant 112 : index
    %get3A_1748 = tpu.vector_load %arg7[%get3A_1746, %get3A_1747] {strides = array<i32>} : memref<16x256xi32, #tpu.memory_space<vmem>>, vector<16xi32>,
    %add3A_1749 = arith.addi %get3A_1744, %get3A_1748 : vector<16xi32>
    %get3A_1750 = arith.constant 2 : i32
    %get3A_1751 = arith.index_cast %get3A_1750 : i32 to index
    %get3A_1752 = arith.constant 112 : index
    %get3A_1753 = tpu.vector_load %arg7[%get3A_1751, %get3A_1752] {strides = array<i32>} : memref<16x256xi32, #tpu.memory_space<vmem>>, vector<16xi32>,
    %add3A_1754 = arith.addi %add3A_1749, %get3A_1753 : vector<16xi32>
    %get3A_1755 = arith.constant 3 : i32
    %get3A_1756 = arith.index_cast %get3A_1755 : i32 to index
    %get3A_1757 = arith.constant 112 : index
    %get3A_1758 = tpu.vector_load %arg7[%get3A_1756, %get3A_1757] {strides = array<i32>} : memref<16x256xi32, #tpu.memory_space<vmem>>, vector<16xi32>,
    %add3A_1759 = arith.addi %add3A_1754, %get3A_1758 : vector<16xi32>
    %get3A_1760 = arith.constant 4 : i32
    %get3A_1761 = arith.index_cast %get3A_1760 : i32 to index
    %get3A_1762 = arith.constant 112 : index
    %get3A_1763 = tpu.vector_load %arg7[%get3A_1761, %get3A_1762] {strides = array<i32>} : memref<16x256xi32, #tpu.memory_space<vmem>>, vector<16xi32>,
    %add3A_1764 = arith.addi %add3A_1759, %get3A_1763 : vector<16xi32>
    %get3A_1765 = arith.constant 5 : i32
    %get3A_1766 = arith.index_cast %get3A_1765 : i32 to index
    %get3A_1767 = arith.constant 112 : index
    %get3A_1768 = tpu.vector_load %arg7[%get3A_1766, %get3A_1767] {strides = array<i32>} : memref<16x256xi32, #tpu.memory_space<vmem>>, vector<16xi32>,
    %add3A_1769 = arith.addi %add3A_1764, %get3A_1768 : vector<16xi32>
    %get3A_1770 = arith.constant 6 : i32
    %get3A_1771 = arith.index_cast %get3A_1770 : i32 to index
    %get3A_1772 = arith.constant 112 : index
    %get3A_1773 = tpu.vector_load %arg7[%get3A_1771, %get3A_1772] {strides = array<i32>} : memref<16x256xi32, #tpu.memory_space<vmem>>, vector<16xi32>,
    %add3A_1774 = arith.addi %add3A_1769, %get3A_1773 : vector<16xi32>
    %get3A_1775 = arith.constant 7 : i32
    %get3A_1776 = arith.index_cast %get3A_1775 : i32 to index
    %get3A_1777 = arith.constant 112 : index
    %get3A_1778 = tpu.vector_load %arg7[%get3A_1776, %get3A_1777] {strides = array<i32>} : memref<16x256xi32, #tpu.memory_space<vmem>>, vector<16xi32>,
    %add3A_1779 = arith.addi %add3A_1774, %get3A_1778 : vector<16xi32>
    %get3A_1780 = arith.constant 8 : i32
    %get3A_1781 = arith.index_cast %get3A_1780 : i32 to index
    %get3A_1782 = arith.constant 112 : index
    %get3A_1783 = tpu.vector_load %arg7[%get3A_1781, %get3A_1782] {strides = array<i32>} : memref<16x256xi32, #tpu.memory_space<vmem>>, vector<16xi32>,
    %add3A_1784 = arith.addi %add3A_1779, %get3A_1783 : vector<16xi32>
    %get3A_1785 = arith.constant 9 : i32
    %get3A_1786 = arith.index_cast %get3A_1785 : i32 to index
    %get3A_1787 = arith.constant 112 : index
    %get3A_1788 = tpu.vector_load %arg7[%get3A_1786, %get3A_1787] {strides = array<i32>} : memref<16x256xi32, #tpu.memory_space<vmem>>, vector<16xi32>,
    %add3A_1789 = arith.addi %add3A_1784, %get3A_1788 : vector<16xi32>
    %get3A_1790 = arith.constant 10 : i32
    %get3A_1791 = arith.index_cast %get3A_1790 : i32 to index
    %get3A_1792 = arith.constant 112 : index
    %get3A_1793 = tpu.vector_load %arg7[%get3A_1791, %get3A_1792] {strides = array<i32>} : memref<16x256xi32, #tpu.memory_space<vmem>>, vector<16xi32>,
    %add3A_1794 = arith.addi %add3A_1789, %get3A_1793 : vector<16xi32>
    %get3A_1795 = arith.constant 11 : i32
    %get3A_1796 = arith.index_cast %get3A_1795 : i32 to index
    %get3A_1797 = arith.constant 112 : index
    %get3A_1798 = tpu.vector_load %arg7[%get3A_1796, %get3A_1797] {strides = array<i32>} : memref<16x256xi32, #tpu.memory_space<vmem>>, vector<16xi32>,
    %add3A_1799 = arith.addi %add3A_1794, %get3A_1798 : vector<16xi32>
    %get3A_1800 = arith.constant 12 : i32
    %get3A_1801 = arith.index_cast %get3A_1800 : i32 to index
    %get3A_1802 = arith.constant 112 : index
    %get3A_1803 = tpu.vector_load %arg7[%get3A_1801, %get3A_1802] {strides = array<i32>} : memref<16x256xi32, #tpu.memory_space<vmem>>, vector<16xi32>,
    %add3A_1804 = arith.addi %add3A_1799, %get3A_1803 : vector<16xi32>
    %get3A_1805 = arith.constant 13 : i32
    %get3A_1806 = arith.index_cast %get3A_1805 : i32 to index
    %get3A_1807 = arith.constant 112 : index
    %get3A_1808 = tpu.vector_load %arg7[%get3A_1806, %get3A_1807] {strides = array<i32>} : memref<16x256xi32, #tpu.memory_space<vmem>>, vector<16xi32>,
    %add3A_1809 = arith.addi %add3A_1804, %get3A_1808 : vector<16xi32>
    %get3A_1810 = arith.constant 14 : i32
    %get3A_1811 = arith.index_cast %get3A_1810 : i32 to index
    %get3A_1812 = arith.constant 112 : index
    %get3A_1813 = tpu.vector_load %arg7[%get3A_1811, %get3A_1812] {strides = array<i32>} : memref<16x256xi32, #tpu.memory_space<vmem>>, vector<16xi32>,
    %add3A_1814 = arith.addi %add3A_1809, %get3A_1813 : vector<16xi32>
    %get3A_1815 = arith.constant 15 : i32
    %get3A_1816 = arith.index_cast %get3A_1815 : i32 to index
    %get3A_1817 = arith.constant 112 : index
    %get3A_1818 = tpu.vector_load %arg7[%get3A_1816, %get3A_1817] {strides = array<i32>} : memref<16x256xi32, #tpu.memory_space<vmem>>, vector<16xi32>,
    %add3A_1819 = arith.addi %add3A_1814, %get3A_1818 : vector<16xi32>
    %swap3A_1820 = arith.constant 112 : index
    %swap3A_1821 = tpu.vector_load %arg8[%swap3A_1820] {strides = array<i32>} : memref<256xi32, #tpu.memory_space<vmem>>, vector<16xi32>,
    tpu.vector_store %arg8[%swap3A_1820], %add3A_1819 {strides = array<i32>} : memref<256xi32, #tpu.memory_space<vmem>>, vector<16xi32>,
    %get3A_1822 = arith.constant 0 : i32
    %get3A_1823 = arith.index_cast %get3A_1822 : i32 to index
    %get3A_1824 = arith.constant 128 : index
    %get3A_1825 = tpu.vector_load %arg7[%get3A_1823, %get3A_1824] {strides = array<i32>} : memref<16x256xi32, #tpu.memory_space<vmem>>, vector<16xi32>,
    %get3A_1826 = arith.constant 1 : i32
    %get3A_1827 = arith.index_cast %get3A_1826 : i32 to index
    %get3A_1828 = arith.constant 128 : index
    %get3A_1829 = tpu.vector_load %arg7[%get3A_1827, %get3A_1828] {strides = array<i32>} : memref<16x256xi32, #tpu.memory_space<vmem>>, vector<16xi32>,
    %add3A_1830 = arith.addi %get3A_1825, %get3A_1829 : vector<16xi32>
    %get3A_1831 = arith.constant 2 : i32
    %get3A_1832 = arith.index_cast %get3A_1831 : i32 to index
    %get3A_1833 = arith.constant 128 : index
    %get3A_1834 = tpu.vector_load %arg7[%get3A_1832, %get3A_1833] {strides = array<i32>} : memref<16x256xi32, #tpu.memory_space<vmem>>, vector<16xi32>,
    %add3A_1835 = arith.addi %add3A_1830, %get3A_1834 : vector<16xi32>
    %get3A_1836 = arith.constant 3 : i32
    %get3A_1837 = arith.index_cast %get3A_1836 : i32 to index
    %get3A_1838 = arith.constant 128 : index
    %get3A_1839 = tpu.vector_load %arg7[%get3A_1837, %get3A_1838] {strides = array<i32>} : memref<16x256xi32, #tpu.memory_space<vmem>>, vector<16xi32>,
    %add3A_1840 = arith.addi %add3A_1835, %get3A_1839 : vector<16xi32>
    %get3A_1841 = arith.constant 4 : i32
    %get3A_1842 = arith.index_cast %get3A_1841 : i32 to index
    %get3A_1843 = arith.constant 128 : index
    %get3A_1844 = tpu.vector_load %arg7[%get3A_1842, %get3A_1843] {strides = array<i32>} : memref<16x256xi32, #tpu.memory_space<vmem>>, vector<16xi32>,
    %add3A_1845 = arith.addi %add3A_1840, %get3A_1844 : vector<16xi32>
    %get3A_1846 = arith.constant 5 : i32
    %get3A_1847 = arith.index_cast %get3A_1846 : i32 to index
    %get3A_1848 = arith.constant 128 : index
    %get3A_1849 = tpu.vector_load %arg7[%get3A_1847, %get3A_1848] {strides = array<i32>} : memref<16x256xi32, #tpu.memory_space<vmem>>, vector<16xi32>,
    %add3A_1850 = arith.addi %add3A_1845, %get3A_1849 : vector<16xi32>
    %get3A_1851 = arith.constant 6 : i32
    %get3A_1852 = arith.index_cast %get3A_1851 : i32 to index
    %get3A_1853 = arith.constant 128 : index
    %get3A_1854 = tpu.vector_load %arg7[%get3A_1852, %get3A_1853] {strides = array<i32>} : memref<16x256xi32, #tpu.memory_space<vmem>>, vector<16xi32>,
    %add3A_1855 = arith.addi %add3A_1850, %get3A_1854 : vector<16xi32>
    %get3A_1856 = arith.constant 7 : i32
    %get3A_1857 = arith.index_cast %get3A_1856 : i32 to index
    %get3A_1858 = arith.constant 128 : index
    %get3A_1859 = tpu.vector_load %arg7[%get3A_1857, %get3A_1858] {strides = array<i32>} : memref<16x256xi32, #tpu.memory_space<vmem>>, vector<16xi32>,
    %add3A_1860 = arith.addi %add3A_1855, %get3A_1859 : vector<16xi32>
    %get3A_1861 = arith.constant 8 : i32
    %get3A_1862 = arith.index_cast %get3A_1861 : i32 to index
    %get3A_1863 = arith.constant 128 : index
    %get3A_1864 = tpu.vector_load %arg7[%get3A_1862, %get3A_1863] {strides = array<i32>} : memref<16x256xi32, #tpu.memory_space<vmem>>, vector<16xi32>,
    %add3A_1865 = arith.addi %add3A_1860, %get3A_1864 : vector<16xi32>
    %get3A_1866 = arith.constant 9 : i32
    %get3A_1867 = arith.index_cast %get3A_1866 : i32 to index
    %get3A_1868 = arith.constant 128 : index
    %get3A_1869 = tpu.vector_load %arg7[%get3A_1867, %get3A_1868] {strides = array<i32>} : memref<16x256xi32, #tpu.memory_space<vmem>>, vector<16xi32>,
    %add3A_1870 = arith.addi %add3A_1865, %get3A_1869 : vector<16xi32>
    %get3A_1871 = arith.constant 10 : i32
    %get3A_1872 = arith.index_cast %get3A_1871 : i32 to index
    %get3A_1873 = arith.constant 128 : index
    %get3A_1874 = tpu.vector_load %arg7[%get3A_1872, %get3A_1873] {strides = array<i32>} : memref<16x256xi32, #tpu.memory_space<vmem>>, vector<16xi32>,
    %add3A_1875 = arith.addi %add3A_1870, %get3A_1874 : vector<16xi32>
    %get3A_1876 = arith.constant 11 : i32
    %get3A_1877 = arith.index_cast %get3A_1876 : i32 to index
    %get3A_1878 = arith.constant 128 : index
    %get3A_1879 = tpu.vector_load %arg7[%get3A_1877, %get3A_1878] {strides = array<i32>} : memref<16x256xi32, #tpu.memory_space<vmem>>, vector<16xi32>,
    %add3A_1880 = arith.addi %add3A_1875, %get3A_1879 : vector<16xi32>
    %get3A_1881 = arith.constant 12 : i32
    %get3A_1882 = arith.index_cast %get3A_1881 : i32 to index
    %get3A_1883 = arith.constant 128 : index
    %get3A_1884 = tpu.vector_load %arg7[%get3A_1882, %get3A_1883] {strides = array<i32>} : memref<16x256xi32, #tpu.memory_space<vmem>>, vector<16xi32>,
    %add3A_1885 = arith.addi %add3A_1880, %get3A_1884 : vector<16xi32>
    %get3A_1886 = arith.constant 13 : i32
    %get3A_1887 = arith.index_cast %get3A_1886 : i32 to index
    %get3A_1888 = arith.constant 128 : index
    %get3A_1889 = tpu.vector_load %arg7[%get3A_1887, %get3A_1888] {strides = array<i32>} : memref<16x256xi32, #tpu.memory_space<vmem>>, vector<16xi32>,
    %add3A_1890 = arith.addi %add3A_1885, %get3A_1889 : vector<16xi32>
    %get3A_1891 = arith.constant 14 : i32
    %get3A_1892 = arith.index_cast %get3A_1891 : i32 to index
    %get3A_1893 = arith.constant 128 : index
    %get3A_1894 = tpu.vector_load %arg7[%get3A_1892, %get3A_1893] {strides = array<i32>} : memref<16x256xi32, #tpu.memory_space<vmem>>, vector<16xi32>,
    %add3A_1895 = arith.addi %add3A_1890, %get3A_1894 : vector<16xi32>
    %get3A_1896 = arith.constant 15 : i32
    %get3A_1897 = arith.index_cast %get3A_1896 : i32 to index
    %get3A_1898 = arith.constant 128 : index
    %get3A_1899 = tpu.vector_load %arg7[%get3A_1897, %get3A_1898] {strides = array<i32>} : memref<16x256xi32, #tpu.memory_space<vmem>>, vector<16xi32>,
    %add3A_1900 = arith.addi %add3A_1895, %get3A_1899 : vector<16xi32>
    %swap3A_1901 = arith.constant 128 : index
    %swap3A_1902 = tpu.vector_load %arg8[%swap3A_1901] {strides = array<i32>} : memref<256xi32, #tpu.memory_space<vmem>>, vector<16xi32>,
    tpu.vector_store %arg8[%swap3A_1901], %add3A_1900 {strides = array<i32>} : memref<256xi32, #tpu.memory_space<vmem>>, vector<16xi32>,
    %get3A_1903 = arith.constant 0 : i32
    %get3A_1904 = arith.index_cast %get3A_1903 : i32 to index
    %get3A_1905 = arith.constant 144 : index
    %get3A_1906 = tpu.vector_load %arg7[%get3A_1904, %get3A_1905] {strides = array<i32>} : memref<16x256xi32, #tpu.memory_space<vmem>>, vector<16xi32>,
    %get3A_1907 = arith.constant 1 : i32
    %get3A_1908 = arith.index_cast %get3A_1907 : i32 to index
    %get3A_1909 = arith.constant 144 : index
    %get3A_1910 = tpu.vector_load %arg7[%get3A_1908, %get3A_1909] {strides = array<i32>} : memref<16x256xi32, #tpu.memory_space<vmem>>, vector<16xi32>,
    %add3A_1911 = arith.addi %get3A_1906, %get3A_1910 : vector<16xi32>
    %get3A_1912 = arith.constant 2 : i32
    %get3A_1913 = arith.index_cast %get3A_1912 : i32 to index
    %get3A_1914 = arith.constant 144 : index
    %get3A_1915 = tpu.vector_load %arg7[%get3A_1913, %get3A_1914] {strides = array<i32>} : memref<16x256xi32, #tpu.memory_space<vmem>>, vector<16xi32>,
    %add3A_1916 = arith.addi %add3A_1911, %get3A_1915 : vector<16xi32>
    %get3A_1917 = arith.constant 3 : i32
    %get3A_1918 = arith.index_cast %get3A_1917 : i32 to index
    %get3A_1919 = arith.constant 144 : index
    %get3A_1920 = tpu.vector_load %arg7[%get3A_1918, %get3A_1919] {strides = array<i32>} : memref<16x256xi32, #tpu.memory_space<vmem>>, vector<16xi32>,
    %add3A_1921 = arith.addi %add3A_1916, %get3A_1920 : vector<16xi32>
    %get3A_1922 = arith.constant 4 : i32
    %get3A_1923 = arith.index_cast %get3A_1922 : i32 to index
    %get3A_1924 = arith.constant 144 : index
    %get3A_1925 = tpu.vector_load %arg7[%get3A_1923, %get3A_1924] {strides = array<i32>} : memref<16x256xi32, #tpu.memory_space<vmem>>, vector<16xi32>,
    %add3A_1926 = arith.addi %add3A_1921, %get3A_1925 : vector<16xi32>
    %get3A_1927 = arith.constant 5 : i32
    %get3A_1928 = arith.index_cast %get3A_1927 : i32 to index
    %get3A_1929 = arith.constant 144 : index
    %get3A_1930 = tpu.vector_load %arg7[%get3A_1928, %get3A_1929] {strides = array<i32>} : memref<16x256xi32, #tpu.memory_space<vmem>>, vector<16xi32>,
    %add3A_1931 = arith.addi %add3A_1926, %get3A_1930 : vector<16xi32>
    %get3A_1932 = arith.constant 6 : i32
    %get3A_1933 = arith.index_cast %get3A_1932 : i32 to index
    %get3A_1934 = arith.constant 144 : index
    %get3A_1935 = tpu.vector_load %arg7[%get3A_1933, %get3A_1934] {strides = array<i32>} : memref<16x256xi32, #tpu.memory_space<vmem>>, vector<16xi32>,
    %add3A_1936 = arith.addi %add3A_1931, %get3A_1935 : vector<16xi32>
    %get3A_1937 = arith.constant 7 : i32
    %get3A_1938 = arith.index_cast %get3A_1937 : i32 to index
    %get3A_1939 = arith.constant 144 : index
    %get3A_1940 = tpu.vector_load %arg7[%get3A_1938, %get3A_1939] {strides = array<i32>} : memref<16x256xi32, #tpu.memory_space<vmem>>, vector<16xi32>,
    %add3A_1941 = arith.addi %add3A_1936, %get3A_1940 : vector<16xi32>
    %get3A_1942 = arith.constant 8 : i32
    %get3A_1943 = arith.index_cast %get3A_1942 : i32 to index
    %get3A_1944 = arith.constant 144 : index
    %get3A_1945 = tpu.vector_load %arg7[%get3A_1943, %get3A_1944] {strides = array<i32>} : memref<16x256xi32, #tpu.memory_space<vmem>>, vector<16xi32>,
    %add3A_1946 = arith.addi %add3A_1941, %get3A_1945 : vector<16xi32>
    %get3A_1947 = arith.constant 9 : i32
    %get3A_1948 = arith.index_cast %get3A_1947 : i32 to index
    %get3A_1949 = arith.constant 144 : index
    %get3A_1950 = tpu.vector_load %arg7[%get3A_1948, %get3A_1949] {strides = array<i32>} : memref<16x256xi32, #tpu.memory_space<vmem>>, vector<16xi32>,
    %add3A_1951 = arith.addi %add3A_1946, %get3A_1950 : vector<16xi32>
    %get3A_1952 = arith.constant 10 : i32
    %get3A_1953 = arith.index_cast %get3A_1952 : i32 to index
    %get3A_1954 = arith.constant 144 : index
    %get3A_1955 = tpu.vector_load %arg7[%get3A_1953, %get3A_1954] {strides = array<i32>} : memref<16x256xi32, #tpu.memory_space<vmem>>, vector<16xi32>,
    %add3A_1956 = arith.addi %add3A_1951, %get3A_1955 : vector<16xi32>
    %get3A_1957 = arith.constant 11 : i32
    %get3A_1958 = arith.index_cast %get3A_1957 : i32 to index
    %get3A_1959 = arith.constant 144 : index
    %get3A_1960 = tpu.vector_load %arg7[%get3A_1958, %get3A_1959] {strides = array<i32>} : memref<16x256xi32, #tpu.memory_space<vmem>>, vector<16xi32>,
    %add3A_1961 = arith.addi %add3A_1956, %get3A_1960 : vector<16xi32>
    %get3A_1962 = arith.constant 12 : i32
    %get3A_1963 = arith.index_cast %get3A_1962 : i32 to index
    %get3A_1964 = arith.constant 144 : index
    %get3A_1965 = tpu.vector_load %arg7[%get3A_1963, %get3A_1964] {strides = array<i32>} : memref<16x256xi32, #tpu.memory_space<vmem>>, vector<16xi32>,
    %add3A_1966 = arith.addi %add3A_1961, %get3A_1965 : vector<16xi32>
    %get3A_1967 = arith.constant 13 : i32
    %get3A_1968 = arith.index_cast %get3A_1967 : i32 to index
    %get3A_1969 = arith.constant 144 : index
    %get3A_1970 = tpu.vector_load %arg7[%get3A_1968, %get3A_1969] {strides = array<i32>} : memref<16x256xi32, #tpu.memory_space<vmem>>, vector<16xi32>,
    %add3A_1971 = arith.addi %add3A_1966, %get3A_1970 : vector<16xi32>
    %get3A_1972 = arith.constant 14 : i32
    %get3A_1973 = arith.index_cast %get3A_1972 : i32 to index
    %get3A_1974 = arith.constant 144 : index
    %get3A_1975 = tpu.vector_load %arg7[%get3A_1973, %get3A_1974] {strides = array<i32>} : memref<16x256xi32, #tpu.memory_space<vmem>>, vector<16xi32>,
    %add3A_1976 = arith.addi %add3A_1971, %get3A_1975 : vector<16xi32>
    %get3A_1977 = arith.constant 15 : i32
    %get3A_1978 = arith.index_cast %get3A_1977 : i32 to index
    %get3A_1979 = arith.constant 144 : index
    %get3A_1980 = tpu.vector_load %arg7[%get3A_1978, %get3A_1979] {strides = array<i32>} : memref<16x256xi32, #tpu.memory_space<vmem>>, vector<16xi32>,
    %add3A_1981 = arith.addi %add3A_1976, %get3A_1980 : vector<16xi32>
    %swap3A_1982 = arith.constant 144 : index
    %swap3A_1983 = tpu.vector_load %arg8[%swap3A_1982] {strides = array<i32>} : memref<256xi32, #tpu.memory_space<vmem>>, vector<16xi32>,
    tpu.vector_store %arg8[%swap3A_1982], %add3A_1981 {strides = array<i32>} : memref<256xi32, #tpu.memory_space<vmem>>, vector<16xi32>,
    %get3A_1984 = arith.constant 0 : i32
    %get3A_1985 = arith.index_cast %get3A_1984 : i32 to index
    %get3A_1986 = arith.constant 160 : index
    %get3A_1987 = tpu.vector_load %arg7[%get3A_1985, %get3A_1986] {strides = array<i32>} : memref<16x256xi32, #tpu.memory_space<vmem>>, vector<16xi32>,
    %get3A_1988 = arith.constant 1 : i32
    %get3A_1989 = arith.index_cast %get3A_1988 : i32 to index
    %get3A_1990 = arith.constant 160 : index
    %get3A_1991 = tpu.vector_load %arg7[%get3A_1989, %get3A_1990] {strides = array<i32>} : memref<16x256xi32, #tpu.memory_space<vmem>>, vector<16xi32>,
    %add3A_1992 = arith.addi %get3A_1987, %get3A_1991 : vector<16xi32>
    %get3A_1993 = arith.constant 2 : i32
    %get3A_1994 = arith.index_cast %get3A_1993 : i32 to index
    %get3A_1995 = arith.constant 160 : index
    %get3A_1996 = tpu.vector_load %arg7[%get3A_1994, %get3A_1995] {strides = array<i32>} : memref<16x256xi32, #tpu.memory_space<vmem>>, vector<16xi32>,
    %add3A_1997 = arith.addi %add3A_1992, %get3A_1996 : vector<16xi32>
    %get3A_1998 = arith.constant 3 : i32
    %get3A_1999 = arith.index_cast %get3A_1998 : i32 to index
    %get3A_2000 = arith.constant 160 : index
    %get3A_2001 = tpu.vector_load %arg7[%get3A_1999, %get3A_2000] {strides = array<i32>} : memref<16x256xi32, #tpu.memory_space<vmem>>, vector<16xi32>,
    %add3A_2002 = arith.addi %add3A_1997, %get3A_2001 : vector<16xi32>
    %get3A_2003 = arith.constant 4 : i32
    %get3A_2004 = arith.index_cast %get3A_2003 : i32 to index
    %get3A_2005 = arith.constant 160 : index
    %get3A_2006 = tpu.vector_load %arg7[%get3A_2004, %get3A_2005] {strides = array<i32>} : memref<16x256xi32, #tpu.memory_space<vmem>>, vector<16xi32>,
    %add3A_2007 = arith.addi %add3A_2002, %get3A_2006 : vector<16xi32>
    %get3A_2008 = arith.constant 5 : i32
    %get3A_2009 = arith.index_cast %get3A_2008 : i32 to index
    %get3A_2010 = arith.constant 160 : index
    %get3A_2011 = tpu.vector_load %arg7[%get3A_2009, %get3A_2010] {strides = array<i32>} : memref<16x256xi32, #tpu.memory_space<vmem>>, vector<16xi32>,
    %add3A_2012 = arith.addi %add3A_2007, %get3A_2011 : vector<16xi32>
    %get3A_2013 = arith.constant 6 : i32
    %get3A_2014 = arith.index_cast %get3A_2013 : i32 to index
    %get3A_2015 = arith.constant 160 : index
    %get3A_2016 = tpu.vector_load %arg7[%get3A_2014, %get3A_2015] {strides = array<i32>} : memref<16x256xi32, #tpu.memory_space<vmem>>, vector<16xi32>,
    %add3A_2017 = arith.addi %add3A_2012, %get3A_2016 : vector<16xi32>
    %get3A_2018 = arith.constant 7 : i32
    %get3A_2019 = arith.index_cast %get3A_2018 : i32 to index
    %get3A_2020 = arith.constant 160 : index
    %get3A_2021 = tpu.vector_load %arg7[%get3A_2019, %get3A_2020] {strides = array<i32>} : memref<16x256xi32, #tpu.memory_space<vmem>>, vector<16xi32>,
    %add3A_2022 = arith.addi %add3A_2017, %get3A_2021 : vector<16xi32>
    %get3A_2023 = arith.constant 8 : i32
    %get3A_2024 = arith.index_cast %get3A_2023 : i32 to index
    %get3A_2025 = arith.constant 160 : index
    %get3A_2026 = tpu.vector_load %arg7[%get3A_2024, %get3A_2025] {strides = array<i32>} : memref<16x256xi32, #tpu.memory_space<vmem>>, vector<16xi32>,
    %add3A_2027 = arith.addi %add3A_2022, %get3A_2026 : vector<16xi32>
    %get3A_2028 = arith.constant 9 : i32
    %get3A_2029 = arith.index_cast %get3A_2028 : i32 to index
    %get3A_2030 = arith.constant 160 : index
    %get3A_2031 = tpu.vector_load %arg7[%get3A_2029, %get3A_2030] {strides = array<i32>} : memref<16x256xi32, #tpu.memory_space<vmem>>, vector<16xi32>,
    %add3A_2032 = arith.addi %add3A_2027, %get3A_2031 : vector<16xi32>
    %get3A_2033 = arith.constant 10 : i32
    %get3A_2034 = arith.index_cast %get3A_2033 : i32 to index
    %get3A_2035 = arith.constant 160 : index
    %get3A_2036 = tpu.vector_load %arg7[%get3A_2034, %get3A_2035] {strides = array<i32>} : memref<16x256xi32, #tpu.memory_space<vmem>>, vector<16xi32>,
    %add3A_2037 = arith.addi %add3A_2032, %get3A_2036 : vector<16xi32>
    %get3A_2038 = arith.constant 11 : i32
    %get3A_2039 = arith.index_cast %get3A_2038 : i32 to index
    %get3A_2040 = arith.constant 160 : index
    %get3A_2041 = tpu.vector_load %arg7[%get3A_2039, %get3A_2040] {strides = array<i32>} : memref<16x256xi32, #tpu.memory_space<vmem>>, vector<16xi32>,
    %add3A_2042 = arith.addi %add3A_2037, %get3A_2041 : vector<16xi32>
    %get3A_2043 = arith.constant 12 : i32
    %get3A_2044 = arith.index_cast %get3A_2043 : i32 to index
    %get3A_2045 = arith.constant 160 : index
    %get3A_2046 = tpu.vector_load %arg7[%get3A_2044, %get3A_2045] {strides = array<i32>} : memref<16x256xi32, #tpu.memory_space<vmem>>, vector<16xi32>,
    %add3A_2047 = arith.addi %add3A_2042, %get3A_2046 : vector<16xi32>
    %get3A_2048 = arith.constant 13 : i32
    %get3A_2049 = arith.index_cast %get3A_2048 : i32 to index
    %get3A_2050 = arith.constant 160 : index
    %get3A_2051 = tpu.vector_load %arg7[%get3A_2049, %get3A_2050] {strides = array<i32>} : memref<16x256xi32, #tpu.memory_space<vmem>>, vector<16xi32>,
    %add3A_2052 = arith.addi %add3A_2047, %get3A_2051 : vector<16xi32>
    %get3A_2053 = arith.constant 14 : i32
    %get3A_2054 = arith.index_cast %get3A_2053 : i32 to index
    %get3A_2055 = arith.constant 160 : index
    %get3A_2056 = tpu.vector_load %arg7[%get3A_2054, %get3A_2055] {strides = array<i32>} : memref<16x256xi32, #tpu.memory_space<vmem>>, vector<16xi32>,
    %add3A_2057 = arith.addi %add3A_2052, %get3A_2056 : vector<16xi32>
    %get3A_2058 = arith.constant 15 : i32
    %get3A_2059 = arith.index_cast %get3A_2058 : i32 to index
    %get3A_2060 = arith.constant 160 : index
    %get3A_2061 = tpu.vector_load %arg7[%get3A_2059, %get3A_2060] {strides = array<i32>} : memref<16x256xi32, #tpu.memory_space<vmem>>, vector<16xi32>,
    %add3A_2062 = arith.addi %add3A_2057, %get3A_2061 : vector<16xi32>
    %swap3A_2063 = arith.constant 160 : index
    %swap3A_2064 = tpu.vector_load %arg8[%swap3A_2063] {strides = array<i32>} : memref<256xi32, #tpu.memory_space<vmem>>, vector<16xi32>,
    tpu.vector_store %arg8[%swap3A_2063], %add3A_2062 {strides = array<i32>} : memref<256xi32, #tpu.memory_space<vmem>>, vector<16xi32>,
    %get3A_2065 = arith.constant 0 : i32
    %get3A_2066 = arith.index_cast %get3A_2065 : i32 to index
    %get3A_2067 = arith.constant 176 : index
    %get3A_2068 = tpu.vector_load %arg7[%get3A_2066, %get3A_2067] {strides = array<i32>} : memref<16x256xi32, #tpu.memory_space<vmem>>, vector<16xi32>,
    %get3A_2069 = arith.constant 1 : i32
    %get3A_2070 = arith.index_cast %get3A_2069 : i32 to index
    %get3A_2071 = arith.constant 176 : index
    %get3A_2072 = tpu.vector_load %arg7[%get3A_2070, %get3A_2071] {strides = array<i32>} : memref<16x256xi32, #tpu.memory_space<vmem>>, vector<16xi32>,
    %add3A_2073 = arith.addi %get3A_2068, %get3A_2072 : vector<16xi32>
    %get3A_2074 = arith.constant 2 : i32
    %get3A_2075 = arith.index_cast %get3A_2074 : i32 to index
    %get3A_2076 = arith.constant 176 : index
    %get3A_2077 = tpu.vector_load %arg7[%get3A_2075, %get3A_2076] {strides = array<i32>} : memref<16x256xi32, #tpu.memory_space<vmem>>, vector<16xi32>,
    %add3A_2078 = arith.addi %add3A_2073, %get3A_2077 : vector<16xi32>
    %get3A_2079 = arith.constant 3 : i32
    %get3A_2080 = arith.index_cast %get3A_2079 : i32 to index
    %get3A_2081 = arith.constant 176 : index
    %get3A_2082 = tpu.vector_load %arg7[%get3A_2080, %get3A_2081] {strides = array<i32>} : memref<16x256xi32, #tpu.memory_space<vmem>>, vector<16xi32>,
    %add3A_2083 = arith.addi %add3A_2078, %get3A_2082 : vector<16xi32>
    %get3A_2084 = arith.constant 4 : i32
    %get3A_2085 = arith.index_cast %get3A_2084 : i32 to index
    %get3A_2086 = arith.constant 176 : index
    %get3A_2087 = tpu.vector_load %arg7[%get3A_2085, %get3A_2086] {strides = array<i32>} : memref<16x256xi32, #tpu.memory_space<vmem>>, vector<16xi32>,
    %add3A_2088 = arith.addi %add3A_2083, %get3A_2087 : vector<16xi32>
    %get3A_2089 = arith.constant 5 : i32
    %get3A_2090 = arith.index_cast %get3A_2089 : i32 to index
    %get3A_2091 = arith.constant 176 : index
    %get3A_2092 = tpu.vector_load %arg7[%get3A_2090, %get3A_2091] {strides = array<i32>} : memref<16x256xi32, #tpu.memory_space<vmem>>, vector<16xi32>,
    %add3A_2093 = arith.addi %add3A_2088, %get3A_2092 : vector<16xi32>
    %get3A_2094 = arith.constant 6 : i32
    %get3A_2095 = arith.index_cast %get3A_2094 : i32 to index
    %get3A_2096 = arith.constant 176 : index
    %get3A_2097 = tpu.vector_load %arg7[%get3A_2095, %get3A_2096] {strides = array<i32>} : memref<16x256xi32, #tpu.memory_space<vmem>>, vector<16xi32>,
    %add3A_2098 = arith.addi %add3A_2093, %get3A_2097 : vector<16xi32>
    %get3A_2099 = arith.constant 7 : i32
    %get3A_2100 = arith.index_cast %get3A_2099 : i32 to index
    %get3A_2101 = arith.constant 176 : index
    %get3A_2102 = tpu.vector_load %arg7[%get3A_2100, %get3A_2101] {strides = array<i32>} : memref<16x256xi32, #tpu.memory_space<vmem>>, vector<16xi32>,
    %add3A_2103 = arith.addi %add3A_2098, %get3A_2102 : vector<16xi32>
    %get3A_2104 = arith.constant 8 : i32
    %get3A_2105 = arith.index_cast %get3A_2104 : i32 to index
    %get3A_2106 = arith.constant 176 : index
    %get3A_2107 = tpu.vector_load %arg7[%get3A_2105, %get3A_2106] {strides = array<i32>} : memref<16x256xi32, #tpu.memory_space<vmem>>, vector<16xi32>,
    %add3A_2108 = arith.addi %add3A_2103, %get3A_2107 : vector<16xi32>
    %get3A_2109 = arith.constant 9 : i32
    %get3A_2110 = arith.index_cast %get3A_2109 : i32 to index
    %get3A_2111 = arith.constant 176 : index
    %get3A_2112 = tpu.vector_load %arg7[%get3A_2110, %get3A_2111] {strides = array<i32>} : memref<16x256xi32, #tpu.memory_space<vmem>>, vector<16xi32>,
    %add3A_2113 = arith.addi %add3A_2108, %get3A_2112 : vector<16xi32>
    %get3A_2114 = arith.constant 10 : i32
    %get3A_2115 = arith.index_cast %get3A_2114 : i32 to index
    %get3A_2116 = arith.constant 176 : index
    %get3A_2117 = tpu.vector_load %arg7[%get3A_2115, %get3A_2116] {strides = array<i32>} : memref<16x256xi32, #tpu.memory_space<vmem>>, vector<16xi32>,
    %add3A_2118 = arith.addi %add3A_2113, %get3A_2117 : vector<16xi32>
    %get3A_2119 = arith.constant 11 : i32
    %get3A_2120 = arith.index_cast %get3A_2119 : i32 to index
    %get3A_2121 = arith.constant 176 : index
    %get3A_2122 = tpu.vector_load %arg7[%get3A_2120, %get3A_2121] {strides = array<i32>} : memref<16x256xi32, #tpu.memory_space<vmem>>, vector<16xi32>,
    %add3A_2123 = arith.addi %add3A_2118, %get3A_2122 : vector<16xi32>
    %get3A_2124 = arith.constant 12 : i32
    %get3A_2125 = arith.index_cast %get3A_2124 : i32 to index
    %get3A_2126 = arith.constant 176 : index
    %get3A_2127 = tpu.vector_load %arg7[%get3A_2125, %get3A_2126] {strides = array<i32>} : memref<16x256xi32, #tpu.memory_space<vmem>>, vector<16xi32>,
    %add3A_2128 = arith.addi %add3A_2123, %get3A_2127 : vector<16xi32>
    %get3A_2129 = arith.constant 13 : i32
    %get3A_2130 = arith.index_cast %get3A_2129 : i32 to index
    %get3A_2131 = arith.constant 176 : index
    %get3A_2132 = tpu.vector_load %arg7[%get3A_2130, %get3A_2131] {strides = array<i32>} : memref<16x256xi32, #tpu.memory_space<vmem>>, vector<16xi32>,
    %add3A_2133 = arith.addi %add3A_2128, %get3A_2132 : vector<16xi32>
    %get3A_2134 = arith.constant 14 : i32
    %get3A_2135 = arith.index_cast %get3A_2134 : i32 to index
    %get3A_2136 = arith.constant 176 : index
    %get3A_2137 = tpu.vector_load %arg7[%get3A_2135, %get3A_2136] {strides = array<i32>} : memref<16x256xi32, #tpu.memory_space<vmem>>, vector<16xi32>,
    %add3A_2138 = arith.addi %add3A_2133, %get3A_2137 : vector<16xi32>
    %get3A_2139 = arith.constant 15 : i32
    %get3A_2140 = arith.index_cast %get3A_2139 : i32 to index
    %get3A_2141 = arith.constant 176 : index
    %get3A_2142 = tpu.vector_load %arg7[%get3A_2140, %get3A_2141] {strides = array<i32>} : memref<16x256xi32, #tpu.memory_space<vmem>>, vector<16xi32>,
    %add3A_2143 = arith.addi %add3A_2138, %get3A_2142 : vector<16xi32>
    %swap3A_2144 = arith.constant 176 : index
    %swap3A_2145 = tpu.vector_load %arg8[%swap3A_2144] {strides = array<i32>} : memref<256xi32, #tpu.memory_space<vmem>>, vector<16xi32>,
    tpu.vector_store %arg8[%swap3A_2144], %add3A_2143 {strides = array<i32>} : memref<256xi32, #tpu.memory_space<vmem>>, vector<16xi32>,
    %get3A_2146 = arith.constant 0 : i32
    %get3A_2147 = arith.index_cast %get3A_2146 : i32 to index
    %get3A_2148 = arith.constant 192 : index
    %get3A_2149 = tpu.vector_load %arg7[%get3A_2147, %get3A_2148] {strides = array<i32>} : memref<16x256xi32, #tpu.memory_space<vmem>>, vector<16xi32>,
    %get3A_2150 = arith.constant 1 : i32
    %get3A_2151 = arith.index_cast %get3A_2150 : i32 to index
    %get3A_2152 = arith.constant 192 : index
    %get3A_2153 = tpu.vector_load %arg7[%get3A_2151, %get3A_2152] {strides = array<i32>} : memref<16x256xi32, #tpu.memory_space<vmem>>, vector<16xi32>,
    %add3A_2154 = arith.addi %get3A_2149, %get3A_2153 : vector<16xi32>
    %get3A_2155 = arith.constant 2 : i32
    %get3A_2156 = arith.index_cast %get3A_2155 : i32 to index
    %get3A_2157 = arith.constant 192 : index
    %get3A_2158 = tpu.vector_load %arg7[%get3A_2156, %get3A_2157] {strides = array<i32>} : memref<16x256xi32, #tpu.memory_space<vmem>>, vector<16xi32>,
    %add3A_2159 = arith.addi %add3A_2154, %get3A_2158 : vector<16xi32>
    %get3A_2160 = arith.constant 3 : i32
    %get3A_2161 = arith.index_cast %get3A_2160 : i32 to index
    %get3A_2162 = arith.constant 192 : index
    %get3A_2163 = tpu.vector_load %arg7[%get3A_2161, %get3A_2162] {strides = array<i32>} : memref<16x256xi32, #tpu.memory_space<vmem>>, vector<16xi32>,
    %add3A_2164 = arith.addi %add3A_2159, %get3A_2163 : vector<16xi32>
    %get3A_2165 = arith.constant 4 : i32
    %get3A_2166 = arith.index_cast %get3A_2165 : i32 to index
    %get3A_2167 = arith.constant 192 : index
    %get3A_2168 = tpu.vector_load %arg7[%get3A_2166, %get3A_2167] {strides = array<i32>} : memref<16x256xi32, #tpu.memory_space<vmem>>, vector<16xi32>,
    %add3A_2169 = arith.addi %add3A_2164, %get3A_2168 : vector<16xi32>
    %get3A_2170 = arith.constant 5 : i32
    %get3A_2171 = arith.index_cast %get3A_2170 : i32 to index
    %get3A_2172 = arith.constant 192 : index
    %get3A_2173 = tpu.vector_load %arg7[%get3A_2171, %get3A_2172] {strides = array<i32>} : memref<16x256xi32, #tpu.memory_space<vmem>>, vector<16xi32>,
    %add3A_2174 = arith.addi %add3A_2169, %get3A_2173 : vector<16xi32>
    %get3A_2175 = arith.constant 6 : i32
    %get3A_2176 = arith.index_cast %get3A_2175 : i32 to index
    %get3A_2177 = arith.constant 192 : index
    %get3A_2178 = tpu.vector_load %arg7[%get3A_2176, %get3A_2177] {strides = array<i32>} : memref<16x256xi32, #tpu.memory_space<vmem>>, vector<16xi32>,
    %add3A_2179 = arith.addi %add3A_2174, %get3A_2178 : vector<16xi32>
    %get3A_2180 = arith.constant 7 : i32
    %get3A_2181 = arith.index_cast %get3A_2180 : i32 to index
    %get3A_2182 = arith.constant 192 : index
    %get3A_2183 = tpu.vector_load %arg7[%get3A_2181, %get3A_2182] {strides = array<i32>} : memref<16x256xi32, #tpu.memory_space<vmem>>, vector<16xi32>,
    %add3A_2184 = arith.addi %add3A_2179, %get3A_2183 : vector<16xi32>
    %get3A_2185 = arith.constant 8 : i32
    %get3A_2186 = arith.index_cast %get3A_2185 : i32 to index
    %get3A_2187 = arith.constant 192 : index
    %get3A_2188 = tpu.vector_load %arg7[%get3A_2186, %get3A_2187] {strides = array<i32>} : memref<16x256xi32, #tpu.memory_space<vmem>>, vector<16xi32>,
    %add3A_2189 = arith.addi %add3A_2184, %get3A_2188 : vector<16xi32>
    %get3A_2190 = arith.constant 9 : i32
    %get3A_2191 = arith.index_cast %get3A_2190 : i32 to index
    %get3A_2192 = arith.constant 192 : index
    %get3A_2193 = tpu.vector_load %arg7[%get3A_2191, %get3A_2192] {strides = array<i32>} : memref<16x256xi32, #tpu.memory_space<vmem>>, vector<16xi32>,
    %add3A_2194 = arith.addi %add3A_2189, %get3A_2193 : vector<16xi32>
    %get3A_2195 = arith.constant 10 : i32
    %get3A_2196 = arith.index_cast %get3A_2195 : i32 to index
    %get3A_2197 = arith.constant 192 : index
    %get3A_2198 = tpu.vector_load %arg7[%get3A_2196, %get3A_2197] {strides = array<i32>} : memref<16x256xi32, #tpu.memory_space<vmem>>, vector<16xi32>,
    %add3A_2199 = arith.addi %add3A_2194, %get3A_2198 : vector<16xi32>
    %get3A_2200 = arith.constant 11 : i32
    %get3A_2201 = arith.index_cast %get3A_2200 : i32 to index
    %get3A_2202 = arith.constant 192 : index
    %get3A_2203 = tpu.vector_load %arg7[%get3A_2201, %get3A_2202] {strides = array<i32>} : memref<16x256xi32, #tpu.memory_space<vmem>>, vector<16xi32>,
    %add3A_2204 = arith.addi %add3A_2199, %get3A_2203 : vector<16xi32>
    %get3A_2205 = arith.constant 12 : i32
    %get3A_2206 = arith.index_cast %get3A_2205 : i32 to index
    %get3A_2207 = arith.constant 192 : index
    %get3A_2208 = tpu.vector_load %arg7[%get3A_2206, %get3A_2207] {strides = array<i32>} : memref<16x256xi32, #tpu.memory_space<vmem>>, vector<16xi32>,
    %add3A_2209 = arith.addi %add3A_2204, %get3A_2208 : vector<16xi32>
    %get3A_2210 = arith.constant 13 : i32
    %get3A_2211 = arith.index_cast %get3A_2210 : i32 to index
    %get3A_2212 = arith.constant 192 : index
    %get3A_2213 = tpu.vector_load %arg7[%get3A_2211, %get3A_2212] {strides = array<i32>} : memref<16x256xi32, #tpu.memory_space<vmem>>, vector<16xi32>,
    %add3A_2214 = arith.addi %add3A_2209, %get3A_2213 : vector<16xi32>
    %get3A_2215 = arith.constant 14 : i32
    %get3A_2216 = arith.index_cast %get3A_2215 : i32 to index
    %get3A_2217 = arith.constant 192 : index
    %get3A_2218 = tpu.vector_load %arg7[%get3A_2216, %get3A_2217] {strides = array<i32>} : memref<16x256xi32, #tpu.memory_space<vmem>>, vector<16xi32>,
    %add3A_2219 = arith.addi %add3A_2214, %get3A_2218 : vector<16xi32>
    %get3A_2220 = arith.constant 15 : i32
    %get3A_2221 = arith.index_cast %get3A_2220 : i32 to index
    %get3A_2222 = arith.constant 192 : index
    %get3A_2223 = tpu.vector_load %arg7[%get3A_2221, %get3A_2222] {strides = array<i32>} : memref<16x256xi32, #tpu.memory_space<vmem>>, vector<16xi32>,
    %add3A_2224 = arith.addi %add3A_2219, %get3A_2223 : vector<16xi32>
    %swap3A_2225 = arith.constant 192 : index
    %swap3A_2226 = tpu.vector_load %arg8[%swap3A_2225] {strides = array<i32>} : memref<256xi32, #tpu.memory_space<vmem>>, vector<16xi32>,
    tpu.vector_store %arg8[%swap3A_2225], %add3A_2224 {strides = array<i32>} : memref<256xi32, #tpu.memory_space<vmem>>, vector<16xi32>,
    %get3A_2227 = arith.constant 0 : i32
    %get3A_2228 = arith.index_cast %get3A_2227 : i32 to index
    %get3A_2229 = arith.constant 208 : index
    %get3A_2230 = tpu.vector_load %arg7[%get3A_2228, %get3A_2229] {strides = array<i32>} : memref<16x256xi32, #tpu.memory_space<vmem>>, vector<16xi32>,
    %get3A_2231 = arith.constant 1 : i32
    %get3A_2232 = arith.index_cast %get3A_2231 : i32 to index
    %get3A_2233 = arith.constant 208 : index
    %get3A_2234 = tpu.vector_load %arg7[%get3A_2232, %get3A_2233] {strides = array<i32>} : memref<16x256xi32, #tpu.memory_space<vmem>>, vector<16xi32>,
    %add3A_2235 = arith.addi %get3A_2230, %get3A_2234 : vector<16xi32>
    %get3A_2236 = arith.constant 2 : i32
    %get3A_2237 = arith.index_cast %get3A_2236 : i32 to index
    %get3A_2238 = arith.constant 208 : index
    %get3A_2239 = tpu.vector_load %arg7[%get3A_2237, %get3A_2238] {strides = array<i32>} : memref<16x256xi32, #tpu.memory_space<vmem>>, vector<16xi32>,
    %add3A_2240 = arith.addi %add3A_2235, %get3A_2239 : vector<16xi32>
    %get3A_2241 = arith.constant 3 : i32
    %get3A_2242 = arith.index_cast %get3A_2241 : i32 to index
    %get3A_2243 = arith.constant 208 : index
    %get3A_2244 = tpu.vector_load %arg7[%get3A_2242, %get3A_2243] {strides = array<i32>} : memref<16x256xi32, #tpu.memory_space<vmem>>, vector<16xi32>,
    %add3A_2245 = arith.addi %add3A_2240, %get3A_2244 : vector<16xi32>
    %get3A_2246 = arith.constant 4 : i32
    %get3A_2247 = arith.index_cast %get3A_2246 : i32 to index
    %get3A_2248 = arith.constant 208 : index
    %get3A_2249 = tpu.vector_load %arg7[%get3A_2247, %get3A_2248] {strides = array<i32>} : memref<16x256xi32, #tpu.memory_space<vmem>>, vector<16xi32>,
    %add3A_2250 = arith.addi %add3A_2245, %get3A_2249 : vector<16xi32>
    %get3A_2251 = arith.constant 5 : i32
    %get3A_2252 = arith.index_cast %get3A_2251 : i32 to index
    %get3A_2253 = arith.constant 208 : index
    %get3A_2254 = tpu.vector_load %arg7[%get3A_2252, %get3A_2253] {strides = array<i32>} : memref<16x256xi32, #tpu.memory_space<vmem>>, vector<16xi32>,
    %add3A_2255 = arith.addi %add3A_2250, %get3A_2254 : vector<16xi32>
    %get3A_2256 = arith.constant 6 : i32
    %get3A_2257 = arith.index_cast %get3A_2256 : i32 to index
    %get3A_2258 = arith.constant 208 : index
    %get3A_2259 = tpu.vector_load %arg7[%get3A_2257, %get3A_2258] {strides = array<i32>} : memref<16x256xi32, #tpu.memory_space<vmem>>, vector<16xi32>,
    %add3A_2260 = arith.addi %add3A_2255, %get3A_2259 : vector<16xi32>
    %get3A_2261 = arith.constant 7 : i32
    %get3A_2262 = arith.index_cast %get3A_2261 : i32 to index
    %get3A_2263 = arith.constant 208 : index
    %get3A_2264 = tpu.vector_load %arg7[%get3A_2262, %get3A_2263] {strides = array<i32>} : memref<16x256xi32, #tpu.memory_space<vmem>>, vector<16xi32>,
    %add3A_2265 = arith.addi %add3A_2260, %get3A_2264 : vector<16xi32>
    %get3A_2266 = arith.constant 8 : i32
    %get3A_2267 = arith.index_cast %get3A_2266 : i32 to index
    %get3A_2268 = arith.constant 208 : index
    %get3A_2269 = tpu.vector_load %arg7[%get3A_2267, %get3A_2268] {strides = array<i32>} : memref<16x256xi32, #tpu.memory_space<vmem>>, vector<16xi32>,
    %add3A_2270 = arith.addi %add3A_2265, %get3A_2269 : vector<16xi32>
    %get3A_2271 = arith.constant 9 : i32
    %get3A_2272 = arith.index_cast %get3A_2271 : i32 to index
    %get3A_2273 = arith.constant 208 : index
    %get3A_2274 = tpu.vector_load %arg7[%get3A_2272, %get3A_2273] {strides = array<i32>} : memref<16x256xi32, #tpu.memory_space<vmem>>, vector<16xi32>,
    %add3A_2275 = arith.addi %add3A_2270, %get3A_2274 : vector<16xi32>
    %get3A_2276 = arith.constant 10 : i32
    %get3A_2277 = arith.index_cast %get3A_2276 : i32 to index
    %get3A_2278 = arith.constant 208 : index
    %get3A_2279 = tpu.vector_load %arg7[%get3A_2277, %get3A_2278] {strides = array<i32>} : memref<16x256xi32, #tpu.memory_space<vmem>>, vector<16xi32>,
    %add3A_2280 = arith.addi %add3A_2275, %get3A_2279 : vector<16xi32>
    %get3A_2281 = arith.constant 11 : i32
    %get3A_2282 = arith.index_cast %get3A_2281 : i32 to index
    %get3A_2283 = arith.constant 208 : index
    %get3A_2284 = tpu.vector_load %arg7[%get3A_2282, %get3A_2283] {strides = array<i32>} : memref<16x256xi32, #tpu.memory_space<vmem>>, vector<16xi32>,
    %add3A_2285 = arith.addi %add3A_2280, %get3A_2284 : vector<16xi32>
    %get3A_2286 = arith.constant 12 : i32
    %get3A_2287 = arith.index_cast %get3A_2286 : i32 to index
    %get3A_2288 = arith.constant 208 : index
    %get3A_2289 = tpu.vector_load %arg7[%get3A_2287, %get3A_2288] {strides = array<i32>} : memref<16x256xi32, #tpu.memory_space<vmem>>, vector<16xi32>,
    %add3A_2290 = arith.addi %add3A_2285, %get3A_2289 : vector<16xi32>
    %get3A_2291 = arith.constant 13 : i32
    %get3A_2292 = arith.index_cast %get3A_2291 : i32 to index
    %get3A_2293 = arith.constant 208 : index
    %get3A_2294 = tpu.vector_load %arg7[%get3A_2292, %get3A_2293] {strides = array<i32>} : memref<16x256xi32, #tpu.memory_space<vmem>>, vector<16xi32>,
    %add3A_2295 = arith.addi %add3A_2290, %get3A_2294 : vector<16xi32>
    %get3A_2296 = arith.constant 14 : i32
    %get3A_2297 = arith.index_cast %get3A_2296 : i32 to index
    %get3A_2298 = arith.constant 208 : index
    %get3A_2299 = tpu.vector_load %arg7[%get3A_2297, %get3A_2298] {strides = array<i32>} : memref<16x256xi32, #tpu.memory_space<vmem>>, vector<16xi32>,
    %add3A_2300 = arith.addi %add3A_2295, %get3A_2299 : vector<16xi32>
    %get3A_2301 = arith.constant 15 : i32
    %get3A_2302 = arith.index_cast %get3A_2301 : i32 to index
    %get3A_2303 = arith.constant 208 : index
    %get3A_2304 = tpu.vector_load %arg7[%get3A_2302, %get3A_2303] {strides = array<i32>} : memref<16x256xi32, #tpu.memory_space<vmem>>, vector<16xi32>,
    %add3A_2305 = arith.addi %add3A_2300, %get3A_2304 : vector<16xi32>
    %swap3A_2306 = arith.constant 208 : index
    %swap3A_2307 = tpu.vector_load %arg8[%swap3A_2306] {strides = array<i32>} : memref<256xi32, #tpu.memory_space<vmem>>, vector<16xi32>,
    tpu.vector_store %arg8[%swap3A_2306], %add3A_2305 {strides = array<i32>} : memref<256xi32, #tpu.memory_space<vmem>>, vector<16xi32>,
    %get3A_2308 = arith.constant 0 : i32
    %get3A_2309 = arith.index_cast %get3A_2308 : i32 to index
    %get3A_2310 = arith.constant 224 : index
    %get3A_2311 = tpu.vector_load %arg7[%get3A_2309, %get3A_2310] {strides = array<i32>} : memref<16x256xi32, #tpu.memory_space<vmem>>, vector<16xi32>,
    %get3A_2312 = arith.constant 1 : i32
    %get3A_2313 = arith.index_cast %get3A_2312 : i32 to index
    %get3A_2314 = arith.constant 224 : index
    %get3A_2315 = tpu.vector_load %arg7[%get3A_2313, %get3A_2314] {strides = array<i32>} : memref<16x256xi32, #tpu.memory_space<vmem>>, vector<16xi32>,
    %add3A_2316 = arith.addi %get3A_2311, %get3A_2315 : vector<16xi32>
    %get3A_2317 = arith.constant 2 : i32
    %get3A_2318 = arith.index_cast %get3A_2317 : i32 to index
    %get3A_2319 = arith.constant 224 : index
    %get3A_2320 = tpu.vector_load %arg7[%get3A_2318, %get3A_2319] {strides = array<i32>} : memref<16x256xi32, #tpu.memory_space<vmem>>, vector<16xi32>,
    %add3A_2321 = arith.addi %add3A_2316, %get3A_2320 : vector<16xi32>
    %get3A_2322 = arith.constant 3 : i32
    %get3A_2323 = arith.index_cast %get3A_2322 : i32 to index
    %get3A_2324 = arith.constant 224 : index
    %get3A_2325 = tpu.vector_load %arg7[%get3A_2323, %get3A_2324] {strides = array<i32>} : memref<16x256xi32, #tpu.memory_space<vmem>>, vector<16xi32>,
    %add3A_2326 = arith.addi %add3A_2321, %get3A_2325 : vector<16xi32>
    %get3A_2327 = arith.constant 4 : i32
    %get3A_2328 = arith.index_cast %get3A_2327 : i32 to index
    %get3A_2329 = arith.constant 224 : index
    %get3A_2330 = tpu.vector_load %arg7[%get3A_2328, %get3A_2329] {strides = array<i32>} : memref<16x256xi32, #tpu.memory_space<vmem>>, vector<16xi32>,
    %add3A_2331 = arith.addi %add3A_2326, %get3A_2330 : vector<16xi32>
    %get3A_2332 = arith.constant 5 : i32
    %get3A_2333 = arith.index_cast %get3A_2332 : i32 to index
    %get3A_2334 = arith.constant 224 : index
    %get3A_2335 = tpu.vector_load %arg7[%get3A_2333, %get3A_2334] {strides = array<i32>} : memref<16x256xi32, #tpu.memory_space<vmem>>, vector<16xi32>,
    %add3A_2336 = arith.addi %add3A_2331, %get3A_2335 : vector<16xi32>
    %get3A_2337 = arith.constant 6 : i32
    %get3A_2338 = arith.index_cast %get3A_2337 : i32 to index
    %get3A_2339 = arith.constant 224 : index
    %get3A_2340 = tpu.vector_load %arg7[%get3A_2338, %get3A_2339] {strides = array<i32>} : memref<16x256xi32, #tpu.memory_space<vmem>>, vector<16xi32>,
    %add3A_2341 = arith.addi %add3A_2336, %get3A_2340 : vector<16xi32>
    %get3A_2342 = arith.constant 7 : i32
    %get3A_2343 = arith.index_cast %get3A_2342 : i32 to index
    %get3A_2344 = arith.constant 224 : index
    %get3A_2345 = tpu.vector_load %arg7[%get3A_2343, %get3A_2344] {strides = array<i32>} : memref<16x256xi32, #tpu.memory_space<vmem>>, vector<16xi32>,
    %add3A_2346 = arith.addi %add3A_2341, %get3A_2345 : vector<16xi32>
    %get3A_2347 = arith.constant 8 : i32
    %get3A_2348 = arith.index_cast %get3A_2347 : i32 to index
    %get3A_2349 = arith.constant 224 : index
    %get3A_2350 = tpu.vector_load %arg7[%get3A_2348, %get3A_2349] {strides = array<i32>} : memref<16x256xi32, #tpu.memory_space<vmem>>, vector<16xi32>,
    %add3A_2351 = arith.addi %add3A_2346, %get3A_2350 : vector<16xi32>
    %get3A_2352 = arith.constant 9 : i32
    %get3A_2353 = arith.index_cast %get3A_2352 : i32 to index
    %get3A_2354 = arith.constant 224 : index
    %get3A_2355 = tpu.vector_load %arg7[%get3A_2353, %get3A_2354] {strides = array<i32>} : memref<16x256xi32, #tpu.memory_space<vmem>>, vector<16xi32>,
    %add3A_2356 = arith.addi %add3A_2351, %get3A_2355 : vector<16xi32>
    %get3A_2357 = arith.constant 10 : i32
    %get3A_2358 = arith.index_cast %get3A_2357 : i32 to index
    %get3A_2359 = arith.constant 224 : index
    %get3A_2360 = tpu.vector_load %arg7[%get3A_2358, %get3A_2359] {strides = array<i32>} : memref<16x256xi32, #tpu.memory_space<vmem>>, vector<16xi32>,
    %add3A_2361 = arith.addi %add3A_2356, %get3A_2360 : vector<16xi32>
    %get3A_2362 = arith.constant 11 : i32
    %get3A_2363 = arith.index_cast %get3A_2362 : i32 to index
    %get3A_2364 = arith.constant 224 : index
    %get3A_2365 = tpu.vector_load %arg7[%get3A_2363, %get3A_2364] {strides = array<i32>} : memref<16x256xi32, #tpu.memory_space<vmem>>, vector<16xi32>,
    %add3A_2366 = arith.addi %add3A_2361, %get3A_2365 : vector<16xi32>
    %get3A_2367 = arith.constant 12 : i32
    %get3A_2368 = arith.index_cast %get3A_2367 : i32 to index
    %get3A_2369 = arith.constant 224 : index
    %get3A_2370 = tpu.vector_load %arg7[%get3A_2368, %get3A_2369] {strides = array<i32>} : memref<16x256xi32, #tpu.memory_space<vmem>>, vector<16xi32>,
    %add3A_2371 = arith.addi %add3A_2366, %get3A_2370 : vector<16xi32>
    %get3A_2372 = arith.constant 13 : i32
    %get3A_2373 = arith.index_cast %get3A_2372 : i32 to index
    %get3A_2374 = arith.constant 224 : index
    %get3A_2375 = tpu.vector_load %arg7[%get3A_2373, %get3A_2374] {strides = array<i32>} : memref<16x256xi32, #tpu.memory_space<vmem>>, vector<16xi32>,
    %add3A_2376 = arith.addi %add3A_2371, %get3A_2375 : vector<16xi32>
    %get3A_2377 = arith.constant 14 : i32
    %get3A_2378 = arith.index_cast %get3A_2377 : i32 to index
    %get3A_2379 = arith.constant 224 : index
    %get3A_2380 = tpu.vector_load %arg7[%get3A_2378, %get3A_2379] {strides = array<i32>} : memref<16x256xi32, #tpu.memory_space<vmem>>, vector<16xi32>,
    %add3A_2381 = arith.addi %add3A_2376, %get3A_2380 : vector<16xi32>
    %get3A_2382 = arith.constant 15 : i32
    %get3A_2383 = arith.index_cast %get3A_2382 : i32 to index
    %get3A_2384 = arith.constant 224 : index
    %get3A_2385 = tpu.vector_load %arg7[%get3A_2383, %get3A_2384] {strides = array<i32>} : memref<16x256xi32, #tpu.memory_space<vmem>>, vector<16xi32>,
    %add3A_2386 = arith.addi %add3A_2381, %get3A_2385 : vector<16xi32>
    %swap3A_2387 = arith.constant 224 : index
    %swap3A_2388 = tpu.vector_load %arg8[%swap3A_2387] {strides = array<i32>} : memref<256xi32, #tpu.memory_space<vmem>>, vector<16xi32>,
    tpu.vector_store %arg8[%swap3A_2387], %add3A_2386 {strides = array<i32>} : memref<256xi32, #tpu.memory_space<vmem>>, vector<16xi32>,
    %get3A_2389 = arith.constant 0 : i32
    %get3A_2390 = arith.index_cast %get3A_2389 : i32 to index
    %get3A_2391 = arith.constant 240 : index
    %get3A_2392 = tpu.vector_load %arg7[%get3A_2390, %get3A_2391] {strides = array<i32>} : memref<16x256xi32, #tpu.memory_space<vmem>>, vector<16xi32>,
    %get3A_2393 = arith.constant 1 : i32
    %get3A_2394 = arith.index_cast %get3A_2393 : i32 to index
    %get3A_2395 = arith.constant 240 : index
    %get3A_2396 = tpu.vector_load %arg7[%get3A_2394, %get3A_2395] {strides = array<i32>} : memref<16x256xi32, #tpu.memory_space<vmem>>, vector<16xi32>,
    %add3A_2397 = arith.addi %get3A_2392, %get3A_2396 : vector<16xi32>
    %get3A_2398 = arith.constant 2 : i32
    %get3A_2399 = arith.index_cast %get3A_2398 : i32 to index
    %get3A_2400 = arith.constant 240 : index
    %get3A_2401 = tpu.vector_load %arg7[%get3A_2399, %get3A_2400] {strides = array<i32>} : memref<16x256xi32, #tpu.memory_space<vmem>>, vector<16xi32>,
    %add3A_2402 = arith.addi %add3A_2397, %get3A_2401 : vector<16xi32>
    %get3A_2403 = arith.constant 3 : i32
    %get3A_2404 = arith.index_cast %get3A_2403 : i32 to index
    %get3A_2405 = arith.constant 240 : index
    %get3A_2406 = tpu.vector_load %arg7[%get3A_2404, %get3A_2405] {strides = array<i32>} : memref<16x256xi32, #tpu.memory_space<vmem>>, vector<16xi32>,
    %add3A_2407 = arith.addi %add3A_2402, %get3A_2406 : vector<16xi32>
    %get3A_2408 = arith.constant 4 : i32
    %get3A_2409 = arith.index_cast %get3A_2408 : i32 to index
    %get3A_2410 = arith.constant 240 : index
    %get3A_2411 = tpu.vector_load %arg7[%get3A_2409, %get3A_2410] {strides = array<i32>} : memref<16x256xi32, #tpu.memory_space<vmem>>, vector<16xi32>,
    %add3A_2412 = arith.addi %add3A_2407, %get3A_2411 : vector<16xi32>
    %get3A_2413 = arith.constant 5 : i32
    %get3A_2414 = arith.index_cast %get3A_2413 : i32 to index
    %get3A_2415 = arith.constant 240 : index
    %get3A_2416 = tpu.vector_load %arg7[%get3A_2414, %get3A_2415] {strides = array<i32>} : memref<16x256xi32, #tpu.memory_space<vmem>>, vector<16xi32>,
    %add3A_2417 = arith.addi %add3A_2412, %get3A_2416 : vector<16xi32>
    %get3A_2418 = arith.constant 6 : i32
    %get3A_2419 = arith.index_cast %get3A_2418 : i32 to index
    %get3A_2420 = arith.constant 240 : index
    %get3A_2421 = tpu.vector_load %arg7[%get3A_2419, %get3A_2420] {strides = array<i32>} : memref<16x256xi32, #tpu.memory_space<vmem>>, vector<16xi32>,
    %add3A_2422 = arith.addi %add3A_2417, %get3A_2421 : vector<16xi32>
    %get3A_2423 = arith.constant 7 : i32
    %get3A_2424 = arith.index_cast %get3A_2423 : i32 to index
    %get3A_2425 = arith.constant 240 : index
    %get3A_2426 = tpu.vector_load %arg7[%get3A_2424, %get3A_2425] {strides = array<i32>} : memref<16x256xi32, #tpu.memory_space<vmem>>, vector<16xi32>,
    %add3A_2427 = arith.addi %add3A_2422, %get3A_2426 : vector<16xi32>
    %get3A_2428 = arith.constant 8 : i32
    %get3A_2429 = arith.index_cast %get3A_2428 : i32 to index
    %get3A_2430 = arith.constant 240 : index
    %get3A_2431 = tpu.vector_load %arg7[%get3A_2429, %get3A_2430] {strides = array<i32>} : memref<16x256xi32, #tpu.memory_space<vmem>>, vector<16xi32>,
    %add3A_2432 = arith.addi %add3A_2427, %get3A_2431 : vector<16xi32>
    %get3A_2433 = arith.constant 9 : i32
    %get3A_2434 = arith.index_cast %get3A_2433 : i32 to index
    %get3A_2435 = arith.constant 240 : index
    %get3A_2436 = tpu.vector_load %arg7[%get3A_2434, %get3A_2435] {strides = array<i32>} : memref<16x256xi32, #tpu.memory_space<vmem>>, vector<16xi32>,
    %add3A_2437 = arith.addi %add3A_2432, %get3A_2436 : vector<16xi32>
    %get3A_2438 = arith.constant 10 : i32
    %get3A_2439 = arith.index_cast %get3A_2438 : i32 to index
    %get3A_2440 = arith.constant 240 : index
    %get3A_2441 = tpu.vector_load %arg7[%get3A_2439, %get3A_2440] {strides = array<i32>} : memref<16x256xi32, #tpu.memory_space<vmem>>, vector<16xi32>,
    %add3A_2442 = arith.addi %add3A_2437, %get3A_2441 : vector<16xi32>
    %get3A_2443 = arith.constant 11 : i32
    %get3A_2444 = arith.index_cast %get3A_2443 : i32 to index
    %get3A_2445 = arith.constant 240 : index
    %get3A_2446 = tpu.vector_load %arg7[%get3A_2444, %get3A_2445] {strides = array<i32>} : memref<16x256xi32, #tpu.memory_space<vmem>>, vector<16xi32>,
    %add3A_2447 = arith.addi %add3A_2442, %get3A_2446 : vector<16xi32>
    %get3A_2448 = arith.constant 12 : i32
    %get3A_2449 = arith.index_cast %get3A_2448 : i32 to index
    %get3A_2450 = arith.constant 240 : index
    %get3A_2451 = tpu.vector_load %arg7[%get3A_2449, %get3A_2450] {strides = array<i32>} : memref<16x256xi32, #tpu.memory_space<vmem>>, vector<16xi32>,
    %add3A_2452 = arith.addi %add3A_2447, %get3A_2451 : vector<16xi32>
    %get3A_2453 = arith.constant 13 : i32
    %get3A_2454 = arith.index_cast %get3A_2453 : i32 to index
    %get3A_2455 = arith.constant 240 : index
    %get3A_2456 = tpu.vector_load %arg7[%get3A_2454, %get3A_2455] {strides = array<i32>} : memref<16x256xi32, #tpu.memory_space<vmem>>, vector<16xi32>,
    %add3A_2457 = arith.addi %add3A_2452, %get3A_2456 : vector<16xi32>
    %get3A_2458 = arith.constant 14 : i32
    %get3A_2459 = arith.index_cast %get3A_2458 : i32 to index
    %get3A_2460 = arith.constant 240 : index
    %get3A_2461 = tpu.vector_load %arg7[%get3A_2459, %get3A_2460] {strides = array<i32>} : memref<16x256xi32, #tpu.memory_space<vmem>>, vector<16xi32>,
    %add3A_2462 = arith.addi %add3A_2457, %get3A_2461 : vector<16xi32>
    %get3A_2463 = arith.constant 15 : i32
    %get3A_2464 = arith.index_cast %get3A_2463 : i32 to index
    %get3A_2465 = arith.constant 240 : index
    %get3A_2466 = tpu.vector_load %arg7[%get3A_2464, %get3A_2465] {strides = array<i32>} : memref<16x256xi32, #tpu.memory_space<vmem>>, vector<16xi32>,
    %add3A_2467 = arith.addi %add3A_2462, %get3A_2466 : vector<16xi32>
    %swap3A_2468 = arith.constant 240 : index
    %swap3A_2469 = tpu.vector_load %arg8[%swap3A_2468] {strides = array<i32>} : memref<256xi32, #tpu.memory_space<vmem>>, vector<16xi32>,
    tpu.vector_store %arg8[%swap3A_2468], %add3A_2467 {strides = array<i32>} : memref<256xi32, #tpu.memory_space<vmem>>, vector<16xi32>,
    "tpu.region"() ({
      %run_scoped3A = tpu.sem_alloc : memref<!tpu.dma_semaphore, #tpu.memory_space<semaphore_mem>>
      %dma_start3A_2470 = arith.constant 0 : i32
      %dma_start3A_2471 = tpu.memref_slice %arg4[%add3A, %dma_start3A_2470] : memref<32x256xi32, #tpu.memory_space<hbm>> -> memref<1x256xi32, #tpu.memory_space<hbm>>
      %dma_start3A_2472 = tpu.memref_squeeze %dma_start3A_2471 : memref<1x256xi32, #tpu.memory_space<hbm>> -> memref<256xi32, #tpu.memory_space<hbm>>
      %dma_start3A_2473 = arith.constant 0 : i32
      %dma_start3A_2474 = tpu.memref_slice %arg4[%add3A, %dma_start3A_2473] : memref<32x256xi32, #tpu.memory_space<hbm>> -> memref<1x256xi32, #tpu.memory_space<hbm>>
      %dma_start3A_2475 = tpu.memref_squeeze %dma_start3A_2474 : memref<1x256xi32, #tpu.memory_space<hbm>> -> memref<256xi32, #tpu.memory_space<hbm>>
      tpu.enqueue_dma source(%arg8 : memref<256xi32, #tpu.memory_space<vmem>>) target(%dma_start3A_2475 : memref<256xi32, #tpu.memory_space<hbm>>) target_semaphore(%run_scoped3A : memref<!tpu.dma_semaphore, #tpu.memory_space<semaphore_mem>>)
      %dma_wait3A_2476 = arith.constant 0 : i32
      %dma_wait3A_2477 = tpu.memref_slice %arg4[%add3A, %dma_wait3A_2476] : memref<32x256xi32, #tpu.memory_space<hbm>> -> memref<1x256xi32, #tpu.memory_space<hbm>>
      %dma_wait3A_2478 = tpu.memref_squeeze %dma_wait3A_2477 : memref<1x256xi32, #tpu.memory_space<hbm>> -> memref<256xi32, #tpu.memory_space<hbm>>
      %dma_wait3A_2479 = arith.constant 0 : i32
      %dma_wait3A_2480 = tpu.memref_slice %arg4[%add3A, %dma_wait3A_2479] : memref<32x256xi32, #tpu.memory_space<hbm>> -> memref<1x256xi32, #tpu.memory_space<hbm>>
      %dma_wait3A_2481 = tpu.memref_squeeze %dma_wait3A_2480 : memref<1x256xi32, #tpu.memory_space<hbm>> -> memref<256xi32, #tpu.memory_space<hbm>>
      tpu.wait_dma2 semaphore(%run_scoped3A : memref<!tpu.dma_semaphore, #tpu.memory_space<semaphore_mem>>) src(%arg8 : memref<256xi32, #tpu.memory_space<vmem>>) dst(%dma_wait3A_2481 : memref<256xi32, #tpu.memory_space<hbm>>)
      tpu.yield
    }) : () -> ()
    return
  }
}

module attributes {stable_mosaic.version = 14 : i64} {
  func.func @_tc2_body(%arg0: i32, %arg1: memref<256x512xf32, #tpu.memory_space<vmem>>, %arg2: memref<32x256xi32, #tpu.memory_space<vmem>>, %arg3: memref<1x1x512xi32, #tpu.memory_space<vmem>>, %arg4: memref<1x512xf32, #tpu.memory_space<vmem>>, %arg5: memref<1x256xf32, #tpu.memory_space<vmem>>, %arg6: memref<2x16xi32, #tpu.memory_space<vmem>>, %arg7: memref<1x1xf32, #tpu.memory_space<vmem>>) attributes {dimension_semantics = [#tpu.dimension_semantics<arbitrary>], iteration_bounds = array<i64: 8>, scalar_prefetch = 0 : i64, scratch_operands = 0 : i64, tpu.core_type = #tpu.core_type<tc>, window_params = [{transform_indices = @transform_0, window_bounds = array<i64: 256, 512>}, {pipeline_mode = #tpu.pipeline_mode<synchronous>, transform_indices = @transform_1, window_bounds = array<i64: 32, 256>}, {transform_indices = @transform_2, window_bounds = array<i64: 1, 1, 512>}, {transform_indices = @transform_3, window_bounds = array<i64: 1, 512>}, {pipeline_mode = #tpu.pipeline_mode<synchronous>, transform_indices = @transform_4, window_bounds = array<i64: 1, 256>}, {pipeline_mode = #tpu.pipeline_mode<synchronous>, transform_indices = @transform_5, window_bounds = array<i64: 2, 16>}, {pipeline_mode = #tpu.pipeline_mode<synchronous>, transform_indices = @transform_6, window_bounds = array<i64: 1, 1>}]} {
    %get3A = arith.constant 0 : index
    %get3A_0 = arith.constant 0 : index
    %get3A_1 = vector.load %arg2[%get3A, %get3A_0] : memref<32x256xi32, #tpu.memory_space<vmem>>, vector<32x256xi32>
    %reduce_sum3A = arith.constant dense<0> : vector<256xi32>
    %reduce_sum3A_2 = vector.multi_reduction <add>, %get3A_1, %reduce_sum3A [0] : vector<32x256xi32> to vector<256xi32>
    %broadcast_in_dim3A = vector.shape_cast %reduce_sum3A_2 : vector<256xi32> to vector<1x256xi32>
    %convert_element_type3A = arith.sitofp %broadcast_in_dim3A : vector<1x256xi32> to vector<1x256xf32>
    %add3A = arith.constant 1.000000e+00 : f32
    %add3A_3 = vector.broadcast %add3A : f32 to vector<1x256xf32>
    %add3A_4 = arith.addf %convert_element_type3A, %add3A_3 : vector<1x256xf32>
    %sqrt3A = math.sqrt %add3A_4 : vector<1x256xf32>
    %rsqrt3A = math.rsqrt %sqrt3A : vector<1x256xf32>
    %eq3A = arith.constant 0 : i32
    %eq3A_5 = arith.cmpi eq, %arg0, %eq3A : i32
    %convert_element_type3A_6 = arith.extui %eq3A_5 : i1 to i32
    %cond3A = arith.constant 0 : i32
    %cond3A_7 = arith.cmpi ne, %convert_element_type3A_6, %cond3A : i32
    scf.if %cond3A_7 {
      %swap3A_45 = arith.constant 0 : index
      %swap3A_46 = arith.constant 0 : index
      %swap3A_47 = vector.load %arg5[%swap3A_45, %swap3A_46] : memref<1x256xf32, #tpu.memory_space<vmem>>, vector<1x256xf32>
      tpu.vector_store %arg5[%swap3A_45, %swap3A_46], %rsqrt3A {strides = array<i32>} : memref<1x256xf32, #tpu.memory_space<vmem>>, vector<1x256xf32>,
      %iota3A_48 = tpu.iota {dimensions = array<i32: 0>} : vector<16x256xi32>
      %iota3A_49 = tpu.iota {dimensions = array<i32: 1>} : vector<16x256xi32>
      %broadcast_in_dim3A_50 = vector.shape_cast %broadcast_in_dim3A : vector<1x256xi32> to vector<1x256xi32>
      %broadcast_in_dim3A_51 = vector.broadcast %broadcast_in_dim3A_50 : vector<1x256xi32> to vector<16x256xi32>
      %jit3A_52 = arith.constant 16 : i32
      %eq3A_53 = arith.constant 0 : i32
      %eq3A_54 = arith.cmpi eq, %jit3A_52, %eq3A_53 : i32
      %jit3A_55 = arith.constant 1 : i32
      %select_n3A_56 = arith.select %eq3A_54, %jit3A_55, %jit3A_52 : i32
      %rem3A = vector.broadcast %select_n3A_56 : i32 to vector<16x256xi32>
      %rem3A_57 = arith.remsi %iota3A_49, %rem3A : vector<16x256xi32>
      %ne3A = arith.constant 0 : i32
      %ne3A_58 = vector.broadcast %ne3A : i32 to vector<16x256xi32>
      %ne3A_59 = arith.cmpi ne, %rem3A_57, %ne3A_58 : vector<16x256xi32>
      %lt3A = arith.constant 0 : i32
      %lt3A_60 = vector.broadcast %lt3A : i32 to vector<16x256xi32>
      %lt3A_61 = arith.cmpi slt, %rem3A_57, %lt3A_60 : vector<16x256xi32>
      %lt3A_62 = arith.constant 0 : i32
      %lt3A_63 = arith.cmpi slt, %select_n3A_56, %lt3A_62 : i32
      %ne3A_64 = vector.broadcast %lt3A_63 : i1 to vector<16x256xi1>
      %ne3A_65 = vector.broadcast %ne3A_64 : vector<16x256xi1> to vector<16x256xi1>
      %ne3A_66 = arith.xori %lt3A_61, %ne3A_65 : vector<16x256xi1>
      %and3A = arith.andi %ne3A_66, %ne3A_59 : vector<16x256xi1>
      %add3A_67 = vector.broadcast %select_n3A_56 : i32 to vector<16x256xi32>
      %add3A_68 = arith.addi %rem3A_57, %add3A_67 : vector<16x256xi32>
      %select_n3A_69 = arith.select %and3A, %add3A_68, %rem3A_57 : vector<16x256xi1>, vector<16x256xi32>
      %eq3A_70 = arith.cmpi eq, %select_n3A_69, %iota3A_48 : vector<16x256xi32>
      %jit3A_71 = arith.constant 0 : i32
      %broadcast_in_dim3A_72 = vector.broadcast %jit3A_71 : i32 to vector<16x256xi32>
      %select_n3A_73 = arith.select %eq3A_70, %broadcast_in_dim3A_51, %broadcast_in_dim3A_72 : vector<16x256xi1>, vector<16x256xi32>
      %reduce_sum3A_74 = arith.constant dense<0> : vector<16xi32>
      %reduce_sum3A_75 = vector.multi_reduction <add>, %select_n3A_73, %reduce_sum3A_74 [1] : vector<16x256xi32> to vector<16xi32>
      %swap3A_76 = arith.constant 0 : index
      %swap3A_77 = arith.constant 0 : index
      %swap3A_78 = vector.load %arg6[%swap3A_76, %swap3A_77] : memref<2x16xi32, #tpu.memory_space<vmem>>, vector<1x16xi32>
      %swap3A_79 = vector.shape_cast %swap3A_78 : vector<1x16xi32> to vector<16xi32>
      %swap3A_80 = vector.shape_cast %reduce_sum3A_75 : vector<16xi32> to vector<1x16xi32>
      tpu.vector_store %arg6[%swap3A_76, %swap3A_77], %swap3A_80 {strides = array<i32>} : memref<2x16xi32, #tpu.memory_space<vmem>>, vector<1x16xi32>,
      %jit3A_81 = arith.constant 16 : i32
      %div3A = vector.broadcast %jit3A_81 : i32 to vector<16x256xi32>
      %div3A_82 = arith.divsi %iota3A_49, %div3A : vector<16x256xi32>
      %sign3A = arith.constant 0 : i32
      %sign3A_83 = vector.broadcast %sign3A : i32 to vector<16x256xi32>
      %sign3A_84 = arith.cmpi sgt, %iota3A_49, %sign3A_83 : vector<16x256xi32>
      %sign3A_85 = arith.extui %sign3A_84 : vector<16x256xi1> to vector<16x256xi32>
      %sign3A_86 = arith.constant 0 : i32
      %sign3A_87 = vector.broadcast %sign3A_86 : i32 to vector<16x256xi32>
      %sign3A_88 = arith.cmpi slt, %iota3A_49, %sign3A_87 : vector<16x256xi32>
      %sign3A_89 = arith.extui %sign3A_88 : vector<16x256xi1> to vector<16x256xi32>
      %sign3A_90 = arith.subi %sign3A_85, %sign3A_89 : vector<16x256xi32>
      %sign3A_91 = arith.constant 0 : i32
      %sign3A_92 = arith.cmpi sgt, %jit3A_81, %sign3A_91 : i32
      %sign3A_93 = arith.extui %sign3A_92 : i1 to i32
      %sign3A_94 = arith.constant 0 : i32
      %sign3A_95 = arith.cmpi slt, %jit3A_81, %sign3A_94 : i32
      %sign3A_96 = arith.extui %sign3A_95 : i1 to i32
      %sign3A_97 = arith.subi %sign3A_93, %sign3A_96 : i32
      %ne3A_98 = vector.broadcast %sign3A_97 : i32 to vector<16x256xi32>
      %ne3A_99 = arith.cmpi ne, %sign3A_90, %ne3A_98 : vector<16x256xi32>
      %rem3A_100 = vector.broadcast %jit3A_81 : i32 to vector<16x256xi32>
      %rem3A_101 = arith.remsi %iota3A_49, %rem3A_100 : vector<16x256xi32>
      %ne3A_102 = arith.constant 0 : i32
      %ne3A_103 = vector.broadcast %ne3A_102 : i32 to vector<16x256xi32>
      %ne3A_104 = arith.cmpi ne, %rem3A_101, %ne3A_103 : vector<16x256xi32>
      %and3A_105 = arith.andi %ne3A_99, %ne3A_104 : vector<16x256xi1>
      %sub3A_106 = arith.constant 1 : i32
      %sub3A_107 = vector.broadcast %sub3A_106 : i32 to vector<16x256xi32>
      %sub3A_108 = arith.subi %div3A_82, %sub3A_107 : vector<16x256xi32>
      %select_n3A_109 = arith.select %and3A_105, %sub3A_108, %div3A_82 : vector<16x256xi1>, vector<16x256xi32>
      %eq3A_110 = arith.cmpi eq, %select_n3A_109, %iota3A_48 : vector<16x256xi32>
      %jit3A_111 = arith.constant 0 : i32
      %broadcast_in_dim3A_112 = vector.broadcast %jit3A_111 : i32 to vector<16x256xi32>
      %select_n3A_113 = arith.select %eq3A_110, %broadcast_in_dim3A_51, %broadcast_in_dim3A_112 : vector<16x256xi1>, vector<16x256xi32>
      %reduce_sum3A_114 = arith.constant dense<0> : vector<16xi32>
      %reduce_sum3A_115 = vector.multi_reduction <add>, %select_n3A_113, %reduce_sum3A_114 [1] : vector<16x256xi32> to vector<16xi32>
      %swap3A_116 = arith.constant 1 : index
      %swap3A_117 = arith.constant 0 : index
      %swap3A_118 = vector.load %arg6[%swap3A_116, %swap3A_117] : memref<2x16xi32, #tpu.memory_space<vmem>>, vector<1x16xi32>
      %swap3A_119 = vector.shape_cast %swap3A_118 : vector<1x16xi32> to vector<16xi32>
      %swap3A_120 = vector.shape_cast %reduce_sum3A_115 : vector<16xi32> to vector<1x16xi32>
      tpu.vector_store %arg6[%swap3A_116, %swap3A_117], %swap3A_120 {strides = array<i32>} : memref<2x16xi32, #tpu.memory_space<vmem>>, vector<1x16xi32>,
      %broadcast_in_dim3A_121 = arith.constant 0.000000e+00 : f32
      %broadcast_in_dim3A_122 = vector.broadcast %broadcast_in_dim3A_121 : f32 to vector<1x1xf32>
      %swap3A_123 = arith.constant 0 : index
      %swap3A_124 = arith.constant 0 : index
      %swap3A_125 = vector.load %arg7[%swap3A_123, %swap3A_124] : memref<1x1xf32, #tpu.memory_space<vmem>>, vector<1x1xf32>
      tpu.vector_store %arg7[%swap3A_123, %swap3A_124], %broadcast_in_dim3A_122 {strides = array<i32>} : memref<1x1xf32, #tpu.memory_space<vmem>>, vector<1x1xf32>,
    } else {
    }
    %get3A_8 = arith.constant 0 : index
    %get3A_9 = arith.constant 0 : index
    %get3A_10 = vector.load %arg1[%get3A_8, %get3A_9] : memref<256x512xf32, #tpu.memory_space<vmem>>, vector<256x512xf32>
    %get3A_11 = arith.constant 0 : index
    %get3A_12 = arith.constant 0 : index
    %get3A_13 = arith.constant 0 : index
    %get3A_14 = vector.load %arg3[%get3A_11, %get3A_12, %get3A_13] : memref<1x1x512xi32, #tpu.memory_space<vmem>>, vector<1x1x512xi32>
    %get3A_15 = vector.shape_cast %get3A_14 : vector<1x1x512xi32> to vector<512xi32>
    %reshape3A = vector.shape_cast %get3A_15 : vector<512xi32> to vector<1x512xi32>
    %iota3A = tpu.iota {dimensions = array<i32: 0>} : vector<256x512xi32>
    %eq3A_16 = vector.broadcast %reshape3A : vector<1x512xi32> to vector<256x512xi32>
    %eq3A_17 = arith.cmpi eq, %iota3A, %eq3A_16 : vector<256x512xi32>
    %jit3A = arith.constant 0.000000e+00 : f32
    %broadcast_in_dim3A_18 = vector.broadcast %jit3A : f32 to vector<256x512xf32>
    %select_n3A = arith.select %eq3A_17, %get3A_10, %broadcast_in_dim3A_18 : vector<256x512xi1>, vector<256x512xf32>
    %reduce_sum3A_19 = arith.constant dense<0.000000e+00> : vector<512xf32>
    %reduce_sum3A_20 = vector.multi_reduction <add>, %select_n3A, %reduce_sum3A_19 [0] : vector<256x512xf32> to vector<512xf32>
    %broadcast_in_dim3A_21 = vector.shape_cast %reduce_sum3A_20 : vector<512xf32> to vector<1x512xf32>
    %convert_element_type3A_22 = arith.extui %eq3A_17 : vector<256x512xi1> to vector<256x512xi32>
    %convert_element_type3A_23 = arith.sitofp %convert_element_type3A_22 : vector<256x512xi32> to vector<256x512xf32>
    %dot_general3A = arith.constant dense<0.000000e+00> : vector<1x512xf32>
    %dot_general3A_24 = tpu.matmul %rsqrt3A, %convert_element_type3A_23, %dot_general3A {dimension_numbers = #tpu.dot_dimension_numbers<[1], [0], [0], [1], [0, 0, 1, 1], [], []>, transpose_lhs_hint = false} : vector<1x256xf32>, vector<256x512xf32>, vector<1x512xf32> -> vector<1x512xf32>
    %get3A_25 = arith.constant 0 : index
    %get3A_26 = arith.constant 0 : index
    %get3A_27 = vector.load %arg4[%get3A_25, %get3A_26] : memref<1x512xf32, #tpu.memory_space<vmem>>, vector<1x512xf32>
    %sub3A = arith.subf %get3A_27, %broadcast_in_dim3A_21 : vector<1x512xf32>
    %mul3A = arith.mulf %sub3A, %dot_general3A_24 : vector<1x512xf32>
    %reduce_sum3A_28 = vector.shape_cast %mul3A : vector<1x512xf32> to vector<1x1x512xf32>
    %reduce_sum3A_29 = arith.constant dense<0.000000e+00> : vector<1xf32>
    %reduce_sum3A_30 = vector.multi_reduction <add>, %reduce_sum3A_28, %reduce_sum3A_29 [1, 2] : vector<1x1x512xf32> to vector<1xf32>
    %reduce_sum3A_31 = vector.shape_cast %reduce_sum3A_30 : vector<1xf32> to vector<1x1x1xf32>
    %reduce_sum3A_32 = vector.extract %reduce_sum3A_31[0, 0, 0] : f32 from vector<1x1x1xf32>
    %mul3A_33 = arith.constant 2.44140625E-4 : f32
    %mul3A_34 = arith.mulf %reduce_sum3A_32, %mul3A_33 : f32
    %get3A_35 = arith.constant 0 : index
    %get3A_36 = arith.constant 0 : index
    %get3A_37 = vector.load %arg7[%get3A_35, %get3A_36] : memref<1x1xf32, #tpu.memory_space<vmem>>, vector<1x1xf32>
    %broadcast_in_dim3A_38 = arith.constant 1.000000e+00 : f32
    %broadcast_in_dim3A_39 = vector.broadcast %broadcast_in_dim3A_38 : f32 to vector<1x1xf32>
    %mul3A_40 = vector.broadcast %mul3A_34 : f32 to vector<1x1xf32>
    %mul3A_41 = arith.mulf %broadcast_in_dim3A_39, %mul3A_40 : vector<1x1xf32>
    %add3A_42 = arith.addf %get3A_37, %mul3A_41 : vector<1x1xf32>
    %swap3A = arith.constant 0 : index
    %swap3A_43 = arith.constant 0 : index
    %swap3A_44 = vector.load %arg7[%swap3A, %swap3A_43] : memref<1x1xf32, #tpu.memory_space<vmem>>, vector<1x1xf32>
    tpu.vector_store %arg7[%swap3A, %swap3A_43], %add3A_42 {strides = array<i32>} : memref<1x1xf32, #tpu.memory_space<vmem>>, vector<1x1xf32>,
    return
  }
  func.func @transform_0(%arg0: i32) -> (i32, i32) {
    %c0_i32 = arith.constant 0 : i32
    %c0_i32_0 = arith.constant 0 : i32
    return %c0_i32, %arg0 : i32, i32
  }
  func.func @transform_1(%arg0: i32) -> (i32, i32) {
    %c0_i32 = arith.constant 0 : i32
    %c0_i32_0 = arith.constant 0 : i32
    %c0_i32_1 = arith.constant 0 : i32
    return %c0_i32, %c0_i32_0 : i32, i32
  }
  func.func @transform_2(%arg0: i32) -> (i32, i32, i32) {
    %c0_i32 = arith.constant 0 : i32
    %c0_i32_0 = arith.constant 0 : i32
    %c0_i32_1 = arith.constant 0 : i32
    return %arg0, %c0_i32, %c0_i32_0 : i32, i32, i32
  }
  func.func @transform_3(%arg0: i32) -> (i32, i32) {
    %c0_i32 = arith.constant 0 : i32
    %c0_i32_0 = arith.constant 0 : i32
    return %c0_i32, %arg0 : i32, i32
  }
  func.func @transform_4(%arg0: i32) -> (i32, i32) {
    %c0_i32 = arith.constant 0 : i32
    %c0_i32_0 = arith.constant 0 : i32
    %c0_i32_1 = arith.constant 0 : i32
    return %c0_i32, %c0_i32_0 : i32, i32
  }
  func.func @transform_5(%arg0: i32) -> (i32, i32) {
    %c0_i32 = arith.constant 0 : i32
    %c0_i32_0 = arith.constant 0 : i32
    %c0_i32_1 = arith.constant 0 : i32
    return %c0_i32, %c0_i32_0 : i32, i32
  }
  func.func @transform_6(%arg0: i32) -> (i32, i32) {
    %c0_i32 = arith.constant 0 : i32
    %c0_i32_0 = arith.constant 0 : i32
    %c0_i32_1 = arith.constant 0 : i32
    return %c0_i32, %c0_i32_0 : i32, i32
  }
}

module attributes {stable_mosaic.version = 14 : i64} {
  func.func @_tc1_body(%arg0: i32, %arg1: memref<256x512xf32, #tpu.memory_space<vmem>>, %arg2: memref<32x512xf32, #tpu.memory_space<vmem>>, %arg3: memref<1x512xf32, #tpu.memory_space<vmem>>) attributes {dimension_semantics = [#tpu.dimension_semantics<arbitrary>], iteration_bounds = array<i64: 8>, scalar_prefetch = 0 : i64, scratch_operands = 0 : i64, tpu.core_type = #tpu.core_type<tc>, window_params = [{transform_indices = @transform_0, window_bounds = array<i64: 256, 512>}, {transform_indices = @transform_1, window_bounds = array<i64: 32, 512>}, {transform_indices = @transform_2, window_bounds = array<i64: 1, 512>}]} {
    %get3A = arith.constant 0 : index
    %get3A_0 = arith.constant 0 : index
    %get3A_1 = vector.load %arg1[%get3A, %get3A_0] : memref<256x512xf32, #tpu.memory_space<vmem>>, vector<256x512xf32>
    %reduce_max3A = arith.constant dense<0xFF800000> : vector<512xf32>
    %reduce_max3A_2 = vector.multi_reduction <maximumf>, %get3A_1, %reduce_max3A [0] : vector<256x512xf32> to vector<512xf32>
    %broadcast_in_dim3A = vector.shape_cast %reduce_max3A_2 : vector<512xf32> to vector<1x512xf32>
    %sub3A = vector.broadcast %broadcast_in_dim3A : vector<1x512xf32> to vector<256x512xf32>
    %sub3A_3 = arith.subf %get3A_1, %sub3A : vector<256x512xf32>
    %exp3A = math.exp %sub3A_3 : vector<256x512xf32>
    %reduce_sum3A = arith.constant dense<0.000000e+00> : vector<512xf32>
    %reduce_sum3A_4 = vector.multi_reduction <add>, %exp3A, %reduce_sum3A [0] : vector<256x512xf32> to vector<512xf32>
    %broadcast_in_dim3A_5 = vector.shape_cast %reduce_sum3A_4 : vector<512xf32> to vector<1x512xf32>
    %div3A = vector.broadcast %broadcast_in_dim3A_5 : vector<1x512xf32> to vector<256x512xf32>
    %div3A_6 = arith.divf %exp3A, %div3A : vector<256x512xf32>
    %iota3A = tpu.iota {dimensions = array<i32: 0>} : vector<16x256xi32>
    %iota3A_7 = tpu.iota {dimensions = array<i32: 1>} : vector<16x256xi32>
    %jit3A = arith.constant 16 : i32
    %div3A_8 = vector.broadcast %jit3A : i32 to vector<16x256xi32>
    %div3A_9 = arith.divsi %iota3A_7, %div3A_8 : vector<16x256xi32>
    %sign3A = arith.constant 0 : i32
    %sign3A_10 = vector.broadcast %sign3A : i32 to vector<16x256xi32>
    %sign3A_11 = arith.cmpi sgt, %iota3A_7, %sign3A_10 : vector<16x256xi32>
    %sign3A_12 = arith.extui %sign3A_11 : vector<16x256xi1> to vector<16x256xi32>
    %sign3A_13 = arith.constant 0 : i32
    %sign3A_14 = vector.broadcast %sign3A_13 : i32 to vector<16x256xi32>
    %sign3A_15 = arith.cmpi slt, %iota3A_7, %sign3A_14 : vector<16x256xi32>
    %sign3A_16 = arith.extui %sign3A_15 : vector<16x256xi1> to vector<16x256xi32>
    %sign3A_17 = arith.subi %sign3A_12, %sign3A_16 : vector<16x256xi32>
    %sign3A_18 = arith.constant 0 : i32
    %sign3A_19 = arith.cmpi sgt, %jit3A, %sign3A_18 : i32
    %sign3A_20 = arith.extui %sign3A_19 : i1 to i32
    %sign3A_21 = arith.constant 0 : i32
    %sign3A_22 = arith.cmpi slt, %jit3A, %sign3A_21 : i32
    %sign3A_23 = arith.extui %sign3A_22 : i1 to i32
    %sign3A_24 = arith.subi %sign3A_20, %sign3A_23 : i32
    %ne3A = vector.broadcast %sign3A_24 : i32 to vector<16x256xi32>
    %ne3A_25 = arith.cmpi ne, %sign3A_17, %ne3A : vector<16x256xi32>
    %rem3A = vector.broadcast %jit3A : i32 to vector<16x256xi32>
    %rem3A_26 = arith.remsi %iota3A_7, %rem3A : vector<16x256xi32>
    %ne3A_27 = arith.constant 0 : i32
    %ne3A_28 = vector.broadcast %ne3A_27 : i32 to vector<16x256xi32>
    %ne3A_29 = arith.cmpi ne, %rem3A_26, %ne3A_28 : vector<16x256xi32>
    %and3A = arith.andi %ne3A_25, %ne3A_29 : vector<16x256xi1>
    %sub3A_30 = arith.constant 1 : i32
    %sub3A_31 = vector.broadcast %sub3A_30 : i32 to vector<16x256xi32>
    %sub3A_32 = arith.subi %div3A_9, %sub3A_31 : vector<16x256xi32>
    %select_n3A = arith.select %and3A, %sub3A_32, %div3A_9 : vector<16x256xi1>, vector<16x256xi32>
    %eq3A = arith.cmpi eq, %select_n3A, %iota3A : vector<16x256xi32>
    %convert_element_type3A = arith.extui %eq3A : vector<16x256xi1> to vector<16x256xi32>
    %convert_element_type3A_33 = arith.sitofp %convert_element_type3A : vector<16x256xi32> to vector<16x256xf32>
    %jit3A_34 = arith.constant 16 : i32
    %eq3A_35 = arith.constant 0 : i32
    %eq3A_36 = arith.cmpi eq, %jit3A_34, %eq3A_35 : i32
    %jit3A_37 = arith.constant 1 : i32
    %select_n3A_38 = arith.select %eq3A_36, %jit3A_37, %jit3A_34 : i32
    %rem3A_39 = vector.broadcast %select_n3A_38 : i32 to vector<16x256xi32>
    %rem3A_40 = arith.remsi %iota3A_7, %rem3A_39 : vector<16x256xi32>
    %ne3A_41 = arith.constant 0 : i32
    %ne3A_42 = vector.broadcast %ne3A_41 : i32 to vector<16x256xi32>
    %ne3A_43 = arith.cmpi ne, %rem3A_40, %ne3A_42 : vector<16x256xi32>
    %lt3A = arith.constant 0 : i32
    %lt3A_44 = vector.broadcast %lt3A : i32 to vector<16x256xi32>
    %lt3A_45 = arith.cmpi slt, %rem3A_40, %lt3A_44 : vector<16x256xi32>
    %lt3A_46 = arith.constant 0 : i32
    %lt3A_47 = arith.cmpi slt, %select_n3A_38, %lt3A_46 : i32
    %ne3A_48 = vector.broadcast %lt3A_47 : i1 to vector<16x256xi1>
    %ne3A_49 = vector.broadcast %ne3A_48 : vector<16x256xi1> to vector<16x256xi1>
    %ne3A_50 = arith.xori %lt3A_45, %ne3A_49 : vector<16x256xi1>
    %and3A_51 = arith.andi %ne3A_50, %ne3A_43 : vector<16x256xi1>
    %add3A = vector.broadcast %select_n3A_38 : i32 to vector<16x256xi32>
    %add3A_52 = arith.addi %rem3A_40, %add3A : vector<16x256xi32>
    %select_n3A_53 = arith.select %and3A_51, %add3A_52, %rem3A_40 : vector<16x256xi1>, vector<16x256xi32>
    %eq3A_54 = arith.cmpi eq, %select_n3A_53, %iota3A : vector<16x256xi32>
    %convert_element_type3A_55 = arith.extui %eq3A_54 : vector<16x256xi1> to vector<16x256xi32>
    %convert_element_type3A_56 = arith.sitofp %convert_element_type3A_55 : vector<16x256xi32> to vector<16x256xf32>
    %dot_general3A = arith.constant dense<0.000000e+00> : vector<16x512xf32>
    %dot_general3A_57 = tpu.matmul %convert_element_type3A_33, %div3A_6, %dot_general3A {dimension_numbers = #tpu.dot_dimension_numbers<[1], [0], [0], [1], [0, 0, 1, 1], [], []>, transpose_lhs_hint = false} : vector<16x256xf32>, vector<256x512xf32>, vector<16x512xf32> -> vector<16x512xf32>
    %swap3A = arith.constant 0 : index
    %swap3A_58 = arith.constant 0 : index
    %swap3A_59 = vector.load %arg2[%swap3A, %swap3A_58] : memref<32x512xf32, #tpu.memory_space<vmem>>, vector<16x512xf32>
    tpu.vector_store %arg2[%swap3A, %swap3A_58], %dot_general3A_57 {strides = array<i32>} : memref<32x512xf32, #tpu.memory_space<vmem>>, vector<16x512xf32>,
    %dot_general3A_60 = arith.constant dense<0.000000e+00> : vector<16x512xf32>
    %dot_general3A_61 = tpu.matmul %convert_element_type3A_56, %div3A_6, %dot_general3A_60 {dimension_numbers = #tpu.dot_dimension_numbers<[1], [0], [0], [1], [0, 0, 1, 1], [], []>, transpose_lhs_hint = false} : vector<16x256xf32>, vector<256x512xf32>, vector<16x512xf32> -> vector<16x512xf32>
    %swap3A_62 = arith.constant 16 : index
    %swap3A_63 = arith.constant 0 : index
    %swap3A_64 = vector.load %arg2[%swap3A_62, %swap3A_63] : memref<32x512xf32, #tpu.memory_space<vmem>>, vector<16x512xf32>
    tpu.vector_store %arg2[%swap3A_62, %swap3A_63], %dot_general3A_61 {strides = array<i32>} : memref<32x512xf32, #tpu.memory_space<vmem>>, vector<16x512xf32>,
    %log3A = math.log %broadcast_in_dim3A_5 : vector<1x512xf32>
    %add3A_65 = arith.addf %broadcast_in_dim3A, %log3A : vector<1x512xf32>
    %swap3A_66 = arith.constant 0 : index
    %swap3A_67 = arith.constant 0 : index
    %swap3A_68 = vector.load %arg3[%swap3A_66, %swap3A_67] : memref<1x512xf32, #tpu.memory_space<vmem>>, vector<1x512xf32>
    tpu.vector_store %arg3[%swap3A_66, %swap3A_67], %add3A_65 {strides = array<i32>} : memref<1x512xf32, #tpu.memory_space<vmem>>, vector<1x512xf32>,
    return
  }
  func.func @transform_0(%arg0: i32) -> (i32, i32) {
    %c0_i32 = arith.constant 0 : i32
    %c0_i32_0 = arith.constant 0 : i32
    return %c0_i32, %arg0 : i32, i32
  }
  func.func @transform_1(%arg0: i32) -> (i32, i32) {
    %c0_i32 = arith.constant 0 : i32
    %c0_i32_0 = arith.constant 0 : i32
    return %c0_i32, %arg0 : i32, i32
  }
  func.func @transform_2(%arg0: i32) -> (i32, i32) {
    %c0_i32 = arith.constant 0 : i32
    %c0_i32_0 = arith.constant 0 : i32
    return %c0_i32, %arg0 : i32, i32
  }
}

</mosaic_0001>

<sc_bundles>
// kernel: kernel.5.cloned.1.call-start
scs
__scs_entry_jumppad:
0x0: {  	(pc) =	sbr.rel $0x88, $3  }
0x1: {  	(tag) =	ssettag $0x0;
	lr =	simm.s32 $0x1  }
0x2: {  	[smem:$0x3F9E] =	sst lr;
	_ =	strace $0xD0000000  }
0x3: {  	_ = 	snop  }
0x4: {  	_ = 	snop  }
0x5: {  	_ = 	snop  }
0x6: {  	_ = 	snop  }
0x7: {  	_ = 	snop  }
__scs_overlays_trampoline_lowered:
0x8: {  	[smem:$0x3FAD] =	sst s0  }
0x9: {  	[smem:$0x3FAE] =	sst s1  }
0xa: {  	[smem:$0x3FAF] =	sst s2  }
0xb: {  	[smem:$0x3FB0] =	sst s3  }
0xc: {  	[smem:$0x3FB1] =	sst s4  }
0xd: {  	[smem:$0x3FB2] =	sst s5  }
0xe: {  	[smem:$0x3FB3] =	sst s6  }
0xf: {  	[smem:$0x3FB4] =	sst s7  }
0x10: {  	[smem:$0x3FB5] =	sst s8  }
0x11: {  	[smem:$0x3FB6] =	sst s9;
	s0 =	simm.s32 @!p0 $0x0  }
0x12: {  	s1 =	sld [smem:$0x3F9C];
	s0 =	simm.s32 @p0 $0x1  }
0x13: {  	[smem:$0x3FB7] =	sst s0;
	s0 =	simm.s32 @!p1 $0x0  }
0x14: {  	s2 =	sld [smem:$0x3F9B];
	s0 =	simm.s32 @p1 $0x1  }
0x15: {  	[smem:$0x3FB8] =	sst s0;
	s0 =	simm.s32 @!p2 $0x0  }
0x16: {  	s3 =	sld [smem:$0x3FDB];
	s0 =	simm.s32 @p2 $0x1  }
0x17: {  	s4 =	simm.s32 $0x1BF5;
	[smem:$0x3FBA] =	sst s0  }
0x18: {  	s0 =	sld [smem:$0x3F9D];
	_ =	swait.ge [sflag:s4], $0x0  }
0x19: {  	s7 =	sld [smem:$0x3F9E]  }
0x1a: {  	s8 =	sadd.s32 $0xFFFFE003, lr  }
0x1b: {  	s9 =	sadd.s32 $0xFFFFFEF7, lr;
	s5 =	simm.s32 $0xFFFFFFFF;
	p2 =	slt.u32 s8, $0xFFFFF086  }
0x1c: {  	p1 =	slt.u32 s9, $0xF7A;
	s5 =	simm.s32 @!p2 $0x0  }
0x1d: {  	s5 =	simm.s32 @p1 $0x1;
	p0 =	seq.s32 s7, s2  }
0x1e: {  	s7 =	smul.u32 @!p0 $0xF7A, s2;
	p2 =	seq.s32 @!p0 s5, $0x0  }
0x1f: {  	s9 =	smul.u32 $0xF7A, s1;
	s8 =	simm.s32 @!p0 $0x1BF5;
	p2 =	por !p2, p0  }
0x20: {  	[sflag:s8] =	ssyncset.s32 @!p0 $0xFFFFF086;
	s6 =	sadd.s32 @!p0 s3, s7;
	s7 =	simm.s32 @!p0 $0x108  }
0x21: {  	s3 =	sadd.s32 s3, s9;
	s6 =	sadd.s32 @!p0 $0x88, s6;
	s7 =	simm.s32 @p2 $0x1082  }
0x22: {  	[simem:s7], [sflag:s8] =	dma.local @!p0 [hbm:s6], $0xF7A  }
0x23: {  	s9 =	sor.u32 $0xD0000000, s2;
	s6 =	simm.s32 $0x108;
	_ =	swait.ge @!p0 [sflag:s8], $0x0  }
0x24: {  	s3 =	sadd.s32 $0x88, s3;
	s6 =	simm.s32 @!p1 $0x1082;
	[sflag:s4] =	ssyncset.s32 $0xFFFFF086  }
0x25: {  	[simem:s6], [sflag:s4] =	dma.local [hbm:s3], $0xF7A  }
0x26: {  	[smem:$0x3F9E] =	sst s1;
	(tag) =	ssettag s2;
	_ =	strace s9  }
0x27: {  	s1 =	sld [smem:$0x3FAE]  }
0x28: {  	s2 =	sld [smem:$0x3FAF]  }
0x29: {  	s4 =	sld [smem:$0x3FB1]  }
0x2a: {  	p0 =	seq.s32 s5, $0x0;
	s5 =	sld [smem:$0x3FB2]  }
0x2b: {  	s6 =	sld [smem:$0x3FB3]  }
0x2c: {  	s7 =	sld [smem:$0x3FB4]  }
0x2d: {  	s3 =	simm.s32 $0x108;
	s8 =	sld [smem:$0x3FB5]  }
0x2e: {  	s3 =	simm.s32 @!p0 $0x1082;
	s9 =	sld [smem:$0x3FB6]  }
0x2f: {  	lr =	sadd.s32 s0, s3;
	s0 =	sld [smem:$0x3FAD]  }
0x30: {  	s3 =	sld [smem:$0x3FB0]  }
0x31: {  	[smem:$0x3FB9] =	sst s10  }
0x32: {  	s10 =	sld [smem:$0x3FB7];
	_ =	sdelay $0x3  }
0x33: {  	p0 =	seq.s32 s10, $0x1;
	s10 =	sld [smem:$0x3FB9];
	_ =	sdelay $0x3  }
0x34: {  	[smem:$0x3FB9] =	sst s10  }
0x35: {  	s10 =	sld [smem:$0x3FB8];
	_ =	sdelay $0x3  }
0x36: {  	p1 =	seq.s32 s10, $0x1;
	s10 =	sld [smem:$0x3FB9];
	_ =	sdelay $0x3  }
0x37: {  	[smem:$0x3FB9] =	sst s10  }
0x38: {  	s10 =	sld [smem:$0x3FBA]  }
0x39: {  	_ = 	snop;
	(pc) =	sbr.ind lr, $3  }
0x3a: {  	_ = 	snop  }
0x3b: {  	_ = 	snop  }
0x3c: {  	p2 =	seq.s32 s10, $0x1;
	s10 =	sld [smem:$0x3FB9]  }
0x3d: {  	_ =	shalt  }
0x3e: {  	_ =	shalt  }
0x3f: {  	_ =	shalt  }
0x40: {  	_ =	shalt  }
0x41: {  	_ =	shalt  }
0x42: {  	_ =	shalt  }
0x43: {  	_ =	shalt  }
0x44: {  	_ =	shalt  }
0x45: {  	_ =	shalt  }
0x46: {  	_ =	shalt  }
0x47: {  	_ =	shalt  }
0x48: {  	_ =	shalt  }
0x49: {  	_ =	shalt  }
0x4a: {  	_ =	shalt  }
0x4b: {  	_ =	shalt  }
0x4c: {  	_ =	shalt  }
0x4d: {  	_ =	shalt  }
0x4e: {  	_ =	shalt  }
0x4f: {  	_ =	shalt  }
0x50: {  	_ =	shalt  }
0x51: {  	_ =	shalt  }
0x52: {  	_ =	shalt  }
0x53: {  	_ =	shalt  }
0x54: {  	_ =	shalt  }
0x55: {  	_ =	shalt  }
0x56: {  	_ =	shalt  }
0x57: {  	_ =	shalt  }
0x58: {  	_ =	shalt  }
0x59: {  	_ =	shalt  }
0x5a: {  	_ =	shalt  }
0x5b: {  	_ =	shalt  }
0x5c: {  	_ =	shalt  }
0x5d: {  	_ =	shalt  }
0x5e: {  	_ =	shalt  }
0x5f: {  	_ =	shalt  }
0x60: {  	_ =	shalt  }
0x61: {  	_ =	shalt  }
0x62: {  	_ =	shalt  }
0x63: {  	_ =	shalt  }
0x64: {  	_ =	shalt  }
0x65: {  	_ =	shalt  }
0x66: {  	_ =	shalt  }
0x67: {  	_ =	shalt  }
0x68: {  	_ =	shalt  }
0x69: {  	_ =	shalt  }
0x6a: {  	_ =	shalt  }
0x6b: {  	_ =	shalt  }
0x6c: {  	_ =	shalt  }
0x6d: {  	_ =	shalt  }
0x6e: {  	_ =	shalt  }
0x6f: {  	_ =	shalt  }
0x70: {  	_ =	shalt  }
0x71: {  	_ =	shalt  }
0x72: {  	_ =	shalt  }
0x73: {  	_ =	shalt  }
0x74: {  	_ =	shalt  }
0x75: {  	_ =	shalt  }
0x76: {  	_ =	shalt  }
0x77: {  	_ =	shalt  }
0x78: {  	_ =	shalt  }
0x79: {  	_ =	shalt  }
0x7a: {  	_ =	shalt  }
0x7b: {  	_ =	shalt  }
0x7c: {  	_ =	shalt  }
0x7d: {  	_ =	shalt  }
0x7e: {  	_ =	shalt  }
0x7f: {  	_ =	shalt  }
0x80: {  	_ =	shalt  }
0x81: {  	_ =	shalt  }
0x82: {  	_ =	shalt  }
0x83: {  	_ =	shalt  }
0x84: {  	_ =	shalt  }
0x85: {  	_ =	shalt  }
0x86: {  	_ =	shalt  }
0x87: {  	_ =	shalt  }
.Lfunc_end0:
.L_simem_size_0:
called_computation_lowered:
.L_overlay_start_0:
0x88: {  	s2 =	sld [smem:$0x3FD9]  }
0x89: {  	s3 =	sld [smem:$0x3FFE];
	_ =	sdelay $0x1  }
0x8a: {  	s1 =	srdreg.scid  }
0x8b: {  	s0 =	sand.u32 $0x1, s1  }
0x8c: {  	s17 =	sshll.u32 s0, $0xA;
	s2 =	sadd.s32 s3, s2  }
0x8d: {  	s2 =	sadd.s32 s2, s17  }
0x8e: {  	[smem:$0x3FC5] =	sst s2  }
0x8f: {  	_ = 	snop  }
0x90: {  	s2 =	sld [smem:$0x3FC7];
	(tm) =	ssettm $0x1  }
0x91: {  	s18 =	sld [smem:$0x3FFB];
	_ =	sdelay $0x3  }
0x92: {  	_ =	strace s18  }
0x93: {  	s3 =	sld [smem:$0x3FFC];
	_ =	sdelay $0x3  }
0x94: {  	_ =	strace s3  }
0x95: {  	s3 =	sld [smem:$0x3FFD];
	_ =	sdelay $0x3  }
0x96: {  	_ =	strace s3  }
0x97: {  	_ =	strace $0x8FFFFFFF  }
0x98: {  	s19 =	sld [smem:$0x3FDB];
	_ =	sdelay $0x1  }
0x99: {  	s4 =	simm.s32 $_scs_section_size  }
0x9a: {  	s5 =	simm.s32 $_size__tile_overlayer_lowered;
	s6 =	simm.s32 $_tile_overlayer_lowered  }
0x9b: {  	s22 =	simm.s32 $0x1BFF;
	s21 =	sshll.u32 s6, $0x1;
	s3 =	sadd.s32 s4, s19  }
0x9c: {  	s7 =	simm.s32 $0x0;
	s20 =	sshll.u32 s5, $0x1;
	s5 =	sadd.s32 s21, s3  }
0x9d: {  	[timem:s7], [sflag:s22] =	dma.local [hbm:s5], s20  }
0x9e: {  	_ =	swait.ge [sflag:s22], s20  }
0x9f: {  	s4 =	ssub.s32 $0x0, s20;
	[sflag:s22] =	ssyncset.done $0x0  }
0xa0: {  	[sflag:s22] =	ssyncadd.s32 s4;
	_ =	sdelay $0x1  }
0xa1: {  	s23 =	simm.s32 $0x1B8B  }
0xa2: {  	_ =	swait.ge [sflag:s23], $0x1  }
0xa3: {  	[sflag:s23] =	ssyncset.done $0x0  }
0xa4: {  	s25 =	simm.s32 $0x1B8E;
	s24 =	sld [smem:$0x3FFE];
	[sflag:s23] =	ssyncadd.s32 $0xFFFFFFFF  }
0xa5: {  	s26 =	simm.s32 $execute0_lowered;
	[smem:$0x3FD2] =	sst s25  }
0xa6: {  	s5 =	sshll.u32 s26, $0x1;
	_ =	strace $0x80000046;
	[dreg:$0x1] =	wrdreg $0xFFFFFFFF  }
0xa7: {  	s28 =	simm.s32 $_size_execute0_lowered;
	s3 =	sadd.s32 s3, s5;
	[dreg:$0x0] =	wrdreg $0x0  }
0xa8: {  	s5 =	sshll.u32 s28, $0x1;
	[dreg:$0x2] =	wrdreg s3  }
0xa9: {  	[dreg:$0x3] =	wrdreg s5  }
0xaa: {  	[dreg:$0x4] =	wrdreg $0xC0  }
0xab: {  	_ =	task [dreg:s7], $0x5FFFF  }
0xac: {  	[dreg:$0x1] =	wrdreg $0xFFFFFFFF  }
0xad: {  	[dreg:$0x0] =	wrdreg $0x60  }
0xae: {  	[dreg:$0x2] =	wrdreg s24  }
0xaf: {  	[dreg:$0x3] =	wrdreg s2  }
0xb0: {  	[dreg:$0x4] =	wrdreg $0x9  }
0xb1: {  	_ =	task.clear_ibuf [dreg:s7], $0x5FFFF;
	_ =	strace $0x90000046  }
0xb2: {  	s29 =	simm.s32 $0x9;
	_ =	strace $0x80000048  }
0xb3: {  	_ =	swait.ge [sflag:s29], $0x1  }
0xb4: {  	[sflag:s29] =	ssyncadd.s32 $0xFFFFFFFF  }
0xb5: {  	_ =	strace $0x90000048  }
0xb6: {  	_ =	sfence  }
0xb7: {  	s30 =	sld [smem:$0x0];
	_ =	sdelay $0x2  }
0xb8: {  	s31 =	sshll.u32 s1, $0xD;
	s1 =	sshrl.u32 s1, $0x2  }
0xb9: {  	s3 =	sand.u32 $0x4000, s31;
	s1 =	sadd.s32 s1, s30  }
0xba: {  	s0 =	sor.u32 s3, s0;
	s1 =	sshll.u32 s1, $0x11  }
0xbb: {  	s0 =	sor.u32 s1, s0  }
0xbc: {  	s0 =	sadd.s32 $0x8F2B, s0  }
0xbd: {  	[sflag:s0] =	ssyncadd.remote.s32 $0x1  }
0xbe: {  	_ =	sfence.sel $0xFFFF  }
0xbf: {  	[dreg:$0x0] =	wrdreg $0xFFFFFFFF;
	(pc) =	sbr.abs _section_cstart, $3  }
0xc0: {  	[dreg:$0x1] =	wrdreg $0xFFFFFFFF  }
0xc1: {  	_ =	task.clear_ibuf [dreg:s7], $0x2FFFF;
	_ =	strace $0x9FFFFFFF  }
0xc2: {  	(tm) =	ssettm $0x7FFFFFFF  }
0xc3: {  	_ =	shalt  }
tec
execute0_lowered:
.L_overlay_start_1:
0x0: {  	(tag) =	ssettag $0x1  }
0x1: {  	v0 =	vimm.s32 $0xB80;
	vm0 =	vcmask $0x300  }
0x2: {  	s3 =	srdreg.scid;
	v0 =	vsel vm0, $0x0, v0;
	vm0 =	vcmask $0x704  }
0x3: {  	s6 =	sand.u32 $0x1, s3;
	v0 =	vsel vm0, $0x80, v0;
	vm0 =	vcmask $0xB08  }
0x4: {  	s1 =	stileid.u32;
	s8 =	sshll.u32 s6, $0x4;
	v0 =	vsel vm0, $0x100, v0;
	vm0 =	vcmask $0xF0C  }
0x5: {  	s7 =	rddreg [dreg:$0x0];
	s8 =	sor.u32 s1, s8;
	v0 =	vsel vm0, $0x180, v0;
	vm0 =	vcmask $0x1310  }
0x6: {  	s5 =	rddreg [dreg:$0x1];
	v2 =	vimm.s32 $0x1;
	p0 =	sne.s32 s8, $0x1F;
	v0 =	vsel vm0, $0x200, v0  }
0x7: {  	s0 =	rddreg [dreg:$0x2];
	vm0 =	vcmask $0x1714;
	vm1 =	vcmask @!p0 $0x704;
	vm2 =	vcmask @!p0 $0xB08  }
0x8: {  	s2 =	simm.s32 $0x0;
	s14 =	simm.s32 $0x2;
	s15 =	simm.s32 $0x8C80;
	vm3 =	vcmask @!p0 $0xF0C;
	vm4 =	vcmask @!p0 $0x1310;
	vm5 =	vcmask @!p0 $0x1714  }
0x9: {  	s16 =	simm.s32 $0x1;
	s17 =	simm.s32 $0x7A80;
	s18 =	simm.s32 $0x400;
	vm6 =	vcmask @!p0 $0x1B18;
	v0 =	vsel vm0, $0x280, v0;
	vm0 =	vcmask $0x1B18  }
0xa: {  	s19 =	simm.s32 $0x8A80;
	s20 =	simm.s32 $0x0;
	s4 =	sshll.u32 s1, $0x4;
	vm7 =	vcmask @!p0 $0x1F1C;
	v0 =	vsel vm0, $0x300, v0;
	vm0 =	vcmask $0x1F1C  }
0xb: {  	[smem:$0x7FF] =	sst s2;
	s3 =	sadd.s32 $0x800, s7;
	s4 =	sand.u32 $0x70, s4;
	vm8 =	vcmask @!p0 $0x2320;
	v0 =	vsel vm0, $0x380, v0;
	vm0 =	vcmask $0x2320  }
0xc: {  	_ =	strace $0x80000047;
	s29 =	ssub.s32 $0x2, s6;
	s9 =	sadd.s32 s4, s7;
	vm9 =	vcmask @!p0 $0x2724;
	v0 =	vsel vm0, $0x800, v0;
	vm0 =	vcmask $0x2724  }
0xd: {  	s12 =	sshrl.u32 s29, $0x1;
	s10 =	sshll.u32 s8, $0x4;
	s30 =	smul.u32 $0xF42, s8;
	vm10 =	vcmask @!p0 $0x2B28;
	v0 =	vsel vm0, $0x880, v0;
	vm0 =	vcmask $0x2B28  }
0xe: {  	s13 =	sshll.u32 s8, $0x5;
	s12 =	ssub.s32 s29, s12;
	s11 =	sadd.s32 s10, s7;
	vm11 =	vcmask @!p0 $0x2F2C;
	v0 =	vsel vm0, $0x900, v0;
	vm0 =	vcmask $0x2F2C  }
0xf: {  	s31 =	sand.u32 $0x300, s13;
	s5 =	sadd.s32 s5, s10;
	s7 =	sadd.s32 $0x1F040, s7;
	vm12 =	vcmask @!p0 $0x3330;
	v0 =	vsel vm0, $0x980, v0;
	vm0 =	vcmask $0x3330  }
0x10: {  	s10 =	simm.s32 $0x8B80;
	s13 =	simm.s32 $0x8C00;
	vm13 =	vcmask @!p0 $0x3734;
	s4 =	sadd.s32 s3, s30;
	v0 =	vsel vm0, $0xA00, v0;
	vm0 =	vcmask $0x3734  }
0x11: {  	vm14 =	vcmask @!p0 $0x3B38;
	s9 =	sadd.s32 s31, s9;
	s6 =	sadd.s32 $0x1F600, s11;
	s11 =	simm.s32 $0x3;
	v1 =	vsel vm0, $0xA80, v0;
	vm0 =	vcmask $0x3B38  }
0x12: {  	s8 =	sadd.s32 $0x1F200, s9;
	s9 =	smax.u32 s12, $0x1;
	s12 =	simm.s32 $0x80;
	v0 =	vimm.s32 $0x0;
	v1 =	vsel vm0, $0xB00, v1;
	vm0 =	vcmask @!p0 $0x300  }
.LBB2_1:
0x13: {  	[tilespmem:s2], [sflag:$0x1] =	stream.linear.gather [hbm4b:s4+s2], $0x7A10, $0x38;
	[tilespmem:$0x8D00] =	vst v63  }
0x14: {  	_ = 	snop  }
0x15: {  	[tilespmem:s10], [sflag:$0x3] =	stream.linear.gather [hbm4b:s5+s2], $0x80, $0x38;
	[tilespmem:$0x8D00] =	vst v63  }
0x16: {  	_ =	swait.ge [sflag:s11], $0x80  }
0x17: {  	[sflag:s11] =	ssyncset.done $0x0  }
0x18: {  	[sflag:s11] =	ssyncadd.s32 $0xFFFFFF80  }
0x19: {  	[tilespmem:s13], [sflag:$0x2] =	stream.indirect.gather [hbm4b:s3+s12], $0x1, s10, s12, $0xb8;
	[tilespmem:$0x8D00] =	vst v63  }
0x1a: {  	[tilespmem:$0x7A80] =	vst v0  }
0x1b: {  	[tilespmem:$0x7A90] =	vst v0  }
0x1c: {  	[tilespmem:$0x7AA0] =	vst v0  }
0x1d: {  	[tilespmem:$0x7AB0] =	vst v0  }
0x1e: {  	[tilespmem:$0x7AC0] =	vst v0  }
0x1f: {  	[tilespmem:$0x7AD0] =	vst v0  }
0x20: {  	[tilespmem:$0x7AE0] =	vst v0  }
0x21: {  	[tilespmem:$0x7AF0] =	vst v0  }
0x22: {  	[tilespmem:$0x7E80] =	vst v0  }
0x23: {  	[tilespmem:$0x7E90] =	vst v0  }
0x24: {  	[tilespmem:$0x7EA0] =	vst v0  }
0x25: {  	[tilespmem:$0x7EB0] =	vst v0  }
0x26: {  	[tilespmem:$0x7EC0] =	vst v0  }
0x27: {  	[tilespmem:$0x7ED0] =	vst v0  }
0x28: {  	[tilespmem:$0x7EE0] =	vst v0  }
0x29: {  	[tilespmem:$0x7EF0] =	vst v0  }
0x2a: {  	[tilespmem:$0x7B00] =	vst v0  }
0x2b: {  	[tilespmem:$0x7B10] =	vst v0  }
0x2c: {  	[tilespmem:$0x7B20] =	vst v0  }
0x2d: {  	[tilespmem:$0x7B30] =	vst v0  }
0x2e: {  	[tilespmem:$0x7B40] =	vst v0  }
0x2f: {  	[tilespmem:$0x7B50] =	vst v0  }
0x30: {  	[tilespmem:$0x7B60] =	vst v0  }
0x31: {  	[tilespmem:$0x7B70] =	vst v0  }
0x32: {  	[tilespmem:$0x7F00] =	vst v0  }
0x33: {  	[tilespmem:$0x7F10] =	vst v0  }
0x34: {  	[tilespmem:$0x7F20] =	vst v0  }
0x35: {  	[tilespmem:$0x7F30] =	vst v0  }
0x36: {  	[tilespmem:$0x7F40] =	vst v0  }
0x37: {  	[tilespmem:$0x7F50] =	vst v0  }
0x38: {  	[tilespmem:$0x7F60] =	vst v0  }
0x39: {  	[tilespmem:$0x7F70] =	vst v0  }
0x3a: {  	[tilespmem:$0x7B80] =	vst v0  }
0x3b: {  	[tilespmem:$0x7B90] =	vst v0  }
0x3c: {  	[tilespmem:$0x7BA0] =	vst v0  }
0x3d: {  	[tilespmem:$0x7BB0] =	vst v0  }
0x3e: {  	[tilespmem:$0x7BC0] =	vst v0  }
0x3f: {  	[tilespmem:$0x7BD0] =	vst v0  }
0x40: {  	[tilespmem:$0x7BE0] =	vst v0  }
0x41: {  	[tilespmem:$0x7BF0] =	vst v0  }
0x42: {  	[tilespmem:$0x7F80] =	vst v0  }
0x43: {  	[tilespmem:$0x7F90] =	vst v0  }
0x44: {  	[tilespmem:$0x7FA0] =	vst v0  }
0x45: {  	[tilespmem:$0x7FB0] =	vst v0  }
0x46: {  	[tilespmem:$0x7FC0] =	vst v0  }
0x47: {  	[tilespmem:$0x7FD0] =	vst v0  }
0x48: {  	[tilespmem:$0x7FE0] =	vst v0  }
0x49: {  	[tilespmem:$0x7FF0] =	vst v0  }
0x4a: {  	[tilespmem:$0x7C00] =	vst v0  }
0x4b: {  	[tilespmem:$0x7C10] =	vst v0  }
0x4c: {  	[tilespmem:$0x7C20] =	vst v0  }
0x4d: {  	[tilespmem:$0x7C30] =	vst v0  }
0x4e: {  	[tilespmem:$0x7C40] =	vst v0  }
0x4f: {  	[tilespmem:$0x7C50] =	vst v0  }
0x50: {  	[tilespmem:$0x7C60] =	vst v0  }
0x51: {  	[tilespmem:$0x7C70] =	vst v0  }
0x52: {  	[tilespmem:$0x8000] =	vst v0  }
0x53: {  	[tilespmem:$0x8010] =	vst v0  }
0x54: {  	[tilespmem:$0x8020] =	vst v0  }
0x55: {  	[tilespmem:$0x8030] =	vst v0  }
0x56: {  	[tilespmem:$0x8040] =	vst v0  }
0x57: {  	[tilespmem:$0x8050] =	vst v0  }
0x58: {  	[tilespmem:$0x8060] =	vst v0  }
0x59: {  	[tilespmem:$0x8070] =	vst v0  }
0x5a: {  	[tilespmem:$0x7C80] =	vst v0  }
0x5b: {  	[tilespmem:$0x7C90] =	vst v0  }
0x5c: {  	[tilespmem:$0x7CA0] =	vst v0  }
0x5d: {  	[tilespmem:$0x7CB0] =	vst v0  }
0x5e: {  	[tilespmem:$0x7CC0] =	vst v0  }
0x5f: {  	[tilespmem:$0x7CD0] =	vst v0  }
0x60: {  	[tilespmem:$0x7CE0] =	vst v0  }
0x61: {  	[tilespmem:$0x7CF0] =	vst v0  }
0x62: {  	[tilespmem:$0x8080] =	vst v0  }
0x63: {  	[tilespmem:$0x8090] =	vst v0  }
0x64: {  	[tilespmem:$0x80A0] =	vst v0  }
0x65: {  	[tilespmem:$0x80B0] =	vst v0  }
0x66: {  	[tilespmem:$0x80C0] =	vst v0  }
0x67: {  	[tilespmem:$0x80D0] =	vst v0  }
0x68: {  	[tilespmem:$0x80E0] =	vst v0  }
0x69: {  	[tilespmem:$0x80F0] =	vst v0  }
0x6a: {  	[tilespmem:$0x7D00] =	vst v0  }
0x6b: {  	[tilespmem:$0x7D10] =	vst v0  }
0x6c: {  	[tilespmem:$0x7D20] =	vst v0  }
0x6d: {  	[tilespmem:$0x7D30] =	vst v0  }
0x6e: {  	[tilespmem:$0x7D40] =	vst v0  }
0x6f: {  	[tilespmem:$0x7D50] =	vst v0  }
0x70: {  	[tilespmem:$0x7D60] =	vst v0  }
0x71: {  	[tilespmem:$0x7D70] =	vst v0  }
0x72: {  	[tilespmem:$0x8100] =	vst v0  }
0x73: {  	[tilespmem:$0x8110] =	vst v0  }
0x74: {  	[tilespmem:$0x8120] =	vst v0  }
0x75: {  	[tilespmem:$0x8130] =	vst v0  }
0x76: {  	[tilespmem:$0x8140] =	vst v0  }
0x77: {  	[tilespmem:$0x8150] =	vst v0  }
0x78: {  	[tilespmem:$0x8160] =	vst v0  }
0x79: {  	[tilespmem:$0x8170] =	vst v0  }
0x7a: {  	[tilespmem:$0x7D80] =	vst v0  }
0x7b: {  	[tilespmem:$0x7D90] =	vst v0  }
0x7c: {  	[tilespmem:$0x7DA0] =	vst v0  }
0x7d: {  	[tilespmem:$0x7DB0] =	vst v0  }
0x7e: {  	[tilespmem:$0x7DC0] =	vst v0  }
0x7f: {  	[tilespmem:$0x7DD0] =	vst v0  }
0x80: {  	[tilespmem:$0x7DE0] =	vst v0  }
0x81: {  	[tilespmem:$0x7DF0] =	vst v0  }
0x82: {  	[tilespmem:$0x8180] =	vst v0  }
0x83: {  	[tilespmem:$0x8190] =	vst v0  }
0x84: {  	[tilespmem:$0x81A0] =	vst v0  }
0x85: {  	[tilespmem:$0x81B0] =	vst v0  }
0x86: {  	[tilespmem:$0x81C0] =	vst v0  }
0x87: {  	[tilespmem:$0x81D0] =	vst v0  }
0x88: {  	[tilespmem:$0x81E0] =	vst v0  }
0x89: {  	[tilespmem:$0x81F0] =	vst v0  }
0x8a: {  	[tilespmem:$0x7E00] =	vst v0  }
0x8b: {  	[tilespmem:$0x7E10] =	vst v0  }
0x8c: {  	[tilespmem:$0x7E20] =	vst v0  }
0x8d: {  	[tilespmem:$0x7E30] =	vst v0  }
0x8e: {  	[tilespmem:$0x7E40] =	vst v0  }
0x8f: {  	[tilespmem:$0x7E50] =	vst v0  }
0x90: {  	[tilespmem:$0x7E60] =	vst v0  }
0x91: {  	[tilespmem:$0x7E70] =	vst v0  }
0x92: {  	[tilespmem:$0x8200] =	vst v0  }
0x93: {  	[tilespmem:$0x8210] =	vst v0  }
0x94: {  	[tilespmem:$0x8220] =	vst v0  }
0x95: {  	[tilespmem:$0x8230] =	vst v0  }
0x96: {  	[tilespmem:$0x8240] =	vst v0  }
0x97: {  	[tilespmem:$0x8250] =	vst v0  }
0x98: {  	[tilespmem:$0x8260] =	vst v0  }
0x99: {  	[tilespmem:$0x8270] =	vst v0  }
0x9a: {  	[tilespmem:$0x8280] =	vst v0  }
0x9b: {  	[tilespmem:$0x8290] =	vst v0  }
0x9c: {  	[tilespmem:$0x82A0] =	vst v0  }
0x9d: {  	[tilespmem:$0x82B0] =	vst v0  }
0x9e: {  	[tilespmem:$0x82C0] =	vst v0  }
0x9f: {  	[tilespmem:$0x82D0] =	vst v0  }
0xa0: {  	[tilespmem:$0x82E0] =	vst v0  }
0xa1: {  	[tilespmem:$0x82F0] =	vst v0  }
0xa2: {  	[tilespmem:$0x8680] =	vst v0  }
0xa3: {  	[tilespmem:$0x8690] =	vst v0  }
0xa4: {  	[tilespmem:$0x86A0] =	vst v0  }
0xa5: {  	[tilespmem:$0x86B0] =	vst v0  }
0xa6: {  	[tilespmem:$0x86C0] =	vst v0  }
0xa7: {  	[tilespmem:$0x86D0] =	vst v0  }
0xa8: {  	[tilespmem:$0x86E0] =	vst v0  }
0xa9: {  	[tilespmem:$0x86F0] =	vst v0  }
0xaa: {  	[tilespmem:$0x8300] =	vst v0  }
0xab: {  	[tilespmem:$0x8310] =	vst v0  }
0xac: {  	[tilespmem:$0x8320] =	vst v0  }
0xad: {  	[tilespmem:$0x8330] =	vst v0  }
0xae: {  	[tilespmem:$0x8340] =	vst v0  }
0xaf: {  	[tilespmem:$0x8350] =	vst v0  }
0xb0: {  	[tilespmem:$0x8360] =	vst v0  }
0xb1: {  	[tilespmem:$0x8370] =	vst v0  }
0xb2: {  	[tilespmem:$0x8700] =	vst v0  }
0xb3: {  	[tilespmem:$0x8710] =	vst v0  }
0xb4: {  	[tilespmem:$0x8720] =	vst v0  }
0xb5: {  	[tilespmem:$0x8730] =	vst v0  }
0xb6: {  	[tilespmem:$0x8740] =	vst v0  }
0xb7: {  	[tilespmem:$0x8750] =	vst v0  }
0xb8: {  	[tilespmem:$0x8760] =	vst v0  }
0xb9: {  	[tilespmem:$0x8770] =	vst v0  }
0xba: {  	[tilespmem:$0x8380] =	vst v0  }
0xbb: {  	[tilespmem:$0x8390] =	vst v0  }
0xbc: {  	[tilespmem:$0x83A0] =	vst v0  }
0xbd: {  	[tilespmem:$0x83B0] =	vst v0  }
0xbe: {  	[tilespmem:$0x83C0] =	vst v0  }
0xbf: {  	[tilespmem:$0x83D0] =	vst v0  }
0xc0: {  	[tilespmem:$0x83E0] =	vst v0  }
0xc1: {  	[tilespmem:$0x83F0] =	vst v0  }
0xc2: {  	[tilespmem:$0x8780] =	vst v0  }
0xc3: {  	[tilespmem:$0x8790] =	vst v0  }
0xc4: {  	[tilespmem:$0x87A0] =	vst v0  }
0xc5: {  	[tilespmem:$0x87B0] =	vst v0  }
0xc6: {  	[tilespmem:$0x87C0] =	vst v0  }
0xc7: {  	[tilespmem:$0x87D0] =	vst v0  }
0xc8: {  	[tilespmem:$0x87E0] =	vst v0  }
0xc9: {  	[tilespmem:$0x87F0] =	vst v0  }
0xca: {  	[tilespmem:$0x8400] =	vst v0  }
0xcb: {  	[tilespmem:$0x8410] =	vst v0  }
0xcc: {  	[tilespmem:$0x8420] =	vst v0  }
0xcd: {  	[tilespmem:$0x8430] =	vst v0  }
0xce: {  	[tilespmem:$0x8440] =	vst v0  }
0xcf: {  	[tilespmem:$0x8450] =	vst v0  }
0xd0: {  	[tilespmem:$0x8460] =	vst v0  }
0xd1: {  	[tilespmem:$0x8470] =	vst v0  }
0xd2: {  	[tilespmem:$0x8800] =	vst v0  }
0xd3: {  	[tilespmem:$0x8810] =	vst v0  }
0xd4: {  	[tilespmem:$0x8820] =	vst v0  }
0xd5: {  	[tilespmem:$0x8830] =	vst v0  }
0xd6: {  	[tilespmem:$0x8840] =	vst v0  }
0xd7: {  	[tilespmem:$0x8850] =	vst v0  }
0xd8: {  	[tilespmem:$0x8860] =	vst v0  }
0xd9: {  	[tilespmem:$0x8870] =	vst v0  }
0xda: {  	[tilespmem:$0x8480] =	vst v0  }
0xdb: {  	[tilespmem:$0x8490] =	vst v0  }
0xdc: {  	[tilespmem:$0x84A0] =	vst v0  }
0xdd: {  	[tilespmem:$0x84B0] =	vst v0  }
0xde: {  	[tilespmem:$0x84C0] =	vst v0  }
0xdf: {  	[tilespmem:$0x84D0] =	vst v0  }
0xe0: {  	[tilespmem:$0x84E0] =	vst v0  }
0xe1: {  	[tilespmem:$0x84F0] =	vst v0  }
0xe2: {  	[tilespmem:$0x8880] =	vst v0  }
0xe3: {  	[tilespmem:$0x8890] =	vst v0  }
0xe4: {  	[tilespmem:$0x88A0] =	vst v0  }
0xe5: {  	[tilespmem:$0x88B0] =	vst v0  }
0xe6: {  	[tilespmem:$0x88C0] =	vst v0  }
0xe7: {  	[tilespmem:$0x88D0] =	vst v0  }
0xe8: {  	[tilespmem:$0x88E0] =	vst v0  }
0xe9: {  	[tilespmem:$0x88F0] =	vst v0  }
0xea: {  	[tilespmem:$0x8500] =	vst v0  }
0xeb: {  	[tilespmem:$0x8510] =	vst v0  }
0xec: {  	[tilespmem:$0x8520] =	vst v0  }
0xed: {  	[tilespmem:$0x8530] =	vst v0  }
0xee: {  	[tilespmem:$0x8540] =	vst v0  }
0xef: {  	[tilespmem:$0x8550] =	vst v0  }
0xf0: {  	[tilespmem:$0x8560] =	vst v0  }
0xf1: {  	[tilespmem:$0x8570] =	vst v0  }
0xf2: {  	[tilespmem:$0x8900] =	vst v0  }
0xf3: {  	[tilespmem:$0x8910] =	vst v0  }
0xf4: {  	[tilespmem:$0x8920] =	vst v0  }
0xf5: {  	[tilespmem:$0x8930] =	vst v0  }
0xf6: {  	[tilespmem:$0x8940] =	vst v0  }
0xf7: {  	[tilespmem:$0x8950] =	vst v0  }
0xf8: {  	[tilespmem:$0x8960] =	vst v0  }
0xf9: {  	[tilespmem:$0x8970] =	vst v0  }
0xfa: {  	[tilespmem:$0x8580] =	vst v0  }
0xfb: {  	[tilespmem:$0x8590] =	vst v0  }
0xfc: {  	[tilespmem:$0x85A0] =	vst v0  }
0xfd: {  	[tilespmem:$0x85B0] =	vst v0  }
0xfe: {  	[tilespmem:$0x85C0] =	vst v0  }
0xff: {  	[tilespmem:$0x85D0] =	vst v0  }
0x100: {  	[tilespmem:$0x85E0] =	vst v0  }
0x101: {  	[tilespmem:$0x85F0] =	vst v0  }
0x102: {  	[tilespmem:$0x8980] =	vst v0  }
0x103: {  	[tilespmem:$0x8990] =	vst v0  }
0x104: {  	[tilespmem:$0x89A0] =	vst v0  }
0x105: {  	[tilespmem:$0x89B0] =	vst v0  }
0x106: {  	[tilespmem:$0x89C0] =	vst v0  }
0x107: {  	[tilespmem:$0x89D0] =	vst v0  }
0x108: {  	[tilespmem:$0x89E0] =	vst v0  }
0x109: {  	[tilespmem:$0x89F0] =	vst v0  }
0x10a: {  	[tilespmem:$0x8600] =	vst v0  }
0x10b: {  	[tilespmem:$0x8610] =	vst v0  }
0x10c: {  	[tilespmem:$0x8620] =	vst v0  }
0x10d: {  	[tilespmem:$0x8630] =	vst v0  }
0x10e: {  	[tilespmem:$0x8640] =	vst v0  }
0x10f: {  	[tilespmem:$0x8650] =	vst v0  }
0x110: {  	[tilespmem:$0x8660] =	vst v0  }
0x111: {  	[tilespmem:$0x8670] =	vst v0  }
0x112: {  	[tilespmem:$0x8A00] =	vst v0  }
0x113: {  	[tilespmem:$0x8A10] =	vst v0  }
0x114: {  	[tilespmem:$0x8A20] =	vst v0  }
0x115: {  	[tilespmem:$0x8A30] =	vst v0  }
0x116: {  	[tilespmem:$0x8A40] =	vst v0  }
0x117: {  	[tilespmem:$0x8A50] =	vst v0  }
0x118: {  	[tilespmem:$0x8A60] =	vst v0  }
0x119: {  	[tilespmem:$0x8A70] =	vst v0  }
0x11a: {  	_ =	swait.ge [sflag:s14], $0x80  }
0x11b: {  	[sflag:s14] =	ssyncset.done $0x0  }
0x11c: {  	[sflag:s14] =	ssyncadd.s32 $0xFFFFFF80  }
0x11d: {  	v3 =	vld [tilespmem:$0x8C00]  }
0x11e: {  	v4 =	vld [tilespmem:$0x8C10]  }
0x11f: {  	v5 =	vld [tilespmem:$0x8C20]  }
0x120: {  	v6 =	vld [tilespmem:$0x8C30]  }
0x121: {  	v8 =	vld [tilespmem:$0x8C40]  }
0x122: {  	v10 =	vld [tilespmem:$0x8C50]  }
0x123: {  	v7 =	vshll.u32 v3, $0x4  }
0x124: {  	v3 =	vshra.s32 v3, $0x4;
	v9 =	vshll.u32 v4, $0x4;
	v50 =	vshll.u32 v5, $0x4  }
0x125: {  	v11 =	vld [tilespmem:$0x8C60];
	v4 =	vshra.s32 v4, $0x4;
	v5 =	vshra.s32 v5, $0x4;
	v51 =	vshll.u32 v6, $0x4  }
0x126: {  	v6 =	vshra.s32 v6, $0x4;
	v53 =	vshll.u32 v8, $0x4;
	v7 =	vand.u32 $0xF0, v7  }
0x127: {  	v52 =	vld [tilespmem:$0x8C70];
	v55 =	vshll.u32 v10, $0x4;
	v49 =	vand.u32 $0xF0, v9;
	v3 =	vadd.s32 v3, v7  }
0x128: {  	v56 =	vshra.s32 v8, $0x4;
	v9 =	vand.u32 $0xF0, v50;
	v4 =	vadd.s32 v4, v49;
	[tilespmem:$0x8C80] =	vst v3  }
0x129: {  	v57 =	vshra.s32 v10, $0x4;
	v5 =	vadd.s32 v5, v9;
	v3 =	vand.u32 $0xF0, v51;
	[tilespmem:$0x8C90] =	vst v4  }
0x12a: {  	v59 =	vshll.u32 v11, $0x4;
	v54 =	vand.u32 $0xF0, v53;
	[tilespmem:$0x8CA0] =	vst v5;
	v3 =	vadd.s32 v6, v3  }
0x12b: {  	v60 =	vshra.s32 v11, $0x4;
	v6 =	vand.u32 $0xF0, v55;
	[tilespmem:$0x8CB0] =	vst v3;
	v3 =	vadd.s32 v56, v54  }
0x12c: {  	v61 =	vshll.u32 v52, $0x4;
	v58 =	vadd.s32 v57, v6;
	[tilespmem:$0x8CC0] =	vst v3;
	v3 =	vand.u32 $0xF0, v59  }
0x12d: {  	v63 =	vshra.s32 v52, $0x4;
	v62 =	vand.u32 $0xF0, v61;
	[tilespmem:$0x8CD0] =	vst v58;
	v3 =	vadd.s32 v60, v3  }
0x12e: {  	[tilespmem:$0x8CE0] =	vst v3;
	v3 =	vadd.s32 v63, v62  }
0x12f: {  	[tilespmem:$0x8CF0] =	vst v3  }
0x130: {  	[hbm4b:s6+s2] =	stream.linear.scatter [tilespmem:s15], [sflag:$0x3], $0x80, $0x38;
	[tilespmem:$0x8D00] =	vst v63  }
0x131: {  	_ =	swait.ge [sflag:s11], $0x80  }
0x132: {  	[sflag:s11] =	ssyncset.done $0x0  }
0x133: {  	s21 =	simm.s32 @!p0 $0x0;
	s22 =	simm.s32 @!p0 $0x7A10;
	[sflag:s11] =	ssyncadd.s32 $0xFFFFFF80  }
0x134: {  	[tilespmem:s22], [sflag:$0x3] =	stream.linear.gather @!p0 [hbm4b:s7+s21], $0x40, $0x38;
	[tilespmem:$0x8D00] =	vst v63  }
0x135: {  	s21 =	simm.s32 @!p0 $0x3  }
0x136: {  	_ =	swait.ge @!p0 [sflag:s21], $0x40  }
0x137: {  	[sflag:s21] =	ssyncset.done @!p0 $0x0  }
0x138: {  	[sflag:s21] =	ssyncadd.s32 @!p0 $0xFFFFFFC0  }
0x139: {  	_ =	swait.ge [sflag:s16], $0x7A10  }
0x13a: {  	[sflag:s16] =	ssyncset.done $0x0  }
0x13b: {  	s22 =	simm.s32 $0x40;
	s21 =	simm.s32 $0xFFFFFFF8;
	[sflag:s16] =	ssyncadd.s32 $0xFFFF85F0  }
.LBB2_2:
0x13c: {  	v3 =	vld [tilespmem:s22+$0xFFFFFFC0];
	_ =	sdelay $0x4  }
0x13d: {  	v4 =	vshll.u32 v3, $0x3  }
0x13e: {  	v3 =	vand.u32 $0x7F, v3;
	v4 =	vand.u32 $0xFFFFFC00, v4  }
0x13f: {  	v3 =	vor.u32 v3, v4  }
0x140: {  	v3 =	vadd.s32 v1, v3;
	_ =	sdelay $0x4  }
0x141: {  	[tilespmem:v3+s17+$0x0] =	vst.idx.add.s32.msk $0xffff, v2  }
0x142: {  	v3 =	vld [tilespmem:s22+$0xFFFFFFD0];
	_ =	sdelay $0x4  }
0x143: {  	v57 =	vshll.u32 v3, $0x3  }
0x144: {  	v3 =	vand.u32 $0x7F, v3;
	v4 =	vand.u32 $0xFFFFFC00, v57  }
0x145: {  	v3 =	vor.u32 v3, v4  }
0x146: {  	v3 =	vadd.s32 v1, v3;
	_ =	sdelay $0x4  }
0x147: {  	[tilespmem:v3+s17+$0x0] =	vst.idx.add.s32.msk $0xffff, v2  }
0x148: {  	v3 =	vld [tilespmem:s22+$0xFFFFFFE0];
	_ =	sdelay $0x4  }
0x149: {  	v58 =	vshll.u32 v3, $0x3  }
0x14a: {  	v3 =	vand.u32 $0x7F, v3;
	v4 =	vand.u32 $0xFFFFFC00, v58  }
0x14b: {  	v3 =	vor.u32 v3, v4  }
0x14c: {  	v3 =	vadd.s32 v1, v3;
	_ =	sdelay $0x4  }
0x14d: {  	[tilespmem:v3+s17+$0x0] =	vst.idx.add.s32.msk $0xffff, v2  }
0x14e: {  	v3 =	vld [tilespmem:s22+$0xFFFFFFF0];
	_ =	sdelay $0x4  }
0x14f: {  	v59 =	vshll.u32 v3, $0x3  }
0x150: {  	v3 =	vand.u32 $0x7F, v3;
	v4 =	vand.u32 $0xFFFFFC00, v59  }
0x151: {  	v3 =	vor.u32 v3, v4  }
0x152: {  	v3 =	vadd.s32 v1, v3;
	_ =	sdelay $0x4  }
0x153: {  	[tilespmem:v3+s17+$0x0] =	vst.idx.add.s32.msk $0xffff, v2  }
0x154: {  	v3 =	vld [tilespmem:s22+$0x0];
	_ =	sdelay $0x4  }
0x155: {  	v60 =	vshll.u32 v3, $0x3  }
0x156: {  	v3 =	vand.u32 $0x7F, v3;
	v4 =	vand.u32 $0xFFFFFC00, v60  }
0x157: {  	v3 =	vor.u32 v3, v4  }
0x158: {  	v3 =	vadd.s32 v1, v3;
	_ =	sdelay $0x4  }
0x159: {  	[tilespmem:v3+s17+$0x0] =	vst.idx.add.s32.msk $0xffff, v2  }
0x15a: {  	v3 =	vld [tilespmem:s22+$0x10];
	_ =	sdelay $0x4  }
0x15b: {  	v61 =	vshll.u32 v3, $0x3  }
0x15c: {  	v3 =	vand.u32 $0x7F, v3;
	v4 =	vand.u32 $0xFFFFFC00, v61  }
0x15d: {  	v3 =	vor.u32 v3, v4  }
0x15e: {  	v3 =	vadd.s32 v1, v3;
	_ =	sdelay $0x4  }
0x15f: {  	[tilespmem:v3+s17+$0x0] =	vst.idx.add.s32.msk $0xffff, v2  }
0x160: {  	v3 =	vld [tilespmem:s22+$0x20];
	_ =	sdelay $0x4  }
0x161: {  	v62 =	vshll.u32 v3, $0x3  }
0x162: {  	v3 =	vand.u32 $0x7F, v3;
	v4 =	vand.u32 $0xFFFFFC00, v62  }
0x163: {  	v3 =	vor.u32 v3, v4  }
0x164: {  	v3 =	vadd.s32 v1, v3;
	_ =	sdelay $0x4  }
0x165: {  	[tilespmem:v3+s17+$0x0] =	vst.idx.add.s32.msk $0xffff, v2  }
0x166: {  	v3 =	vld [tilespmem:s22+$0x30];
	_ =	sdelay $0x4  }
0x167: {  	v63 =	vshll.u32 v3, $0x3  }
0x168: {  	v3 =	vand.u32 $0x7F, v3;
	v4 =	vand.u32 $0xFFFFFC00, v63  }
0x169: {  	s21 =	sadd.s32 $0x8, s21;
	v3 =	vor.u32 v3, v4  }
0x16a: {  	p1 =	slt.u32 s21, $0x798;
	v3 =	vadd.s32 v1, v3  }
.Ltmp0:
0x16b: {  	_ = 	snop;
	(pc) =	sbr.rel @p1 .LBB2_2-.Ltmp0, $2  }
0x16c: {  	_ =	sdelay $0x2  }
0x16d: {  	s22 =	sadd.s32 $0x80, s22;
	[tilespmem:v3+s17+$0x0] =	vst.idx.add.s32.msk $0xffff, v2  }
0x16e: {  	v3 =	vld [tilespmem:$0x7A00];
	_ =	sdelay $0x4  }
0x16f: {  	v4 =	vshll.u32 v3, $0x3  }
0x170: {  	v5 =	vimm.s32 @!p0 $0xB80;
	v3 =	vand.u32 $0x7F, v3;
	v4 =	vand.u32 $0xFFFFFC00, v4  }
0x171: {  	v3 =	vor.u32 v3, v4;
	v4 =	vsel @!p0 vm0, $0x0, v5  }
0x172: {  	v3 =	vadd.s32 v1, v3;
	v4 =	vsel @!p0 vm1, $0x80, v4  }
0x173: {  	v4 =	vsel @!p0 vm2, $0x100, v4  }
0x174: {  	v4 =	vsel @!p0 vm3, $0x180, v4  }
0x175: {  	v4 =	vsel @!p0 vm4, $0x200, v4  }
0x176: {  	v4 =	vsel @!p0 vm5, $0x280, v4  }
0x177: {  	[tilespmem:v3+s17+$0x0] =	vst.idx.add.s32.msk $0xffff, v2;
	v3 =	vsel @!p0 vm6, $0x300, v4  }
0x178: {  	v4 =	vld @!p0 [tilespmem:$0x7A10];
	v3 =	vsel @!p0 vm7, $0x380, v3  }
0x179: {  	v3 =	vsel @!p0 vm8, $0x800, v3  }
0x17a: {  	v3 =	vsel @!p0 vm9, $0x880, v3  }
0x17b: {  	v3 =	vsel @!p0 vm10, $0x900, v3  }
0x17c: {  	v3 =	vsel @!p0 vm11, $0x980, v3  }
0x17d: {  	v5 =	vshll.u32 @!p0 v4, $0x3;
	v3 =	vsel @!p0 vm12, $0xA00, v3  }
0x17e: {  	v4 =	vand.u32 @!p0 $0x7F, v4;
	v5 =	vand.u32 @!p0 $0xFFFFFC00, v5;
	v3 =	vsel @!p0 vm13, $0xA80, v3  }
0x17f: {  	v4 =	vor.u32 @!p0 v4, v5;
	v3 =	vsel @!p0 vm14, $0xB00, v3  }
0x180: {  	v4 =	vadd.s32 @!p0 v3, v4;
	_ =	sdelay $0x3  }
0x181: {  	s21 =	simm.s32 @!p0 $0x7A80;
	v5 =	vimm.s32 @!p0 $0x1  }
0x182: {  	[tilespmem:v4+s21+$0x0] =	vst.idx.add.s32.msk @!p0 $0xffff, v5  }
0x183: {  	v4 =	vld @!p0 [tilespmem:$0x7A20];
	_ =	sdelay $0x4  }
0x184: {  	v6 =	vshll.u32 @!p0 v4, $0x3  }
0x185: {  	v4 =	vand.u32 @!p0 $0x7F, v4;
	v6 =	vand.u32 @!p0 $0xFFFFFC00, v6  }
0x186: {  	v4 =	vor.u32 @!p0 v4, v6  }
0x187: {  	v4 =	vadd.s32 @!p0 v3, v4;
	_ =	sdelay $0x4  }
0x188: {  	[tilespmem:v4+s21+$0x0] =	vst.idx.add.s32.msk @!p0 $0xffff, v5  }
0x189: {  	v4 =	vld @!p0 [tilespmem:$0x7A30];
	_ =	sdelay $0x4  }
0x18a: {  	v6 =	vshll.u32 @!p0 v4, $0x3  }
0x18b: {  	v4 =	vand.u32 @!p0 $0x7F, v4;
	v6 =	vand.u32 @!p0 $0xFFFFFC00, v6  }
0x18c: {  	v4 =	vor.u32 @!p0 v4, v6  }
0x18d: {  	v4 =	vadd.s32 @!p0 v3, v4;
	_ =	sdelay $0x4  }
0x18e: {  	[tilespmem:v4+s21+$0x0] =	vst.idx.add.s32.msk @!p0 $0xffff, v5  }
0x18f: {  	v4 =	vld @!p0 [tilespmem:$0x7A40];
	_ =	sdelay $0x4  }
0x190: {  	v6 =	vshll.u32 @!p0 v4, $0x3  }
0x191: {  	v4 =	vand.u32 @!p0 $0x7F, v4;
	v6 =	vand.u32 @!p0 $0xFFFFFC00, v6  }
0x192: {  	v4 =	vor.u32 @!p0 v4, v6  }
0x193: {  	v3 =	vadd.s32 @!p0 v3, v4;
	_ =	sdelay $0x4  }
0x194: {  	[tilespmem:v3+s21+$0x0] =	vst.idx.add.s32.msk @!p0 $0xffff, v5  }
0x195: {  	v3 =	vld [tilespmem:$0x7D10]  }
0x196: {  	v15 =	vld [tilespmem:$0x7A80]  }
0x197: {  	v12 =	vld [tilespmem:$0x7B00]  }
0x198: {  	v16 =	vld [tilespmem:$0x7B80]  }
0x199: {  	v18 =	vld [tilespmem:$0x7C00]  }
0x19a: {  	[tilespmem:$0x1F800] =	vst v3;
	v3 =	vld [tilespmem:$0x7D90]  }
0x19b: {  	v20 =	vld [tilespmem:$0x7C80]  }
0x19c: {  	v21 =	vld [tilespmem:$0x7D00]  }
0x19d: {  	v24 =	vld [tilespmem:$0x7D80]  }
0x19e: {  	v62 =	vld [tilespmem:$0x7E00]  }
0x19f: {  	[tilespmem:$0x1F810] =	vst v3;
	v3 =	vld [tilespmem:$0x7E10]  }
0x1a0: {  	v27 =	vld [tilespmem:$0x8280]  }
0x1a1: {  	v30 =	vld [tilespmem:$0x8300]  }
0x1a2: {  	v31 =	vld [tilespmem:$0x8380]  }
0x1a3: {  	v33 =	vld [tilespmem:$0x8400]  }
0x1a4: {  	[tilespmem:$0x1F820] =	vst v3;
	v3 =	vld [tilespmem:$0x8290]  }
0x1a5: {  	v39 =	vld [tilespmem:$0x8480]  }
0x1a6: {  	v43 =	vld [tilespmem:$0x8500]  }
0x1a7: {  	v47 =	vld [tilespmem:$0x8580]  }
0x1a8: {  	v51 =	vld [tilespmem:$0x8600]  }
0x1a9: {  	[tilespmem:$0x1F830] =	vst v3;
	v3 =	vld [tilespmem:$0x8310]  }
0x1aa: {  	v40 =	vld [tilespmem:$0x7A90]  }
0x1ab: {  	v34 =	vld [tilespmem:$0x7B10]  }
0x1ac: {  	v44 =	vld [tilespmem:$0x7B90]  }
0x1ad: {  	v52 =	vld [tilespmem:$0x7C10]  }
0x1ae: {  	v58 =	vld [tilespmem:$0x7C90];
	[tilespmem:$0x1F840] =	vst v3  }
0x1af: {  	v3 =	vld [tilespmem:$0x8390]  }
0x1b0: {  	v13 =	vld [tilespmem:$0x7AA0]  }
0x1b1: {  	v9 =	vld [tilespmem:$0x7B20]  }
0x1b2: {  	v14 =	vld [tilespmem:$0x7BA0]  }
0x1b3: {  	v22 =	vld [tilespmem:$0x7C20]  }
0x1b4: {  	v26 =	vld [tilespmem:$0x7CA0]  }
0x1b5: {  	v32 =	vld [tilespmem:$0x7D20]  }
0x1b6: {  	v45 =	vld [tilespmem:$0x7DA0]  }
0x1b7: {  	v53 =	vld [tilespmem:$0x7E20]  }
0x1b8: {  	v59 =	vld [tilespmem:$0x82A0]  }
0x1b9: {  	v4 =	vld [tilespmem:$0x7AB0]  }
0x1ba: {  	v5 =	vld [tilespmem:$0x7BB0]  }
0x1bb: {  	v6 =	vld [tilespmem:$0x7C30]  }
0x1bc: {  	v7 =	vld [tilespmem:$0x7CB0]  }
0x1bd: {  	v10 =	vld [tilespmem:$0x7D30]  }
0x1be: {  	v19 =	vld [tilespmem:$0x7DB0]  }
0x1bf: {  	v25 =	vld [tilespmem:$0x7E30]  }
0x1c0: {  	v28 =	vld [tilespmem:$0x82B0]  }
0x1c1: {  	v35 =	vld [tilespmem:$0x8330]  }
0x1c2: {  	v48 =	vld [tilespmem:$0x83B0]  }
0x1c3: {  	v57 =	vld [tilespmem:$0x8430]  }
0x1c4: {  	v8 =	vld [tilespmem:$0x84B0]  }
0x1c5: {  	v61 =	vld [tilespmem:$0x8530]  }
0x1c6: {  	v63 =	vld [tilespmem:$0x85B0]  }
0x1c7: {  	v17 =	vld [tilespmem:$0x8630]  }
0x1c8: {  	v23 =	vld [tilespmem:$0x7AC0]  }
0x1c9: {  	v29 =	vld [tilespmem:$0x7B40]  }
0x1ca: {  	v36 =	vld [tilespmem:$0x7BC0]  }
0x1cb: {  	v37 =	vld [tilespmem:$0x7C40]  }
0x1cc: {  	v38 =	vld [tilespmem:$0x7CC0]  }
0x1cd: {  	v41 =	vld [tilespmem:$0x7D40]  }
0x1ce: {  	v42 =	vld [tilespmem:$0x7DC0]  }
0x1cf: {  	v46 =	vld [tilespmem:$0x7E40]  }
0x1d0: {  	v49 =	vld [tilespmem:$0x82C0]  }
0x1d1: {  	v50 =	vld [tilespmem:$0x8340]  }
0x1d2: {  	v54 =	vld [tilespmem:$0x83C0]  }
0x1d3: {  	v12 =	vadd.s32 v15, v12;
	v55 =	vld [tilespmem:$0x8440]  }
0x1d4: {  	v12 =	vadd.s32 v16, v12;
	v56 =	vld [tilespmem:$0x84C0]  }
0x1d5: {  	v12 =	vadd.s32 v18, v12;
	v60 =	vld [tilespmem:$0x8540]  }
0x1d6: {  	v12 =	vadd.s32 v20, v12;
	v11 =	vld [tilespmem:$0x7AE0]  }
0x1d7: {  	v12 =	vadd.s32 v21, v12;
	v18 =	vld [tilespmem:$0x8920]  }
0x1d8: {  	v12 =	vadd.s32 v24, v12;
	v20 =	vld [tilespmem:$0x89A0]  }
0x1d9: {  	v12 =	vadd.s32 v62, v12;
	v21 =	vld [tilespmem:$0x8A20]  }
0x1da: {  	v12 =	vadd.s32 v27, v12;
	v24 =	vld [tilespmem:$0x7EB0]  }
0x1db: {  	v12 =	vadd.s32 v30, v12;
	v62 =	vld [tilespmem:$0x7F30]  }
0x1dc: {  	v12 =	vadd.s32 v31, v12;
	v27 =	vld [tilespmem:$0x8230]  }
0x1dd: {  	v12 =	vadd.s32 v33, v12;
	v33 =	vld [tilespmem:$0x8730]  }
0x1de: {  	v30 =	vadd.s32 v40, v34;
	v12 =	vadd.s32 v39, v12;
	v34 =	vld [tilespmem:$0x87B0]  }
0x1df: {  	v12 =	vadd.s32 v43, v12;
	v40 =	vld [tilespmem:$0x1F800]  }
0x1e0: {  	v31 =	vadd.s32 v44, v30;
	v12 =	vadd.s32 v47, v12;
	v44 =	vld [tilespmem:$0x88B0]  }
0x1e1: {  	v12 =	vadd.s32 v51, v12;
	v47 =	vld [tilespmem:$0x1F810]  }
0x1e2: {  	[tilespmem:$0x1FFF0] =	vst v12;
	v12 =	vadd.s32 v52, v31;
	v52 =	vld [tilespmem:$0x1F820]  }
0x1e3: {  	v39 =	vadd.s32 v58, v12;
	v58 =	vld [tilespmem:$0x8830]  }
0x1e4: {  	v12 =	vld [tilespmem:$0x1F840]  }
0x1e5: {  	[tilespmem:$0x1F850] =	vst v3;
	v3 =	vld [tilespmem:$0x8410]  }
0x1e6: {  	[tilespmem:$0x1F920] =	vst v61;
	v61 =	vld [tilespmem:$0x85C0]  }
0x1e7: {  	[tilespmem:$0x1F940] =	vst v63;
	v63 =	vld [tilespmem:$0x8640]  }
0x1e8: {  	[tilespmem:$0x1F9B0] =	vst v41;
	v41 =	vld [tilespmem:$0x7AD0]  }
0x1e9: {  	[tilespmem:$0x1F980] =	vst v36;
	v36 =	vld [tilespmem:$0x7B50]  }
0x1ea: {  	[tilespmem:$0x1F9E0] =	vst v46;
	v46 =	vld [tilespmem:$0x7BD0]  }
0x1eb: {  	[tilespmem:$0x1FA40] =	vst v54;
	v54 =	vld [tilespmem:$0x7C50]  }
0x1ec: {  	[tilespmem:$0x1FAD0] =	vst v60;
	v60 =	vld [tilespmem:$0x7CD0]  }
0x1ed: {  	[tilespmem:$0x1F970] =	vst v17;
	v17 =	vld [tilespmem:$0x7D50]  }
0x1ee: {  	[tilespmem:$0x1F950] =	vst v23;
	v23 =	vld [tilespmem:$0x7DD0]  }
0x1ef: {  	[tilespmem:$0x1F960] =	vst v29;
	v29 =	vld [tilespmem:$0x7E50]  }
0x1f0: {  	[tilespmem:$0x1F990] =	vst v37;
	v37 =	vld [tilespmem:$0x82D0]  }
0x1f1: {  	[tilespmem:$0x1F9A0] =	vst v38;
	v38 =	vld [tilespmem:$0x8350]  }
0x1f2: {  	[tilespmem:$0x1F9C0] =	vst v42;
	v42 =	vld [tilespmem:$0x83D0]  }
0x1f3: {  	[tilespmem:$0x1FA00] =	vst v49;
	v49 =	vld [tilespmem:$0x8450]  }
0x1f4: {  	[tilespmem:$0x1FA20] =	vst v50;
	v50 =	vld [tilespmem:$0x84D0]  }
0x1f5: {  	[tilespmem:$0x1FA70] =	vst v55;
	v55 =	vld [tilespmem:$0x8550]  }
0x1f6: {  	[tilespmem:$0x1FAA0] =	vst v56;
	v56 =	vld [tilespmem:$0x85D0]  }
0x1f7: {  	[tilespmem:$0x1F8F0] =	vst v8;
	v8 =	vld [tilespmem:$0x7B60]  }
0x1f8: {  	[tilespmem:$0x1FFA0] =	vst v18;
	v18 =	vld [tilespmem:$0x8030]  }
0x1f9: {  	[tilespmem:$0x1FFC0] =	vst v20;
	v20 =	vld [tilespmem:$0x80B0]  }
0x1fa: {  	[tilespmem:$0x1FFD0] =	vst v21;
	v21 =	vld [tilespmem:$0x8130]  }
0x1fb: {  	[tilespmem:$0x1FE70] =	vst v24;
	v24 =	vld [tilespmem:$0x81B0]  }
0x1fc: {  	v9 =	vadd.s32 v13, v9;
	v13 =	vld [tilespmem:$0x1F850]  }
0x1fd: {  	v31 =	vld [tilespmem:$0x1F940]  }
0x1fe: {  	[tilespmem:$0x1FF60] =	vst v33;
	v9 =	vadd.s32 v14, v9;
	v33 =	vld [tilespmem:$0x1F960]  }
0x1ff: {  	[tilespmem:$0x1FF80] =	vst v34;
	v34 =	vld [tilespmem:$0x1F970];
	v9 =	vadd.s32 v22, v9  }
0x200: {  	v43 =	vadd.s32 v26, v9;
	v9 =	vld [tilespmem:$0x89B0]  }
0x201: {  	v51 =	vadd.s32 v32, v43;
	v32 =	vld [tilespmem:$0x1F950]  }
0x202: {  	v43 =	vld [tilespmem:$0x1F9A0]  }
0x203: {  	[tilespmem:$0x1F870] =	vst v3;
	v3 =	vld [tilespmem:$0x8490]  }
0x204: {  	[tilespmem:$0x1FB00] =	vst v61;
	v61 =	vld [tilespmem:$0x8650]  }
0x205: {  	[tilespmem:$0x1F9D0] =	vst v17;
	v17 =	vld [tilespmem:$0x7BE0]  }
0x206: {  	[tilespmem:$0x1F9F0] =	vst v23;
	v23 =	vld [tilespmem:$0x7C60]  }
0x207: {  	[tilespmem:$0x1FA10] =	vst v29;
	v29 =	vld [tilespmem:$0x7CE0]  }
0x208: {  	[tilespmem:$0x1FA30] =	vst v37;
	v37 =	vld [tilespmem:$0x7D60]  }
0x209: {  	[tilespmem:$0x1FAB0] =	vst v49;
	v49 =	vld [tilespmem:$0x7DE0]  }
0x20a: {  	[tilespmem:$0x1FB10] =	vst v55;
	v55 =	vld [tilespmem:$0x7E60]  }
0x20b: {  	[tilespmem:$0x1FA50] =	vst v38;
	v38 =	vld [tilespmem:$0x82E0]  }
0x20c: {  	[tilespmem:$0x1FB30] =	vst v63;
	v63 =	vld [tilespmem:$0x8360]  }
0x20d: {  	[tilespmem:$0x1FA80] =	vst v42;
	v42 =	vld [tilespmem:$0x83E0]  }
0x20e: {  	[tilespmem:$0x1FAE0] =	vst v50;
	v50 =	vld [tilespmem:$0x8460]  }
0x20f: {  	[tilespmem:$0x1FB40] =	vst v56;
	v56 =	vld [tilespmem:$0x84E0]  }
0x210: {  	v15 =	vld [tilespmem:$0x1F870]  }
0x211: {  	[tilespmem:$0x1FFE0] =	vst v9;
	v9 =	vld [tilespmem:$0x8A30]  }
0x212: {  	[tilespmem:$0x1F890] =	vst v3;
	v3 =	vld [tilespmem:$0x8510]  }
0x213: {  	[tilespmem:$0x1FB60] =	vst v61;
	v61 =	vld [tilespmem:$0x8560]  }
0x214: {  	[tilespmem:$0x1FA90] =	vst v63;
	v63 =	vld [tilespmem:$0x85E0]  }
0x215: {  	[tilespmem:$0x1FAC0] =	vst v42;
	v42 =	vld [tilespmem:$0x8660]  }
0x216: {  	[tilespmem:$0x1FAF0] =	vst v50;
	v50 =	vld [tilespmem:$0x7AF0]  }
0x217: {  	[tilespmem:$0x1FB20] =	vst v56;
	v56 =	vld [tilespmem:$0x7B70]  }
0x218: {  	v8 =	vadd.s32 v11, v8;
	[tilespmem:$0x1FA60] =	vst v38;
	v38 =	vld [tilespmem:$0x7F10]  }
0x219: {  	v8 =	vadd.s32 v17, v8;
	v17 =	vld [tilespmem:$0x87C0]  }
0x21a: {  	[tilespmem:$0x1FEB0] =	vst v18;
	v18 =	vld [tilespmem:$0x1F890];
	v8 =	vadd.s32 v23, v8  }
0x21b: {  	v23 =	vld [tilespmem:$0x88C0];
	v8 =	vadd.s32 v29, v8  }
0x21c: {  	v8 =	vadd.s32 v37, v8;
	v37 =	vld [tilespmem:$0x1FAC0]  }
0x21d: {  	v8 =	vadd.s32 v49, v8;
	v49 =	vld [tilespmem:$0x1FB40]  }
0x21e: {  	[tilespmem:$0x1F8B0] =	vst v3;
	v3 =	vld [tilespmem:$0x8590]  }
0x21f: {  	[tilespmem:$0x1FB50] =	vst v61;
	v61 =	vld [tilespmem:$0x7BF0]  }
0x220: {  	[tilespmem:$0x1FB70] =	vst v63;
	v63 =	vld [tilespmem:$0x7C70]  }
0x221: {  	[tilespmem:$0x1FBA0] =	vst v42;
	v42 =	vld [tilespmem:$0x7CF0]  }
0x222: {  	[tilespmem:$0x1FB80] =	vst v50;
	v50 =	vld [tilespmem:$0x7D70]  }
0x223: {  	[tilespmem:$0x1FB90] =	vst v56;
	v56 =	vld [tilespmem:$0x7DF0]  }
0x224: {  	[tilespmem:$0x1FED0] =	vst v20;
	v20 =	vld [tilespmem:$0x1F8B0]  }
0x225: {  	v8 =	vadd.s32 v55, v8;
	v55 =	vld [tilespmem:$0x1FB90]  }
0x226: {  	[tilespmem:$0x1F8D0] =	vst v3;
	v3 =	vld [tilespmem:$0x8610]  }
0x227: {  	[tilespmem:$0x1FBB0] =	vst v61;
	v61 =	vld [tilespmem:$0x7E70]  }
0x228: {  	[tilespmem:$0x1FBE0] =	vst v63;
	v63 =	vld [tilespmem:$0x82F0]  }
0x229: {  	[tilespmem:$0x1FC00] =	vst v42;
	v42 =	vld [tilespmem:$0x8370]  }
0x22a: {  	[tilespmem:$0x1FC20] =	vst v50;
	v50 =	vld [tilespmem:$0x83F0]  }
0x22b: {  	[tilespmem:$0x1FC40] =	vst v56;
	v56 =	vld [tilespmem:$0x8470]  }
0x22c: {  	v22 =	vld [tilespmem:$0x1F8D0]  }
0x22d: {  	[tilespmem:$0x1F900] =	vst v3;
	v3 =	vld [tilespmem:$0x8320]  }
0x22e: {  	[tilespmem:$0x1FC60] =	vst v61;
	v61 =	vld [tilespmem:$0x84F0]  }
0x22f: {  	[tilespmem:$0x1FC90] =	vst v63;
	v63 =	vld [tilespmem:$0x8570]  }
0x230: {  	[tilespmem:$0x1FCC0] =	vst v42;
	v42 =	vld [tilespmem:$0x85F0]  }
0x231: {  	[tilespmem:$0x1FCF0] =	vst v50;
	v50 =	vld [tilespmem:$0x8670]  }
0x232: {  	[tilespmem:$0x1FD20] =	vst v56;
	v56 =	vld [tilespmem:$0x7E80]  }
0x233: {  	v26 =	vld [tilespmem:$0x1F900]  }
0x234: {  	[tilespmem:$0x1F860] =	vst v3;
	v3 =	vld [tilespmem:$0x83A0]  }
0x235: {  	[tilespmem:$0x1FD50] =	vst v61;
	v61 =	vld [tilespmem:$0x7F00]  }
0x236: {  	[tilespmem:$0x1FD80] =	vst v63;
	v63 =	vld [tilespmem:$0x7F80]  }
0x237: {  	[tilespmem:$0x1FDB0] =	vst v42;
	v42 =	vld [tilespmem:$0x8000]  }
0x238: {  	[tilespmem:$0x1FDE0] =	vst v50;
	v50 =	vld [tilespmem:$0x8080]  }
0x239: {  	[tilespmem:$0x1FBC0] =	vst v56;
	v56 =	vld [tilespmem:$0x8100]  }
0x23a: {  	v14 =	vld [tilespmem:$0x1F860]  }
0x23b: {  	[tilespmem:$0x1F880] =	vst v3;
	v3 =	vld [tilespmem:$0x8420]  }
0x23c: {  	[tilespmem:$0x1FBD0] =	vst v61;
	v61 =	vld [tilespmem:$0x8180]  }
0x23d: {  	[tilespmem:$0x1FBF0] =	vst v63;
	v63 =	vld [tilespmem:$0x8200]  }
0x23e: {  	[tilespmem:$0x1FC10] =	vst v42;
	v42 =	vld [tilespmem:$0x8680]  }
0x23f: {  	[tilespmem:$0x1FC30] =	vst v50;
	v50 =	vld [tilespmem:$0x8700]  }
0x240: {  	[tilespmem:$0x1FC50] =	vst v56;
	v56 =	vld [tilespmem:$0x8780]  }
0x241: {  	v16 =	vld [tilespmem:$0x1F880]  }
0x242: {  	[tilespmem:$0x1F8A0] =	vst v3;
	v3 =	vld [tilespmem:$0x84A0]  }
0x243: {  	[tilespmem:$0x1FC70] =	vst v61;
	v61 =	vld [tilespmem:$0x8800]  }
0x244: {  	[tilespmem:$0x1FCA0] =	vst v63;
	v63 =	vld [tilespmem:$0x8880]  }
0x245: {  	[tilespmem:$0x1FCD0] =	vst v42;
	v42 =	vld [tilespmem:$0x8900]  }
0x246: {  	[tilespmem:$0x1FD00] =	vst v50;
	v50 =	vld [tilespmem:$0x8980]  }
0x247: {  	[tilespmem:$0x1FD30] =	vst v56;
	v56 =	vld [tilespmem:$0x8A00]  }
0x248: {  	[tilespmem:$0x1FD60] =	vst v61;
	v61 =	vld [tilespmem:$0x8110]  }
0x249: {  	[tilespmem:$0x1F8C0] =	vst v3;
	v3 =	vld [tilespmem:$0x8520]  }
0x24a: {  	[tilespmem:$0x1FDC0] =	vst v42;
	v42 =	vld [tilespmem:$0x7E90]  }
0x24b: {  	[tilespmem:$0x1FDF0] =	vst v50;
	v50 =	vld [tilespmem:$0x7F90]  }
0x24c: {  	[tilespmem:$0x1FE10] =	vst v56;
	v56 =	vld [tilespmem:$0x8010]  }
0x24d: {  	[tilespmem:$0x1FC80] =	vst v61;
	v61 =	vld [tilespmem:$0x8190]  }
0x24e: {  	[tilespmem:$0x1F8E0] =	vst v3;
	v3 =	vld [tilespmem:$0x85A0]  }
0x24f: {  	[tilespmem:$0x1FD90] =	vst v63;
	v63 =	vld [tilespmem:$0x8090]  }
0x250: {  	[tilespmem:$0x1FEF0] =	vst v21;
	v21 =	vld [tilespmem:$0x1F8C0]  }
0x251: {  	v38 =	vadd.s32 v42, v38;
	v42 =	vld [tilespmem:$0x1FC00]  }
0x252: {  	[tilespmem:$0x1FCB0] =	vst v61;
	v61 =	vld [tilespmem:$0x8210]  }
0x253: {  	[tilespmem:$0x1F910] =	vst v3;
	v3 =	vld [tilespmem:$0x8620]  }
0x254: {  	[tilespmem:$0x1FF10] =	vst v24;
	v24 =	vld [tilespmem:$0x1F8E0]  }
0x255: {  	v29 =	vadd.s32 v50, v38;
	v50 =	vld [tilespmem:$0x1FC60]  }
0x256: {  	v29 =	vadd.s32 v56, v29;
	v56 =	vld [tilespmem:$0x1FCC0]  }
0x257: {  	[tilespmem:$0x1FCE0] =	vst v61;
	v61 =	vld [tilespmem:$0x8690]  }
0x258: {  	[tilespmem:$0x1F930] =	vst v3;
	v3 =	vld [tilespmem:$0x7B30]  }
0x259: {  	v29 =	vadd.s32 v63, v29;
	v63 =	vld [tilespmem:$0x1FD00]  }
0x25a: {  	[tilespmem:$0x1FF30] =	vst v27;
	v27 =	vld [tilespmem:$0x1F910]  }
0x25b: {  	v30 =	vld [tilespmem:$0x1F930]  }
0x25c: {  	[tilespmem:$0x1FD10] =	vst v61;
	v61 =	vld [tilespmem:$0x8710]  }
0x25d: {  	v3 =	vadd.s32 v4, v3;
	v4 =	vadd.s32 v40, v39;
	v40 =	vld [tilespmem:$0x1F990]  }
0x25e: {  	v39 =	vadd.s32 v41, v36;
	v36 =	vld [tilespmem:$0x1FAB0]  }
0x25f: {  	v3 =	vadd.s32 v5, v3;
	v5 =	vld [tilespmem:$0x8930]  }
0x260: {  	v41 =	vadd.s32 v46, v39;
	v46 =	vld [tilespmem:$0x1F9C0]  }
0x261: {  	v4 =	vadd.s32 v47, v4;
	v47 =	vld [tilespmem:$0x1F9D0]  }
0x262: {  	v39 =	vld [tilespmem:$0x1FAD0]  }
0x263: {  	v3 =	vadd.s32 v6, v3;
	v6 =	vadd.s32 v45, v51;
	v45 =	vld [tilespmem:$0x1F9B0]  }
0x264: {  	v51 =	vld [tilespmem:$0x1F9F0]  }
0x265: {  	v4 =	vadd.s32 v52, v4;
	v52 =	vld [tilespmem:$0x1FA00]  }
0x266: {  	[tilespmem:$0x1FFB0] =	vst v44;
	v44 =	vadd.s32 v54, v41;
	v54 =	vld [tilespmem:$0x1FA20]  }
0x267: {  	v41 =	vld [tilespmem:$0x1FAE0]  }
0x268: {  	v3 =	vadd.s32 v7, v3;
	v7 =	vld [tilespmem:$0x7EC0]  }
0x269: {  	v6 =	vadd.s32 v53, v6;
	v53 =	vld [tilespmem:$0x1FA10]  }
0x26a: {  	v11 =	vadd.s32 v60, v44;
	v60 =	vld [tilespmem:$0x1FA50]  }
0x26b: {  	v44 =	vld [tilespmem:$0x1FAF0]  }
0x26c: {  	v3 =	vadd.s32 v10, v3;
	v10 =	vld [tilespmem:$0x1F830]  }
0x26d: {  	v6 =	vadd.s32 v59, v6;
	v59 =	vld [tilespmem:$0x1FA40]  }
0x26e: {  	[tilespmem:$0x1FD40] =	vst v61;
	v61 =	vld [tilespmem:$0x8790]  }
0x26f: {  	v3 =	vadd.s32 v19, v3;
	v19 =	vld [tilespmem:$0x1F8A0]  }
0x270: {  	v6 =	vadd.s32 v14, v6;
	v14 =	vld [tilespmem:$0x8040]  }
0x271: {  	v3 =	vadd.s32 v25, v3;
	v25 =	vld [tilespmem:$0x1F8F0]  }
0x272: {  	v6 =	vadd.s32 v16, v6;
	v16 =	vld [tilespmem:$0x8140]  }
0x273: {  	v11 =	vadd.s32 v47, v11;
	v47 =	vld [tilespmem:$0x1FB20]  }
0x274: {  	v3 =	vadd.s32 v28, v3;
	v28 =	vld [tilespmem:$0x1F920]  }
0x275: {  	v11 =	vadd.s32 v51, v11;
	v51 =	vld [tilespmem:$0x1FB50]  }
0x276: {  	v3 =	vadd.s32 v35, v3;
	v35 =	vld [tilespmem:$0x1F980]  }
0x277: {  	v11 =	vadd.s32 v53, v11;
	v53 =	vld [tilespmem:$0x1FB70]  }
0x278: {  	v3 =	vadd.s32 v48, v3;
	v48 =	vld [tilespmem:$0x1F9E0]  }
0x279: {  	v4 =	vadd.s32 v10, v4;
	[tilespmem:$0x1FD70] =	vst v61;
	v61 =	vld [tilespmem:$0x8810]  }
0x27a: {  	v4 =	vadd.s32 v12, v4;
	v12 =	vld [tilespmem:$0x7F40]  }
0x27b: {  	v6 =	vadd.s32 v19, v6;
	v19 =	vld [tilespmem:$0x8240]  }
0x27c: {  	v3 =	vadd.s32 v57, v3;
	v57 =	vld [tilespmem:$0x1FA30]  }
0x27d: {  	v4 =	vadd.s32 v13, v4;
	v13 =	vld [tilespmem:$0x7FC0]  }
0x27e: {  	v6 =	vadd.s32 v21, v6;
	v21 =	vld [tilespmem:$0x8740]  }
0x27f: {  	v3 =	vadd.s32 v25, v3;
	v25 =	vld [tilespmem:$0x89C0]  }
0x280: {  	v4 =	vadd.s32 v15, v4;
	v15 =	vld [tilespmem:$0x80C0]  }
0x281: {  	v10 =	vadd.s32 v24, v6;
	v24 =	vld [tilespmem:$0x8940]  }
0x282: {  	v3 =	vadd.s32 v28, v3;
	v4 =	vadd.s32 v18, v4;
	v18 =	vld [tilespmem:$0x81C0]  }
0x283: {  	v3 =	vadd.s32 v31, v3;
	v31 =	vld [tilespmem:$0x1FA70]  }
0x284: {  	v4 =	vadd.s32 v20, v4;
	v20 =	vld [tilespmem:$0x86C0]  }
0x285: {  	v3 =	vadd.s32 v34, v3;
	v34 =	vld [tilespmem:$0x7ED0]  }
0x286: {  	[tilespmem:$0x1FDA0] =	vst v61;
	v61 =	vld [tilespmem:$0x8890]  }
0x287: {  	v4 =	vadd.s32 v22, v4;
	v22 =	vld [tilespmem:$0x8840]  }
0x288: {  	v11 =	vadd.s32 v57, v11;
	v57 =	vld [tilespmem:$0x1FBA0]  }
0x289: {  	v7 =	vadd.s32 v7, v12;
	v12 =	vld [tilespmem:$0x8260]  }
0x28a: {  	v6 =	vadd.s32 v26, v4;
	v26 =	vld [tilespmem:$0x8A40]  }
0x28b: {  	v4 =	vadd.s32 v27, v10;
	v10 =	vadd.s32 v32, v33;
	v32 =	vld [tilespmem:$0x1FA80]  }
0x28c: {  	v33 =	vld [tilespmem:$0x1FA90]  }
0x28d: {  	v11 =	vadd.s32 v60, v11;
	v60 =	vld [tilespmem:$0x1FBC0]  }
0x28e: {  	v7 =	vadd.s32 v13, v7;
	v13 =	vld [tilespmem:$0x86E0]  }
0x28f: {  	v4 =	vadd.s32 v30, v4;
	v30 =	vld [tilespmem:$0x1FA60]  }
0x290: {  	v10 =	vadd.s32 v35, v10;
	v35 =	vld [tilespmem:$0x1FAA0]  }
0x291: {  	v7 =	vadd.s32 v14, v7;
	v14 =	vld [tilespmem:$0x8760]  }
0x292: {  	v10 =	vadd.s32 v40, v10;
	v40 =	vld [tilespmem:$0x7F50]  }
0x293: {  	v7 =	vadd.s32 v15, v7;
	v15 =	vld [tilespmem:$0x87E0]  }
0x294: {  	v10 =	vadd.s32 v43, v10;
	v43 =	vld [tilespmem:$0x7FD0]  }
0x295: {  	v7 =	vadd.s32 v16, v7;
	v16 =	vld [tilespmem:$0x8860]  }
0x296: {  	[tilespmem:$0x1FDD0] =	vst v61;
	v61 =	vld [tilespmem:$0x8910]  }
0x297: {  	v10 =	vadd.s32 v45, v10;
	v45 =	vld [tilespmem:$0x1FB00]  }
0x298: {  	v7 =	vadd.s32 v18, v7;
	v18 =	vld [tilespmem:$0x88E0]  }
0x299: {  	v10 =	vadd.s32 v46, v10;
	v46 =	vld [tilespmem:$0x1FB10]  }
0x29a: {  	v11 =	vadd.s32 v32, v11;
	v32 =	vld [tilespmem:$0x1FBD0]  }
0x29b: {  	v7 =	vadd.s32 v19, v7;
	v19 =	vld [tilespmem:$0x8960]  }
0x29c: {  	v10 =	vadd.s32 v48, v10;
	v48 =	vld [tilespmem:$0x1FB30]  }
0x29d: {  	v11 =	vadd.s32 v36, v11;
	v36 =	vld [tilespmem:$0x8250]  }
0x29e: {  	v8 =	vadd.s32 v30, v8;
	v30 =	vld [tilespmem:$0x88D0]  }
0x29f: {  	v7 =	vadd.s32 v20, v7;
	v20 =	vld [tilespmem:$0x89E0]  }
0x2a0: {  	[tilespmem:$0x1FE00] =	vst v61;
	v61 =	vld [tilespmem:$0x8990]  }
0x2a1: {  	v11 =	vadd.s32 v41, v11;
	v41 =	vld [tilespmem:$0x80D0]  }
0x2a2: {  	v10 =	vadd.s32 v52, v10;
	v52 =	vld [tilespmem:$0x1FB60]  }
0x2a3: {  	v8 =	vadd.s32 v33, v8;
	v33 =	vld [tilespmem:$0x1FBE0]  }
0x2a4: {  	v7 =	vadd.s32 v21, v7;
	v21 =	vld [tilespmem:$0x8A60]  }
0x2a5: {  	[tilespmem:$0x1FE20] =	vst v61;
	v61 =	vld [tilespmem:$0x8A10]  }
0x2a6: {  	v10 =	vadd.s32 v54, v10;
	v54 =	vld [tilespmem:$0x1FB80]  }
0x2a7: {  	v8 =	vadd.s32 v37, v8;
	v37 =	vld [tilespmem:$0x81D0]  }
0x2a8: {  	v7 =	vadd.s32 v17, v7;
	v17 =	vld [tilespmem:$0x7EF0]  }
0x2a9: {  	v8 =	vadd.s32 v44, v8;
	v44 =	vld [tilespmem:$0x8050]  }
0x2aa: {  	[tilespmem:$0x1FE50] =	vst v61;
	v61 =	vld [tilespmem:$0x7EA0]  }
0x2ab: {  	v10 =	vadd.s32 v59, v10;
	v59 =	vld [tilespmem:$0x1FBB0]  }
0x2ac: {  	v7 =	vadd.s32 v22, v7;
	v22 =	vld [tilespmem:$0x7F70]  }
0x2ad: {  	v27 =	vadd.s32 v46, v11;
	v46 =	vld [tilespmem:$0x1FC20]  }
0x2ae: {  	v8 =	vadd.s32 v47, v8;
	v47 =	vld [tilespmem:$0x1FC30]  }
0x2af: {  	[tilespmem:$0x1FE30] =	vst v61;
	v61 =	vld [tilespmem:$0x7F20]  }
0x2b0: {  	v28 =	vadd.s32 v60, v32;
	v32 =	vld [tilespmem:$0x87D0]  }
0x2b1: {  	v10 =	vadd.s32 v31, v10;
	v31 =	vld [tilespmem:$0x8850]  }
0x2b2: {  	v60 =	vld [tilespmem:$0x1FCF0]  }
0x2b3: {  	v7 =	vadd.s32 v23, v7;
	v23 =	vld [tilespmem:$0x7FF0]  }
0x2b4: {  	[tilespmem:$0x1FE40] =	vst v61;
	v61 =	vld [tilespmem:$0x7FA0]  }
0x2b5: {  	v10 =	vadd.s32 v35, v10;
	v35 =	vld [tilespmem:$0x1FBF0]  }
0x2b6: {  	v8 =	vadd.s32 v51, v8;
	v51 =	vld [tilespmem:$0x1FC70]  }
0x2b7: {  	v10 =	vadd.s32 v39, v10;
	v39 =	vld [tilespmem:$0x8150]  }
0x2b8: {  	v8 =	vadd.s32 v53, v8;
	v53 =	vld [tilespmem:$0x1FC90]  }
0x2b9: {  	[tilespmem:$0x1FE60] =	vst v61;
	v61 =	vld [tilespmem:$0x8020]  }
0x2ba: {  	v10 =	vadd.s32 v45, v10;
	v45 =	vld [tilespmem:$0x1FC10]  }
0x2bb: {  	v8 =	vadd.s32 v57, v8;
	v57 =	vld [tilespmem:$0x1FCD0]  }
0x2bc: {  	v11 =	vadd.s32 v48, v10;
	v48 =	vld [tilespmem:$0x1FC40]  }
0x2bd: {  	v10 =	vadd.s32 v49, v27;
	v49 =	vld [tilespmem:$0x1FC50]  }
0x2be: {  	[tilespmem:$0x1FE80] =	vst v61;
	v61 =	vld [tilespmem:$0x80A0]  }
0x2bf: {  	v27 =	vadd.s32 v54, v55;
	v54 =	vld [tilespmem:$0x1FCA0]  }
0x2c0: {  	v55 =	vld [tilespmem:$0x1FCB0]  }
0x2c1: {  	v10 =	vadd.s32 v52, v10;
	v52 =	vld [tilespmem:$0x1FC80]  }
0x2c2: {  	v27 =	vadd.s32 v59, v27;
	v59 =	vld [tilespmem:$0x1FCE0]  }
0x2c3: {  	[tilespmem:$0x1FEA0] =	vst v61;
	v61 =	vld [tilespmem:$0x8120]  }
0x2c4: {  	v27 =	vadd.s32 v33, v27;
	v28 =	vadd.s32 v35, v28;
	v35 =	vld [tilespmem:$0x86D0]  }
0x2c5: {  	v33 =	vld [tilespmem:$0x8750];
	v27 =	vadd.s32 v42, v27  }
0x2c6: {  	v27 =	vadd.s32 v46, v27;
	v46 =	vld [tilespmem:$0x7EE0]  }
0x2c7: {  	v27 =	vadd.s32 v48, v27;
	v48 =	vld [tilespmem:$0x1FD10]  }
0x2c8: {  	v28 =	vadd.s32 v45, v28;
	[tilespmem:$0x1FEC0] =	vst v61;
	v61 =	vld [tilespmem:$0x81A0]  }
0x2c9: {  	v28 =	vadd.s32 v47, v28;
	v47 =	vld [tilespmem:$0x7F60]  }
0x2ca: {  	v28 =	vadd.s32 v49, v28;
	v49 =	vld [tilespmem:$0x1FD20]  }
0x2cb: {  	v27 =	vadd.s32 v50, v27;
	v50 =	vld [tilespmem:$0x1FD30]  }
0x2cc: {  	v29 =	vadd.s32 v52, v29;
	v52 =	vld [tilespmem:$0x1FD50]  }
0x2cd: {  	[tilespmem:$0x1FEE0] =	vst v61;
	v61 =	vld [tilespmem:$0x8220]  }
0x2ce: {  	v38 =	vadd.s32 v53, v27;
	v27 =	vld [tilespmem:$0x8950]  }
0x2cf: {  	v28 =	vadd.s32 v51, v28;
	v51 =	vld [tilespmem:$0x1FD40]  }
0x2d0: {  	v53 =	vld [tilespmem:$0x1FD60]  }
0x2d1: {  	v29 =	vadd.s32 v55, v29;
	v55 =	vld [tilespmem:$0x1FD80]  }
0x2d2: {  	[tilespmem:$0x1FF00] =	vst v61;
	v61 =	vld [tilespmem:$0x86A0]  }
0x2d3: {  	v28 =	vadd.s32 v54, v28;
	v54 =	vld [tilespmem:$0x1FD70]  }
0x2d4: {  	v38 =	vadd.s32 v56, v38;
	v56 =	vld [tilespmem:$0x1FD90]  }
0x2d5: {  	v29 =	vadd.s32 v59, v29;
	v59 =	vld [tilespmem:$0x1FDB0]  }
0x2d6: {  	v42 =	vadd.s32 v57, v28;
	v28 =	vld [tilespmem:$0x89D0]  }
0x2d7: {  	[tilespmem:$0x1FF20] =	vst v61;
	v61 =	vld [tilespmem:$0x8720]  }
0x2d8: {  	v57 =	vld [tilespmem:$0x1FDA0]  }
0x2d9: {  	v38 =	vadd.s32 v60, v38;
	v60 =	vld [tilespmem:$0x1FDC0]  }
0x2da: {  	v45 =	vadd.s32 v48, v29;
	v29 =	vld [tilespmem:$0x8A50]  }
0x2db: {  	v48 =	vld [tilespmem:$0x7FE0]  }
0x2dc: {  	[tilespmem:$0x1FF40] =	vst v61;
	v61 =	vld [tilespmem:$0x87A0]  }
0x2dd: {  	v42 =	vadd.s32 v63, v42;
	v63 =	vld [tilespmem:$0x1FDD0]  }
0x2de: {  	v38 =	vadd.s32 v49, v38;
	v49 =	vld [tilespmem:$0x8060]  }
0x2df: {  	v42 =	vadd.s32 v50, v42;
	v50 =	vld [tilespmem:$0x80E0]  }
0x2e0: {  	v38 =	vadd.s32 v52, v38;
	v52 =	vld [tilespmem:$0x1FDE0]  }
0x2e1: {  	[tilespmem:$0x1FF50] =	vst v61;
	v61 =	vld [tilespmem:$0x8820]  }
0x2e2: {  	v45 =	vadd.s32 v51, v45;
	v42 =	vadd.s32 v53, v42;
	v53 =	vld [tilespmem:$0x1FDF0]  }
0x2e3: {  	v45 =	vadd.s32 v54, v45;
	v54 =	vld [tilespmem:$0x1FE00]  }
0x2e4: {  	v38 =	vadd.s32 v55, v38;
	v55 =	vld [tilespmem:$0x1FE10]  }
0x2e5: {  	v42 =	vadd.s32 v56, v42;
	v56 =	vld [tilespmem:$0x1FE20]  }
0x2e6: {  	[tilespmem:$0x1FF70] =	vst v61;
	v61 =	vld [tilespmem:$0x88A0]  }
0x2e7: {  	v45 =	vadd.s32 v57, v45;
	v57 =	vld [tilespmem:$0x1FE30]  }
0x2e8: {  	v42 =	vadd.s32 v60, v42;
	v60 =	vld [tilespmem:$0x1FE50]  }
0x2e9: {  	v38 =	vadd.s32 v59, v38;
	v59 =	vld [tilespmem:$0x1FE40]  }
0x2ea: {  	v38 =	vadd.s32 v52, v38;
	v52 =	vld [tilespmem:$0x8160]  }
0x2eb: {  	v45 =	vadd.s32 v63, v45;
	[tilespmem:$0x1FF90] =	vst v61;
	v61 =	vld [tilespmem:$0x7FB0]  }
0x2ec: {  	v45 =	vadd.s32 v54, v45;
	v54 =	vld [tilespmem:$0x81E0]  }
0x2ed: {  	v63 =	vld [tilespmem:$0x1FE60]  }
0x2ee: {  	v45 =	vadd.s32 v56, v45;
	v56 =	vld [tilespmem:$0x1FE70]  }
0x2ef: {  	v51 =	vadd.s32 v57, v59;
	v57 =	vld [tilespmem:$0x1FE80]  }
0x2f0: {  	v45 =	vadd.s32 v60, v45;
	v60 =	vld [tilespmem:$0x1FEA0];
	[tilespmem:$0x1FE90] =	vst v61  }
0x2f1: {  	v59 =	vld [tilespmem:$0x1FE90]  }
0x2f2: {  	v51 =	vadd.s32 v63, v51;
	v63 =	vld [tilespmem:$0x1FEC0]  }
0x2f3: {  	v42 =	vadd.s32 v53, v42;
	v53 =	vadd.s32 v56, v62;
	v62 =	vld [tilespmem:$0x1FEB0]  }
0x2f4: {  	v51 =	vadd.s32 v57, v51;
	v57 =	vld [tilespmem:$0x1FED0]  }
0x2f5: {  	v51 =	vadd.s32 v60, v51;
	v60 =	vld [tilespmem:$0x1FEF0]  }
0x2f6: {  	v53 =	vadd.s32 v59, v53;
	v59 =	vld [tilespmem:$0x1FEE0]  }
0x2f7: {  	v51 =	vadd.s32 v63, v51;
	v63 =	vld [tilespmem:$0x1FF10]  }
0x2f8: {  	v53 =	vadd.s32 v62, v53;
	v62 =	vld [tilespmem:$0x1FF00]  }
0x2f9: {  	v61 =	vld [tilespmem:$0x86B0]  }
0x2fa: {  	v53 =	vadd.s32 v57, v53;
	v57 =	vld [tilespmem:$0x1FF20]  }
0x2fb: {  	v51 =	vadd.s32 v59, v51;
	v59 =	vld [tilespmem:$0x1FF30]  }
0x2fc: {  	v53 =	vadd.s32 v60, v53;
	v60 =	vld [tilespmem:$0x1FF40]  }
0x2fd: {  	v51 =	vadd.s32 v62, v51;
	v62 =	vld [tilespmem:$0x1FF50]  }
0x2fe: {  	v53 =	vadd.s32 v63, v53;
	v63 =	vld [tilespmem:$0x1FF60]  }
0x2ff: {  	v51 =	vadd.s32 v57, v51;
	v57 =	vld [tilespmem:$0x1FF70]  }
0x300: {  	v53 =	vadd.s32 v59, v53;
	v59 =	vld [tilespmem:$0x1FF80]  }
0x301: {  	v51 =	vadd.s32 v60, v51;
	v60 =	vld [tilespmem:$0x1FF90]  }
0x302: {  	v51 =	vadd.s32 v62, v51;
	v62 =	vld [tilespmem:$0x1FFB0]  }
0x303: {  	v53 =	vadd.s32 v61, v53;
	v61 =	vld [tilespmem:$0x1FFA0]  }
0x304: {  	v53 =	vadd.s32 v63, v53;
	v51 =	vadd.s32 v57, v51;
	v57 =	vld [tilespmem:$0x1FFE0]  }
0x305: {  	v7 =	vadd.s32 v24, v7;
	v42 =	vadd.s32 v55, v42;
	v55 =	vld [tilespmem:$0x8770];
	v53 =	vadd.s32 v59, v53  }
0x306: {  	v7 =	vadd.s32 v25, v7;
	v63 =	vld [tilespmem:$0x1FFC0];
	v53 =	vadd.s32 v58, v53  }
0x307: {  	v7 =	vadd.s32 v26, v7;
	v17 =	vadd.s32 v17, v22;
	v56 =	vld [tilespmem:$0x1FFD0];
	v53 =	vadd.s32 v62, v53  }
0x308: {  	v17 =	vadd.s32 v23, v17;
	v51 =	vadd.s32 v60, v51;
	v58 =	vld [tilespmem:$0x8070];
	v5 =	vadd.s32 v5, v53  }
0x309: {  	v60 =	vld [tilespmem:$0x80F0];
	v59 =	vadd.s32 v34, v40;
	v51 =	vadd.s32 v61, v51;
	v5 =	vadd.s32 v57, v5  }
0x30a: {  	v61 =	vadd.s32 v46, v47;
	v62 =	vld [tilespmem:$0x8170];
	v5 =	vadd.s32 v9, v5;
	v9 =	vadd.s32 v43, v59  }
0x30b: {  	[tilespmem:$0x8AB0] =	vst v3;
	v40 =	vld [tilespmem:$0x81F0];
	v51 =	vadd.s32 v63, v51;
	v26 =	vadd.s32 v48, v61;
	v9 =	vadd.s32 v44, v9  }
0x30c: {  	[tilespmem:$0x8A90] =	vst v6;
	v46 =	vld [tilespmem:$0x8270];
	v51 =	vadd.s32 v56, v51;
	v44 =	vadd.s32 v49, v26;
	v43 =	vadd.s32 v41, v9  }
0x30d: {  	[tilespmem:$0x8AA0] =	vst v4;
	v49 =	vadd.s32 v58, v17;
	v48 =	vadd.s32 v50, v44;
	v50 =	vld [tilespmem:$0x86F0];
	v47 =	vadd.s32 v39, v43  }
0x30e: {  	[tilespmem:$0x8AE0] =	vst v8;
	v63 =	vld [tilespmem:$0x1FFF0];
	v53 =	vadd.s32 v60, v49;
	v52 =	vadd.s32 v52, v48;
	v3 =	vadd.s32 v37, v47  }
0x30f: {  	[tilespmem:$0x8B40] =	vst v7;
	v56 =	vld [tilespmem:$0x87F0];
	v6 =	vadd.s32 v62, v53;
	v4 =	vadd.s32 v54, v52;
	v3 =	vadd.s32 v36, v3  }
0x310: {  	[tilespmem:$0x8AC0] =	vst v11;
	v57 =	vld [tilespmem:$0x8870];
	v6 =	vadd.s32 v40, v6;
	v4 =	vadd.s32 v12, v4;
	v3 =	vadd.s32 v35, v3  }
0x311: {  	[tilespmem:$0x8AD0] =	vst v10;
	v58 =	vld [tilespmem:$0x88F0];
	v6 =	vadd.s32 v46, v6;
	v4 =	vadd.s32 v13, v4;
	v3 =	vadd.s32 v33, v3  }
0x312: {  	[tilespmem:$0x8AF0] =	vst v38;
	v59 =	vld [tilespmem:$0x8970];
	v4 =	vadd.s32 v14, v4;
	v6 =	vadd.s32 v50, v6;
	v3 =	vadd.s32 v32, v3  }
0x313: {  	[tilespmem:$0x8B00] =	vst v42;
	v60 =	vld [tilespmem:$0x89F0];
	v4 =	vadd.s32 v15, v4;
	v6 =	vadd.s32 v55, v6;
	v3 =	vadd.s32 v31, v3  }
0x314: {  	[tilespmem:$0x8B10] =	vst v45;
	v61 =	vld [tilespmem:$0x8A70];
	v4 =	vadd.s32 v16, v4;
	v6 =	vadd.s32 v56, v6;
	v3 =	vadd.s32 v30, v3  }
0x315: {  	[tilespmem:$0x8B20] =	vst v51;
	v4 =	vadd.s32 v18, v4;
	v6 =	vadd.s32 v57, v6;
	v3 =	vadd.s32 v27, v3  }
0x316: {  	[tilespmem:$0x8B30] =	vst v5;
	v4 =	vadd.s32 v19, v4;
	v62 =	vadd.s32 v58, v6;
	v3 =	vadd.s32 v28, v3  }
0x317: {  	[tilespmem:$0x8A80] =	vst v63;
	v4 =	vadd.s32 v20, v4;
	v5 =	vadd.s32 v59, v62;
	v3 =	vadd.s32 v29, v3  }
0x318: {  	s20 =	sadd.s32 $0x1, s20;
	v63 =	vadd.s32 v60, v5;
	[tilespmem:$0x8B50] =	vst v3;
	v3 =	vadd.s32 v21, v4  }
0x319: {  	p1 =	sne.s32 s20, s9;
	[tilespmem:$0x8B60] =	vst v3;
	v3 =	vadd.s32 v61, v63  }
.Ltmp1:
0x31a: {  	[tilespmem:$0x8B70] =	vst v3;
	(pc) =	sbr.rel @p1 .LBB2_1-.Ltmp1, $4  }
0x31b: {  	[hbm4b:s8+s12] =	stream.strided.scatter [tilespmem:s19], [sflag:$0x3], $0x100, s18, s12, $0x38;
	[tilespmem:$0x8D00] =	vst v63  }
0x31c: {  	_ =	swait.ge [sflag:s11], $0x100  }
0x31d: {  	[sflag:s11] =	ssyncset.done $0x0  }
0x31e: {  	[sflag:s11] =	ssyncadd.s32 $0xFFFFFF00  }
0x31f: {  	_ =	sfence.sel $0x180000  }
0x320: {  	[bflag:$0x0] =	sbarrier.arrive $0xFFFF  }
0x321: {  	p0 =	sne.s32 s1, $0x0;
	_ =	strace $0x90000047  }
0x322: {  	s0 =	sadd.s32 @!p0 $0x100000, s0;
	[bflag:$0x2] =	sbarrier.arrive $0xFFFF  }
0x323: {  	[sflag:s0] =	ssyncadd.tile.s32 @!p0 $0x1;
	_ =	shalt  }
.Lfunc_end2:
_tile_overlayer_lowered:
.L_overlay_start_2:
0x324: {  	(tag) =	ssettag $0x2  }
0x325: {  	s0 =	rddreg [dreg:$0x0];
	s2 =	stileid.u32  }
0x326: {  	s1 =	rddreg [dreg:$0x1];
	p0 =	sne.s32 s2, $0x0  }
0x327: {  	s3 =	rddreg [dreg:$0x2];
	[bflag:$0x3] =	sbarrier.arrive $0xFFFF;
	s2 =	simm.s32 @!p0 $0x1C03  }
0x328: {  	[timem:s3], [sflag:s2] =	dma.local @!p0 [hbm:s0], s1  }
0x329: {  	s0 =	simm.s32 @!p0 $0x3  }
0x32a: {  	_ =	swait.ge @!p0 [sflag:s0], s1  }
0x32b: {  	s1 =	ssub.s32 @!p0 $0x0, s1;
	[sflag:s0] =	ssyncset.done @!p0 $0x0  }
0x32c: {  	[sflag:s0] =	ssyncadd.s32 @!p0 s1  }
0x32d: {  	[bflag:$0x3] =	sbarrier.arrive $0xFFFF  }
0x32e: {  	_ =	shalt  }

</sc_bundles>
